<compile_context>
chip_gen: v7x
topology: tpu7x:2x2x1
jax: 0.10.2.dev20260603
libtpu: 0.0.44.dev20260713+nightly
codegen_flags: <defaults>
</compile_context>

<pallas_src>
import jax
import jax.numpy as jnp
from jax import lax
from jax.experimental import pallas as pl
from jax.experimental.pallas import tpu as pltpu
from jax.experimental.pallas import tpu_sc as plsc

N = 32768
H = 128
NF = 4096
MIN_FRAG = 3.0

_R1 = 4096
_R1VM = 4096


def _proj(x, lw, lb, W, b):
    m = jnp.mean(x, axis=1, keepdims=True)
    xc = x - m
    v = jnp.mean(xc * xc, axis=1, keepdims=True)
    h = xc * lax.rsqrt(v + 1e-5) * lw + lb
    y = lax.dot_general(h, W, (((1,), (1,)), ((), ())),
                        preferred_element_type=jnp.float32) + b
    return y * jax.nn.sigmoid(y)


def _s1a_body(ss, lnsw, lnsb, Ws, bs, xa):
    ys = _proj(ss[...], lnsw[...], lnsb[...], Ws[...], bs[...])
    rs = jnp.sqrt(jnp.sum(ys * ys, axis=1, keepdims=True))
    fn = ys / jnp.maximum(rs, 1e-12)
    xa[...] = jnp.concatenate([fn, ys], axis=1)


def _s1yl_body(sl, lnlw, lnlb, Wl, bl, xb):
    xb[...] = _proj(sl[...], lnlw[...], lnlb[...], Wl[...], bl[...])


def _s1vm_body(v0, v1, v2, xb):
    a = v0[...]
    b = v1[...]
    c = v2[...]
    vm = ((jnp.sqrt(jnp.sum(a * a, axis=1)) + jnp.sqrt(jnp.sum(b * b, axis=1))
           + jnp.sqrt(jnp.sum(c * c, axis=1))) * (1.0 / 3.0))[:, None]
    vmn = vm / jnp.maximum(vm, 1e-12)
    ones = jnp.ones_like(vm)
    zeros = jnp.zeros((vm.shape[0], H - 3), jnp.float32)
    xb[...] = jnp.concatenate([ones, vm, vmn, zeros], axis=1)


_ROW = lambda i: (i, 0)
_FULL = lambda i: (0, 0)


def _stage1a(ss, lnsw, lnsb, Ws, bs):
    return pl.pallas_call(
        _s1a_body,
        grid=(N // _R1,),
        in_specs=[
            pl.BlockSpec((_R1, H), _ROW),
            pl.BlockSpec((1, H), _FULL),
            pl.BlockSpec((1, H), _FULL),
            pl.BlockSpec((H, H), _FULL),
            pl.BlockSpec((1, H), _FULL),
        ],
        out_specs=pl.BlockSpec((_R1, 2 * H), _ROW),
        out_shape=jax.ShapeDtypeStruct((N, 2 * H), jnp.float32),
    )(ss, lnsw, lnsb, Ws, bs)


def _stage1yl(sl, lnlw, lnlb, Wl, bl):
    return pl.pallas_call(
        _s1yl_body,
        grid=(N // _R1,),
        in_specs=[
            pl.BlockSpec((_R1, H), _ROW),
            pl.BlockSpec((1, H), _FULL),
            pl.BlockSpec((1, H), _FULL),
            pl.BlockSpec((H, H), _FULL),
            pl.BlockSpec((1, H), _FULL),
        ],
        out_specs=pl.BlockSpec((_R1, H), _ROW),
        out_shape=jax.ShapeDtypeStruct((N, H), jnp.float32),
    )(sl, lnlw, lnlb, Wl, bl)


def _stage1vm(vs):
    nb = N // _R1VM
    vr = jnp.reshape(vs, (3 * N, H))
    return pl.pallas_call(
        _s1vm_body,
        grid=(nb,),
        in_specs=[
            pl.BlockSpec((_R1VM, H), lambda i: (i, 0)),
            pl.BlockSpec((_R1VM, H), lambda i: (i + nb, 0)),
            pl.BlockSpec((_R1VM, H), lambda i: (i + 2 * nb, 0)),
        ],
        out_specs=pl.BlockSpec((_R1VM, H), _ROW),
        out_shape=jax.ShapeDtypeStruct((N, H), jnp.float32),
    )(vr, vr, vr)


_CHUNK = 128
_NSUB = 16
_CW = 3 * H
_APW = N // _NSUB
_NCHUNK = _APW // _CHUNK
_FPT = NF // _NSUB


_CH2 = 2 * _CHUNK
_NCH2 = _APW // _CH2


def _s2_body(xall, ids2d, acc_out, rows0, rows1, idxb, zb, acc,
             semg0, semg1, sems0, sems1):
    c = lax.axis_index("c")
    s = lax.axis_index("s")
    base = s * _APW
    col = c * H

    zvec = jnp.zeros((16,), jnp.float32)

    def zb_loop(t, _):
        zb[t // 8, pl.ds((t % 8) * 16, 16)] = zvec
        return 0
    lax.fori_loop(0, 16 * 8, zb_loop, 0)

    bufs = [rows0, rows1]
    semg = [semg0, semg1]
    sems = [sems0, sems1]

    def gather(k, b):
        return pltpu.async_copy(
            xall.at[pl.ds(base + k * _CH2, _CH2), pl.ds(col, H)],
            bufs[b], semg[b])

    zd = [pltpu.async_copy(zb, acc.at[pl.ds(s * _FPT + k * 16, 16)], sems0)
          for k in range(_FPT // 16)]
    idxd = pltpu.async_copy(ids2d.at[pl.ds(s * _NCHUNK, _NCHUNK)], idxb,
                            sems1)
    gd = {0: gather(0, 0), 1: gather(1, 1)}
    for d in zd:
        d.wait()
    idxd.wait()

    plsc.subcore_barrier()

    sd = {}
    for k in range(_NCH2):
        b = k % 2
        gd[k].wait()
        s1 = pltpu.async_copy(bufs[b].at[pl.ds(0, _CHUNK)],
                              acc.at[idxb.at[2 * k]], sems[b], add=True)
        s2 = pltpu.async_copy(bufs[b].at[pl.ds(_CHUNK, _CHUNK)],
                              acc.at[idxb.at[2 * k + 1]], sems[b], add=True)
        sd[k] = (s1, s2)
        if k + 2 < _NCH2:
            s1.wait()
            s2.wait()
            gd[k + 2] = gather(k + 2, b)
    for k in (_NCH2 - 2, _NCH2 - 1):
        sd[k][0].wait()
        sd[k][1].wait()

    plsc.subcore_barrier()

    pltpu.sync_copy(acc.at[pl.ds(s * _FPT, _FPT)],
                    acc_out.at[pl.ds(c * NF + s * _FPT, _FPT)])


_APWH = N // (2 * _NSUB)
_NCH2H = _APWH // _CH2


def _s2h_body(xg, ids2d, acc_out, rows0, rows1, idxb, zb, acc,
              semg0, semg1, sems0, sems1):
    c = lax.axis_index("c")
    s = lax.axis_index("s")
    wid = c * _NSUB + s
    base = wid * _APWH

    zvec = jnp.zeros((16,), jnp.float32)

    def zb_loop(t, _):
        zb[t // 8, pl.ds((t % 8) * 16, 16)] = zvec
        return 0
    lax.fori_loop(0, 16 * 8, zb_loop, 0)

    bufs = [rows0, rows1]
    semg = [semg0, semg1]
    sems = [sems0, sems1]

    def gather(k, b):
        return pltpu.async_copy(
            xg.at[pl.ds(base + k * _CH2, _CH2)], bufs[b], semg[b])

    zd = [pltpu.async_copy(zb, acc.at[pl.ds(s * _FPT + k * 16, 16)], sems0)
          for k in range(_FPT // 16)]
    idxd = pltpu.async_copy(
        ids2d.at[pl.ds(wid * (_APWH // _CHUNK), _APWH // _CHUNK)], idxb,
        sems1)
    gd = {0: gather(0, 0), 1: gather(1, 1)}
    for d in zd:
        d.wait()
    idxd.wait()

    plsc.subcore_barrier()

    sd = {}
    for k in range(_NCH2H):
        b = k % 2
        gd[k].wait()
        s1 = pltpu.async_copy(bufs[b].at[pl.ds(0, _CHUNK)],
                              acc.at[idxb.at[2 * k]], sems[b], add=True)
        s2 = pltpu.async_copy(bufs[b].at[pl.ds(_CHUNK, _CHUNK)],
                              acc.at[idxb.at[2 * k + 1]], sems[b], add=True)
        sd[k] = (s1, s2)
        if k + 2 < _NCH2H:
            s1.wait()
            s2.wait()
            gd[k + 2] = gather(k + 2, b)
    for k in (_NCH2H - 2, _NCH2H - 1):
        sd[k][0].wait()
        sd[k][1].wait()

    plsc.subcore_barrier()

    pltpu.sync_copy(acc.at[pl.ds(s * _FPT, _FPT)],
                    acc_out.at[pl.ds(c * NF + s * _FPT, _FPT)])


def _seg_sum_half_call(xg, ids2d):
    mesh = plsc.VectorSubcoreMesh(core_axis_name="c", subcore_axis_name="s")
    k = pl.kernel(
        _s2h_body,
        out_type=jax.ShapeDtypeStruct((2 * NF, H), jnp.float32),
        mesh=mesh,
        scratch_types=[
            pltpu.VMEM((_CH2, H), jnp.float32),
            pltpu.VMEM((_CH2, H), jnp.float32),
            pltpu.VMEM((_APWH // _CHUNK, _CHUNK), jnp.int32),
            pltpu.VMEM((16, H), jnp.float32),
            pltpu.VMEM_SHARED((NF, H), jnp.float32),
            pltpu.SemaphoreType.DMA,
            pltpu.SemaphoreType.DMA,
            pltpu.SemaphoreType.DMA,
            pltpu.SemaphoreType.DMA,
        ],
    )
    return k(xg, ids2d)


def _seg_sum_call(x2g, ids2d):
    mesh = plsc.VectorSubcoreMesh(core_axis_name="c", subcore_axis_name="s")
    k = pl.kernel(
        _s2_body,
        out_type=jax.ShapeDtypeStruct((2 * NF, H), jnp.float32),
        mesh=mesh,
        scratch_types=[
            pltpu.VMEM((_CH2, H), jnp.float32),
            pltpu.VMEM((_CH2, H), jnp.float32),
            pltpu.VMEM((_NCHUNK, _CHUNK), jnp.int32),
            pltpu.VMEM((16, H), jnp.float32),
            pltpu.VMEM_SHARED((NF, H), jnp.float32),
            pltpu.SemaphoreType.DMA,
            pltpu.SemaphoreType.DMA,
            pltpu.SemaphoreType.DMA,
            pltpu.SemaphoreType.DMA,
        ],
    )
    return k(x2g, ids2d)


_R3 = NF
_NB3 = NF // _R3


def _s3a_body(bfn, by, s0, s1, out):
    small = s0[...] + s1[...]
    B = bfn[...]
    A = by[...]
    cnt = small[:, 0]
    D = small[:, 1]
    E = small[:, 2]
    w = (cnt >= MIN_FRAG).astype(jnp.float32)
    nA = jnp.sqrt(jnp.sum(A * A, axis=1))
    dotAB = jnp.sum(A * B, axis=1)
    intra_num = jnp.sum(w * (cnt - dotAB / jnp.maximum(nA, 1e-12)))
    mnD = D / jnp.maximum(jnp.abs(D), 1e-12)
    vec_num = jnp.sum(w * (cnt - mnD * E))
    denom = jnp.sum(w * cnt)
    idx = lax.broadcasted_iota(jnp.int32, (1, H), 1)
    out[...] = jnp.where(
        idx == 0, intra_num,
        jnp.where(idx == 1, vec_num, jnp.where(idx == 2, denom, 0.0)))


def _s3b_body(byl0, byl1, part, out):
    C = byl0[...] + byl1[...]
    p = part[...]
    nC = jnp.sqrt(jnp.sum(C * C, axis=1, keepdims=True))
    ffn = C / jnp.maximum(nC, 1e-12)
    vpart = jnp.sum(ffn, axis=0)
    sqpart = jnp.sum(ffn * ffn)
    vv = jnp.sum(vpart * vpart)
    d = jnp.maximum(p[0, 2], 1.0)
    intra = p[0, 0] / d
    vec = p[0, 1] / d
    inter = (vv - sqpart) / (float(NF) * NF - NF + 1e-6)
    total = intra + 0.05 * vec + 0.2 * inter
    out[...] = jnp.reshape(0.03 * total * 0.05, (1, 1))


def _stage3a(acc_fn_y, acc_sm):
    return pl.pallas_call(
        _s3a_body,
        grid=(1,),
        in_specs=[
            pl.BlockSpec((NF, H), lambda i: (0, 0)),
            pl.BlockSpec((NF, H), lambda i: (1, 0)),
            pl.BlockSpec((NF, H), lambda i: (0, 0)),
            pl.BlockSpec((NF, H), lambda i: (1, 0)),
        ],
        out_specs=pl.BlockSpec((1, H), lambda i: (0, 0)),
        out_shape=jax.ShapeDtypeStruct((1, H), jnp.float32),
    )(acc_fn_y, acc_fn_y, acc_sm, acc_sm)


def _stage3b(acc_yl, part):
    return pl.pallas_call(
        _s3b_body,
        grid=(1,),
        in_specs=[
            pl.BlockSpec((NF, H), lambda i: (0, 0)),
            pl.BlockSpec((NF, H), lambda i: (1, 0)),
            pl.BlockSpec((1, H), lambda i: (0, 0)),
        ],
        out_specs=pl.BlockSpec((1, 1), lambda i: (0, 0)),
        out_shape=jax.ShapeDtypeStruct((1, 1), jnp.float32),
    )(acc_yl, acc_yl, part)


@jax.jit
def kernel(scalar_short, scalar_long, vector_short, vector_long, fragment_ids,
           ln_s_w, ln_s_b, lin_s_W, lin_s_b, ln_l_w, ln_l_b, lin_l_W, lin_l_b):
    vt = jnp.transpose(vector_short, (1, 0, 2))
    ids2d = jnp.reshape(fragment_ids.astype(jnp.int32), (N // _CHUNK, _CHUNK))
    xa = _stage1a(scalar_short,
                  jnp.reshape(ln_s_w, (1, H)), jnp.reshape(ln_s_b, (1, H)),
                  lin_s_W, jnp.reshape(lin_s_b, (1, H)))
    acc_fn_y = _seg_sum_call(xa, ids2d)
    xvm = _stage1vm(vt)
    acc_sm = _seg_sum_half_call(xvm, ids2d)
    xyl = _stage1yl(scalar_long,
                    jnp.reshape(ln_l_w, (1, H)), jnp.reshape(ln_l_b, (1, H)),
                    lin_l_W, jnp.reshape(lin_l_b, (1, H)))
    acc_yl = _seg_sum_half_call(xyl, ids2d)
    part = _stage3a(acc_fn_y, acc_sm)
    out = _stage3b(acc_yl, part)
    return jnp.reshape(out, ())

# --- scband reference (transcript-rebuilt; emitter-appended) ---
"""Pipeline reference for scband-intermolecular-consistency-loss-15607911153868 (READ-ONLY COPY).

The authoritative reference and input builder live on the scoring server;
editing this copy changes nothing except your own understanding.
"""

import jax, jax.numpy as jnp
import numpy as np

N = 32768
H = 128
NF = 4096
MIN_FRAG = 3


def setup_inputs(seed: int = 0) -> dict:
    key = jax.random.key(seed)
    ks = jax.random.split(key, 8)
    s = 1.0 / np.sqrt(H)
    return {
        "scalar_short": jax.random.normal(ks[0], (N, H), jnp.float32),
        "scalar_long": jax.random.normal(ks[1], (N, H), jnp.float32),
        "vector_short": jax.random.normal(ks[2], (N, 3, H), jnp.float32),
        "vector_long": jax.random.normal(ks[3], (N, 3, H), jnp.float32),
        "fragment_ids": jnp.sort(jax.random.randint(ks[4], (N,), 0, NF)),
        "ln_s_w": jnp.ones((H,), jnp.float32),
        "ln_s_b": jnp.zeros((H,), jnp.float32),
        "lin_s_W": jax.random.normal(ks[5], (H, H), jnp.float32) * s,
        "lin_s_b": jnp.zeros((H,), jnp.float32),
        "ln_l_w": jnp.ones((H,), jnp.float32),
        "ln_l_b": jnp.zeros((H,), jnp.float32),
        "lin_l_W": jax.random.normal(ks[6], (H, H), jnp.float32) * s,
        "lin_l_b": jnp.zeros((H,), jnp.float32),
    }


def _layer_norm(x, w, b):
    m = jnp.mean(x, axis=-1, keepdims=True)
    v = jnp.var(x, axis=-1, keepdims=True)
    return (x - m) / jnp.sqrt(v + 1e-5) * w + b


def _normalize(x):
    n = jnp.linalg.norm(x, axis=-1, keepdims=True)
    return x / jnp.maximum(n, 1e-12)


def _projector(x, ln_w, ln_b, W, b):
    h = _layer_norm(x, ln_w, ln_b)
    h = h @ W.T + b
    return h * jax.nn.sigmoid(h)  # SiLU; Dropout is identity in eval


def _fragment_consistency(feats, ids, w):
    # w: per-atom 1.0 if atom belongs to a fragment of size >= MIN_FRAG else 0.0
    cnt = jax.ops.segment_sum(w, ids, num_segments=NF)
    mf = jax.ops.segment_sum(feats * w[:, None], ids, num_segments=NF) / jnp.maximum(cnt, 1.0)[:, None]
    fn = _normalize(feats)
    mn = _normalize(mf)
    dev = 1.0 - jnp.sum(fn * mn[ids], axis=1)
    # size-weighted per-fragment mean deviation == sum over valid atoms / total valid atoms
    return jnp.sum(dev * w) / jnp.maximum(jnp.sum(w), 1.0)


def reference(scalar_short, scalar_long, vector_short, vector_long, fragment_ids, ln_s_w, ln_s_b, lin_s_W, lin_s_b, ln_l_w, ln_l_b, lin_l_W, lin_l_b):
    ids = fragment_ids
    ones = jnp.ones((N,), jnp.float32)
    cnt_all = jax.ops.segment_sum(ones, ids, num_segments=NF)
    w = (cnt_all[ids] >= MIN_FRAG).astype(jnp.float32)

    short_feats = _projector(scalar_short, ln_s_w, ln_s_b, lin_s_W, lin_s_b)
    long_feats = _projector(scalar_long, ln_l_w, ln_l_b, lin_l_W, lin_l_b)

    intra = _fragment_consistency(short_feats, ids, w)

    vmag = jnp.mean(jnp.linalg.norm(vector_short, axis=2), axis=1)
    vec_loss = _fragment_consistency(vmag[:, None], ids, w)

    ff = jax.ops.segment_sum(long_feats, ids, num_segments=NF) / jnp.maximum(cnt_all, 1.0)[:, None]
    ffn = _normalize(ff)
    S = ffn @ ffn.T
    mask = 1.0 - jnp.eye(NF, dtype=jnp.float32)
    inter = jnp.sum(S * mask) / (jnp.sum(mask) + 1e-06)

    scaling = 0.05  # initial_strength at epoch 0 (progressive schedule)
    total = intra + 0.05 * vec_loss + 0.2 * inter
    return 0.03 * total * scaling

if __name__ == "__main__":
    import jax
    _d = setup_inputs()
    print(jax.jit(kernel)(*tuple(_d.values())))

</pallas_src>

<mosaic_0001>
#map = affine_map<(d0, d1) -> (0, 0)>
module attributes {stable_mosaic.version = 14 : i64} {
  func.func @_s2_body(%arg0: i32, %arg1: i32, %arg2: memref<32768x256xf32, #tpu.memory_space<hbm>>, %arg3: memref<256x128xi32, #tpu.memory_space<hbm>>, %arg4: memref<8192x128xf32, #tpu.memory_space<hbm>>, %arg5: memref<256x128xf32, #tpu.memory_space<vmem>>, %arg6: memref<256x128xf32, #tpu.memory_space<vmem>>, %arg7: memref<16x128xi32, #tpu.memory_space<vmem>>, %arg8: memref<16x128xf32, #tpu.memory_space<vmem>>, %arg9: memref<4096x128xf32, #tpu.memory_space<vmem_shared>>, %arg10: memref<!tpu.dma_semaphore, #tpu.memory_space<semaphore_mem>>, %arg11: memref<!tpu.dma_semaphore, #tpu.memory_space<semaphore_mem>>, %arg12: memref<!tpu.dma_semaphore, #tpu.memory_space<semaphore_mem>>, %arg13: memref<!tpu.dma_semaphore, #tpu.memory_space<semaphore_mem>>) attributes {dimension_semantics = [#tpu.dimension_semantics<core_parallel>, #tpu.dimension_semantics<subcore_parallel>], iteration_bounds = array<i64: 2, 16>, scalar_prefetch = 0 : i64, scratch_operands = 9 : i64, tpu.core_type = #tpu.core_type<sc_vector_subcore>, window_params = [{transform_indices = #map}, {transform_indices = #map}, {transform_indices = #map}]} {
    %mul3A = arith.constant 2048 : i32
    %mul3A_0 = arith.muli %arg1, %mul3A : i32
    %mul3A_1 = arith.constant 128 : i32
    %mul3A_2 = arith.muli %arg0, %mul3A_1 : i32
    %broadcast_in_dim3A = arith.constant 0.000000e+00 : f32
    %broadcast_in_dim3A_3 = vector.broadcast %broadcast_in_dim3A : f32 to vector<16xf32>
    %scan3A = arith.constant 0 : i32
    %scan3A_4 = arith.constant 0 : i32
    %scan3A_5 = arith.constant 128 : i32
    %scan3A_6 = arith.addi %scan3A_4, %scan3A_5 : i32
    %scan3A_7 = arith.constant 1 : i32
    %scan3A_8 = scf.for %scan3A_585 = %scan3A_4 to %scan3A_6 step %scan3A_7 iter_args(%scan3A_586 = %scan3A) -> (i32)  : i32 {
      %jit3A = arith.constant 8 : i32
      %div3A = arith.divsi %scan3A_585, %jit3A : i32
      %sign3A = arith.constant 0 : i32
      %sign3A_587 = arith.cmpi sgt, %scan3A_585, %sign3A : i32
      %sign3A_588 = arith.extui %sign3A_587 : i1 to i32
      %sign3A_589 = arith.constant 0 : i32
      %sign3A_590 = arith.cmpi slt, %scan3A_585, %sign3A_589 : i32
      %sign3A_591 = arith.extui %sign3A_590 : i1 to i32
      %sign3A_592 = arith.subi %sign3A_588, %sign3A_591 : i32
      %sign3A_593 = arith.constant 0 : i32
      %sign3A_594 = arith.cmpi sgt, %jit3A, %sign3A_593 : i32
      %sign3A_595 = arith.extui %sign3A_594 : i1 to i32
      %sign3A_596 = arith.constant 0 : i32
      %sign3A_597 = arith.cmpi slt, %jit3A, %sign3A_596 : i32
      %sign3A_598 = arith.extui %sign3A_597 : i1 to i32
      %sign3A_599 = arith.subi %sign3A_595, %sign3A_598 : i32
      %ne3A = arith.cmpi ne, %sign3A_592, %sign3A_599 : i32
      %rem3A = arith.remsi %scan3A_585, %jit3A : i32
      %ne3A_600 = arith.constant 0 : i32
      %ne3A_601 = arith.cmpi ne, %rem3A, %ne3A_600 : i32
      %and3A = arith.andi %ne3A, %ne3A_601 : i1
      %sub3A = arith.constant 1 : i32
      %sub3A_602 = arith.subi %div3A, %sub3A : i32
      %select_n3A = arith.select %and3A, %sub3A_602, %div3A : i32
      %jit3A_603 = arith.constant 8 : i32
      %eq3A = arith.constant 0 : i32
      %eq3A_604 = arith.cmpi eq, %jit3A_603, %eq3A : i32
      %jit3A_605 = arith.constant 1 : i32
      %select_n3A_606 = arith.select %eq3A_604, %jit3A_605, %jit3A_603 : i32
      %rem3A_607 = arith.remsi %scan3A_585, %select_n3A_606 : i32
      %ne3A_608 = arith.constant 0 : i32
      %ne3A_609 = arith.cmpi ne, %rem3A_607, %ne3A_608 : i32
      %lt3A = arith.constant 0 : i32
      %lt3A_610 = arith.cmpi slt, %rem3A_607, %lt3A : i32
      %lt3A_611 = arith.constant 0 : i32
      %lt3A_612 = arith.cmpi slt, %select_n3A_606, %lt3A_611 : i32
      %ne3A_613 = arith.xori %lt3A_610, %lt3A_612 : i1
      %and3A_614 = arith.andi %ne3A_613, %ne3A_609 : i1
      %add3A_615 = arith.addi %rem3A_607, %select_n3A_606 : i32
      %select_n3A_616 = arith.select %and3A_614, %add3A_615, %rem3A_607 : i32
      %mul3A_617 = arith.constant 16 : i32
      %mul3A_618 = arith.muli %select_n3A_616, %mul3A_617 : i32
      %swap3A = arith.index_cast %select_n3A : i32 to index
      %swap3A_619 = arith.index_cast %mul3A_618 : i32 to index
      %swap3A_620 = tpu.vector_load %arg8[%swap3A, %swap3A_619] {strides = array<i32>} : memref<16x128xf32, #tpu.memory_space<vmem>>, vector<1x16xf32>,
      %swap3A_621 = vector.shape_cast %swap3A_620 : vector<1x16xf32> to vector<16xf32>
      %swap3A_622 = vector.shape_cast %broadcast_in_dim3A_3 : vector<16xf32> to vector<1x16xf32>
      tpu.vector_store %arg8[%swap3A, %swap3A_619], %swap3A_622 {strides = array<i32>} : memref<16x128xf32, #tpu.memory_space<vmem>>, vector<1x16xf32>,
      %scan3A_623 = arith.constant 0 : i32
      scf.yield %scan3A_623 : i32
    }
    %scan3A_9 = arith.constant 128 : i32
    %mul3A_10 = arith.constant 256 : i32
    %mul3A_11 = arith.muli %arg1, %mul3A_10 : i32
    %add3A = arith.constant 0 : i32
    %add3A_12 = arith.addi %mul3A_11, %add3A : i32
    %dma_start3A = arith.constant 0 : i32
    %dma_start3A_13 = tpu.memref_slice %arg9[%add3A_12, %dma_start3A] : memref<4096x128xf32, #tpu.memory_space<vmem_shared>> -> memref<16x128xf32, #tpu.memory_space<vmem_shared>>
    %dma_start3A_14 = arith.constant 0 : i32
    %dma_start3A_15 = tpu.memref_slice %arg9[%add3A_12, %dma_start3A_14] : memref<4096x128xf32, #tpu.memory_space<vmem_shared>> -> memref<16x128xf32, #tpu.memory_space<vmem_shared>>
    tpu.enqueue_dma source(%arg8 : memref<16x128xf32, #tpu.memory_space<vmem>>) target(%dma_start3A_15 : memref<16x128xf32, #tpu.memory_space<vmem_shared>>) target_semaphore(%arg12 : memref<!tpu.dma_semaphore, #tpu.memory_space<semaphore_mem>>)
    %mul3A_16 = arith.constant 256 : i32
    %mul3A_17 = arith.muli %arg1, %mul3A_16 : i32
    %add3A_18 = arith.constant 16 : i32
    %add3A_19 = arith.addi %mul3A_17, %add3A_18 : i32
    %dma_start3A_20 = arith.constant 0 : i32
    %dma_start3A_21 = tpu.memref_slice %arg9[%add3A_19, %dma_start3A_20] : memref<4096x128xf32, #tpu.memory_space<vmem_shared>> -> memref<16x128xf32, #tpu.memory_space<vmem_shared>>
    %dma_start3A_22 = arith.constant 0 : i32
    %dma_start3A_23 = tpu.memref_slice %arg9[%add3A_19, %dma_start3A_22] : memref<4096x128xf32, #tpu.memory_space<vmem_shared>> -> memref<16x128xf32, #tpu.memory_space<vmem_shared>>
    tpu.enqueue_dma source(%arg8 : memref<16x128xf32, #tpu.memory_space<vmem>>) target(%dma_start3A_23 : memref<16x128xf32, #tpu.memory_space<vmem_shared>>) target_semaphore(%arg12 : memref<!tpu.dma_semaphore, #tpu.memory_space<semaphore_mem>>)
    %mul3A_24 = arith.constant 256 : i32
    %mul3A_25 = arith.muli %arg1, %mul3A_24 : i32
    %add3A_26 = arith.constant 32 : i32
    %add3A_27 = arith.addi %mul3A_25, %add3A_26 : i32
    %dma_start3A_28 = arith.constant 0 : i32
    %dma_start3A_29 = tpu.memref_slice %arg9[%add3A_27, %dma_start3A_28] : memref<4096x128xf32, #tpu.memory_space<vmem_shared>> -> memref<16x128xf32, #tpu.memory_space<vmem_shared>>
    %dma_start3A_30 = arith.constant 0 : i32
    %dma_start3A_31 = tpu.memref_slice %arg9[%add3A_27, %dma_start3A_30] : memref<4096x128xf32, #tpu.memory_space<vmem_shared>> -> memref<16x128xf32, #tpu.memory_space<vmem_shared>>
    tpu.enqueue_dma source(%arg8 : memref<16x128xf32, #tpu.memory_space<vmem>>) target(%dma_start3A_31 : memref<16x128xf32, #tpu.memory_space<vmem_shared>>) target_semaphore(%arg12 : memref<!tpu.dma_semaphore, #tpu.memory_space<semaphore_mem>>)
    %mul3A_32 = arith.constant 256 : i32
    %mul3A_33 = arith.muli %arg1, %mul3A_32 : i32
    %add3A_34 = arith.constant 48 : i32
    %add3A_35 = arith.addi %mul3A_33, %add3A_34 : i32
    %dma_start3A_36 = arith.constant 0 : i32
    %dma_start3A_37 = tpu.memref_slice %arg9[%add3A_35, %dma_start3A_36] : memref<4096x128xf32, #tpu.memory_space<vmem_shared>> -> memref<16x128xf32, #tpu.memory_space<vmem_shared>>
    %dma_start3A_38 = arith.constant 0 : i32
    %dma_start3A_39 = tpu.memref_slice %arg9[%add3A_35, %dma_start3A_38] : memref<4096x128xf32, #tpu.memory_space<vmem_shared>> -> memref<16x128xf32, #tpu.memory_space<vmem_shared>>
    tpu.enqueue_dma source(%arg8 : memref<16x128xf32, #tpu.memory_space<vmem>>) target(%dma_start3A_39 : memref<16x128xf32, #tpu.memory_space<vmem_shared>>) target_semaphore(%arg12 : memref<!tpu.dma_semaphore, #tpu.memory_space<semaphore_mem>>)
    %mul3A_40 = arith.constant 256 : i32
    %mul3A_41 = arith.muli %arg1, %mul3A_40 : i32
    %add3A_42 = arith.constant 64 : i32
    %add3A_43 = arith.addi %mul3A_41, %add3A_42 : i32
    %dma_start3A_44 = arith.constant 0 : i32
    %dma_start3A_45 = tpu.memref_slice %arg9[%add3A_43, %dma_start3A_44] : memref<4096x128xf32, #tpu.memory_space<vmem_shared>> -> memref<16x128xf32, #tpu.memory_space<vmem_shared>>
    %dma_start3A_46 = arith.constant 0 : i32
    %dma_start3A_47 = tpu.memref_slice %arg9[%add3A_43, %dma_start3A_46] : memref<4096x128xf32, #tpu.memory_space<vmem_shared>> -> memref<16x128xf32, #tpu.memory_space<vmem_shared>>
    tpu.enqueue_dma source(%arg8 : memref<16x128xf32, #tpu.memory_space<vmem>>) target(%dma_start3A_47 : memref<16x128xf32, #tpu.memory_space<vmem_shared>>) target_semaphore(%arg12 : memref<!tpu.dma_semaphore, #tpu.memory_space<semaphore_mem>>)
    %mul3A_48 = arith.constant 256 : i32
    %mul3A_49 = arith.muli %arg1, %mul3A_48 : i32
    %add3A_50 = arith.constant 80 : i32
    %add3A_51 = arith.addi %mul3A_49, %add3A_50 : i32
    %dma_start3A_52 = arith.constant 0 : i32
    %dma_start3A_53 = tpu.memref_slice %arg9[%add3A_51, %dma_start3A_52] : memref<4096x128xf32, #tpu.memory_space<vmem_shared>> -> memref<16x128xf32, #tpu.memory_space<vmem_shared>>
    %dma_start3A_54 = arith.constant 0 : i32
    %dma_start3A_55 = tpu.memref_slice %arg9[%add3A_51, %dma_start3A_54] : memref<4096x128xf32, #tpu.memory_space<vmem_shared>> -> memref<16x128xf32, #tpu.memory_space<vmem_shared>>
    tpu.enqueue_dma source(%arg8 : memref<16x128xf32, #tpu.memory_space<vmem>>) target(%dma_start3A_55 : memref<16x128xf32, #tpu.memory_space<vmem_shared>>) target_semaphore(%arg12 : memref<!tpu.dma_semaphore, #tpu.memory_space<semaphore_mem>>)
    %mul3A_56 = arith.constant 256 : i32
    %mul3A_57 = arith.muli %arg1, %mul3A_56 : i32
    %add3A_58 = arith.constant 96 : i32
    %add3A_59 = arith.addi %mul3A_57, %add3A_58 : i32
    %dma_start3A_60 = arith.constant 0 : i32
    %dma_start3A_61 = tpu.memref_slice %arg9[%add3A_59, %dma_start3A_60] : memref<4096x128xf32, #tpu.memory_space<vmem_shared>> -> memref<16x128xf32, #tpu.memory_space<vmem_shared>>
    %dma_start3A_62 = arith.constant 0 : i32
    %dma_start3A_63 = tpu.memref_slice %arg9[%add3A_59, %dma_start3A_62] : memref<4096x128xf32, #tpu.memory_space<vmem_shared>> -> memref<16x128xf32, #tpu.memory_space<vmem_shared>>
    tpu.enqueue_dma source(%arg8 : memref<16x128xf32, #tpu.memory_space<vmem>>) target(%dma_start3A_63 : memref<16x128xf32, #tpu.memory_space<vmem_shared>>) target_semaphore(%arg12 : memref<!tpu.dma_semaphore, #tpu.memory_space<semaphore_mem>>)
    %mul3A_64 = arith.constant 256 : i32
    %mul3A_65 = arith.muli %arg1, %mul3A_64 : i32
    %add3A_66 = arith.constant 112 : i32
    %add3A_67 = arith.addi %mul3A_65, %add3A_66 : i32
    %dma_start3A_68 = arith.constant 0 : i32
    %dma_start3A_69 = tpu.memref_slice %arg9[%add3A_67, %dma_start3A_68] : memref<4096x128xf32, #tpu.memory_space<vmem_shared>> -> memref<16x128xf32, #tpu.memory_space<vmem_shared>>
    %dma_start3A_70 = arith.constant 0 : i32
    %dma_start3A_71 = tpu.memref_slice %arg9[%add3A_67, %dma_start3A_70] : memref<4096x128xf32, #tpu.memory_space<vmem_shared>> -> memref<16x128xf32, #tpu.memory_space<vmem_shared>>
    tpu.enqueue_dma source(%arg8 : memref<16x128xf32, #tpu.memory_space<vmem>>) target(%dma_start3A_71 : memref<16x128xf32, #tpu.memory_space<vmem_shared>>) target_semaphore(%arg12 : memref<!tpu.dma_semaphore, #tpu.memory_space<semaphore_mem>>)
    %mul3A_72 = arith.constant 256 : i32
    %mul3A_73 = arith.muli %arg1, %mul3A_72 : i32
    %add3A_74 = arith.constant 128 : i32
    %add3A_75 = arith.addi %mul3A_73, %add3A_74 : i32
    %dma_start3A_76 = arith.constant 0 : i32
    %dma_start3A_77 = tpu.memref_slice %arg9[%add3A_75, %dma_start3A_76] : memref<4096x128xf32, #tpu.memory_space<vmem_shared>> -> memref<16x128xf32, #tpu.memory_space<vmem_shared>>
    %dma_start3A_78 = arith.constant 0 : i32
    %dma_start3A_79 = tpu.memref_slice %arg9[%add3A_75, %dma_start3A_78] : memref<4096x128xf32, #tpu.memory_space<vmem_shared>> -> memref<16x128xf32, #tpu.memory_space<vmem_shared>>
    tpu.enqueue_dma source(%arg8 : memref<16x128xf32, #tpu.memory_space<vmem>>) target(%dma_start3A_79 : memref<16x128xf32, #tpu.memory_space<vmem_shared>>) target_semaphore(%arg12 : memref<!tpu.dma_semaphore, #tpu.memory_space<semaphore_mem>>)
    %mul3A_80 = arith.constant 256 : i32
    %mul3A_81 = arith.muli %arg1, %mul3A_80 : i32
    %add3A_82 = arith.constant 144 : i32
    %add3A_83 = arith.addi %mul3A_81, %add3A_82 : i32
    %dma_start3A_84 = arith.constant 0 : i32
    %dma_start3A_85 = tpu.memref_slice %arg9[%add3A_83, %dma_start3A_84] : memref<4096x128xf32, #tpu.memory_space<vmem_shared>> -> memref<16x128xf32, #tpu.memory_space<vmem_shared>>
    %dma_start3A_86 = arith.constant 0 : i32
    %dma_start3A_87 = tpu.memref_slice %arg9[%add3A_83, %dma_start3A_86] : memref<4096x128xf32, #tpu.memory_space<vmem_shared>> -> memref<16x128xf32, #tpu.memory_space<vmem_shared>>
    tpu.enqueue_dma source(%arg8 : memref<16x128xf32, #tpu.memory_space<vmem>>) target(%dma_start3A_87 : memref<16x128xf32, #tpu.memory_space<vmem_shared>>) target_semaphore(%arg12 : memref<!tpu.dma_semaphore, #tpu.memory_space<semaphore_mem>>)
    %mul3A_88 = arith.constant 256 : i32
    %mul3A_89 = arith.muli %arg1, %mul3A_88 : i32
    %add3A_90 = arith.constant 160 : i32
    %add3A_91 = arith.addi %mul3A_89, %add3A_90 : i32
    %dma_start3A_92 = arith.constant 0 : i32
    %dma_start3A_93 = tpu.memref_slice %arg9[%add3A_91, %dma_start3A_92] : memref<4096x128xf32, #tpu.memory_space<vmem_shared>> -> memref<16x128xf32, #tpu.memory_space<vmem_shared>>
    %dma_start3A_94 = arith.constant 0 : i32
    %dma_start3A_95 = tpu.memref_slice %arg9[%add3A_91, %dma_start3A_94] : memref<4096x128xf32, #tpu.memory_space<vmem_shared>> -> memref<16x128xf32, #tpu.memory_space<vmem_shared>>
    tpu.enqueue_dma source(%arg8 : memref<16x128xf32, #tpu.memory_space<vmem>>) target(%dma_start3A_95 : memref<16x128xf32, #tpu.memory_space<vmem_shared>>) target_semaphore(%arg12 : memref<!tpu.dma_semaphore, #tpu.memory_space<semaphore_mem>>)
    %mul3A_96 = arith.constant 256 : i32
    %mul3A_97 = arith.muli %arg1, %mul3A_96 : i32
    %add3A_98 = arith.constant 176 : i32
    %add3A_99 = arith.addi %mul3A_97, %add3A_98 : i32
    %dma_start3A_100 = arith.constant 0 : i32
    %dma_start3A_101 = tpu.memref_slice %arg9[%add3A_99, %dma_start3A_100] : memref<4096x128xf32, #tpu.memory_space<vmem_shared>> -> memref<16x128xf32, #tpu.memory_space<vmem_shared>>
    %dma_start3A_102 = arith.constant 0 : i32
    %dma_start3A_103 = tpu.memref_slice %arg9[%add3A_99, %dma_start3A_102] : memref<4096x128xf32, #tpu.memory_space<vmem_shared>> -> memref<16x128xf32, #tpu.memory_space<vmem_shared>>
    tpu.enqueue_dma source(%arg8 : memref<16x128xf32, #tpu.memory_space<vmem>>) target(%dma_start3A_103 : memref<16x128xf32, #tpu.memory_space<vmem_shared>>) target_semaphore(%arg12 : memref<!tpu.dma_semaphore, #tpu.memory_space<semaphore_mem>>)
    %mul3A_104 = arith.constant 256 : i32
    %mul3A_105 = arith.muli %arg1, %mul3A_104 : i32
    %add3A_106 = arith.constant 192 : i32
    %add3A_107 = arith.addi %mul3A_105, %add3A_106 : i32
    %dma_start3A_108 = arith.constant 0 : i32
    %dma_start3A_109 = tpu.memref_slice %arg9[%add3A_107, %dma_start3A_108] : memref<4096x128xf32, #tpu.memory_space<vmem_shared>> -> memref<16x128xf32, #tpu.memory_space<vmem_shared>>
    %dma_start3A_110 = arith.constant 0 : i32
    %dma_start3A_111 = tpu.memref_slice %arg9[%add3A_107, %dma_start3A_110] : memref<4096x128xf32, #tpu.memory_space<vmem_shared>> -> memref<16x128xf32, #tpu.memory_space<vmem_shared>>
    tpu.enqueue_dma source(%arg8 : memref<16x128xf32, #tpu.memory_space<vmem>>) target(%dma_start3A_111 : memref<16x128xf32, #tpu.memory_space<vmem_shared>>) target_semaphore(%arg12 : memref<!tpu.dma_semaphore, #tpu.memory_space<semaphore_mem>>)
    %mul3A_112 = arith.constant 256 : i32
    %mul3A_113 = arith.muli %arg1, %mul3A_112 : i32
    %add3A_114 = arith.constant 208 : i32
    %add3A_115 = arith.addi %mul3A_113, %add3A_114 : i32
    %dma_start3A_116 = arith.constant 0 : i32
    %dma_start3A_117 = tpu.memref_slice %arg9[%add3A_115, %dma_start3A_116] : memref<4096x128xf32, #tpu.memory_space<vmem_shared>> -> memref<16x128xf32, #tpu.memory_space<vmem_shared>>
    %dma_start3A_118 = arith.constant 0 : i32
    %dma_start3A_119 = tpu.memref_slice %arg9[%add3A_115, %dma_start3A_118] : memref<4096x128xf32, #tpu.memory_space<vmem_shared>> -> memref<16x128xf32, #tpu.memory_space<vmem_shared>>
    tpu.enqueue_dma source(%arg8 : memref<16x128xf32, #tpu.memory_space<vmem>>) target(%dma_start3A_119 : memref<16x128xf32, #tpu.memory_space<vmem_shared>>) target_semaphore(%arg12 : memref<!tpu.dma_semaphore, #tpu.memory_space<semaphore_mem>>)
    %mul3A_120 = arith.constant 256 : i32
    %mul3A_121 = arith.muli %arg1, %mul3A_120 : i32
    %add3A_122 = arith.constant 224 : i32
    %add3A_123 = arith.addi %mul3A_121, %add3A_122 : i32
    %dma_start3A_124 = arith.constant 0 : i32
    %dma_start3A_125 = tpu.memref_slice %arg9[%add3A_123, %dma_start3A_124] : memref<4096x128xf32, #tpu.memory_space<vmem_shared>> -> memref<16x128xf32, #tpu.memory_space<vmem_shared>>
    %dma_start3A_126 = arith.constant 0 : i32
    %dma_start3A_127 = tpu.memref_slice %arg9[%add3A_123, %dma_start3A_126] : memref<4096x128xf32, #tpu.memory_space<vmem_shared>> -> memref<16x128xf32, #tpu.memory_space<vmem_shared>>
    tpu.enqueue_dma source(%arg8 : memref<16x128xf32, #tpu.memory_space<vmem>>) target(%dma_start3A_127 : memref<16x128xf32, #tpu.memory_space<vmem_shared>>) target_semaphore(%arg12 : memref<!tpu.dma_semaphore, #tpu.memory_space<semaphore_mem>>)
    %mul3A_128 = arith.constant 256 : i32
    %mul3A_129 = arith.muli %arg1, %mul3A_128 : i32
    %add3A_130 = arith.constant 240 : i32
    %add3A_131 = arith.addi %mul3A_129, %add3A_130 : i32
    %dma_start3A_132 = arith.constant 0 : i32
    %dma_start3A_133 = tpu.memref_slice %arg9[%add3A_131, %dma_start3A_132] : memref<4096x128xf32, #tpu.memory_space<vmem_shared>> -> memref<16x128xf32, #tpu.memory_space<vmem_shared>>
    %dma_start3A_134 = arith.constant 0 : i32
    %dma_start3A_135 = tpu.memref_slice %arg9[%add3A_131, %dma_start3A_134] : memref<4096x128xf32, #tpu.memory_space<vmem_shared>> -> memref<16x128xf32, #tpu.memory_space<vmem_shared>>
    tpu.enqueue_dma source(%arg8 : memref<16x128xf32, #tpu.memory_space<vmem>>) target(%dma_start3A_135 : memref<16x128xf32, #tpu.memory_space<vmem_shared>>) target_semaphore(%arg12 : memref<!tpu.dma_semaphore, #tpu.memory_space<semaphore_mem>>)
    %mul3A_136 = arith.constant 16 : i32
    %mul3A_137 = arith.muli %arg1, %mul3A_136 : i32
    %dma_start3A_138 = arith.constant 0 : i32
    %dma_start3A_139 = tpu.memref_slice %arg3[%mul3A_137, %dma_start3A_138] : memref<256x128xi32, #tpu.memory_space<hbm>> -> memref<16x128xi32, #tpu.memory_space<hbm>>
    %dma_start3A_140 = arith.constant 0 : i32
    %dma_start3A_141 = tpu.memref_slice %arg3[%mul3A_137, %dma_start3A_140] : memref<256x128xi32, #tpu.memory_space<hbm>> -> memref<16x128xi32, #tpu.memory_space<hbm>>
    tpu.enqueue_dma source(%dma_start3A_141 : memref<16x128xi32, #tpu.memory_space<hbm>>) target(%arg7 : memref<16x128xi32, #tpu.memory_space<vmem>>) target_semaphore(%arg13 : memref<!tpu.dma_semaphore, #tpu.memory_space<semaphore_mem>>)
    %add3A_142 = arith.constant 0 : i32
    %add3A_143 = arith.addi %mul3A_0, %add3A_142 : i32
    %dma_start3A_144 = tpu.memref_slice %arg2[%add3A_143, %mul3A_2] : memref<32768x256xf32, #tpu.memory_space<hbm>> -> memref<256x128xf32, #tpu.memory_space<hbm>>
    %dma_start3A_145 = tpu.memref_slice %arg2[%add3A_143, %mul3A_2] : memref<32768x256xf32, #tpu.memory_space<hbm>> -> memref<256x128xf32, #tpu.memory_space<hbm>>
    tpu.enqueue_dma source(%dma_start3A_145 : memref<256x128xf32, #tpu.memory_space<hbm>>) target(%arg5 : memref<256x128xf32, #tpu.memory_space<vmem>>) target_semaphore(%arg10 : memref<!tpu.dma_semaphore, #tpu.memory_space<semaphore_mem>>)
    %add3A_146 = arith.constant 256 : i32
    %add3A_147 = arith.addi %mul3A_0, %add3A_146 : i32
    %dma_start3A_148 = tpu.memref_slice %arg2[%add3A_147, %mul3A_2] : memref<32768x256xf32, #tpu.memory_space<hbm>> -> memref<256x128xf32, #tpu.memory_space<hbm>>
    %dma_start3A_149 = tpu.memref_slice %arg2[%add3A_147, %mul3A_2] : memref<32768x256xf32, #tpu.memory_space<hbm>> -> memref<256x128xf32, #tpu.memory_space<hbm>>
    tpu.enqueue_dma source(%dma_start3A_149 : memref<256x128xf32, #tpu.memory_space<hbm>>) target(%arg6 : memref<256x128xf32, #tpu.memory_space<vmem>>) target_semaphore(%arg11 : memref<!tpu.dma_semaphore, #tpu.memory_space<semaphore_mem>>)
    %dma_wait3A = arith.constant 0 : i32
    %dma_wait3A_150 = tpu.memref_slice %arg9[%add3A_12, %dma_wait3A] : memref<4096x128xf32, #tpu.memory_space<vmem_shared>> -> memref<16x128xf32, #tpu.memory_space<vmem_shared>>
    %dma_wait3A_151 = arith.constant 0 : i32
    %dma_wait3A_152 = tpu.memref_slice %arg9[%add3A_12, %dma_wait3A_151] : memref<4096x128xf32, #tpu.memory_space<vmem_shared>> -> memref<16x128xf32, #tpu.memory_space<vmem_shared>>
    tpu.wait_dma2 semaphore(%arg12 : memref<!tpu.dma_semaphore, #tpu.memory_space<semaphore_mem>>) src(%arg8 : memref<16x128xf32, #tpu.memory_space<vmem>>) dst(%dma_wait3A_152 : memref<16x128xf32, #tpu.memory_space<vmem_shared>>)
    %dma_wait3A_153 = arith.constant 0 : i32
    %dma_wait3A_154 = tpu.memref_slice %arg9[%add3A_19, %dma_wait3A_153] : memref<4096x128xf32, #tpu.memory_space<vmem_shared>> -> memref<16x128xf32, #tpu.memory_space<vmem_shared>>
    %dma_wait3A_155 = arith.constant 0 : i32
    %dma_wait3A_156 = tpu.memref_slice %arg9[%add3A_19, %dma_wait3A_155] : memref<4096x128xf32, #tpu.memory_space<vmem_shared>> -> memref<16x128xf32, #tpu.memory_space<vmem_shared>>
    tpu.wait_dma2 semaphore(%arg12 : memref<!tpu.dma_semaphore, #tpu.memory_space<semaphore_mem>>) src(%arg8 : memref<16x128xf32, #tpu.memory_space<vmem>>) dst(%dma_wait3A_156 : memref<16x128xf32, #tpu.memory_space<vmem_shared>>)
    %dma_wait3A_157 = arith.constant 0 : i32
    %dma_wait3A_158 = tpu.memref_slice %arg9[%add3A_27, %dma_wait3A_157] : memref<4096x128xf32, #tpu.memory_space<vmem_shared>> -> memref<16x128xf32, #tpu.memory_space<vmem_shared>>
    %dma_wait3A_159 = arith.constant 0 : i32
    %dma_wait3A_160 = tpu.memref_slice %arg9[%add3A_27, %dma_wait3A_159] : memref<4096x128xf32, #tpu.memory_space<vmem_shared>> -> memref<16x128xf32, #tpu.memory_space<vmem_shared>>
    tpu.wait_dma2 semaphore(%arg12 : memref<!tpu.dma_semaphore, #tpu.memory_space<semaphore_mem>>) src(%arg8 : memref<16x128xf32, #tpu.memory_space<vmem>>) dst(%dma_wait3A_160 : memref<16x128xf32, #tpu.memory_space<vmem_shared>>)
    %dma_wait3A_161 = arith.constant 0 : i32
    %dma_wait3A_162 = tpu.memref_slice %arg9[%add3A_35, %dma_wait3A_161] : memref<4096x128xf32, #tpu.memory_space<vmem_shared>> -> memref<16x128xf32, #tpu.memory_space<vmem_shared>>
    %dma_wait3A_163 = arith.constant 0 : i32
    %dma_wait3A_164 = tpu.memref_slice %arg9[%add3A_35, %dma_wait3A_163] : memref<4096x128xf32, #tpu.memory_space<vmem_shared>> -> memref<16x128xf32, #tpu.memory_space<vmem_shared>>
    tpu.wait_dma2 semaphore(%arg12 : memref<!tpu.dma_semaphore, #tpu.memory_space<semaphore_mem>>) src(%arg8 : memref<16x128xf32, #tpu.memory_space<vmem>>) dst(%dma_wait3A_164 : memref<16x128xf32, #tpu.memory_space<vmem_shared>>)
    %dma_wait3A_165 = arith.constant 0 : i32
    %dma_wait3A_166 = tpu.memref_slice %arg9[%add3A_43, %dma_wait3A_165] : memref<4096x128xf32, #tpu.memory_space<vmem_shared>> -> memref<16x128xf32, #tpu.memory_space<vmem_shared>>
    %dma_wait3A_167 = arith.constant 0 : i32
    %dma_wait3A_168 = tpu.memref_slice %arg9[%add3A_43, %dma_wait3A_167] : memref<4096x128xf32, #tpu.memory_space<vmem_shared>> -> memref<16x128xf32, #tpu.memory_space<vmem_shared>>
    tpu.wait_dma2 semaphore(%arg12 : memref<!tpu.dma_semaphore, #tpu.memory_space<semaphore_mem>>) src(%arg8 : memref<16x128xf32, #tpu.memory_space<vmem>>) dst(%dma_wait3A_168 : memref<16x128xf32, #tpu.memory_space<vmem_shared>>)
    %dma_wait3A_169 = arith.constant 0 : i32
    %dma_wait3A_170 = tpu.memref_slice %arg9[%add3A_51, %dma_wait3A_169] : memref<4096x128xf32, #tpu.memory_space<vmem_shared>> -> memref<16x128xf32, #tpu.memory_space<vmem_shared>>
    %dma_wait3A_171 = arith.constant 0 : i32
    %dma_wait3A_172 = tpu.memref_slice %arg9[%add3A_51, %dma_wait3A_171] : memref<4096x128xf32, #tpu.memory_space<vmem_shared>> -> memref<16x128xf32, #tpu.memory_space<vmem_shared>>
    tpu.wait_dma2 semaphore(%arg12 : memref<!tpu.dma_semaphore, #tpu.memory_space<semaphore_mem>>) src(%arg8 : memref<16x128xf32, #tpu.memory_space<vmem>>) dst(%dma_wait3A_172 : memref<16x128xf32, #tpu.memory_space<vmem_shared>>)
    %dma_wait3A_173 = arith.constant 0 : i32
    %dma_wait3A_174 = tpu.memref_slice %arg9[%add3A_59, %dma_wait3A_173] : memref<4096x128xf32, #tpu.memory_space<vmem_shared>> -> memref<16x128xf32, #tpu.memory_space<vmem_shared>>
    %dma_wait3A_175 = arith.constant 0 : i32
    %dma_wait3A_176 = tpu.memref_slice %arg9[%add3A_59, %dma_wait3A_175] : memref<4096x128xf32, #tpu.memory_space<vmem_shared>> -> memref<16x128xf32, #tpu.memory_space<vmem_shared>>
    tpu.wait_dma2 semaphore(%arg12 : memref<!tpu.dma_semaphore, #tpu.memory_space<semaphore_mem>>) src(%arg8 : memref<16x128xf32, #tpu.memory_space<vmem>>) dst(%dma_wait3A_176 : memref<16x128xf32, #tpu.memory_space<vmem_shared>>)
    %dma_wait3A_177 = arith.constant 0 : i32
    %dma_wait3A_178 = tpu.memref_slice %arg9[%add3A_67, %dma_wait3A_177] : memref<4096x128xf32, #tpu.memory_space<vmem_shared>> -> memref<16x128xf32, #tpu.memory_space<vmem_shared>>
    %dma_wait3A_179 = arith.constant 0 : i32
    %dma_wait3A_180 = tpu.memref_slice %arg9[%add3A_67, %dma_wait3A_179] : memref<4096x128xf32, #tpu.memory_space<vmem_shared>> -> memref<16x128xf32, #tpu.memory_space<vmem_shared>>
    tpu.wait_dma2 semaphore(%arg12 : memref<!tpu.dma_semaphore, #tpu.memory_space<semaphore_mem>>) src(%arg8 : memref<16x128xf32, #tpu.memory_space<vmem>>) dst(%dma_wait3A_180 : memref<16x128xf32, #tpu.memory_space<vmem_shared>>)
    %dma_wait3A_181 = arith.constant 0 : i32
    %dma_wait3A_182 = tpu.memref_slice %arg9[%add3A_75, %dma_wait3A_181] : memref<4096x128xf32, #tpu.memory_space<vmem_shared>> -> memref<16x128xf32, #tpu.memory_space<vmem_shared>>
    %dma_wait3A_183 = arith.constant 0 : i32
    %dma_wait3A_184 = tpu.memref_slice %arg9[%add3A_75, %dma_wait3A_183] : memref<4096x128xf32, #tpu.memory_space<vmem_shared>> -> memref<16x128xf32, #tpu.memory_space<vmem_shared>>
    tpu.wait_dma2 semaphore(%arg12 : memref<!tpu.dma_semaphore, #tpu.memory_space<semaphore_mem>>) src(%arg8 : memref<16x128xf32, #tpu.memory_space<vmem>>) dst(%dma_wait3A_184 : memref<16x128xf32, #tpu.memory_space<vmem_shared>>)
    %dma_wait3A_185 = arith.constant 0 : i32
    %dma_wait3A_186 = tpu.memref_slice %arg9[%add3A_83, %dma_wait3A_185] : memref<4096x128xf32, #tpu.memory_space<vmem_shared>> -> memref<16x128xf32, #tpu.memory_space<vmem_shared>>
    %dma_wait3A_187 = arith.constant 0 : i32
    %dma_wait3A_188 = tpu.memref_slice %arg9[%add3A_83, %dma_wait3A_187] : memref<4096x128xf32, #tpu.memory_space<vmem_shared>> -> memref<16x128xf32, #tpu.memory_space<vmem_shared>>
    tpu.wait_dma2 semaphore(%arg12 : memref<!tpu.dma_semaphore, #tpu.memory_space<semaphore_mem>>) src(%arg8 : memref<16x128xf32, #tpu.memory_space<vmem>>) dst(%dma_wait3A_188 : memref<16x128xf32, #tpu.memory_space<vmem_shared>>)
    %dma_wait3A_189 = arith.constant 0 : i32
    %dma_wait3A_190 = tpu.memref_slice %arg9[%add3A_91, %dma_wait3A_189] : memref<4096x128xf32, #tpu.memory_space<vmem_shared>> -> memref<16x128xf32, #tpu.memory_space<vmem_shared>>
    %dma_wait3A_191 = arith.constant 0 : i32
    %dma_wait3A_192 = tpu.memref_slice %arg9[%add3A_91, %dma_wait3A_191] : memref<4096x128xf32, #tpu.memory_space<vmem_shared>> -> memref<16x128xf32, #tpu.memory_space<vmem_shared>>
    tpu.wait_dma2 semaphore(%arg12 : memref<!tpu.dma_semaphore, #tpu.memory_space<semaphore_mem>>) src(%arg8 : memref<16x128xf32, #tpu.memory_space<vmem>>) dst(%dma_wait3A_192 : memref<16x128xf32, #tpu.memory_space<vmem_shared>>)
    %dma_wait3A_193 = arith.constant 0 : i32
    %dma_wait3A_194 = tpu.memref_slice %arg9[%add3A_99, %dma_wait3A_193] : memref<4096x128xf32, #tpu.memory_space<vmem_shared>> -> memref<16x128xf32, #tpu.memory_space<vmem_shared>>
    %dma_wait3A_195 = arith.constant 0 : i32
    %dma_wait3A_196 = tpu.memref_slice %arg9[%add3A_99, %dma_wait3A_195] : memref<4096x128xf32, #tpu.memory_space<vmem_shared>> -> memref<16x128xf32, #tpu.memory_space<vmem_shared>>
    tpu.wait_dma2 semaphore(%arg12 : memref<!tpu.dma_semaphore, #tpu.memory_space<semaphore_mem>>) src(%arg8 : memref<16x128xf32, #tpu.memory_space<vmem>>) dst(%dma_wait3A_196 : memref<16x128xf32, #tpu.memory_space<vmem_shared>>)
    %dma_wait3A_197 = arith.constant 0 : i32
    %dma_wait3A_198 = tpu.memref_slice %arg9[%add3A_107, %dma_wait3A_197] : memref<4096x128xf32, #tpu.memory_space<vmem_shared>> -> memref<16x128xf32, #tpu.memory_space<vmem_shared>>
    %dma_wait3A_199 = arith.constant 0 : i32
    %dma_wait3A_200 = tpu.memref_slice %arg9[%add3A_107, %dma_wait3A_199] : memref<4096x128xf32, #tpu.memory_space<vmem_shared>> -> memref<16x128xf32, #tpu.memory_space<vmem_shared>>
    tpu.wait_dma2 semaphore(%arg12 : memref<!tpu.dma_semaphore, #tpu.memory_space<semaphore_mem>>) src(%arg8 : memref<16x128xf32, #tpu.memory_space<vmem>>) dst(%dma_wait3A_200 : memref<16x128xf32, #tpu.memory_space<vmem_shared>>)
    %dma_wait3A_201 = arith.constant 0 : i32
    %dma_wait3A_202 = tpu.memref_slice %arg9[%add3A_115, %dma_wait3A_201] : memref<4096x128xf32, #tpu.memory_space<vmem_shared>> -> memref<16x128xf32, #tpu.memory_space<vmem_shared>>
    %dma_wait3A_203 = arith.constant 0 : i32
    %dma_wait3A_204 = tpu.memref_slice %arg9[%add3A_115, %dma_wait3A_203] : memref<4096x128xf32, #tpu.memory_space<vmem_shared>> -> memref<16x128xf32, #tpu.memory_space<vmem_shared>>
    tpu.wait_dma2 semaphore(%arg12 : memref<!tpu.dma_semaphore, #tpu.memory_space<semaphore_mem>>) src(%arg8 : memref<16x128xf32, #tpu.memory_space<vmem>>) dst(%dma_wait3A_204 : memref<16x128xf32, #tpu.memory_space<vmem_shared>>)
    %dma_wait3A_205 = arith.constant 0 : i32
    %dma_wait3A_206 = tpu.memref_slice %arg9[%add3A_123, %dma_wait3A_205] : memref<4096x128xf32, #tpu.memory_space<vmem_shared>> -> memref<16x128xf32, #tpu.memory_space<vmem_shared>>
    %dma_wait3A_207 = arith.constant 0 : i32
    %dma_wait3A_208 = tpu.memref_slice %arg9[%add3A_123, %dma_wait3A_207] : memref<4096x128xf32, #tpu.memory_space<vmem_shared>> -> memref<16x128xf32, #tpu.memory_space<vmem_shared>>
    tpu.wait_dma2 semaphore(%arg12 : memref<!tpu.dma_semaphore, #tpu.memory_space<semaphore_mem>>) src(%arg8 : memref<16x128xf32, #tpu.memory_space<vmem>>) dst(%dma_wait3A_208 : memref<16x128xf32, #tpu.memory_space<vmem_shared>>)
    %dma_wait3A_209 = arith.constant 0 : i32
    %dma_wait3A_210 = tpu.memref_slice %arg9[%add3A_131, %dma_wait3A_209] : memref<4096x128xf32, #tpu.memory_space<vmem_shared>> -> memref<16x128xf32, #tpu.memory_space<vmem_shared>>
    %dma_wait3A_211 = arith.constant 0 : i32
    %dma_wait3A_212 = tpu.memref_slice %arg9[%add3A_131, %dma_wait3A_211] : memref<4096x128xf32, #tpu.memory_space<vmem_shared>> -> memref<16x128xf32, #tpu.memory_space<vmem_shared>>
    tpu.wait_dma2 semaphore(%arg12 : memref<!tpu.dma_semaphore, #tpu.memory_space<semaphore_mem>>) src(%arg8 : memref<16x128xf32, #tpu.memory_space<vmem>>) dst(%dma_wait3A_212 : memref<16x128xf32, #tpu.memory_space<vmem_shared>>)
    %dma_wait3A_213 = arith.constant 0 : i32
    %dma_wait3A_214 = tpu.memref_slice %arg3[%mul3A_137, %dma_wait3A_213] : memref<256x128xi32, #tpu.memory_space<hbm>> -> memref<16x128xi32, #tpu.memory_space<hbm>>
    %dma_wait3A_215 = arith.constant 0 : i32
    %dma_wait3A_216 = tpu.memref_slice %arg3[%mul3A_137, %dma_wait3A_215] : memref<256x128xi32, #tpu.memory_space<hbm>> -> memref<16x128xi32, #tpu.memory_space<hbm>>
    tpu.wait_dma2 semaphore(%arg13 : memref<!tpu.dma_semaphore, #tpu.memory_space<semaphore_mem>>) src(%dma_wait3A_216 : memref<16x128xi32, #tpu.memory_space<hbm>>) dst(%arg7 : memref<16x128xi32, #tpu.memory_space<vmem>>)
    %barrier3A = arith.constant 0 : index
    tpu.barrier barrier_id(%barrier3A)
    %dma_wait3A_217 = tpu.memref_slice %arg2[%add3A_143, %mul3A_2] : memref<32768x256xf32, #tpu.memory_space<hbm>> -> memref<256x128xf32, #tpu.memory_space<hbm>>
    %dma_wait3A_218 = tpu.memref_slice %arg2[%add3A_143, %mul3A_2] : memref<32768x256xf32, #tpu.memory_space<hbm>> -> memref<256x128xf32, #tpu.memory_space<hbm>>
    tpu.wait_dma2 semaphore(%arg10 : memref<!tpu.dma_semaphore, #tpu.memory_space<semaphore_mem>>) src(%dma_wait3A_218 : memref<256x128xf32, #tpu.memory_space<hbm>>) dst(%arg5 : memref<256x128xf32, #tpu.memory_space<vmem>>)
    %dma_start3A_219 = arith.constant 0 : i32
    %dma_start3A_220 = arith.constant 0 : i32
    %dma_start3A_221 = arith.constant 0 : i32
    %dma_start3A_222 = tpu.memref_slice %arg5[%dma_start3A_220, %dma_start3A_221] : memref<256x128xf32, #tpu.memory_space<vmem>> -> memref<128x128xf32, #tpu.memory_space<vmem>>
    %dma_start3A_223 = arith.constant 0 : i32
    %dma_start3A_224 = tpu.memref_slice %arg7[%dma_start3A_219, %dma_start3A_223] : memref<16x128xi32, #tpu.memory_space<vmem>> -> memref<1x128xi32, #tpu.memory_space<vmem>>
    %dma_start3A_225 = tpu.memref_squeeze %dma_start3A_224 : memref<1x128xi32, #tpu.memory_space<vmem>> -> memref<128xi32, #tpu.memory_space<vmem>>
    %dma_start3A_226 = arith.constant 0 : i32
    %dma_start3A_227 = arith.constant 0 : i32
    %dma_start3A_228 = tpu.memref_slice %arg9[%dma_start3A_226, %dma_start3A_227] : memref<4096x128xf32, #tpu.memory_space<vmem_shared>> -> memref<4096x128xf32, #tpu.memory_space<vmem_shared>>
    tpu.enqueue_indirect_dma source(%dma_start3A_222 : memref<128x128xf32, #tpu.memory_space<vmem>>) target(%dma_start3A_228 : memref<4096x128xf32, #tpu.memory_space<vmem_shared>>) offsets(%dma_start3A_225 : memref<128xi32, #tpu.memory_space<vmem>>) semaphore(%arg12 : memref<!tpu.dma_semaphore, #tpu.memory_space<semaphore_mem>>) {add = true}
    %dma_start3A_229 = arith.constant 1 : i32
    %dma_start3A_230 = arith.constant 128 : i32
    %dma_start3A_231 = arith.constant 0 : i32
    %dma_start3A_232 = tpu.memref_slice %arg5[%dma_start3A_230, %dma_start3A_231] : memref<256x128xf32, #tpu.memory_space<vmem>> -> memref<128x128xf32, #tpu.memory_space<vmem>>
    %dma_start3A_233 = arith.constant 0 : i32
    %dma_start3A_234 = tpu.memref_slice %arg7[%dma_start3A_229, %dma_start3A_233] : memref<16x128xi32, #tpu.memory_space<vmem>> -> memref<1x128xi32, #tpu.memory_space<vmem>>
    %dma_start3A_235 = tpu.memref_squeeze %dma_start3A_234 : memref<1x128xi32, #tpu.memory_space<vmem>> -> memref<128xi32, #tpu.memory_space<vmem>>
    %dma_start3A_236 = arith.constant 0 : i32
    %dma_start3A_237 = arith.constant 0 : i32
    %dma_start3A_238 = tpu.memref_slice %arg9[%dma_start3A_236, %dma_start3A_237] : memref<4096x128xf32, #tpu.memory_space<vmem_shared>> -> memref<4096x128xf32, #tpu.memory_space<vmem_shared>>
    tpu.enqueue_indirect_dma source(%dma_start3A_232 : memref<128x128xf32, #tpu.memory_space<vmem>>) target(%dma_start3A_238 : memref<4096x128xf32, #tpu.memory_space<vmem_shared>>) offsets(%dma_start3A_235 : memref<128xi32, #tpu.memory_space<vmem>>) semaphore(%arg12 : memref<!tpu.dma_semaphore, #tpu.memory_space<semaphore_mem>>) {add = true}
    %dma_wait3A_239 = arith.constant 0 : i32
    %dma_wait3A_240 = arith.constant 0 : i32
    %dma_wait3A_241 = arith.constant 0 : i32
    %dma_wait3A_242 = tpu.memref_slice %arg5[%dma_wait3A_240, %dma_wait3A_241] : memref<256x128xf32, #tpu.memory_space<vmem>> -> memref<128x128xf32, #tpu.memory_space<vmem>>
    %dma_wait3A_243 = arith.constant 0 : i32
    %dma_wait3A_244 = tpu.memref_slice %arg7[%dma_wait3A_239, %dma_wait3A_243] : memref<16x128xi32, #tpu.memory_space<vmem>> -> memref<1x128xi32, #tpu.memory_space<vmem>>
    %dma_wait3A_245 = tpu.memref_squeeze %dma_wait3A_244 : memref<1x128xi32, #tpu.memory_space<vmem>> -> memref<128xi32, #tpu.memory_space<vmem>>
    %dma_wait3A_246 = arith.constant 0 : i32
    %dma_wait3A_247 = arith.constant 0 : i32
    %dma_wait3A_248 = tpu.memref_slice %arg9[%dma_wait3A_246, %dma_wait3A_247] : memref<4096x128xf32, #tpu.memory_space<vmem_shared>> -> memref<4096x128xf32, #tpu.memory_space<vmem_shared>>
    tpu.wait_indirect_dma semaphore(%arg12 : memref<!tpu.dma_semaphore, #tpu.memory_space<semaphore_mem>>) src(%dma_wait3A_242 : memref<128x128xf32, #tpu.memory_space<vmem>>) dst(%dma_wait3A_248 : memref<4096x128xf32, #tpu.memory_space<vmem_shared>>)
    %dma_wait3A_249 = arith.constant 1 : i32
    %dma_wait3A_250 = arith.constant 128 : i32
    %dma_wait3A_251 = arith.constant 0 : i32
    %dma_wait3A_252 = tpu.memref_slice %arg5[%dma_wait3A_250, %dma_wait3A_251] : memref<256x128xf32, #tpu.memory_space<vmem>> -> memref<128x128xf32, #tpu.memory_space<vmem>>
    %dma_wait3A_253 = arith.constant 0 : i32
    %dma_wait3A_254 = tpu.memref_slice %arg7[%dma_wait3A_249, %dma_wait3A_253] : memref<16x128xi32, #tpu.memory_space<vmem>> -> memref<1x128xi32, #tpu.memory_space<vmem>>
    %dma_wait3A_255 = tpu.memref_squeeze %dma_wait3A_254 : memref<1x128xi32, #tpu.memory_space<vmem>> -> memref<128xi32, #tpu.memory_space<vmem>>
    %dma_wait3A_256 = arith.constant 0 : i32
    %dma_wait3A_257 = arith.constant 0 : i32
    %dma_wait3A_258 = tpu.memref_slice %arg9[%dma_wait3A_256, %dma_wait3A_257] : memref<4096x128xf32, #tpu.memory_space<vmem_shared>> -> memref<4096x128xf32, #tpu.memory_space<vmem_shared>>
    tpu.wait_indirect_dma semaphore(%arg12 : memref<!tpu.dma_semaphore, #tpu.memory_space<semaphore_mem>>) src(%dma_wait3A_252 : memref<128x128xf32, #tpu.memory_space<vmem>>) dst(%dma_wait3A_258 : memref<4096x128xf32, #tpu.memory_space<vmem_shared>>)
    %add3A_259 = arith.constant 512 : i32
    %add3A_260 = arith.addi %mul3A_0, %add3A_259 : i32
    %dma_start3A_261 = tpu.memref_slice %arg2[%add3A_260, %mul3A_2] : memref<32768x256xf32, #tpu.memory_space<hbm>> -> memref<256x128xf32, #tpu.memory_space<hbm>>
    %dma_start3A_262 = tpu.memref_slice %arg2[%add3A_260, %mul3A_2] : memref<32768x256xf32, #tpu.memory_space<hbm>> -> memref<256x128xf32, #tpu.memory_space<hbm>>
    tpu.enqueue_dma source(%dma_start3A_262 : memref<256x128xf32, #tpu.memory_space<hbm>>) target(%arg5 : memref<256x128xf32, #tpu.memory_space<vmem>>) target_semaphore(%arg10 : memref<!tpu.dma_semaphore, #tpu.memory_space<semaphore_mem>>)
    %dma_wait3A_263 = tpu.memref_slice %arg2[%add3A_147, %mul3A_2] : memref<32768x256xf32, #tpu.memory_space<hbm>> -> memref<256x128xf32, #tpu.memory_space<hbm>>
    %dma_wait3A_264 = tpu.memref_slice %arg2[%add3A_147, %mul3A_2] : memref<32768x256xf32, #tpu.memory_space<hbm>> -> memref<256x128xf32, #tpu.memory_space<hbm>>
    tpu.wait_dma2 semaphore(%arg11 : memref<!tpu.dma_semaphore, #tpu.memory_space<semaphore_mem>>) src(%dma_wait3A_264 : memref<256x128xf32, #tpu.memory_space<hbm>>) dst(%arg6 : memref<256x128xf32, #tpu.memory_space<vmem>>)
    %dma_start3A_265 = arith.constant 2 : i32
    %dma_start3A_266 = arith.constant 0 : i32
    %dma_start3A_267 = arith.constant 0 : i32
    %dma_start3A_268 = tpu.memref_slice %arg6[%dma_start3A_266, %dma_start3A_267] : memref<256x128xf32, #tpu.memory_space<vmem>> -> memref<128x128xf32, #tpu.memory_space<vmem>>
    %dma_start3A_269 = arith.constant 0 : i32
    %dma_start3A_270 = tpu.memref_slice %arg7[%dma_start3A_265, %dma_start3A_269] : memref<16x128xi32, #tpu.memory_space<vmem>> -> memref<1x128xi32, #tpu.memory_space<vmem>>
    %dma_start3A_271 = tpu.memref_squeeze %dma_start3A_270 : memref<1x128xi32, #tpu.memory_space<vmem>> -> memref<128xi32, #tpu.memory_space<vmem>>
    %dma_start3A_272 = arith.constant 0 : i32
    %dma_start3A_273 = arith.constant 0 : i32
    %dma_start3A_274 = tpu.memref_slice %arg9[%dma_start3A_272, %dma_start3A_273] : memref<4096x128xf32, #tpu.memory_space<vmem_shared>> -> memref<4096x128xf32, #tpu.memory_space<vmem_shared>>
    tpu.enqueue_indirect_dma source(%dma_start3A_268 : memref<128x128xf32, #tpu.memory_space<vmem>>) target(%dma_start3A_274 : memref<4096x128xf32, #tpu.memory_space<vmem_shared>>) offsets(%dma_start3A_271 : memref<128xi32, #tpu.memory_space<vmem>>) semaphore(%arg13 : memref<!tpu.dma_semaphore, #tpu.memory_space<semaphore_mem>>) {add = true}
    %dma_start3A_275 = arith.constant 3 : i32
    %dma_start3A_276 = arith.constant 128 : i32
    %dma_start3A_277 = arith.constant 0 : i32
    %dma_start3A_278 = tpu.memref_slice %arg6[%dma_start3A_276, %dma_start3A_277] : memref<256x128xf32, #tpu.memory_space<vmem>> -> memref<128x128xf32, #tpu.memory_space<vmem>>
    %dma_start3A_279 = arith.constant 0 : i32
    %dma_start3A_280 = tpu.memref_slice %arg7[%dma_start3A_275, %dma_start3A_279] : memref<16x128xi32, #tpu.memory_space<vmem>> -> memref<1x128xi32, #tpu.memory_space<vmem>>
    %dma_start3A_281 = tpu.memref_squeeze %dma_start3A_280 : memref<1x128xi32, #tpu.memory_space<vmem>> -> memref<128xi32, #tpu.memory_space<vmem>>
    %dma_start3A_282 = arith.constant 0 : i32
    %dma_start3A_283 = arith.constant 0 : i32
    %dma_start3A_284 = tpu.memref_slice %arg9[%dma_start3A_282, %dma_start3A_283] : memref<4096x128xf32, #tpu.memory_space<vmem_shared>> -> memref<4096x128xf32, #tpu.memory_space<vmem_shared>>
    tpu.enqueue_indirect_dma source(%dma_start3A_278 : memref<128x128xf32, #tpu.memory_space<vmem>>) target(%dma_start3A_284 : memref<4096x128xf32, #tpu.memory_space<vmem_shared>>) offsets(%dma_start3A_281 : memref<128xi32, #tpu.memory_space<vmem>>) semaphore(%arg13 : memref<!tpu.dma_semaphore, #tpu.memory_space<semaphore_mem>>) {add = true}
    %dma_wait3A_285 = arith.constant 2 : i32
    %dma_wait3A_286 = arith.constant 0 : i32
    %dma_wait3A_287 = arith.constant 0 : i32
    %dma_wait3A_288 = tpu.memref_slice %arg6[%dma_wait3A_286, %dma_wait3A_287] : memref<256x128xf32, #tpu.memory_space<vmem>> -> memref<128x128xf32, #tpu.memory_space<vmem>>
    %dma_wait3A_289 = arith.constant 0 : i32
    %dma_wait3A_290 = tpu.memref_slice %arg7[%dma_wait3A_285, %dma_wait3A_289] : memref<16x128xi32, #tpu.memory_space<vmem>> -> memref<1x128xi32, #tpu.memory_space<vmem>>
    %dma_wait3A_291 = tpu.memref_squeeze %dma_wait3A_290 : memref<1x128xi32, #tpu.memory_space<vmem>> -> memref<128xi32, #tpu.memory_space<vmem>>
    %dma_wait3A_292 = arith.constant 0 : i32
    %dma_wait3A_293 = arith.constant 0 : i32
    %dma_wait3A_294 = tpu.memref_slice %arg9[%dma_wait3A_292, %dma_wait3A_293] : memref<4096x128xf32, #tpu.memory_space<vmem_shared>> -> memref<4096x128xf32, #tpu.memory_space<vmem_shared>>
    tpu.wait_indirect_dma semaphore(%arg13 : memref<!tpu.dma_semaphore, #tpu.memory_space<semaphore_mem>>) src(%dma_wait3A_288 : memref<128x128xf32, #tpu.memory_space<vmem>>) dst(%dma_wait3A_294 : memref<4096x128xf32, #tpu.memory_space<vmem_shared>>)
    %dma_wait3A_295 = arith.constant 3 : i32
    %dma_wait3A_296 = arith.constant 128 : i32
    %dma_wait3A_297 = arith.constant 0 : i32
    %dma_wait3A_298 = tpu.memref_slice %arg6[%dma_wait3A_296, %dma_wait3A_297] : memref<256x128xf32, #tpu.memory_space<vmem>> -> memref<128x128xf32, #tpu.memory_space<vmem>>
    %dma_wait3A_299 = arith.constant 0 : i32
    %dma_wait3A_300 = tpu.memref_slice %arg7[%dma_wait3A_295, %dma_wait3A_299] : memref<16x128xi32, #tpu.memory_space<vmem>> -> memref<1x128xi32, #tpu.memory_space<vmem>>
    %dma_wait3A_301 = tpu.memref_squeeze %dma_wait3A_300 : memref<1x128xi32, #tpu.memory_space<vmem>> -> memref<128xi32, #tpu.memory_space<vmem>>
    %dma_wait3A_302 = arith.constant 0 : i32
    %dma_wait3A_303 = arith.constant 0 : i32
    %dma_wait3A_304 = tpu.memref_slice %arg9[%dma_wait3A_302, %dma_wait3A_303] : memref<4096x128xf32, #tpu.memory_space<vmem_shared>> -> memref<4096x128xf32, #tpu.memory_space<vmem_shared>>
    tpu.wait_indirect_dma semaphore(%arg13 : memref<!tpu.dma_semaphore, #tpu.memory_space<semaphore_mem>>) src(%dma_wait3A_298 : memref<128x128xf32, #tpu.memory_space<vmem>>) dst(%dma_wait3A_304 : memref<4096x128xf32, #tpu.memory_space<vmem_shared>>)
    %add3A_305 = arith.constant 768 : i32
    %add3A_306 = arith.addi %mul3A_0, %add3A_305 : i32
    %dma_start3A_307 = tpu.memref_slice %arg2[%add3A_306, %mul3A_2] : memref<32768x256xf32, #tpu.memory_space<hbm>> -> memref<256x128xf32, #tpu.memory_space<hbm>>
    %dma_start3A_308 = tpu.memref_slice %arg2[%add3A_306, %mul3A_2] : memref<32768x256xf32, #tpu.memory_space<hbm>> -> memref<256x128xf32, #tpu.memory_space<hbm>>
    tpu.enqueue_dma source(%dma_start3A_308 : memref<256x128xf32, #tpu.memory_space<hbm>>) target(%arg6 : memref<256x128xf32, #tpu.memory_space<vmem>>) target_semaphore(%arg11 : memref<!tpu.dma_semaphore, #tpu.memory_space<semaphore_mem>>)
    %dma_wait3A_309 = tpu.memref_slice %arg2[%add3A_260, %mul3A_2] : memref<32768x256xf32, #tpu.memory_space<hbm>> -> memref<256x128xf32, #tpu.memory_space<hbm>>
    %dma_wait3A_310 = tpu.memref_slice %arg2[%add3A_260, %mul3A_2] : memref<32768x256xf32, #tpu.memory_space<hbm>> -> memref<256x128xf32, #tpu.memory_space<hbm>>
    tpu.wait_dma2 semaphore(%arg10 : memref<!tpu.dma_semaphore, #tpu.memory_space<semaphore_mem>>) src(%dma_wait3A_310 : memref<256x128xf32, #tpu.memory_space<hbm>>) dst(%arg5 : memref<256x128xf32, #tpu.memory_space<vmem>>)
    %dma_start3A_311 = arith.constant 4 : i32
    %dma_start3A_312 = arith.constant 0 : i32
    %dma_start3A_313 = arith.constant 0 : i32
    %dma_start3A_314 = tpu.memref_slice %arg5[%dma_start3A_312, %dma_start3A_313] : memref<256x128xf32, #tpu.memory_space<vmem>> -> memref<128x128xf32, #tpu.memory_space<vmem>>
    %dma_start3A_315 = arith.constant 0 : i32
    %dma_start3A_316 = tpu.memref_slice %arg7[%dma_start3A_311, %dma_start3A_315] : memref<16x128xi32, #tpu.memory_space<vmem>> -> memref<1x128xi32, #tpu.memory_space<vmem>>
    %dma_start3A_317 = tpu.memref_squeeze %dma_start3A_316 : memref<1x128xi32, #tpu.memory_space<vmem>> -> memref<128xi32, #tpu.memory_space<vmem>>
    %dma_start3A_318 = arith.constant 0 : i32
    %dma_start3A_319 = arith.constant 0 : i32
    %dma_start3A_320 = tpu.memref_slice %arg9[%dma_start3A_318, %dma_start3A_319] : memref<4096x128xf32, #tpu.memory_space<vmem_shared>> -> memref<4096x128xf32, #tpu.memory_space<vmem_shared>>
    tpu.enqueue_indirect_dma source(%dma_start3A_314 : memref<128x128xf32, #tpu.memory_space<vmem>>) target(%dma_start3A_320 : memref<4096x128xf32, #tpu.memory_space<vmem_shared>>) offsets(%dma_start3A_317 : memref<128xi32, #tpu.memory_space<vmem>>) semaphore(%arg12 : memref<!tpu.dma_semaphore, #tpu.memory_space<semaphore_mem>>) {add = true}
    %dma_start3A_321 = arith.constant 5 : i32
    %dma_start3A_322 = arith.constant 128 : i32
    %dma_start3A_323 = arith.constant 0 : i32
    %dma_start3A_324 = tpu.memref_slice %arg5[%dma_start3A_322, %dma_start3A_323] : memref<256x128xf32, #tpu.memory_space<vmem>> -> memref<128x128xf32, #tpu.memory_space<vmem>>
    %dma_start3A_325 = arith.constant 0 : i32
    %dma_start3A_326 = tpu.memref_slice %arg7[%dma_start3A_321, %dma_start3A_325] : memref<16x128xi32, #tpu.memory_space<vmem>> -> memref<1x128xi32, #tpu.memory_space<vmem>>
    %dma_start3A_327 = tpu.memref_squeeze %dma_start3A_326 : memref<1x128xi32, #tpu.memory_space<vmem>> -> memref<128xi32, #tpu.memory_space<vmem>>
    %dma_start3A_328 = arith.constant 0 : i32
    %dma_start3A_329 = arith.constant 0 : i32
    %dma_start3A_330 = tpu.memref_slice %arg9[%dma_start3A_328, %dma_start3A_329] : memref<4096x128xf32, #tpu.memory_space<vmem_shared>> -> memref<4096x128xf32, #tpu.memory_space<vmem_shared>>
    tpu.enqueue_indirect_dma source(%dma_start3A_324 : memref<128x128xf32, #tpu.memory_space<vmem>>) target(%dma_start3A_330 : memref<4096x128xf32, #tpu.memory_space<vmem_shared>>) offsets(%dma_start3A_327 : memref<128xi32, #tpu.memory_space<vmem>>) semaphore(%arg12 : memref<!tpu.dma_semaphore, #tpu.memory_space<semaphore_mem>>) {add = true}
    %dma_wait3A_331 = arith.constant 4 : i32
    %dma_wait3A_332 = arith.constant 0 : i32
    %dma_wait3A_333 = arith.constant 0 : i32
    %dma_wait3A_334 = tpu.memref_slice %arg5[%dma_wait3A_332, %dma_wait3A_333] : memref<256x128xf32, #tpu.memory_space<vmem>> -> memref<128x128xf32, #tpu.memory_space<vmem>>
    %dma_wait3A_335 = arith.constant 0 : i32
    %dma_wait3A_336 = tpu.memref_slice %arg7[%dma_wait3A_331, %dma_wait3A_335] : memref<16x128xi32, #tpu.memory_space<vmem>> -> memref<1x128xi32, #tpu.memory_space<vmem>>
    %dma_wait3A_337 = tpu.memref_squeeze %dma_wait3A_336 : memref<1x128xi32, #tpu.memory_space<vmem>> -> memref<128xi32, #tpu.memory_space<vmem>>
    %dma_wait3A_338 = arith.constant 0 : i32
    %dma_wait3A_339 = arith.constant 0 : i32
    %dma_wait3A_340 = tpu.memref_slice %arg9[%dma_wait3A_338, %dma_wait3A_339] : memref<4096x128xf32, #tpu.memory_space<vmem_shared>> -> memref<4096x128xf32, #tpu.memory_space<vmem_shared>>
    tpu.wait_indirect_dma semaphore(%arg12 : memref<!tpu.dma_semaphore, #tpu.memory_space<semaphore_mem>>) src(%dma_wait3A_334 : memref<128x128xf32, #tpu.memory_space<vmem>>) dst(%dma_wait3A_340 : memref<4096x128xf32, #tpu.memory_space<vmem_shared>>)
    %dma_wait3A_341 = arith.constant 5 : i32
    %dma_wait3A_342 = arith.constant 128 : i32
    %dma_wait3A_343 = arith.constant 0 : i32
    %dma_wait3A_344 = tpu.memref_slice %arg5[%dma_wait3A_342, %dma_wait3A_343] : memref<256x128xf32, #tpu.memory_space<vmem>> -> memref<128x128xf32, #tpu.memory_space<vmem>>
    %dma_wait3A_345 = arith.constant 0 : i32
    %dma_wait3A_346 = tpu.memref_slice %arg7[%dma_wait3A_341, %dma_wait3A_345] : memref<16x128xi32, #tpu.memory_space<vmem>> -> memref<1x128xi32, #tpu.memory_space<vmem>>
    %dma_wait3A_347 = tpu.memref_squeeze %dma_wait3A_346 : memref<1x128xi32, #tpu.memory_space<vmem>> -> memref<128xi32, #tpu.memory_space<vmem>>
    %dma_wait3A_348 = arith.constant 0 : i32
    %dma_wait3A_349 = arith.constant 0 : i32
    %dma_wait3A_350 = tpu.memref_slice %arg9[%dma_wait3A_348, %dma_wait3A_349] : memref<4096x128xf32, #tpu.memory_space<vmem_shared>> -> memref<4096x128xf32, #tpu.memory_space<vmem_shared>>
    tpu.wait_indirect_dma semaphore(%arg12 : memref<!tpu.dma_semaphore, #tpu.memory_space<semaphore_mem>>) src(%dma_wait3A_344 : memref<128x128xf32, #tpu.memory_space<vmem>>) dst(%dma_wait3A_350 : memref<4096x128xf32, #tpu.memory_space<vmem_shared>>)
    %add3A_351 = arith.constant 1024 : i32
    %add3A_352 = arith.addi %mul3A_0, %add3A_351 : i32
    %dma_start3A_353 = tpu.memref_slice %arg2[%add3A_352, %mul3A_2] : memref<32768x256xf32, #tpu.memory_space<hbm>> -> memref<256x128xf32, #tpu.memory_space<hbm>>
    %dma_start3A_354 = tpu.memref_slice %arg2[%add3A_352, %mul3A_2] : memref<32768x256xf32, #tpu.memory_space<hbm>> -> memref<256x128xf32, #tpu.memory_space<hbm>>
    tpu.enqueue_dma source(%dma_start3A_354 : memref<256x128xf32, #tpu.memory_space<hbm>>) target(%arg5 : memref<256x128xf32, #tpu.memory_space<vmem>>) target_semaphore(%arg10 : memref<!tpu.dma_semaphore, #tpu.memory_space<semaphore_mem>>)
    %dma_wait3A_355 = tpu.memref_slice %arg2[%add3A_306, %mul3A_2] : memref<32768x256xf32, #tpu.memory_space<hbm>> -> memref<256x128xf32, #tpu.memory_space<hbm>>
    %dma_wait3A_356 = tpu.memref_slice %arg2[%add3A_306, %mul3A_2] : memref<32768x256xf32, #tpu.memory_space<hbm>> -> memref<256x128xf32, #tpu.memory_space<hbm>>
    tpu.wait_dma2 semaphore(%arg11 : memref<!tpu.dma_semaphore, #tpu.memory_space<semaphore_mem>>) src(%dma_wait3A_356 : memref<256x128xf32, #tpu.memory_space<hbm>>) dst(%arg6 : memref<256x128xf32, #tpu.memory_space<vmem>>)
    %dma_start3A_357 = arith.constant 6 : i32
    %dma_start3A_358 = arith.constant 0 : i32
    %dma_start3A_359 = arith.constant 0 : i32
    %dma_start3A_360 = tpu.memref_slice %arg6[%dma_start3A_358, %dma_start3A_359] : memref<256x128xf32, #tpu.memory_space<vmem>> -> memref<128x128xf32, #tpu.memory_space<vmem>>
    %dma_start3A_361 = arith.constant 0 : i32
    %dma_start3A_362 = tpu.memref_slice %arg7[%dma_start3A_357, %dma_start3A_361] : memref<16x128xi32, #tpu.memory_space<vmem>> -> memref<1x128xi32, #tpu.memory_space<vmem>>
    %dma_start3A_363 = tpu.memref_squeeze %dma_start3A_362 : memref<1x128xi32, #tpu.memory_space<vmem>> -> memref<128xi32, #tpu.memory_space<vmem>>
    %dma_start3A_364 = arith.constant 0 : i32
    %dma_start3A_365 = arith.constant 0 : i32
    %dma_start3A_366 = tpu.memref_slice %arg9[%dma_start3A_364, %dma_start3A_365] : memref<4096x128xf32, #tpu.memory_space<vmem_shared>> -> memref<4096x128xf32, #tpu.memory_space<vmem_shared>>
    tpu.enqueue_indirect_dma source(%dma_start3A_360 : memref<128x128xf32, #tpu.memory_space<vmem>>) target(%dma_start3A_366 : memref<4096x128xf32, #tpu.memory_space<vmem_shared>>) offsets(%dma_start3A_363 : memref<128xi32, #tpu.memory_space<vmem>>) semaphore(%arg13 : memref<!tpu.dma_semaphore, #tpu.memory_space<semaphore_mem>>) {add = true}
    %dma_start3A_367 = arith.constant 7 : i32
    %dma_start3A_368 = arith.constant 128 : i32
    %dma_start3A_369 = arith.constant 0 : i32
    %dma_start3A_370 = tpu.memref_slice %arg6[%dma_start3A_368, %dma_start3A_369] : memref<256x128xf32, #tpu.memory_space<vmem>> -> memref<128x128xf32, #tpu.memory_space<vmem>>
    %dma_start3A_371 = arith.constant 0 : i32
    %dma_start3A_372 = tpu.memref_slice %arg7[%dma_start3A_367, %dma_start3A_371] : memref<16x128xi32, #tpu.memory_space<vmem>> -> memref<1x128xi32, #tpu.memory_space<vmem>>
    %dma_start3A_373 = tpu.memref_squeeze %dma_start3A_372 : memref<1x128xi32, #tpu.memory_space<vmem>> -> memref<128xi32, #tpu.memory_space<vmem>>
    %dma_start3A_374 = arith.constant 0 : i32
    %dma_start3A_375 = arith.constant 0 : i32
    %dma_start3A_376 = tpu.memref_slice %arg9[%dma_start3A_374, %dma_start3A_375] : memref<4096x128xf32, #tpu.memory_space<vmem_shared>> -> memref<4096x128xf32, #tpu.memory_space<vmem_shared>>
    tpu.enqueue_indirect_dma source(%dma_start3A_370 : memref<128x128xf32, #tpu.memory_space<vmem>>) target(%dma_start3A_376 : memref<4096x128xf32, #tpu.memory_space<vmem_shared>>) offsets(%dma_start3A_373 : memref<128xi32, #tpu.memory_space<vmem>>) semaphore(%arg13 : memref<!tpu.dma_semaphore, #tpu.memory_space<semaphore_mem>>) {add = true}
    %dma_wait3A_377 = arith.constant 6 : i32
    %dma_wait3A_378 = arith.constant 0 : i32
    %dma_wait3A_379 = arith.constant 0 : i32
    %dma_wait3A_380 = tpu.memref_slice %arg6[%dma_wait3A_378, %dma_wait3A_379] : memref<256x128xf32, #tpu.memory_space<vmem>> -> memref<128x128xf32, #tpu.memory_space<vmem>>
    %dma_wait3A_381 = arith.constant 0 : i32
    %dma_wait3A_382 = tpu.memref_slice %arg7[%dma_wait3A_377, %dma_wait3A_381] : memref<16x128xi32, #tpu.memory_space<vmem>> -> memref<1x128xi32, #tpu.memory_space<vmem>>
    %dma_wait3A_383 = tpu.memref_squeeze %dma_wait3A_382 : memref<1x128xi32, #tpu.memory_space<vmem>> -> memref<128xi32, #tpu.memory_space<vmem>>
    %dma_wait3A_384 = arith.constant 0 : i32
    %dma_wait3A_385 = arith.constant 0 : i32
    %dma_wait3A_386 = tpu.memref_slice %arg9[%dma_wait3A_384, %dma_wait3A_385] : memref<4096x128xf32, #tpu.memory_space<vmem_shared>> -> memref<4096x128xf32, #tpu.memory_space<vmem_shared>>
    tpu.wait_indirect_dma semaphore(%arg13 : memref<!tpu.dma_semaphore, #tpu.memory_space<semaphore_mem>>) src(%dma_wait3A_380 : memref<128x128xf32, #tpu.memory_space<vmem>>) dst(%dma_wait3A_386 : memref<4096x128xf32, #tpu.memory_space<vmem_shared>>)
    %dma_wait3A_387 = arith.constant 7 : i32
    %dma_wait3A_388 = arith.constant 128 : i32
    %dma_wait3A_389 = arith.constant 0 : i32
    %dma_wait3A_390 = tpu.memref_slice %arg6[%dma_wait3A_388, %dma_wait3A_389] : memref<256x128xf32, #tpu.memory_space<vmem>> -> memref<128x128xf32, #tpu.memory_space<vmem>>
    %dma_wait3A_391 = arith.constant 0 : i32
    %dma_wait3A_392 = tpu.memref_slice %arg7[%dma_wait3A_387, %dma_wait3A_391] : memref<16x128xi32, #tpu.memory_space<vmem>> -> memref<1x128xi32, #tpu.memory_space<vmem>>
    %dma_wait3A_393 = tpu.memref_squeeze %dma_wait3A_392 : memref<1x128xi32, #tpu.memory_space<vmem>> -> memref<128xi32, #tpu.memory_space<vmem>>
    %dma_wait3A_394 = arith.constant 0 : i32
    %dma_wait3A_395 = arith.constant 0 : i32
    %dma_wait3A_396 = tpu.memref_slice %arg9[%dma_wait3A_394, %dma_wait3A_395] : memref<4096x128xf32, #tpu.memory_space<vmem_shared>> -> memref<4096x128xf32, #tpu.memory_space<vmem_shared>>
    tpu.wait_indirect_dma semaphore(%arg13 : memref<!tpu.dma_semaphore, #tpu.memory_space<semaphore_mem>>) src(%dma_wait3A_390 : memref<128x128xf32, #tpu.memory_space<vmem>>) dst(%dma_wait3A_396 : memref<4096x128xf32, #tpu.memory_space<vmem_shared>>)
    %add3A_397 = arith.constant 1280 : i32
    %add3A_398 = arith.addi %mul3A_0, %add3A_397 : i32
    %dma_start3A_399 = tpu.memref_slice %arg2[%add3A_398, %mul3A_2] : memref<32768x256xf32, #tpu.memory_space<hbm>> -> memref<256x128xf32, #tpu.memory_space<hbm>>
    %dma_start3A_400 = tpu.memref_slice %arg2[%add3A_398, %mul3A_2] : memref<32768x256xf32, #tpu.memory_space<hbm>> -> memref<256x128xf32, #tpu.memory_space<hbm>>
    tpu.enqueue_dma source(%dma_start3A_400 : memref<256x128xf32, #tpu.memory_space<hbm>>) target(%arg6 : memref<256x128xf32, #tpu.memory_space<vmem>>) target_semaphore(%arg11 : memref<!tpu.dma_semaphore, #tpu.memory_space<semaphore_mem>>)
    %dma_wait3A_401 = tpu.memref_slice %arg2[%add3A_352, %mul3A_2] : memref<32768x256xf32, #tpu.memory_space<hbm>> -> memref<256x128xf32, #tpu.memory_space<hbm>>
    %dma_wait3A_402 = tpu.memref_slice %arg2[%add3A_352, %mul3A_2] : memref<32768x256xf32, #tpu.memory_space<hbm>> -> memref<256x128xf32, #tpu.memory_space<hbm>>
    tpu.wait_dma2 semaphore(%arg10 : memref<!tpu.dma_semaphore, #tpu.memory_space<semaphore_mem>>) src(%dma_wait3A_402 : memref<256x128xf32, #tpu.memory_space<hbm>>) dst(%arg5 : memref<256x128xf32, #tpu.memory_space<vmem>>)
    %dma_start3A_403 = arith.constant 8 : i32
    %dma_start3A_404 = arith.constant 0 : i32
    %dma_start3A_405 = arith.constant 0 : i32
    %dma_start3A_406 = tpu.memref_slice %arg5[%dma_start3A_404, %dma_start3A_405] : memref<256x128xf32, #tpu.memory_space<vmem>> -> memref<128x128xf32, #tpu.memory_space<vmem>>
    %dma_start3A_407 = arith.constant 0 : i32
    %dma_start3A_408 = tpu.memref_slice %arg7[%dma_start3A_403, %dma_start3A_407] : memref<16x128xi32, #tpu.memory_space<vmem>> -> memref<1x128xi32, #tpu.memory_space<vmem>>
    %dma_start3A_409 = tpu.memref_squeeze %dma_start3A_408 : memref<1x128xi32, #tpu.memory_space<vmem>> -> memref<128xi32, #tpu.memory_space<vmem>>
    %dma_start3A_410 = arith.constant 0 : i32
    %dma_start3A_411 = arith.constant 0 : i32
    %dma_start3A_412 = tpu.memref_slice %arg9[%dma_start3A_410, %dma_start3A_411] : memref<4096x128xf32, #tpu.memory_space<vmem_shared>> -> memref<4096x128xf32, #tpu.memory_space<vmem_shared>>
    tpu.enqueue_indirect_dma source(%dma_start3A_406 : memref<128x128xf32, #tpu.memory_space<vmem>>) target(%dma_start3A_412 : memref<4096x128xf32, #tpu.memory_space<vmem_shared>>) offsets(%dma_start3A_409 : memref<128xi32, #tpu.memory_space<vmem>>) semaphore(%arg12 : memref<!tpu.dma_semaphore, #tpu.memory_space<semaphore_mem>>) {add = true}
    %dma_start3A_413 = arith.constant 9 : i32
    %dma_start3A_414 = arith.constant 128 : i32
    %dma_start3A_415 = arith.constant 0 : i32
    %dma_start3A_416 = tpu.memref_slice %arg5[%dma_start3A_414, %dma_start3A_415] : memref<256x128xf32, #tpu.memory_space<vmem>> -> memref<128x128xf32, #tpu.memory_space<vmem>>
    %dma_start3A_417 = arith.constant 0 : i32
    %dma_start3A_418 = tpu.memref_slice %arg7[%dma_start3A_413, %dma_start3A_417] : memref<16x128xi32, #tpu.memory_space<vmem>> -> memref<1x128xi32, #tpu.memory_space<vmem>>
    %dma_start3A_419 = tpu.memref_squeeze %dma_start3A_418 : memref<1x128xi32, #tpu.memory_space<vmem>> -> memref<128xi32, #tpu.memory_space<vmem>>
    %dma_start3A_420 = arith.constant 0 : i32
    %dma_start3A_421 = arith.constant 0 : i32
    %dma_start3A_422 = tpu.memref_slice %arg9[%dma_start3A_420, %dma_start3A_421] : memref<4096x128xf32, #tpu.memory_space<vmem_shared>> -> memref<4096x128xf32, #tpu.memory_space<vmem_shared>>
    tpu.enqueue_indirect_dma source(%dma_start3A_416 : memref<128x128xf32, #tpu.memory_space<vmem>>) target(%dma_start3A_422 : memref<4096x128xf32, #tpu.memory_space<vmem_shared>>) offsets(%dma_start3A_419 : memref<128xi32, #tpu.memory_space<vmem>>) semaphore(%arg12 : memref<!tpu.dma_semaphore, #tpu.memory_space<semaphore_mem>>) {add = true}
    %dma_wait3A_423 = arith.constant 8 : i32
    %dma_wait3A_424 = arith.constant 0 : i32
    %dma_wait3A_425 = arith.constant 0 : i32
    %dma_wait3A_426 = tpu.memref_slice %arg5[%dma_wait3A_424, %dma_wait3A_425] : memref<256x128xf32, #tpu.memory_space<vmem>> -> memref<128x128xf32, #tpu.memory_space<vmem>>
    %dma_wait3A_427 = arith.constant 0 : i32
    %dma_wait3A_428 = tpu.memref_slice %arg7[%dma_wait3A_423, %dma_wait3A_427] : memref<16x128xi32, #tpu.memory_space<vmem>> -> memref<1x128xi32, #tpu.memory_space<vmem>>
    %dma_wait3A_429 = tpu.memref_squeeze %dma_wait3A_428 : memref<1x128xi32, #tpu.memory_space<vmem>> -> memref<128xi32, #tpu.memory_space<vmem>>
    %dma_wait3A_430 = arith.constant 0 : i32
    %dma_wait3A_431 = arith.constant 0 : i32
    %dma_wait3A_432 = tpu.memref_slice %arg9[%dma_wait3A_430, %dma_wait3A_431] : memref<4096x128xf32, #tpu.memory_space<vmem_shared>> -> memref<4096x128xf32, #tpu.memory_space<vmem_shared>>
    tpu.wait_indirect_dma semaphore(%arg12 : memref<!tpu.dma_semaphore, #tpu.memory_space<semaphore_mem>>) src(%dma_wait3A_426 : memref<128x128xf32, #tpu.memory_space<vmem>>) dst(%dma_wait3A_432 : memref<4096x128xf32, #tpu.memory_space<vmem_shared>>)
    %dma_wait3A_433 = arith.constant 9 : i32
    %dma_wait3A_434 = arith.constant 128 : i32
    %dma_wait3A_435 = arith.constant 0 : i32
    %dma_wait3A_436 = tpu.memref_slice %arg5[%dma_wait3A_434, %dma_wait3A_435] : memref<256x128xf32, #tpu.memory_space<vmem>> -> memref<128x128xf32, #tpu.memory_space<vmem>>
    %dma_wait3A_437 = arith.constant 0 : i32
    %dma_wait3A_438 = tpu.memref_slice %arg7[%dma_wait3A_433, %dma_wait3A_437] : memref<16x128xi32, #tpu.memory_space<vmem>> -> memref<1x128xi32, #tpu.memory_space<vmem>>
    %dma_wait3A_439 = tpu.memref_squeeze %dma_wait3A_438 : memref<1x128xi32, #tpu.memory_space<vmem>> -> memref<128xi32, #tpu.memory_space<vmem>>
    %dma_wait3A_440 = arith.constant 0 : i32
    %dma_wait3A_441 = arith.constant 0 : i32
    %dma_wait3A_442 = tpu.memref_slice %arg9[%dma_wait3A_440, %dma_wait3A_441] : memref<4096x128xf32, #tpu.memory_space<vmem_shared>> -> memref<4096x128xf32, #tpu.memory_space<vmem_shared>>
    tpu.wait_indirect_dma semaphore(%arg12 : memref<!tpu.dma_semaphore, #tpu.memory_space<semaphore_mem>>) src(%dma_wait3A_436 : memref<128x128xf32, #tpu.memory_space<vmem>>) dst(%dma_wait3A_442 : memref<4096x128xf32, #tpu.memory_space<vmem_shared>>)
    %add3A_443 = arith.constant 1536 : i32
    %add3A_444 = arith.addi %mul3A_0, %add3A_443 : i32
    %dma_start3A_445 = tpu.memref_slice %arg2[%add3A_444, %mul3A_2] : memref<32768x256xf32, #tpu.memory_space<hbm>> -> memref<256x128xf32, #tpu.memory_space<hbm>>
    %dma_start3A_446 = tpu.memref_slice %arg2[%add3A_444, %mul3A_2] : memref<32768x256xf32, #tpu.memory_space<hbm>> -> memref<256x128xf32, #tpu.memory_space<hbm>>
    tpu.enqueue_dma source(%dma_start3A_446 : memref<256x128xf32, #tpu.memory_space<hbm>>) target(%arg5 : memref<256x128xf32, #tpu.memory_space<vmem>>) target_semaphore(%arg10 : memref<!tpu.dma_semaphore, #tpu.memory_space<semaphore_mem>>)
    %dma_wait3A_447 = tpu.memref_slice %arg2[%add3A_398, %mul3A_2] : memref<32768x256xf32, #tpu.memory_space<hbm>> -> memref<256x128xf32, #tpu.memory_space<hbm>>
    %dma_wait3A_448 = tpu.memref_slice %arg2[%add3A_398, %mul3A_2] : memref<32768x256xf32, #tpu.memory_space<hbm>> -> memref<256x128xf32, #tpu.memory_space<hbm>>
    tpu.wait_dma2 semaphore(%arg11 : memref<!tpu.dma_semaphore, #tpu.memory_space<semaphore_mem>>) src(%dma_wait3A_448 : memref<256x128xf32, #tpu.memory_space<hbm>>) dst(%arg6 : memref<256x128xf32, #tpu.memory_space<vmem>>)
    %dma_start3A_449 = arith.constant 10 : i32
    %dma_start3A_450 = arith.constant 0 : i32
    %dma_start3A_451 = arith.constant 0 : i32
    %dma_start3A_452 = tpu.memref_slice %arg6[%dma_start3A_450, %dma_start3A_451] : memref<256x128xf32, #tpu.memory_space<vmem>> -> memref<128x128xf32, #tpu.memory_space<vmem>>
    %dma_start3A_453 = arith.constant 0 : i32
    %dma_start3A_454 = tpu.memref_slice %arg7[%dma_start3A_449, %dma_start3A_453] : memref<16x128xi32, #tpu.memory_space<vmem>> -> memref<1x128xi32, #tpu.memory_space<vmem>>
    %dma_start3A_455 = tpu.memref_squeeze %dma_start3A_454 : memref<1x128xi32, #tpu.memory_space<vmem>> -> memref<128xi32, #tpu.memory_space<vmem>>
    %dma_start3A_456 = arith.constant 0 : i32
    %dma_start3A_457 = arith.constant 0 : i32
    %dma_start3A_458 = tpu.memref_slice %arg9[%dma_start3A_456, %dma_start3A_457] : memref<4096x128xf32, #tpu.memory_space<vmem_shared>> -> memref<4096x128xf32, #tpu.memory_space<vmem_shared>>
    tpu.enqueue_indirect_dma source(%dma_start3A_452 : memref<128x128xf32, #tpu.memory_space<vmem>>) target(%dma_start3A_458 : memref<4096x128xf32, #tpu.memory_space<vmem_shared>>) offsets(%dma_start3A_455 : memref<128xi32, #tpu.memory_space<vmem>>) semaphore(%arg13 : memref<!tpu.dma_semaphore, #tpu.memory_space<semaphore_mem>>) {add = true}
    %dma_start3A_459 = arith.constant 11 : i32
    %dma_start3A_460 = arith.constant 128 : i32
    %dma_start3A_461 = arith.constant 0 : i32
    %dma_start3A_462 = tpu.memref_slice %arg6[%dma_start3A_460, %dma_start3A_461] : memref<256x128xf32, #tpu.memory_space<vmem>> -> memref<128x128xf32, #tpu.memory_space<vmem>>
    %dma_start3A_463 = arith.constant 0 : i32
    %dma_start3A_464 = tpu.memref_slice %arg7[%dma_start3A_459, %dma_start3A_463] : memref<16x128xi32, #tpu.memory_space<vmem>> -> memref<1x128xi32, #tpu.memory_space<vmem>>
    %dma_start3A_465 = tpu.memref_squeeze %dma_start3A_464 : memref<1x128xi32, #tpu.memory_space<vmem>> -> memref<128xi32, #tpu.memory_space<vmem>>
    %dma_start3A_466 = arith.constant 0 : i32
    %dma_start3A_467 = arith.constant 0 : i32
    %dma_start3A_468 = tpu.memref_slice %arg9[%dma_start3A_466, %dma_start3A_467] : memref<4096x128xf32, #tpu.memory_space<vmem_shared>> -> memref<4096x128xf32, #tpu.memory_space<vmem_shared>>
    tpu.enqueue_indirect_dma source(%dma_start3A_462 : memref<128x128xf32, #tpu.memory_space<vmem>>) target(%dma_start3A_468 : memref<4096x128xf32, #tpu.memory_space<vmem_shared>>) offsets(%dma_start3A_465 : memref<128xi32, #tpu.memory_space<vmem>>) semaphore(%arg13 : memref<!tpu.dma_semaphore, #tpu.memory_space<semaphore_mem>>) {add = true}
    %dma_wait3A_469 = arith.constant 10 : i32
    %dma_wait3A_470 = arith.constant 0 : i32
    %dma_wait3A_471 = arith.constant 0 : i32
    %dma_wait3A_472 = tpu.memref_slice %arg6[%dma_wait3A_470, %dma_wait3A_471] : memref<256x128xf32, #tpu.memory_space<vmem>> -> memref<128x128xf32, #tpu.memory_space<vmem>>
    %dma_wait3A_473 = arith.constant 0 : i32
    %dma_wait3A_474 = tpu.memref_slice %arg7[%dma_wait3A_469, %dma_wait3A_473] : memref<16x128xi32, #tpu.memory_space<vmem>> -> memref<1x128xi32, #tpu.memory_space<vmem>>
    %dma_wait3A_475 = tpu.memref_squeeze %dma_wait3A_474 : memref<1x128xi32, #tpu.memory_space<vmem>> -> memref<128xi32, #tpu.memory_space<vmem>>
    %dma_wait3A_476 = arith.constant 0 : i32
    %dma_wait3A_477 = arith.constant 0 : i32
    %dma_wait3A_478 = tpu.memref_slice %arg9[%dma_wait3A_476, %dma_wait3A_477] : memref<4096x128xf32, #tpu.memory_space<vmem_shared>> -> memref<4096x128xf32, #tpu.memory_space<vmem_shared>>
    tpu.wait_indirect_dma semaphore(%arg13 : memref<!tpu.dma_semaphore, #tpu.memory_space<semaphore_mem>>) src(%dma_wait3A_472 : memref<128x128xf32, #tpu.memory_space<vmem>>) dst(%dma_wait3A_478 : memref<4096x128xf32, #tpu.memory_space<vmem_shared>>)
    %dma_wait3A_479 = arith.constant 11 : i32
    %dma_wait3A_480 = arith.constant 128 : i32
    %dma_wait3A_481 = arith.constant 0 : i32
    %dma_wait3A_482 = tpu.memref_slice %arg6[%dma_wait3A_480, %dma_wait3A_481] : memref<256x128xf32, #tpu.memory_space<vmem>> -> memref<128x128xf32, #tpu.memory_space<vmem>>
    %dma_wait3A_483 = arith.constant 0 : i32
    %dma_wait3A_484 = tpu.memref_slice %arg7[%dma_wait3A_479, %dma_wait3A_483] : memref<16x128xi32, #tpu.memory_space<vmem>> -> memref<1x128xi32, #tpu.memory_space<vmem>>
    %dma_wait3A_485 = tpu.memref_squeeze %dma_wait3A_484 : memref<1x128xi32, #tpu.memory_space<vmem>> -> memref<128xi32, #tpu.memory_space<vmem>>
    %dma_wait3A_486 = arith.constant 0 : i32
    %dma_wait3A_487 = arith.constant 0 : i32
    %dma_wait3A_488 = tpu.memref_slice %arg9[%dma_wait3A_486, %dma_wait3A_487] : memref<4096x128xf32, #tpu.memory_space<vmem_shared>> -> memref<4096x128xf32, #tpu.memory_space<vmem_shared>>
    tpu.wait_indirect_dma semaphore(%arg13 : memref<!tpu.dma_semaphore, #tpu.memory_space<semaphore_mem>>) src(%dma_wait3A_482 : memref<128x128xf32, #tpu.memory_space<vmem>>) dst(%dma_wait3A_488 : memref<4096x128xf32, #tpu.memory_space<vmem_shared>>)
    %add3A_489 = arith.constant 1792 : i32
    %add3A_490 = arith.addi %mul3A_0, %add3A_489 : i32
    %dma_start3A_491 = tpu.memref_slice %arg2[%add3A_490, %mul3A_2] : memref<32768x256xf32, #tpu.memory_space<hbm>> -> memref<256x128xf32, #tpu.memory_space<hbm>>
    %dma_start3A_492 = tpu.memref_slice %arg2[%add3A_490, %mul3A_2] : memref<32768x256xf32, #tpu.memory_space<hbm>> -> memref<256x128xf32, #tpu.memory_space<hbm>>
    tpu.enqueue_dma source(%dma_start3A_492 : memref<256x128xf32, #tpu.memory_space<hbm>>) target(%arg6 : memref<256x128xf32, #tpu.memory_space<vmem>>) target_semaphore(%arg11 : memref<!tpu.dma_semaphore, #tpu.memory_space<semaphore_mem>>)
    %dma_wait3A_493 = tpu.memref_slice %arg2[%add3A_444, %mul3A_2] : memref<32768x256xf32, #tpu.memory_space<hbm>> -> memref<256x128xf32, #tpu.memory_space<hbm>>
    %dma_wait3A_494 = tpu.memref_slice %arg2[%add3A_444, %mul3A_2] : memref<32768x256xf32, #tpu.memory_space<hbm>> -> memref<256x128xf32, #tpu.memory_space<hbm>>
    tpu.wait_dma2 semaphore(%arg10 : memref<!tpu.dma_semaphore, #tpu.memory_space<semaphore_mem>>) src(%dma_wait3A_494 : memref<256x128xf32, #tpu.memory_space<hbm>>) dst(%arg5 : memref<256x128xf32, #tpu.memory_space<vmem>>)
    %dma_start3A_495 = arith.constant 12 : i32
    %dma_start3A_496 = arith.constant 0 : i32
    %dma_start3A_497 = arith.constant 0 : i32
    %dma_start3A_498 = tpu.memref_slice %arg5[%dma_start3A_496, %dma_start3A_497] : memref<256x128xf32, #tpu.memory_space<vmem>> -> memref<128x128xf32, #tpu.memory_space<vmem>>
    %dma_start3A_499 = arith.constant 0 : i32
    %dma_start3A_500 = tpu.memref_slice %arg7[%dma_start3A_495, %dma_start3A_499] : memref<16x128xi32, #tpu.memory_space<vmem>> -> memref<1x128xi32, #tpu.memory_space<vmem>>
    %dma_start3A_501 = tpu.memref_squeeze %dma_start3A_500 : memref<1x128xi32, #tpu.memory_space<vmem>> -> memref<128xi32, #tpu.memory_space<vmem>>
    %dma_start3A_502 = arith.constant 0 : i32
    %dma_start3A_503 = arith.constant 0 : i32
    %dma_start3A_504 = tpu.memref_slice %arg9[%dma_start3A_502, %dma_start3A_503] : memref<4096x128xf32, #tpu.memory_space<vmem_shared>> -> memref<4096x128xf32, #tpu.memory_space<vmem_shared>>
    tpu.enqueue_indirect_dma source(%dma_start3A_498 : memref<128x128xf32, #tpu.memory_space<vmem>>) target(%dma_start3A_504 : memref<4096x128xf32, #tpu.memory_space<vmem_shared>>) offsets(%dma_start3A_501 : memref<128xi32, #tpu.memory_space<vmem>>) semaphore(%arg12 : memref<!tpu.dma_semaphore, #tpu.memory_space<semaphore_mem>>) {add = true}
    %dma_start3A_505 = arith.constant 13 : i32
    %dma_start3A_506 = arith.constant 128 : i32
    %dma_start3A_507 = arith.constant 0 : i32
    %dma_start3A_508 = tpu.memref_slice %arg5[%dma_start3A_506, %dma_start3A_507] : memref<256x128xf32, #tpu.memory_space<vmem>> -> memref<128x128xf32, #tpu.memory_space<vmem>>
    %dma_start3A_509 = arith.constant 0 : i32
    %dma_start3A_510 = tpu.memref_slice %arg7[%dma_start3A_505, %dma_start3A_509] : memref<16x128xi32, #tpu.memory_space<vmem>> -> memref<1x128xi32, #tpu.memory_space<vmem>>
    %dma_start3A_511 = tpu.memref_squeeze %dma_start3A_510 : memref<1x128xi32, #tpu.memory_space<vmem>> -> memref<128xi32, #tpu.memory_space<vmem>>
    %dma_start3A_512 = arith.constant 0 : i32
    %dma_start3A_513 = arith.constant 0 : i32
    %dma_start3A_514 = tpu.memref_slice %arg9[%dma_start3A_512, %dma_start3A_513] : memref<4096x128xf32, #tpu.memory_space<vmem_shared>> -> memref<4096x128xf32, #tpu.memory_space<vmem_shared>>
    tpu.enqueue_indirect_dma source(%dma_start3A_508 : memref<128x128xf32, #tpu.memory_space<vmem>>) target(%dma_start3A_514 : memref<4096x128xf32, #tpu.memory_space<vmem_shared>>) offsets(%dma_start3A_511 : memref<128xi32, #tpu.memory_space<vmem>>) semaphore(%arg12 : memref<!tpu.dma_semaphore, #tpu.memory_space<semaphore_mem>>) {add = true}
    %dma_wait3A_515 = tpu.memref_slice %arg2[%add3A_490, %mul3A_2] : memref<32768x256xf32, #tpu.memory_space<hbm>> -> memref<256x128xf32, #tpu.memory_space<hbm>>
    %dma_wait3A_516 = tpu.memref_slice %arg2[%add3A_490, %mul3A_2] : memref<32768x256xf32, #tpu.memory_space<hbm>> -> memref<256x128xf32, #tpu.memory_space<hbm>>
    tpu.wait_dma2 semaphore(%arg11 : memref<!tpu.dma_semaphore, #tpu.memory_space<semaphore_mem>>) src(%dma_wait3A_516 : memref<256x128xf32, #tpu.memory_space<hbm>>) dst(%arg6 : memref<256x128xf32, #tpu.memory_space<vmem>>)
    %dma_start3A_517 = arith.constant 14 : i32
    %dma_start3A_518 = arith.constant 0 : i32
    %dma_start3A_519 = arith.constant 0 : i32
    %dma_start3A_520 = tpu.memref_slice %arg6[%dma_start3A_518, %dma_start3A_519] : memref<256x128xf32, #tpu.memory_space<vmem>> -> memref<128x128xf32, #tpu.memory_space<vmem>>
    %dma_start3A_521 = arith.constant 0 : i32
    %dma_start3A_522 = tpu.memref_slice %arg7[%dma_start3A_517, %dma_start3A_521] : memref<16x128xi32, #tpu.memory_space<vmem>> -> memref<1x128xi32, #tpu.memory_space<vmem>>
    %dma_start3A_523 = tpu.memref_squeeze %dma_start3A_522 : memref<1x128xi32, #tpu.memory_space<vmem>> -> memref<128xi32, #tpu.memory_space<vmem>>
    %dma_start3A_524 = arith.constant 0 : i32
    %dma_start3A_525 = arith.constant 0 : i32
    %dma_start3A_526 = tpu.memref_slice %arg9[%dma_start3A_524, %dma_start3A_525] : memref<4096x128xf32, #tpu.memory_space<vmem_shared>> -> memref<4096x128xf32, #tpu.memory_space<vmem_shared>>
    tpu.enqueue_indirect_dma source(%dma_start3A_520 : memref<128x128xf32, #tpu.memory_space<vmem>>) target(%dma_start3A_526 : memref<4096x128xf32, #tpu.memory_space<vmem_shared>>) offsets(%dma_start3A_523 : memref<128xi32, #tpu.memory_space<vmem>>) semaphore(%arg13 : memref<!tpu.dma_semaphore, #tpu.memory_space<semaphore_mem>>) {add = true}
    %dma_start3A_527 = arith.constant 15 : i32
    %dma_start3A_528 = arith.constant 128 : i32
    %dma_start3A_529 = arith.constant 0 : i32
    %dma_start3A_530 = tpu.memref_slice %arg6[%dma_start3A_528, %dma_start3A_529] : memref<256x128xf32, #tpu.memory_space<vmem>> -> memref<128x128xf32, #tpu.memory_space<vmem>>
    %dma_start3A_531 = arith.constant 0 : i32
    %dma_start3A_532 = tpu.memref_slice %arg7[%dma_start3A_527, %dma_start3A_531] : memref<16x128xi32, #tpu.memory_space<vmem>> -> memref<1x128xi32, #tpu.memory_space<vmem>>
    %dma_start3A_533 = tpu.memref_squeeze %dma_start3A_532 : memref<1x128xi32, #tpu.memory_space<vmem>> -> memref<128xi32, #tpu.memory_space<vmem>>
    %dma_start3A_534 = arith.constant 0 : i32
    %dma_start3A_535 = arith.constant 0 : i32
    %dma_start3A_536 = tpu.memref_slice %arg9[%dma_start3A_534, %dma_start3A_535] : memref<4096x128xf32, #tpu.memory_space<vmem_shared>> -> memref<4096x128xf32, #tpu.memory_space<vmem_shared>>
    tpu.enqueue_indirect_dma source(%dma_start3A_530 : memref<128x128xf32, #tpu.memory_space<vmem>>) target(%dma_start3A_536 : memref<4096x128xf32, #tpu.memory_space<vmem_shared>>) offsets(%dma_start3A_533 : memref<128xi32, #tpu.memory_space<vmem>>) semaphore(%arg13 : memref<!tpu.dma_semaphore, #tpu.memory_space<semaphore_mem>>) {add = true}
    %dma_wait3A_537 = arith.constant 12 : i32
    %dma_wait3A_538 = arith.constant 0 : i32
    %dma_wait3A_539 = arith.constant 0 : i32
    %dma_wait3A_540 = tpu.memref_slice %arg5[%dma_wait3A_538, %dma_wait3A_539] : memref<256x128xf32, #tpu.memory_space<vmem>> -> memref<128x128xf32, #tpu.memory_space<vmem>>
    %dma_wait3A_541 = arith.constant 0 : i32
    %dma_wait3A_542 = tpu.memref_slice %arg7[%dma_wait3A_537, %dma_wait3A_541] : memref<16x128xi32, #tpu.memory_space<vmem>> -> memref<1x128xi32, #tpu.memory_space<vmem>>
    %dma_wait3A_543 = tpu.memref_squeeze %dma_wait3A_542 : memref<1x128xi32, #tpu.memory_space<vmem>> -> memref<128xi32, #tpu.memory_space<vmem>>
    %dma_wait3A_544 = arith.constant 0 : i32
    %dma_wait3A_545 = arith.constant 0 : i32
    %dma_wait3A_546 = tpu.memref_slice %arg9[%dma_wait3A_544, %dma_wait3A_545] : memref<4096x128xf32, #tpu.memory_space<vmem_shared>> -> memref<4096x128xf32, #tpu.memory_space<vmem_shared>>
    tpu.wait_indirect_dma semaphore(%arg12 : memref<!tpu.dma_semaphore, #tpu.memory_space<semaphore_mem>>) src(%dma_wait3A_540 : memref<128x128xf32, #tpu.memory_space<vmem>>) dst(%dma_wait3A_546 : memref<4096x128xf32, #tpu.memory_space<vmem_shared>>)
    %dma_wait3A_547 = arith.constant 13 : i32
    %dma_wait3A_548 = arith.constant 128 : i32
    %dma_wait3A_549 = arith.constant 0 : i32
    %dma_wait3A_550 = tpu.memref_slice %arg5[%dma_wait3A_548, %dma_wait3A_549] : memref<256x128xf32, #tpu.memory_space<vmem>> -> memref<128x128xf32, #tpu.memory_space<vmem>>
    %dma_wait3A_551 = arith.constant 0 : i32
    %dma_wait3A_552 = tpu.memref_slice %arg7[%dma_wait3A_547, %dma_wait3A_551] : memref<16x128xi32, #tpu.memory_space<vmem>> -> memref<1x128xi32, #tpu.memory_space<vmem>>
    %dma_wait3A_553 = tpu.memref_squeeze %dma_wait3A_552 : memref<1x128xi32, #tpu.memory_space<vmem>> -> memref<128xi32, #tpu.memory_space<vmem>>
    %dma_wait3A_554 = arith.constant 0 : i32
    %dma_wait3A_555 = arith.constant 0 : i32
    %dma_wait3A_556 = tpu.memref_slice %arg9[%dma_wait3A_554, %dma_wait3A_555] : memref<4096x128xf32, #tpu.memory_space<vmem_shared>> -> memref<4096x128xf32, #tpu.memory_space<vmem_shared>>
    tpu.wait_indirect_dma semaphore(%arg12 : memref<!tpu.dma_semaphore, #tpu.memory_space<semaphore_mem>>) src(%dma_wait3A_550 : memref<128x128xf32, #tpu.memory_space<vmem>>) dst(%dma_wait3A_556 : memref<4096x128xf32, #tpu.memory_space<vmem_shared>>)
    %dma_wait3A_557 = arith.constant 14 : i32
    %dma_wait3A_558 = arith.constant 0 : i32
    %dma_wait3A_559 = arith.constant 0 : i32
    %dma_wait3A_560 = tpu.memref_slice %arg6[%dma_wait3A_558, %dma_wait3A_559] : memref<256x128xf32, #tpu.memory_space<vmem>> -> memref<128x128xf32, #tpu.memory_space<vmem>>
    %dma_wait3A_561 = arith.constant 0 : i32
    %dma_wait3A_562 = tpu.memref_slice %arg7[%dma_wait3A_557, %dma_wait3A_561] : memref<16x128xi32, #tpu.memory_space<vmem>> -> memref<1x128xi32, #tpu.memory_space<vmem>>
    %dma_wait3A_563 = tpu.memref_squeeze %dma_wait3A_562 : memref<1x128xi32, #tpu.memory_space<vmem>> -> memref<128xi32, #tpu.memory_space<vmem>>
    %dma_wait3A_564 = arith.constant 0 : i32
    %dma_wait3A_565 = arith.constant 0 : i32
    %dma_wait3A_566 = tpu.memref_slice %arg9[%dma_wait3A_564, %dma_wait3A_565] : memref<4096x128xf32, #tpu.memory_space<vmem_shared>> -> memref<4096x128xf32, #tpu.memory_space<vmem_shared>>
    tpu.wait_indirect_dma semaphore(%arg13 : memref<!tpu.dma_semaphore, #tpu.memory_space<semaphore_mem>>) src(%dma_wait3A_560 : memref<128x128xf32, #tpu.memory_space<vmem>>) dst(%dma_wait3A_566 : memref<4096x128xf32, #tpu.memory_space<vmem_shared>>)
    %dma_wait3A_567 = arith.constant 15 : i32
    %dma_wait3A_568 = arith.constant 128 : i32
    %dma_wait3A_569 = arith.constant 0 : i32
    %dma_wait3A_570 = tpu.memref_slice %arg6[%dma_wait3A_568, %dma_wait3A_569] : memref<256x128xf32, #tpu.memory_space<vmem>> -> memref<128x128xf32, #tpu.memory_space<vmem>>
    %dma_wait3A_571 = arith.constant 0 : i32
    %dma_wait3A_572 = tpu.memref_slice %arg7[%dma_wait3A_567, %dma_wait3A_571] : memref<16x128xi32, #tpu.memory_space<vmem>> -> memref<1x128xi32, #tpu.memory_space<vmem>>
    %dma_wait3A_573 = tpu.memref_squeeze %dma_wait3A_572 : memref<1x128xi32, #tpu.memory_space<vmem>> -> memref<128xi32, #tpu.memory_space<vmem>>
    %dma_wait3A_574 = arith.constant 0 : i32
    %dma_wait3A_575 = arith.constant 0 : i32
    %dma_wait3A_576 = tpu.memref_slice %arg9[%dma_wait3A_574, %dma_wait3A_575] : memref<4096x128xf32, #tpu.memory_space<vmem_shared>> -> memref<4096x128xf32, #tpu.memory_space<vmem_shared>>
    tpu.wait_indirect_dma semaphore(%arg13 : memref<!tpu.dma_semaphore, #tpu.memory_space<semaphore_mem>>) src(%dma_wait3A_570 : memref<128x128xf32, #tpu.memory_space<vmem>>) dst(%dma_wait3A_576 : memref<4096x128xf32, #tpu.memory_space<vmem_shared>>)
    %barrier3A_577 = arith.constant 0 : index
    tpu.barrier barrier_id(%barrier3A_577)
    %mul3A_578 = arith.constant 256 : i32
    %mul3A_579 = arith.muli %arg1, %mul3A_578 : i32
    %mul3A_580 = arith.constant 4096 : i32
    %mul3A_581 = arith.muli %arg0, %mul3A_580 : i32
    %mul3A_582 = arith.constant 256 : i32
    %mul3A_583 = arith.muli %arg1, %mul3A_582 : i32
    %add3A_584 = arith.addi %mul3A_581, %mul3A_583 : i32
    "tpu.region"() ({
      %run_scoped3A = tpu.sem_alloc : memref<!tpu.dma_semaphore, #tpu.memory_space<semaphore_mem>>
      %dma_start3A_585 = arith.constant 0 : i32
      %dma_start3A_586 = tpu.memref_slice %arg4[%add3A_584, %dma_start3A_585] : memref<8192x128xf32, #tpu.memory_space<hbm>> -> memref<256x128xf32, #tpu.memory_space<hbm>>
      %dma_start3A_587 = arith.constant 0 : i32
      %dma_start3A_588 = tpu.memref_slice %arg9[%mul3A_579, %dma_start3A_587] : memref<4096x128xf32, #tpu.memory_space<vmem_shared>> -> memref<256x128xf32, #tpu.memory_space<vmem_shared>>
      tpu.enqueue_dma source(%dma_start3A_588 : memref<256x128xf32, #tpu.memory_space<vmem_shared>>) target(%dma_start3A_586 : memref<256x128xf32, #tpu.memory_space<hbm>>) target_semaphore(%run_scoped3A : memref<!tpu.dma_semaphore, #tpu.memory_space<semaphore_mem>>)
      %dma_wait3A_589 = arith.constant 0 : i32
      %dma_wait3A_590 = tpu.memref_slice %arg4[%add3A_584, %dma_wait3A_589] : memref<8192x128xf32, #tpu.memory_space<hbm>> -> memref<256x128xf32, #tpu.memory_space<hbm>>
      %dma_wait3A_591 = arith.constant 0 : i32
      %dma_wait3A_592 = tpu.memref_slice %arg9[%mul3A_579, %dma_wait3A_591] : memref<4096x128xf32, #tpu.memory_space<vmem_shared>> -> memref<256x128xf32, #tpu.memory_space<vmem_shared>>
      tpu.wait_dma2 semaphore(%run_scoped3A : memref<!tpu.dma_semaphore, #tpu.memory_space<semaphore_mem>>) src(%dma_wait3A_592 : memref<256x128xf32, #tpu.memory_space<vmem_shared>>) dst(%dma_wait3A_590 : memref<256x128xf32, #tpu.memory_space<hbm>>)
      tpu.yield
    }) : () -> ()
    return
  }
}

#map = affine_map<(d0, d1) -> (0, 0)>
module attributes {stable_mosaic.version = 14 : i64} {
  func.func @_s2h_body(%arg0: i32, %arg1: i32, %arg2: memref<32768x128xf32, #tpu.memory_space<hbm>>, %arg3: memref<256x128xi32, #tpu.memory_space<hbm>>, %arg4: memref<8192x128xf32, #tpu.memory_space<hbm>>, %arg5: memref<256x128xf32, #tpu.memory_space<vmem>>, %arg6: memref<256x128xf32, #tpu.memory_space<vmem>>, %arg7: memref<8x128xi32, #tpu.memory_space<vmem>>, %arg8: memref<16x128xf32, #tpu.memory_space<vmem>>, %arg9: memref<4096x128xf32, #tpu.memory_space<vmem_shared>>, %arg10: memref<!tpu.dma_semaphore, #tpu.memory_space<semaphore_mem>>, %arg11: memref<!tpu.dma_semaphore, #tpu.memory_space<semaphore_mem>>, %arg12: memref<!tpu.dma_semaphore, #tpu.memory_space<semaphore_mem>>, %arg13: memref<!tpu.dma_semaphore, #tpu.memory_space<semaphore_mem>>) attributes {dimension_semantics = [#tpu.dimension_semantics<core_parallel>, #tpu.dimension_semantics<subcore_parallel>], iteration_bounds = array<i64: 2, 16>, scalar_prefetch = 0 : i64, scratch_operands = 9 : i64, tpu.core_type = #tpu.core_type<sc_vector_subcore>, window_params = [{transform_indices = #map}, {transform_indices = #map}, {transform_indices = #map}]} {
    %mul3A = arith.constant 16 : i32
    %mul3A_0 = arith.muli %arg0, %mul3A : i32
    %add3A = arith.addi %mul3A_0, %arg1 : i32
    %mul3A_1 = arith.constant 1024 : i32
    %mul3A_2 = arith.muli %add3A, %mul3A_1 : i32
    %broadcast_in_dim3A = arith.constant 0.000000e+00 : f32
    %broadcast_in_dim3A_3 = vector.broadcast %broadcast_in_dim3A : f32 to vector<16xf32>
    %scan3A = arith.constant 0 : i32
    %scan3A_4 = arith.constant 0 : i32
    %scan3A_5 = arith.constant 128 : i32
    %scan3A_6 = arith.addi %scan3A_4, %scan3A_5 : i32
    %scan3A_7 = arith.constant 1 : i32
    %scan3A_8 = scf.for %scan3A_418 = %scan3A_4 to %scan3A_6 step %scan3A_7 iter_args(%scan3A_419 = %scan3A) -> (i32)  : i32 {
      %jit3A = arith.constant 8 : i32
      %div3A = arith.divsi %scan3A_418, %jit3A : i32
      %sign3A = arith.constant 0 : i32
      %sign3A_420 = arith.cmpi sgt, %scan3A_418, %sign3A : i32
      %sign3A_421 = arith.extui %sign3A_420 : i1 to i32
      %sign3A_422 = arith.constant 0 : i32
      %sign3A_423 = arith.cmpi slt, %scan3A_418, %sign3A_422 : i32
      %sign3A_424 = arith.extui %sign3A_423 : i1 to i32
      %sign3A_425 = arith.subi %sign3A_421, %sign3A_424 : i32
      %sign3A_426 = arith.constant 0 : i32
      %sign3A_427 = arith.cmpi sgt, %jit3A, %sign3A_426 : i32
      %sign3A_428 = arith.extui %sign3A_427 : i1 to i32
      %sign3A_429 = arith.constant 0 : i32
      %sign3A_430 = arith.cmpi slt, %jit3A, %sign3A_429 : i32
      %sign3A_431 = arith.extui %sign3A_430 : i1 to i32
      %sign3A_432 = arith.subi %sign3A_428, %sign3A_431 : i32
      %ne3A = arith.cmpi ne, %sign3A_425, %sign3A_432 : i32
      %rem3A = arith.remsi %scan3A_418, %jit3A : i32
      %ne3A_433 = arith.constant 0 : i32
      %ne3A_434 = arith.cmpi ne, %rem3A, %ne3A_433 : i32
      %and3A = arith.andi %ne3A, %ne3A_434 : i1
      %sub3A = arith.constant 1 : i32
      %sub3A_435 = arith.subi %div3A, %sub3A : i32
      %select_n3A = arith.select %and3A, %sub3A_435, %div3A : i32
      %jit3A_436 = arith.constant 8 : i32
      %eq3A = arith.constant 0 : i32
      %eq3A_437 = arith.cmpi eq, %jit3A_436, %eq3A : i32
      %jit3A_438 = arith.constant 1 : i32
      %select_n3A_439 = arith.select %eq3A_437, %jit3A_438, %jit3A_436 : i32
      %rem3A_440 = arith.remsi %scan3A_418, %select_n3A_439 : i32
      %ne3A_441 = arith.constant 0 : i32
      %ne3A_442 = arith.cmpi ne, %rem3A_440, %ne3A_441 : i32
      %lt3A = arith.constant 0 : i32
      %lt3A_443 = arith.cmpi slt, %rem3A_440, %lt3A : i32
      %lt3A_444 = arith.constant 0 : i32
      %lt3A_445 = arith.cmpi slt, %select_n3A_439, %lt3A_444 : i32
      %ne3A_446 = arith.xori %lt3A_443, %lt3A_445 : i1
      %and3A_447 = arith.andi %ne3A_446, %ne3A_442 : i1
      %add3A_448 = arith.addi %rem3A_440, %select_n3A_439 : i32
      %select_n3A_449 = arith.select %and3A_447, %add3A_448, %rem3A_440 : i32
      %mul3A_450 = arith.constant 16 : i32
      %mul3A_451 = arith.muli %select_n3A_449, %mul3A_450 : i32
      %swap3A = arith.index_cast %select_n3A : i32 to index
      %swap3A_452 = arith.index_cast %mul3A_451 : i32 to index
      %swap3A_453 = tpu.vector_load %arg8[%swap3A, %swap3A_452] {strides = array<i32>} : memref<16x128xf32, #tpu.memory_space<vmem>>, vector<1x16xf32>,
      %swap3A_454 = vector.shape_cast %swap3A_453 : vector<1x16xf32> to vector<16xf32>
      %swap3A_455 = vector.shape_cast %broadcast_in_dim3A_3 : vector<16xf32> to vector<1x16xf32>
      tpu.vector_store %arg8[%swap3A, %swap3A_452], %swap3A_455 {strides = array<i32>} : memref<16x128xf32, #tpu.memory_space<vmem>>, vector<1x16xf32>,
      %scan3A_456 = arith.constant 0 : i32
      scf.yield %scan3A_456 : i32
    }
    %scan3A_9 = arith.constant 128 : i32
    %mul3A_10 = arith.constant 256 : i32
    %mul3A_11 = arith.muli %arg1, %mul3A_10 : i32
    %add3A_12 = arith.constant 0 : i32
    %add3A_13 = arith.addi %mul3A_11, %add3A_12 : i32
    %dma_start3A = arith.constant 0 : i32
    %dma_start3A_14 = tpu.memref_slice %arg9[%add3A_13, %dma_start3A] : memref<4096x128xf32, #tpu.memory_space<vmem_shared>> -> memref<16x128xf32, #tpu.memory_space<vmem_shared>>
    %dma_start3A_15 = arith.constant 0 : i32
    %dma_start3A_16 = tpu.memref_slice %arg9[%add3A_13, %dma_start3A_15] : memref<4096x128xf32, #tpu.memory_space<vmem_shared>> -> memref<16x128xf32, #tpu.memory_space<vmem_shared>>
    tpu.enqueue_dma source(%arg8 : memref<16x128xf32, #tpu.memory_space<vmem>>) target(%dma_start3A_16 : memref<16x128xf32, #tpu.memory_space<vmem_shared>>) target_semaphore(%arg12 : memref<!tpu.dma_semaphore, #tpu.memory_space<semaphore_mem>>)
    %mul3A_17 = arith.constant 256 : i32
    %mul3A_18 = arith.muli %arg1, %mul3A_17 : i32
    %add3A_19 = arith.constant 16 : i32
    %add3A_20 = arith.addi %mul3A_18, %add3A_19 : i32
    %dma_start3A_21 = arith.constant 0 : i32
    %dma_start3A_22 = tpu.memref_slice %arg9[%add3A_20, %dma_start3A_21] : memref<4096x128xf32, #tpu.memory_space<vmem_shared>> -> memref<16x128xf32, #tpu.memory_space<vmem_shared>>
    %dma_start3A_23 = arith.constant 0 : i32
    %dma_start3A_24 = tpu.memref_slice %arg9[%add3A_20, %dma_start3A_23] : memref<4096x128xf32, #tpu.memory_space<vmem_shared>> -> memref<16x128xf32, #tpu.memory_space<vmem_shared>>
    tpu.enqueue_dma source(%arg8 : memref<16x128xf32, #tpu.memory_space<vmem>>) target(%dma_start3A_24 : memref<16x128xf32, #tpu.memory_space<vmem_shared>>) target_semaphore(%arg12 : memref<!tpu.dma_semaphore, #tpu.memory_space<semaphore_mem>>)
    %mul3A_25 = arith.constant 256 : i32
    %mul3A_26 = arith.muli %arg1, %mul3A_25 : i32
    %add3A_27 = arith.constant 32 : i32
    %add3A_28 = arith.addi %mul3A_26, %add3A_27 : i32
    %dma_start3A_29 = arith.constant 0 : i32
    %dma_start3A_30 = tpu.memref_slice %arg9[%add3A_28, %dma_start3A_29] : memref<4096x128xf32, #tpu.memory_space<vmem_shared>> -> memref<16x128xf32, #tpu.memory_space<vmem_shared>>
    %dma_start3A_31 = arith.constant 0 : i32
    %dma_start3A_32 = tpu.memref_slice %arg9[%add3A_28, %dma_start3A_31] : memref<4096x128xf32, #tpu.memory_space<vmem_shared>> -> memref<16x128xf32, #tpu.memory_space<vmem_shared>>
    tpu.enqueue_dma source(%arg8 : memref<16x128xf32, #tpu.memory_space<vmem>>) target(%dma_start3A_32 : memref<16x128xf32, #tpu.memory_space<vmem_shared>>) target_semaphore(%arg12 : memref<!tpu.dma_semaphore, #tpu.memory_space<semaphore_mem>>)
    %mul3A_33 = arith.constant 256 : i32
    %mul3A_34 = arith.muli %arg1, %mul3A_33 : i32
    %add3A_35 = arith.constant 48 : i32
    %add3A_36 = arith.addi %mul3A_34, %add3A_35 : i32
    %dma_start3A_37 = arith.constant 0 : i32
    %dma_start3A_38 = tpu.memref_slice %arg9[%add3A_36, %dma_start3A_37] : memref<4096x128xf32, #tpu.memory_space<vmem_shared>> -> memref<16x128xf32, #tpu.memory_space<vmem_shared>>
    %dma_start3A_39 = arith.constant 0 : i32
    %dma_start3A_40 = tpu.memref_slice %arg9[%add3A_36, %dma_start3A_39] : memref<4096x128xf32, #tpu.memory_space<vmem_shared>> -> memref<16x128xf32, #tpu.memory_space<vmem_shared>>
    tpu.enqueue_dma source(%arg8 : memref<16x128xf32, #tpu.memory_space<vmem>>) target(%dma_start3A_40 : memref<16x128xf32, #tpu.memory_space<vmem_shared>>) target_semaphore(%arg12 : memref<!tpu.dma_semaphore, #tpu.memory_space<semaphore_mem>>)
    %mul3A_41 = arith.constant 256 : i32
    %mul3A_42 = arith.muli %arg1, %mul3A_41 : i32
    %add3A_43 = arith.constant 64 : i32
    %add3A_44 = arith.addi %mul3A_42, %add3A_43 : i32
    %dma_start3A_45 = arith.constant 0 : i32
    %dma_start3A_46 = tpu.memref_slice %arg9[%add3A_44, %dma_start3A_45] : memref<4096x128xf32, #tpu.memory_space<vmem_shared>> -> memref<16x128xf32, #tpu.memory_space<vmem_shared>>
    %dma_start3A_47 = arith.constant 0 : i32
    %dma_start3A_48 = tpu.memref_slice %arg9[%add3A_44, %dma_start3A_47] : memref<4096x128xf32, #tpu.memory_space<vmem_shared>> -> memref<16x128xf32, #tpu.memory_space<vmem_shared>>
    tpu.enqueue_dma source(%arg8 : memref<16x128xf32, #tpu.memory_space<vmem>>) target(%dma_start3A_48 : memref<16x128xf32, #tpu.memory_space<vmem_shared>>) target_semaphore(%arg12 : memref<!tpu.dma_semaphore, #tpu.memory_space<semaphore_mem>>)
    %mul3A_49 = arith.constant 256 : i32
    %mul3A_50 = arith.muli %arg1, %mul3A_49 : i32
    %add3A_51 = arith.constant 80 : i32
    %add3A_52 = arith.addi %mul3A_50, %add3A_51 : i32
    %dma_start3A_53 = arith.constant 0 : i32
    %dma_start3A_54 = tpu.memref_slice %arg9[%add3A_52, %dma_start3A_53] : memref<4096x128xf32, #tpu.memory_space<vmem_shared>> -> memref<16x128xf32, #tpu.memory_space<vmem_shared>>
    %dma_start3A_55 = arith.constant 0 : i32
    %dma_start3A_56 = tpu.memref_slice %arg9[%add3A_52, %dma_start3A_55] : memref<4096x128xf32, #tpu.memory_space<vmem_shared>> -> memref<16x128xf32, #tpu.memory_space<vmem_shared>>
    tpu.enqueue_dma source(%arg8 : memref<16x128xf32, #tpu.memory_space<vmem>>) target(%dma_start3A_56 : memref<16x128xf32, #tpu.memory_space<vmem_shared>>) target_semaphore(%arg12 : memref<!tpu.dma_semaphore, #tpu.memory_space<semaphore_mem>>)
    %mul3A_57 = arith.constant 256 : i32
    %mul3A_58 = arith.muli %arg1, %mul3A_57 : i32
    %add3A_59 = arith.constant 96 : i32
    %add3A_60 = arith.addi %mul3A_58, %add3A_59 : i32
    %dma_start3A_61 = arith.constant 0 : i32
    %dma_start3A_62 = tpu.memref_slice %arg9[%add3A_60, %dma_start3A_61] : memref<4096x128xf32, #tpu.memory_space<vmem_shared>> -> memref<16x128xf32, #tpu.memory_space<vmem_shared>>
    %dma_start3A_63 = arith.constant 0 : i32
    %dma_start3A_64 = tpu.memref_slice %arg9[%add3A_60, %dma_start3A_63] : memref<4096x128xf32, #tpu.memory_space<vmem_shared>> -> memref<16x128xf32, #tpu.memory_space<vmem_shared>>
    tpu.enqueue_dma source(%arg8 : memref<16x128xf32, #tpu.memory_space<vmem>>) target(%dma_start3A_64 : memref<16x128xf32, #tpu.memory_space<vmem_shared>>) target_semaphore(%arg12 : memref<!tpu.dma_semaphore, #tpu.memory_space<semaphore_mem>>)
    %mul3A_65 = arith.constant 256 : i32
    %mul3A_66 = arith.muli %arg1, %mul3A_65 : i32
    %add3A_67 = arith.constant 112 : i32
    %add3A_68 = arith.addi %mul3A_66, %add3A_67 : i32
    %dma_start3A_69 = arith.constant 0 : i32
    %dma_start3A_70 = tpu.memref_slice %arg9[%add3A_68, %dma_start3A_69] : memref<4096x128xf32, #tpu.memory_space<vmem_shared>> -> memref<16x128xf32, #tpu.memory_space<vmem_shared>>
    %dma_start3A_71 = arith.constant 0 : i32
    %dma_start3A_72 = tpu.memref_slice %arg9[%add3A_68, %dma_start3A_71] : memref<4096x128xf32, #tpu.memory_space<vmem_shared>> -> memref<16x128xf32, #tpu.memory_space<vmem_shared>>
    tpu.enqueue_dma source(%arg8 : memref<16x128xf32, #tpu.memory_space<vmem>>) target(%dma_start3A_72 : memref<16x128xf32, #tpu.memory_space<vmem_shared>>) target_semaphore(%arg12 : memref<!tpu.dma_semaphore, #tpu.memory_space<semaphore_mem>>)
    %mul3A_73 = arith.constant 256 : i32
    %mul3A_74 = arith.muli %arg1, %mul3A_73 : i32
    %add3A_75 = arith.constant 128 : i32
    %add3A_76 = arith.addi %mul3A_74, %add3A_75 : i32
    %dma_start3A_77 = arith.constant 0 : i32
    %dma_start3A_78 = tpu.memref_slice %arg9[%add3A_76, %dma_start3A_77] : memref<4096x128xf32, #tpu.memory_space<vmem_shared>> -> memref<16x128xf32, #tpu.memory_space<vmem_shared>>
    %dma_start3A_79 = arith.constant 0 : i32
    %dma_start3A_80 = tpu.memref_slice %arg9[%add3A_76, %dma_start3A_79] : memref<4096x128xf32, #tpu.memory_space<vmem_shared>> -> memref<16x128xf32, #tpu.memory_space<vmem_shared>>
    tpu.enqueue_dma source(%arg8 : memref<16x128xf32, #tpu.memory_space<vmem>>) target(%dma_start3A_80 : memref<16x128xf32, #tpu.memory_space<vmem_shared>>) target_semaphore(%arg12 : memref<!tpu.dma_semaphore, #tpu.memory_space<semaphore_mem>>)
    %mul3A_81 = arith.constant 256 : i32
    %mul3A_82 = arith.muli %arg1, %mul3A_81 : i32
    %add3A_83 = arith.constant 144 : i32
    %add3A_84 = arith.addi %mul3A_82, %add3A_83 : i32
    %dma_start3A_85 = arith.constant 0 : i32
    %dma_start3A_86 = tpu.memref_slice %arg9[%add3A_84, %dma_start3A_85] : memref<4096x128xf32, #tpu.memory_space<vmem_shared>> -> memref<16x128xf32, #tpu.memory_space<vmem_shared>>
    %dma_start3A_87 = arith.constant 0 : i32
    %dma_start3A_88 = tpu.memref_slice %arg9[%add3A_84, %dma_start3A_87] : memref<4096x128xf32, #tpu.memory_space<vmem_shared>> -> memref<16x128xf32, #tpu.memory_space<vmem_shared>>
    tpu.enqueue_dma source(%arg8 : memref<16x128xf32, #tpu.memory_space<vmem>>) target(%dma_start3A_88 : memref<16x128xf32, #tpu.memory_space<vmem_shared>>) target_semaphore(%arg12 : memref<!tpu.dma_semaphore, #tpu.memory_space<semaphore_mem>>)
    %mul3A_89 = arith.constant 256 : i32
    %mul3A_90 = arith.muli %arg1, %mul3A_89 : i32
    %add3A_91 = arith.constant 160 : i32
    %add3A_92 = arith.addi %mul3A_90, %add3A_91 : i32
    %dma_start3A_93 = arith.constant 0 : i32
    %dma_start3A_94 = tpu.memref_slice %arg9[%add3A_92, %dma_start3A_93] : memref<4096x128xf32, #tpu.memory_space<vmem_shared>> -> memref<16x128xf32, #tpu.memory_space<vmem_shared>>
    %dma_start3A_95 = arith.constant 0 : i32
    %dma_start3A_96 = tpu.memref_slice %arg9[%add3A_92, %dma_start3A_95] : memref<4096x128xf32, #tpu.memory_space<vmem_shared>> -> memref<16x128xf32, #tpu.memory_space<vmem_shared>>
    tpu.enqueue_dma source(%arg8 : memref<16x128xf32, #tpu.memory_space<vmem>>) target(%dma_start3A_96 : memref<16x128xf32, #tpu.memory_space<vmem_shared>>) target_semaphore(%arg12 : memref<!tpu.dma_semaphore, #tpu.memory_space<semaphore_mem>>)
    %mul3A_97 = arith.constant 256 : i32
    %mul3A_98 = arith.muli %arg1, %mul3A_97 : i32
    %add3A_99 = arith.constant 176 : i32
    %add3A_100 = arith.addi %mul3A_98, %add3A_99 : i32
    %dma_start3A_101 = arith.constant 0 : i32
    %dma_start3A_102 = tpu.memref_slice %arg9[%add3A_100, %dma_start3A_101] : memref<4096x128xf32, #tpu.memory_space<vmem_shared>> -> memref<16x128xf32, #tpu.memory_space<vmem_shared>>
    %dma_start3A_103 = arith.constant 0 : i32
    %dma_start3A_104 = tpu.memref_slice %arg9[%add3A_100, %dma_start3A_103] : memref<4096x128xf32, #tpu.memory_space<vmem_shared>> -> memref<16x128xf32, #tpu.memory_space<vmem_shared>>
    tpu.enqueue_dma source(%arg8 : memref<16x128xf32, #tpu.memory_space<vmem>>) target(%dma_start3A_104 : memref<16x128xf32, #tpu.memory_space<vmem_shared>>) target_semaphore(%arg12 : memref<!tpu.dma_semaphore, #tpu.memory_space<semaphore_mem>>)
    %mul3A_105 = arith.constant 256 : i32
    %mul3A_106 = arith.muli %arg1, %mul3A_105 : i32
    %add3A_107 = arith.constant 192 : i32
    %add3A_108 = arith.addi %mul3A_106, %add3A_107 : i32
    %dma_start3A_109 = arith.constant 0 : i32
    %dma_start3A_110 = tpu.memref_slice %arg9[%add3A_108, %dma_start3A_109] : memref<4096x128xf32, #tpu.memory_space<vmem_shared>> -> memref<16x128xf32, #tpu.memory_space<vmem_shared>>
    %dma_start3A_111 = arith.constant 0 : i32
    %dma_start3A_112 = tpu.memref_slice %arg9[%add3A_108, %dma_start3A_111] : memref<4096x128xf32, #tpu.memory_space<vmem_shared>> -> memref<16x128xf32, #tpu.memory_space<vmem_shared>>
    tpu.enqueue_dma source(%arg8 : memref<16x128xf32, #tpu.memory_space<vmem>>) target(%dma_start3A_112 : memref<16x128xf32, #tpu.memory_space<vmem_shared>>) target_semaphore(%arg12 : memref<!tpu.dma_semaphore, #tpu.memory_space<semaphore_mem>>)
    %mul3A_113 = arith.constant 256 : i32
    %mul3A_114 = arith.muli %arg1, %mul3A_113 : i32
    %add3A_115 = arith.constant 208 : i32
    %add3A_116 = arith.addi %mul3A_114, %add3A_115 : i32
    %dma_start3A_117 = arith.constant 0 : i32
    %dma_start3A_118 = tpu.memref_slice %arg9[%add3A_116, %dma_start3A_117] : memref<4096x128xf32, #tpu.memory_space<vmem_shared>> -> memref<16x128xf32, #tpu.memory_space<vmem_shared>>
    %dma_start3A_119 = arith.constant 0 : i32
    %dma_start3A_120 = tpu.memref_slice %arg9[%add3A_116, %dma_start3A_119] : memref<4096x128xf32, #tpu.memory_space<vmem_shared>> -> memref<16x128xf32, #tpu.memory_space<vmem_shared>>
    tpu.enqueue_dma source(%arg8 : memref<16x128xf32, #tpu.memory_space<vmem>>) target(%dma_start3A_120 : memref<16x128xf32, #tpu.memory_space<vmem_shared>>) target_semaphore(%arg12 : memref<!tpu.dma_semaphore, #tpu.memory_space<semaphore_mem>>)
    %mul3A_121 = arith.constant 256 : i32
    %mul3A_122 = arith.muli %arg1, %mul3A_121 : i32
    %add3A_123 = arith.constant 224 : i32
    %add3A_124 = arith.addi %mul3A_122, %add3A_123 : i32
    %dma_start3A_125 = arith.constant 0 : i32
    %dma_start3A_126 = tpu.memref_slice %arg9[%add3A_124, %dma_start3A_125] : memref<4096x128xf32, #tpu.memory_space<vmem_shared>> -> memref<16x128xf32, #tpu.memory_space<vmem_shared>>
    %dma_start3A_127 = arith.constant 0 : i32
    %dma_start3A_128 = tpu.memref_slice %arg9[%add3A_124, %dma_start3A_127] : memref<4096x128xf32, #tpu.memory_space<vmem_shared>> -> memref<16x128xf32, #tpu.memory_space<vmem_shared>>
    tpu.enqueue_dma source(%arg8 : memref<16x128xf32, #tpu.memory_space<vmem>>) target(%dma_start3A_128 : memref<16x128xf32, #tpu.memory_space<vmem_shared>>) target_semaphore(%arg12 : memref<!tpu.dma_semaphore, #tpu.memory_space<semaphore_mem>>)
    %mul3A_129 = arith.constant 256 : i32
    %mul3A_130 = arith.muli %arg1, %mul3A_129 : i32
    %add3A_131 = arith.constant 240 : i32
    %add3A_132 = arith.addi %mul3A_130, %add3A_131 : i32
    %dma_start3A_133 = arith.constant 0 : i32
    %dma_start3A_134 = tpu.memref_slice %arg9[%add3A_132, %dma_start3A_133] : memref<4096x128xf32, #tpu.memory_space<vmem_shared>> -> memref<16x128xf32, #tpu.memory_space<vmem_shared>>
    %dma_start3A_135 = arith.constant 0 : i32
    %dma_start3A_136 = tpu.memref_slice %arg9[%add3A_132, %dma_start3A_135] : memref<4096x128xf32, #tpu.memory_space<vmem_shared>> -> memref<16x128xf32, #tpu.memory_space<vmem_shared>>
    tpu.enqueue_dma source(%arg8 : memref<16x128xf32, #tpu.memory_space<vmem>>) target(%dma_start3A_136 : memref<16x128xf32, #tpu.memory_space<vmem_shared>>) target_semaphore(%arg12 : memref<!tpu.dma_semaphore, #tpu.memory_space<semaphore_mem>>)
    %mul3A_137 = arith.constant 8 : i32
    %mul3A_138 = arith.muli %add3A, %mul3A_137 : i32
    %dma_start3A_139 = arith.constant 0 : i32
    %dma_start3A_140 = tpu.memref_slice %arg3[%mul3A_138, %dma_start3A_139] : memref<256x128xi32, #tpu.memory_space<hbm>> -> memref<8x128xi32, #tpu.memory_space<hbm>>
    %dma_start3A_141 = arith.constant 0 : i32
    %dma_start3A_142 = tpu.memref_slice %arg3[%mul3A_138, %dma_start3A_141] : memref<256x128xi32, #tpu.memory_space<hbm>> -> memref<8x128xi32, #tpu.memory_space<hbm>>
    tpu.enqueue_dma source(%dma_start3A_142 : memref<8x128xi32, #tpu.memory_space<hbm>>) target(%arg7 : memref<8x128xi32, #tpu.memory_space<vmem>>) target_semaphore(%arg13 : memref<!tpu.dma_semaphore, #tpu.memory_space<semaphore_mem>>)
    %add3A_143 = arith.constant 0 : i32
    %add3A_144 = arith.addi %mul3A_2, %add3A_143 : i32
    %dma_start3A_145 = arith.constant 0 : i32
    %dma_start3A_146 = tpu.memref_slice %arg2[%add3A_144, %dma_start3A_145] : memref<32768x128xf32, #tpu.memory_space<hbm>> -> memref<256x128xf32, #tpu.memory_space<hbm>>
    %dma_start3A_147 = arith.constant 0 : i32
    %dma_start3A_148 = tpu.memref_slice %arg2[%add3A_144, %dma_start3A_147] : memref<32768x128xf32, #tpu.memory_space<hbm>> -> memref<256x128xf32, #tpu.memory_space<hbm>>
    tpu.enqueue_dma source(%dma_start3A_148 : memref<256x128xf32, #tpu.memory_space<hbm>>) target(%arg5 : memref<256x128xf32, #tpu.memory_space<vmem>>) target_semaphore(%arg10 : memref<!tpu.dma_semaphore, #tpu.memory_space<semaphore_mem>>)
    %add3A_149 = arith.constant 256 : i32
    %add3A_150 = arith.addi %mul3A_2, %add3A_149 : i32
    %dma_start3A_151 = arith.constant 0 : i32
    %dma_start3A_152 = tpu.memref_slice %arg2[%add3A_150, %dma_start3A_151] : memref<32768x128xf32, #tpu.memory_space<hbm>> -> memref<256x128xf32, #tpu.memory_space<hbm>>
    %dma_start3A_153 = arith.constant 0 : i32
    %dma_start3A_154 = tpu.memref_slice %arg2[%add3A_150, %dma_start3A_153] : memref<32768x128xf32, #tpu.memory_space<hbm>> -> memref<256x128xf32, #tpu.memory_space<hbm>>
    tpu.enqueue_dma source(%dma_start3A_154 : memref<256x128xf32, #tpu.memory_space<hbm>>) target(%arg6 : memref<256x128xf32, #tpu.memory_space<vmem>>) target_semaphore(%arg11 : memref<!tpu.dma_semaphore, #tpu.memory_space<semaphore_mem>>)
    %dma_wait3A = arith.constant 0 : i32
    %dma_wait3A_155 = tpu.memref_slice %arg9[%add3A_13, %dma_wait3A] : memref<4096x128xf32, #tpu.memory_space<vmem_shared>> -> memref<16x128xf32, #tpu.memory_space<vmem_shared>>
    %dma_wait3A_156 = arith.constant 0 : i32
    %dma_wait3A_157 = tpu.memref_slice %arg9[%add3A_13, %dma_wait3A_156] : memref<4096x128xf32, #tpu.memory_space<vmem_shared>> -> memref<16x128xf32, #tpu.memory_space<vmem_shared>>
    tpu.wait_dma2 semaphore(%arg12 : memref<!tpu.dma_semaphore, #tpu.memory_space<semaphore_mem>>) src(%arg8 : memref<16x128xf32, #tpu.memory_space<vmem>>) dst(%dma_wait3A_157 : memref<16x128xf32, #tpu.memory_space<vmem_shared>>)
    %dma_wait3A_158 = arith.constant 0 : i32
    %dma_wait3A_159 = tpu.memref_slice %arg9[%add3A_20, %dma_wait3A_158] : memref<4096x128xf32, #tpu.memory_space<vmem_shared>> -> memref<16x128xf32, #tpu.memory_space<vmem_shared>>
    %dma_wait3A_160 = arith.constant 0 : i32
    %dma_wait3A_161 = tpu.memref_slice %arg9[%add3A_20, %dma_wait3A_160] : memref<4096x128xf32, #tpu.memory_space<vmem_shared>> -> memref<16x128xf32, #tpu.memory_space<vmem_shared>>
    tpu.wait_dma2 semaphore(%arg12 : memref<!tpu.dma_semaphore, #tpu.memory_space<semaphore_mem>>) src(%arg8 : memref<16x128xf32, #tpu.memory_space<vmem>>) dst(%dma_wait3A_161 : memref<16x128xf32, #tpu.memory_space<vmem_shared>>)
    %dma_wait3A_162 = arith.constant 0 : i32
    %dma_wait3A_163 = tpu.memref_slice %arg9[%add3A_28, %dma_wait3A_162] : memref<4096x128xf32, #tpu.memory_space<vmem_shared>> -> memref<16x128xf32, #tpu.memory_space<vmem_shared>>
    %dma_wait3A_164 = arith.constant 0 : i32
    %dma_wait3A_165 = tpu.memref_slice %arg9[%add3A_28, %dma_wait3A_164] : memref<4096x128xf32, #tpu.memory_space<vmem_shared>> -> memref<16x128xf32, #tpu.memory_space<vmem_shared>>
    tpu.wait_dma2 semaphore(%arg12 : memref<!tpu.dma_semaphore, #tpu.memory_space<semaphore_mem>>) src(%arg8 : memref<16x128xf32, #tpu.memory_space<vmem>>) dst(%dma_wait3A_165 : memref<16x128xf32, #tpu.memory_space<vmem_shared>>)
    %dma_wait3A_166 = arith.constant 0 : i32
    %dma_wait3A_167 = tpu.memref_slice %arg9[%add3A_36, %dma_wait3A_166] : memref<4096x128xf32, #tpu.memory_space<vmem_shared>> -> memref<16x128xf32, #tpu.memory_space<vmem_shared>>
    %dma_wait3A_168 = arith.constant 0 : i32
    %dma_wait3A_169 = tpu.memref_slice %arg9[%add3A_36, %dma_wait3A_168] : memref<4096x128xf32, #tpu.memory_space<vmem_shared>> -> memref<16x128xf32, #tpu.memory_space<vmem_shared>>
    tpu.wait_dma2 semaphore(%arg12 : memref<!tpu.dma_semaphore, #tpu.memory_space<semaphore_mem>>) src(%arg8 : memref<16x128xf32, #tpu.memory_space<vmem>>) dst(%dma_wait3A_169 : memref<16x128xf32, #tpu.memory_space<vmem_shared>>)
    %dma_wait3A_170 = arith.constant 0 : i32
    %dma_wait3A_171 = tpu.memref_slice %arg9[%add3A_44, %dma_wait3A_170] : memref<4096x128xf32, #tpu.memory_space<vmem_shared>> -> memref<16x128xf32, #tpu.memory_space<vmem_shared>>
    %dma_wait3A_172 = arith.constant 0 : i32
    %dma_wait3A_173 = tpu.memref_slice %arg9[%add3A_44, %dma_wait3A_172] : memref<4096x128xf32, #tpu.memory_space<vmem_shared>> -> memref<16x128xf32, #tpu.memory_space<vmem_shared>>
    tpu.wait_dma2 semaphore(%arg12 : memref<!tpu.dma_semaphore, #tpu.memory_space<semaphore_mem>>) src(%arg8 : memref<16x128xf32, #tpu.memory_space<vmem>>) dst(%dma_wait3A_173 : memref<16x128xf32, #tpu.memory_space<vmem_shared>>)
    %dma_wait3A_174 = arith.constant 0 : i32
    %dma_wait3A_175 = tpu.memref_slice %arg9[%add3A_52, %dma_wait3A_174] : memref<4096x128xf32, #tpu.memory_space<vmem_shared>> -> memref<16x128xf32, #tpu.memory_space<vmem_shared>>
    %dma_wait3A_176 = arith.constant 0 : i32
    %dma_wait3A_177 = tpu.memref_slice %arg9[%add3A_52, %dma_wait3A_176] : memref<4096x128xf32, #tpu.memory_space<vmem_shared>> -> memref<16x128xf32, #tpu.memory_space<vmem_shared>>
    tpu.wait_dma2 semaphore(%arg12 : memref<!tpu.dma_semaphore, #tpu.memory_space<semaphore_mem>>) src(%arg8 : memref<16x128xf32, #tpu.memory_space<vmem>>) dst(%dma_wait3A_177 : memref<16x128xf32, #tpu.memory_space<vmem_shared>>)
    %dma_wait3A_178 = arith.constant 0 : i32
    %dma_wait3A_179 = tpu.memref_slice %arg9[%add3A_60, %dma_wait3A_178] : memref<4096x128xf32, #tpu.memory_space<vmem_shared>> -> memref<16x128xf32, #tpu.memory_space<vmem_shared>>
    %dma_wait3A_180 = arith.constant 0 : i32
    %dma_wait3A_181 = tpu.memref_slice %arg9[%add3A_60, %dma_wait3A_180] : memref<4096x128xf32, #tpu.memory_space<vmem_shared>> -> memref<16x128xf32, #tpu.memory_space<vmem_shared>>
    tpu.wait_dma2 semaphore(%arg12 : memref<!tpu.dma_semaphore, #tpu.memory_space<semaphore_mem>>) src(%arg8 : memref<16x128xf32, #tpu.memory_space<vmem>>) dst(%dma_wait3A_181 : memref<16x128xf32, #tpu.memory_space<vmem_shared>>)
    %dma_wait3A_182 = arith.constant 0 : i32
    %dma_wait3A_183 = tpu.memref_slice %arg9[%add3A_68, %dma_wait3A_182] : memref<4096x128xf32, #tpu.memory_space<vmem_shared>> -> memref<16x128xf32, #tpu.memory_space<vmem_shared>>
    %dma_wait3A_184 = arith.constant 0 : i32
    %dma_wait3A_185 = tpu.memref_slice %arg9[%add3A_68, %dma_wait3A_184] : memref<4096x128xf32, #tpu.memory_space<vmem_shared>> -> memref<16x128xf32, #tpu.memory_space<vmem_shared>>
    tpu.wait_dma2 semaphore(%arg12 : memref<!tpu.dma_semaphore, #tpu.memory_space<semaphore_mem>>) src(%arg8 : memref<16x128xf32, #tpu.memory_space<vmem>>) dst(%dma_wait3A_185 : memref<16x128xf32, #tpu.memory_space<vmem_shared>>)
    %dma_wait3A_186 = arith.constant 0 : i32
    %dma_wait3A_187 = tpu.memref_slice %arg9[%add3A_76, %dma_wait3A_186] : memref<4096x128xf32, #tpu.memory_space<vmem_shared>> -> memref<16x128xf32, #tpu.memory_space<vmem_shared>>
    %dma_wait3A_188 = arith.constant 0 : i32
    %dma_wait3A_189 = tpu.memref_slice %arg9[%add3A_76, %dma_wait3A_188] : memref<4096x128xf32, #tpu.memory_space<vmem_shared>> -> memref<16x128xf32, #tpu.memory_space<vmem_shared>>
    tpu.wait_dma2 semaphore(%arg12 : memref<!tpu.dma_semaphore, #tpu.memory_space<semaphore_mem>>) src(%arg8 : memref<16x128xf32, #tpu.memory_space<vmem>>) dst(%dma_wait3A_189 : memref<16x128xf32, #tpu.memory_space<vmem_shared>>)
    %dma_wait3A_190 = arith.constant 0 : i32
    %dma_wait3A_191 = tpu.memref_slice %arg9[%add3A_84, %dma_wait3A_190] : memref<4096x128xf32, #tpu.memory_space<vmem_shared>> -> memref<16x128xf32, #tpu.memory_space<vmem_shared>>
    %dma_wait3A_192 = arith.constant 0 : i32
    %dma_wait3A_193 = tpu.memref_slice %arg9[%add3A_84, %dma_wait3A_192] : memref<4096x128xf32, #tpu.memory_space<vmem_shared>> -> memref<16x128xf32, #tpu.memory_space<vmem_shared>>
    tpu.wait_dma2 semaphore(%arg12 : memref<!tpu.dma_semaphore, #tpu.memory_space<semaphore_mem>>) src(%arg8 : memref<16x128xf32, #tpu.memory_space<vmem>>) dst(%dma_wait3A_193 : memref<16x128xf32, #tpu.memory_space<vmem_shared>>)
    %dma_wait3A_194 = arith.constant 0 : i32
    %dma_wait3A_195 = tpu.memref_slice %arg9[%add3A_92, %dma_wait3A_194] : memref<4096x128xf32, #tpu.memory_space<vmem_shared>> -> memref<16x128xf32, #tpu.memory_space<vmem_shared>>
    %dma_wait3A_196 = arith.constant 0 : i32
    %dma_wait3A_197 = tpu.memref_slice %arg9[%add3A_92, %dma_wait3A_196] : memref<4096x128xf32, #tpu.memory_space<vmem_shared>> -> memref<16x128xf32, #tpu.memory_space<vmem_shared>>
    tpu.wait_dma2 semaphore(%arg12 : memref<!tpu.dma_semaphore, #tpu.memory_space<semaphore_mem>>) src(%arg8 : memref<16x128xf32, #tpu.memory_space<vmem>>) dst(%dma_wait3A_197 : memref<16x128xf32, #tpu.memory_space<vmem_shared>>)
    %dma_wait3A_198 = arith.constant 0 : i32
    %dma_wait3A_199 = tpu.memref_slice %arg9[%add3A_100, %dma_wait3A_198] : memref<4096x128xf32, #tpu.memory_space<vmem_shared>> -> memref<16x128xf32, #tpu.memory_space<vmem_shared>>
    %dma_wait3A_200 = arith.constant 0 : i32
    %dma_wait3A_201 = tpu.memref_slice %arg9[%add3A_100, %dma_wait3A_200] : memref<4096x128xf32, #tpu.memory_space<vmem_shared>> -> memref<16x128xf32, #tpu.memory_space<vmem_shared>>
    tpu.wait_dma2 semaphore(%arg12 : memref<!tpu.dma_semaphore, #tpu.memory_space<semaphore_mem>>) src(%arg8 : memref<16x128xf32, #tpu.memory_space<vmem>>) dst(%dma_wait3A_201 : memref<16x128xf32, #tpu.memory_space<vmem_shared>>)
    %dma_wait3A_202 = arith.constant 0 : i32
    %dma_wait3A_203 = tpu.memref_slice %arg9[%add3A_108, %dma_wait3A_202] : memref<4096x128xf32, #tpu.memory_space<vmem_shared>> -> memref<16x128xf32, #tpu.memory_space<vmem_shared>>
    %dma_wait3A_204 = arith.constant 0 : i32
    %dma_wait3A_205 = tpu.memref_slice %arg9[%add3A_108, %dma_wait3A_204] : memref<4096x128xf32, #tpu.memory_space<vmem_shared>> -> memref<16x128xf32, #tpu.memory_space<vmem_shared>>
    tpu.wait_dma2 semaphore(%arg12 : memref<!tpu.dma_semaphore, #tpu.memory_space<semaphore_mem>>) src(%arg8 : memref<16x128xf32, #tpu.memory_space<vmem>>) dst(%dma_wait3A_205 : memref<16x128xf32, #tpu.memory_space<vmem_shared>>)
    %dma_wait3A_206 = arith.constant 0 : i32
    %dma_wait3A_207 = tpu.memref_slice %arg9[%add3A_116, %dma_wait3A_206] : memref<4096x128xf32, #tpu.memory_space<vmem_shared>> -> memref<16x128xf32, #tpu.memory_space<vmem_shared>>
    %dma_wait3A_208 = arith.constant 0 : i32
    %dma_wait3A_209 = tpu.memref_slice %arg9[%add3A_116, %dma_wait3A_208] : memref<4096x128xf32, #tpu.memory_space<vmem_shared>> -> memref<16x128xf32, #tpu.memory_space<vmem_shared>>
    tpu.wait_dma2 semaphore(%arg12 : memref<!tpu.dma_semaphore, #tpu.memory_space<semaphore_mem>>) src(%arg8 : memref<16x128xf32, #tpu.memory_space<vmem>>) dst(%dma_wait3A_209 : memref<16x128xf32, #tpu.memory_space<vmem_shared>>)
    %dma_wait3A_210 = arith.constant 0 : i32
    %dma_wait3A_211 = tpu.memref_slice %arg9[%add3A_124, %dma_wait3A_210] : memref<4096x128xf32, #tpu.memory_space<vmem_shared>> -> memref<16x128xf32, #tpu.memory_space<vmem_shared>>
    %dma_wait3A_212 = arith.constant 0 : i32
    %dma_wait3A_213 = tpu.memref_slice %arg9[%add3A_124, %dma_wait3A_212] : memref<4096x128xf32, #tpu.memory_space<vmem_shared>> -> memref<16x128xf32, #tpu.memory_space<vmem_shared>>
    tpu.wait_dma2 semaphore(%arg12 : memref<!tpu.dma_semaphore, #tpu.memory_space<semaphore_mem>>) src(%arg8 : memref<16x128xf32, #tpu.memory_space<vmem>>) dst(%dma_wait3A_213 : memref<16x128xf32, #tpu.memory_space<vmem_shared>>)
    %dma_wait3A_214 = arith.constant 0 : i32
    %dma_wait3A_215 = tpu.memref_slice %arg9[%add3A_132, %dma_wait3A_214] : memref<4096x128xf32, #tpu.memory_space<vmem_shared>> -> memref<16x128xf32, #tpu.memory_space<vmem_shared>>
    %dma_wait3A_216 = arith.constant 0 : i32
    %dma_wait3A_217 = tpu.memref_slice %arg9[%add3A_132, %dma_wait3A_216] : memref<4096x128xf32, #tpu.memory_space<vmem_shared>> -> memref<16x128xf32, #tpu.memory_space<vmem_shared>>
    tpu.wait_dma2 semaphore(%arg12 : memref<!tpu.dma_semaphore, #tpu.memory_space<semaphore_mem>>) src(%arg8 : memref<16x128xf32, #tpu.memory_space<vmem>>) dst(%dma_wait3A_217 : memref<16x128xf32, #tpu.memory_space<vmem_shared>>)
    %dma_wait3A_218 = arith.constant 0 : i32
    %dma_wait3A_219 = tpu.memref_slice %arg3[%mul3A_138, %dma_wait3A_218] : memref<256x128xi32, #tpu.memory_space<hbm>> -> memref<8x128xi32, #tpu.memory_space<hbm>>
    %dma_wait3A_220 = arith.constant 0 : i32
    %dma_wait3A_221 = tpu.memref_slice %arg3[%mul3A_138, %dma_wait3A_220] : memref<256x128xi32, #tpu.memory_space<hbm>> -> memref<8x128xi32, #tpu.memory_space<hbm>>
    tpu.wait_dma2 semaphore(%arg13 : memref<!tpu.dma_semaphore, #tpu.memory_space<semaphore_mem>>) src(%dma_wait3A_221 : memref<8x128xi32, #tpu.memory_space<hbm>>) dst(%arg7 : memref<8x128xi32, #tpu.memory_space<vmem>>)
    %barrier3A = arith.constant 0 : index
    tpu.barrier barrier_id(%barrier3A)
    %dma_wait3A_222 = arith.constant 0 : i32
    %dma_wait3A_223 = tpu.memref_slice %arg2[%add3A_144, %dma_wait3A_222] : memref<32768x128xf32, #tpu.memory_space<hbm>> -> memref<256x128xf32, #tpu.memory_space<hbm>>
    %dma_wait3A_224 = arith.constant 0 : i32
    %dma_wait3A_225 = tpu.memref_slice %arg2[%add3A_144, %dma_wait3A_224] : memref<32768x128xf32, #tpu.memory_space<hbm>> -> memref<256x128xf32, #tpu.memory_space<hbm>>
    tpu.wait_dma2 semaphore(%arg10 : memref<!tpu.dma_semaphore, #tpu.memory_space<semaphore_mem>>) src(%dma_wait3A_225 : memref<256x128xf32, #tpu.memory_space<hbm>>) dst(%arg5 : memref<256x128xf32, #tpu.memory_space<vmem>>)
    %dma_start3A_226 = arith.constant 0 : i32
    %dma_start3A_227 = arith.constant 0 : i32
    %dma_start3A_228 = arith.constant 0 : i32
    %dma_start3A_229 = tpu.memref_slice %arg5[%dma_start3A_227, %dma_start3A_228] : memref<256x128xf32, #tpu.memory_space<vmem>> -> memref<128x128xf32, #tpu.memory_space<vmem>>
    %dma_start3A_230 = arith.constant 0 : i32
    %dma_start3A_231 = tpu.memref_slice %arg7[%dma_start3A_226, %dma_start3A_230] : memref<8x128xi32, #tpu.memory_space<vmem>> -> memref<1x128xi32, #tpu.memory_space<vmem>>
    %dma_start3A_232 = tpu.memref_squeeze %dma_start3A_231 : memref<1x128xi32, #tpu.memory_space<vmem>> -> memref<128xi32, #tpu.memory_space<vmem>>
    %dma_start3A_233 = arith.constant 0 : i32
    %dma_start3A_234 = arith.constant 0 : i32
    %dma_start3A_235 = tpu.memref_slice %arg9[%dma_start3A_233, %dma_start3A_234] : memref<4096x128xf32, #tpu.memory_space<vmem_shared>> -> memref<4096x128xf32, #tpu.memory_space<vmem_shared>>
    tpu.enqueue_indirect_dma source(%dma_start3A_229 : memref<128x128xf32, #tpu.memory_space<vmem>>) target(%dma_start3A_235 : memref<4096x128xf32, #tpu.memory_space<vmem_shared>>) offsets(%dma_start3A_232 : memref<128xi32, #tpu.memory_space<vmem>>) semaphore(%arg12 : memref<!tpu.dma_semaphore, #tpu.memory_space<semaphore_mem>>) {add = true}
    %dma_start3A_236 = arith.constant 1 : i32
    %dma_start3A_237 = arith.constant 128 : i32
    %dma_start3A_238 = arith.constant 0 : i32
    %dma_start3A_239 = tpu.memref_slice %arg5[%dma_start3A_237, %dma_start3A_238] : memref<256x128xf32, #tpu.memory_space<vmem>> -> memref<128x128xf32, #tpu.memory_space<vmem>>
    %dma_start3A_240 = arith.constant 0 : i32
    %dma_start3A_241 = tpu.memref_slice %arg7[%dma_start3A_236, %dma_start3A_240] : memref<8x128xi32, #tpu.memory_space<vmem>> -> memref<1x128xi32, #tpu.memory_space<vmem>>
    %dma_start3A_242 = tpu.memref_squeeze %dma_start3A_241 : memref<1x128xi32, #tpu.memory_space<vmem>> -> memref<128xi32, #tpu.memory_space<vmem>>
    %dma_start3A_243 = arith.constant 0 : i32
    %dma_start3A_244 = arith.constant 0 : i32
    %dma_start3A_245 = tpu.memref_slice %arg9[%dma_start3A_243, %dma_start3A_244] : memref<4096x128xf32, #tpu.memory_space<vmem_shared>> -> memref<4096x128xf32, #tpu.memory_space<vmem_shared>>
    tpu.enqueue_indirect_dma source(%dma_start3A_239 : memref<128x128xf32, #tpu.memory_space<vmem>>) target(%dma_start3A_245 : memref<4096x128xf32, #tpu.memory_space<vmem_shared>>) offsets(%dma_start3A_242 : memref<128xi32, #tpu.memory_space<vmem>>) semaphore(%arg12 : memref<!tpu.dma_semaphore, #tpu.memory_space<semaphore_mem>>) {add = true}
    %dma_wait3A_246 = arith.constant 0 : i32
    %dma_wait3A_247 = arith.constant 0 : i32
    %dma_wait3A_248 = arith.constant 0 : i32
    %dma_wait3A_249 = tpu.memref_slice %arg5[%dma_wait3A_247, %dma_wait3A_248] : memref<256x128xf32, #tpu.memory_space<vmem>> -> memref<128x128xf32, #tpu.memory_space<vmem>>
    %dma_wait3A_250 = arith.constant 0 : i32
    %dma_wait3A_251 = tpu.memref_slice %arg7[%dma_wait3A_246, %dma_wait3A_250] : memref<8x128xi32, #tpu.memory_space<vmem>> -> memref<1x128xi32, #tpu.memory_space<vmem>>
    %dma_wait3A_252 = tpu.memref_squeeze %dma_wait3A_251 : memref<1x128xi32, #tpu.memory_space<vmem>> -> memref<128xi32, #tpu.memory_space<vmem>>
    %dma_wait3A_253 = arith.constant 0 : i32
    %dma_wait3A_254 = arith.constant 0 : i32
    %dma_wait3A_255 = tpu.memref_slice %arg9[%dma_wait3A_253, %dma_wait3A_254] : memref<4096x128xf32, #tpu.memory_space<vmem_shared>> -> memref<4096x128xf32, #tpu.memory_space<vmem_shared>>
    tpu.wait_indirect_dma semaphore(%arg12 : memref<!tpu.dma_semaphore, #tpu.memory_space<semaphore_mem>>) src(%dma_wait3A_249 : memref<128x128xf32, #tpu.memory_space<vmem>>) dst(%dma_wait3A_255 : memref<4096x128xf32, #tpu.memory_space<vmem_shared>>)
    %dma_wait3A_256 = arith.constant 1 : i32
    %dma_wait3A_257 = arith.constant 128 : i32
    %dma_wait3A_258 = arith.constant 0 : i32
    %dma_wait3A_259 = tpu.memref_slice %arg5[%dma_wait3A_257, %dma_wait3A_258] : memref<256x128xf32, #tpu.memory_space<vmem>> -> memref<128x128xf32, #tpu.memory_space<vmem>>
    %dma_wait3A_260 = arith.constant 0 : i32
    %dma_wait3A_261 = tpu.memref_slice %arg7[%dma_wait3A_256, %dma_wait3A_260] : memref<8x128xi32, #tpu.memory_space<vmem>> -> memref<1x128xi32, #tpu.memory_space<vmem>>
    %dma_wait3A_262 = tpu.memref_squeeze %dma_wait3A_261 : memref<1x128xi32, #tpu.memory_space<vmem>> -> memref<128xi32, #tpu.memory_space<vmem>>
    %dma_wait3A_263 = arith.constant 0 : i32
    %dma_wait3A_264 = arith.constant 0 : i32
    %dma_wait3A_265 = tpu.memref_slice %arg9[%dma_wait3A_263, %dma_wait3A_264] : memref<4096x128xf32, #tpu.memory_space<vmem_shared>> -> memref<4096x128xf32, #tpu.memory_space<vmem_shared>>
    tpu.wait_indirect_dma semaphore(%arg12 : memref<!tpu.dma_semaphore, #tpu.memory_space<semaphore_mem>>) src(%dma_wait3A_259 : memref<128x128xf32, #tpu.memory_space<vmem>>) dst(%dma_wait3A_265 : memref<4096x128xf32, #tpu.memory_space<vmem_shared>>)
    %add3A_266 = arith.constant 512 : i32
    %add3A_267 = arith.addi %mul3A_2, %add3A_266 : i32
    %dma_start3A_268 = arith.constant 0 : i32
    %dma_start3A_269 = tpu.memref_slice %arg2[%add3A_267, %dma_start3A_268] : memref<32768x128xf32, #tpu.memory_space<hbm>> -> memref<256x128xf32, #tpu.memory_space<hbm>>
    %dma_start3A_270 = arith.constant 0 : i32
    %dma_start3A_271 = tpu.memref_slice %arg2[%add3A_267, %dma_start3A_270] : memref<32768x128xf32, #tpu.memory_space<hbm>> -> memref<256x128xf32, #tpu.memory_space<hbm>>
    tpu.enqueue_dma source(%dma_start3A_271 : memref<256x128xf32, #tpu.memory_space<hbm>>) target(%arg5 : memref<256x128xf32, #tpu.memory_space<vmem>>) target_semaphore(%arg10 : memref<!tpu.dma_semaphore, #tpu.memory_space<semaphore_mem>>)
    %dma_wait3A_272 = arith.constant 0 : i32
    %dma_wait3A_273 = tpu.memref_slice %arg2[%add3A_150, %dma_wait3A_272] : memref<32768x128xf32, #tpu.memory_space<hbm>> -> memref<256x128xf32, #tpu.memory_space<hbm>>
    %dma_wait3A_274 = arith.constant 0 : i32
    %dma_wait3A_275 = tpu.memref_slice %arg2[%add3A_150, %dma_wait3A_274] : memref<32768x128xf32, #tpu.memory_space<hbm>> -> memref<256x128xf32, #tpu.memory_space<hbm>>
    tpu.wait_dma2 semaphore(%arg11 : memref<!tpu.dma_semaphore, #tpu.memory_space<semaphore_mem>>) src(%dma_wait3A_275 : memref<256x128xf32, #tpu.memory_space<hbm>>) dst(%arg6 : memref<256x128xf32, #tpu.memory_space<vmem>>)
    %dma_start3A_276 = arith.constant 2 : i32
    %dma_start3A_277 = arith.constant 0 : i32
    %dma_start3A_278 = arith.constant 0 : i32
    %dma_start3A_279 = tpu.memref_slice %arg6[%dma_start3A_277, %dma_start3A_278] : memref<256x128xf32, #tpu.memory_space<vmem>> -> memref<128x128xf32, #tpu.memory_space<vmem>>
    %dma_start3A_280 = arith.constant 0 : i32
    %dma_start3A_281 = tpu.memref_slice %arg7[%dma_start3A_276, %dma_start3A_280] : memref<8x128xi32, #tpu.memory_space<vmem>> -> memref<1x128xi32, #tpu.memory_space<vmem>>
    %dma_start3A_282 = tpu.memref_squeeze %dma_start3A_281 : memref<1x128xi32, #tpu.memory_space<vmem>> -> memref<128xi32, #tpu.memory_space<vmem>>
    %dma_start3A_283 = arith.constant 0 : i32
    %dma_start3A_284 = arith.constant 0 : i32
    %dma_start3A_285 = tpu.memref_slice %arg9[%dma_start3A_283, %dma_start3A_284] : memref<4096x128xf32, #tpu.memory_space<vmem_shared>> -> memref<4096x128xf32, #tpu.memory_space<vmem_shared>>
    tpu.enqueue_indirect_dma source(%dma_start3A_279 : memref<128x128xf32, #tpu.memory_space<vmem>>) target(%dma_start3A_285 : memref<4096x128xf32, #tpu.memory_space<vmem_shared>>) offsets(%dma_start3A_282 : memref<128xi32, #tpu.memory_space<vmem>>) semaphore(%arg13 : memref<!tpu.dma_semaphore, #tpu.memory_space<semaphore_mem>>) {add = true}
    %dma_start3A_286 = arith.constant 3 : i32
    %dma_start3A_287 = arith.constant 128 : i32
    %dma_start3A_288 = arith.constant 0 : i32
    %dma_start3A_289 = tpu.memref_slice %arg6[%dma_start3A_287, %dma_start3A_288] : memref<256x128xf32, #tpu.memory_space<vmem>> -> memref<128x128xf32, #tpu.memory_space<vmem>>
    %dma_start3A_290 = arith.constant 0 : i32
    %dma_start3A_291 = tpu.memref_slice %arg7[%dma_start3A_286, %dma_start3A_290] : memref<8x128xi32, #tpu.memory_space<vmem>> -> memref<1x128xi32, #tpu.memory_space<vmem>>
    %dma_start3A_292 = tpu.memref_squeeze %dma_start3A_291 : memref<1x128xi32, #tpu.memory_space<vmem>> -> memref<128xi32, #tpu.memory_space<vmem>>
    %dma_start3A_293 = arith.constant 0 : i32
    %dma_start3A_294 = arith.constant 0 : i32
    %dma_start3A_295 = tpu.memref_slice %arg9[%dma_start3A_293, %dma_start3A_294] : memref<4096x128xf32, #tpu.memory_space<vmem_shared>> -> memref<4096x128xf32, #tpu.memory_space<vmem_shared>>
    tpu.enqueue_indirect_dma source(%dma_start3A_289 : memref<128x128xf32, #tpu.memory_space<vmem>>) target(%dma_start3A_295 : memref<4096x128xf32, #tpu.memory_space<vmem_shared>>) offsets(%dma_start3A_292 : memref<128xi32, #tpu.memory_space<vmem>>) semaphore(%arg13 : memref<!tpu.dma_semaphore, #tpu.memory_space<semaphore_mem>>) {add = true}
    %dma_wait3A_296 = arith.constant 2 : i32
    %dma_wait3A_297 = arith.constant 0 : i32
    %dma_wait3A_298 = arith.constant 0 : i32
    %dma_wait3A_299 = tpu.memref_slice %arg6[%dma_wait3A_297, %dma_wait3A_298] : memref<256x128xf32, #tpu.memory_space<vmem>> -> memref<128x128xf32, #tpu.memory_space<vmem>>
    %dma_wait3A_300 = arith.constant 0 : i32
    %dma_wait3A_301 = tpu.memref_slice %arg7[%dma_wait3A_296, %dma_wait3A_300] : memref<8x128xi32, #tpu.memory_space<vmem>> -> memref<1x128xi32, #tpu.memory_space<vmem>>
    %dma_wait3A_302 = tpu.memref_squeeze %dma_wait3A_301 : memref<1x128xi32, #tpu.memory_space<vmem>> -> memref<128xi32, #tpu.memory_space<vmem>>
    %dma_wait3A_303 = arith.constant 0 : i32
    %dma_wait3A_304 = arith.constant 0 : i32
    %dma_wait3A_305 = tpu.memref_slice %arg9[%dma_wait3A_303, %dma_wait3A_304] : memref<4096x128xf32, #tpu.memory_space<vmem_shared>> -> memref<4096x128xf32, #tpu.memory_space<vmem_shared>>
    tpu.wait_indirect_dma semaphore(%arg13 : memref<!tpu.dma_semaphore, #tpu.memory_space<semaphore_mem>>) src(%dma_wait3A_299 : memref<128x128xf32, #tpu.memory_space<vmem>>) dst(%dma_wait3A_305 : memref<4096x128xf32, #tpu.memory_space<vmem_shared>>)
    %dma_wait3A_306 = arith.constant 3 : i32
    %dma_wait3A_307 = arith.constant 128 : i32
    %dma_wait3A_308 = arith.constant 0 : i32
    %dma_wait3A_309 = tpu.memref_slice %arg6[%dma_wait3A_307, %dma_wait3A_308] : memref<256x128xf32, #tpu.memory_space<vmem>> -> memref<128x128xf32, #tpu.memory_space<vmem>>
    %dma_wait3A_310 = arith.constant 0 : i32
    %dma_wait3A_311 = tpu.memref_slice %arg7[%dma_wait3A_306, %dma_wait3A_310] : memref<8x128xi32, #tpu.memory_space<vmem>> -> memref<1x128xi32, #tpu.memory_space<vmem>>
    %dma_wait3A_312 = tpu.memref_squeeze %dma_wait3A_311 : memref<1x128xi32, #tpu.memory_space<vmem>> -> memref<128xi32, #tpu.memory_space<vmem>>
    %dma_wait3A_313 = arith.constant 0 : i32
    %dma_wait3A_314 = arith.constant 0 : i32
    %dma_wait3A_315 = tpu.memref_slice %arg9[%dma_wait3A_313, %dma_wait3A_314] : memref<4096x128xf32, #tpu.memory_space<vmem_shared>> -> memref<4096x128xf32, #tpu.memory_space<vmem_shared>>
    tpu.wait_indirect_dma semaphore(%arg13 : memref<!tpu.dma_semaphore, #tpu.memory_space<semaphore_mem>>) src(%dma_wait3A_309 : memref<128x128xf32, #tpu.memory_space<vmem>>) dst(%dma_wait3A_315 : memref<4096x128xf32, #tpu.memory_space<vmem_shared>>)
    %add3A_316 = arith.constant 768 : i32
    %add3A_317 = arith.addi %mul3A_2, %add3A_316 : i32
    %dma_start3A_318 = arith.constant 0 : i32
    %dma_start3A_319 = tpu.memref_slice %arg2[%add3A_317, %dma_start3A_318] : memref<32768x128xf32, #tpu.memory_space<hbm>> -> memref<256x128xf32, #tpu.memory_space<hbm>>
    %dma_start3A_320 = arith.constant 0 : i32
    %dma_start3A_321 = tpu.memref_slice %arg2[%add3A_317, %dma_start3A_320] : memref<32768x128xf32, #tpu.memory_space<hbm>> -> memref<256x128xf32, #tpu.memory_space<hbm>>
    tpu.enqueue_dma source(%dma_start3A_321 : memref<256x128xf32, #tpu.memory_space<hbm>>) target(%arg6 : memref<256x128xf32, #tpu.memory_space<vmem>>) target_semaphore(%arg11 : memref<!tpu.dma_semaphore, #tpu.memory_space<semaphore_mem>>)
    %dma_wait3A_322 = arith.constant 0 : i32
    %dma_wait3A_323 = tpu.memref_slice %arg2[%add3A_267, %dma_wait3A_322] : memref<32768x128xf32, #tpu.memory_space<hbm>> -> memref<256x128xf32, #tpu.memory_space<hbm>>
    %dma_wait3A_324 = arith.constant 0 : i32
    %dma_wait3A_325 = tpu.memref_slice %arg2[%add3A_267, %dma_wait3A_324] : memref<32768x128xf32, #tpu.memory_space<hbm>> -> memref<256x128xf32, #tpu.memory_space<hbm>>
    tpu.wait_dma2 semaphore(%arg10 : memref<!tpu.dma_semaphore, #tpu.memory_space<semaphore_mem>>) src(%dma_wait3A_325 : memref<256x128xf32, #tpu.memory_space<hbm>>) dst(%arg5 : memref<256x128xf32, #tpu.memory_space<vmem>>)
    %dma_start3A_326 = arith.constant 4 : i32
    %dma_start3A_327 = arith.constant 0 : i32
    %dma_start3A_328 = arith.constant 0 : i32
    %dma_start3A_329 = tpu.memref_slice %arg5[%dma_start3A_327, %dma_start3A_328] : memref<256x128xf32, #tpu.memory_space<vmem>> -> memref<128x128xf32, #tpu.memory_space<vmem>>
    %dma_start3A_330 = arith.constant 0 : i32
    %dma_start3A_331 = tpu.memref_slice %arg7[%dma_start3A_326, %dma_start3A_330] : memref<8x128xi32, #tpu.memory_space<vmem>> -> memref<1x128xi32, #tpu.memory_space<vmem>>
    %dma_start3A_332 = tpu.memref_squeeze %dma_start3A_331 : memref<1x128xi32, #tpu.memory_space<vmem>> -> memref<128xi32, #tpu.memory_space<vmem>>
    %dma_start3A_333 = arith.constant 0 : i32
    %dma_start3A_334 = arith.constant 0 : i32
    %dma_start3A_335 = tpu.memref_slice %arg9[%dma_start3A_333, %dma_start3A_334] : memref<4096x128xf32, #tpu.memory_space<vmem_shared>> -> memref<4096x128xf32, #tpu.memory_space<vmem_shared>>
    tpu.enqueue_indirect_dma source(%dma_start3A_329 : memref<128x128xf32, #tpu.memory_space<vmem>>) target(%dma_start3A_335 : memref<4096x128xf32, #tpu.memory_space<vmem_shared>>) offsets(%dma_start3A_332 : memref<128xi32, #tpu.memory_space<vmem>>) semaphore(%arg12 : memref<!tpu.dma_semaphore, #tpu.memory_space<semaphore_mem>>) {add = true}
    %dma_start3A_336 = arith.constant 5 : i32
    %dma_start3A_337 = arith.constant 128 : i32
    %dma_start3A_338 = arith.constant 0 : i32
    %dma_start3A_339 = tpu.memref_slice %arg5[%dma_start3A_337, %dma_start3A_338] : memref<256x128xf32, #tpu.memory_space<vmem>> -> memref<128x128xf32, #tpu.memory_space<vmem>>
    %dma_start3A_340 = arith.constant 0 : i32
    %dma_start3A_341 = tpu.memref_slice %arg7[%dma_start3A_336, %dma_start3A_340] : memref<8x128xi32, #tpu.memory_space<vmem>> -> memref<1x128xi32, #tpu.memory_space<vmem>>
    %dma_start3A_342 = tpu.memref_squeeze %dma_start3A_341 : memref<1x128xi32, #tpu.memory_space<vmem>> -> memref<128xi32, #tpu.memory_space<vmem>>
    %dma_start3A_343 = arith.constant 0 : i32
    %dma_start3A_344 = arith.constant 0 : i32
    %dma_start3A_345 = tpu.memref_slice %arg9[%dma_start3A_343, %dma_start3A_344] : memref<4096x128xf32, #tpu.memory_space<vmem_shared>> -> memref<4096x128xf32, #tpu.memory_space<vmem_shared>>
    tpu.enqueue_indirect_dma source(%dma_start3A_339 : memref<128x128xf32, #tpu.memory_space<vmem>>) target(%dma_start3A_345 : memref<4096x128xf32, #tpu.memory_space<vmem_shared>>) offsets(%dma_start3A_342 : memref<128xi32, #tpu.memory_space<vmem>>) semaphore(%arg12 : memref<!tpu.dma_semaphore, #tpu.memory_space<semaphore_mem>>) {add = true}
    %dma_wait3A_346 = arith.constant 0 : i32
    %dma_wait3A_347 = tpu.memref_slice %arg2[%add3A_317, %dma_wait3A_346] : memref<32768x128xf32, #tpu.memory_space<hbm>> -> memref<256x128xf32, #tpu.memory_space<hbm>>
    %dma_wait3A_348 = arith.constant 0 : i32
    %dma_wait3A_349 = tpu.memref_slice %arg2[%add3A_317, %dma_wait3A_348] : memref<32768x128xf32, #tpu.memory_space<hbm>> -> memref<256x128xf32, #tpu.memory_space<hbm>>
    tpu.wait_dma2 semaphore(%arg11 : memref<!tpu.dma_semaphore, #tpu.memory_space<semaphore_mem>>) src(%dma_wait3A_349 : memref<256x128xf32, #tpu.memory_space<hbm>>) dst(%arg6 : memref<256x128xf32, #tpu.memory_space<vmem>>)
    %dma_start3A_350 = arith.constant 6 : i32
    %dma_start3A_351 = arith.constant 0 : i32
    %dma_start3A_352 = arith.constant 0 : i32
    %dma_start3A_353 = tpu.memref_slice %arg6[%dma_start3A_351, %dma_start3A_352] : memref<256x128xf32, #tpu.memory_space<vmem>> -> memref<128x128xf32, #tpu.memory_space<vmem>>
    %dma_start3A_354 = arith.constant 0 : i32
    %dma_start3A_355 = tpu.memref_slice %arg7[%dma_start3A_350, %dma_start3A_354] : memref<8x128xi32, #tpu.memory_space<vmem>> -> memref<1x128xi32, #tpu.memory_space<vmem>>
    %dma_start3A_356 = tpu.memref_squeeze %dma_start3A_355 : memref<1x128xi32, #tpu.memory_space<vmem>> -> memref<128xi32, #tpu.memory_space<vmem>>
    %dma_start3A_357 = arith.constant 0 : i32
    %dma_start3A_358 = arith.constant 0 : i32
    %dma_start3A_359 = tpu.memref_slice %arg9[%dma_start3A_357, %dma_start3A_358] : memref<4096x128xf32, #tpu.memory_space<vmem_shared>> -> memref<4096x128xf32, #tpu.memory_space<vmem_shared>>
    tpu.enqueue_indirect_dma source(%dma_start3A_353 : memref<128x128xf32, #tpu.memory_space<vmem>>) target(%dma_start3A_359 : memref<4096x128xf32, #tpu.memory_space<vmem_shared>>) offsets(%dma_start3A_356 : memref<128xi32, #tpu.memory_space<vmem>>) semaphore(%arg13 : memref<!tpu.dma_semaphore, #tpu.memory_space<semaphore_mem>>) {add = true}
    %dma_start3A_360 = arith.constant 7 : i32
    %dma_start3A_361 = arith.constant 128 : i32
    %dma_start3A_362 = arith.constant 0 : i32
    %dma_start3A_363 = tpu.memref_slice %arg6[%dma_start3A_361, %dma_start3A_362] : memref<256x128xf32, #tpu.memory_space<vmem>> -> memref<128x128xf32, #tpu.memory_space<vmem>>
    %dma_start3A_364 = arith.constant 0 : i32
    %dma_start3A_365 = tpu.memref_slice %arg7[%dma_start3A_360, %dma_start3A_364] : memref<8x128xi32, #tpu.memory_space<vmem>> -> memref<1x128xi32, #tpu.memory_space<vmem>>
    %dma_start3A_366 = tpu.memref_squeeze %dma_start3A_365 : memref<1x128xi32, #tpu.memory_space<vmem>> -> memref<128xi32, #tpu.memory_space<vmem>>
    %dma_start3A_367 = arith.constant 0 : i32
    %dma_start3A_368 = arith.constant 0 : i32
    %dma_start3A_369 = tpu.memref_slice %arg9[%dma_start3A_367, %dma_start3A_368] : memref<4096x128xf32, #tpu.memory_space<vmem_shared>> -> memref<4096x128xf32, #tpu.memory_space<vmem_shared>>
    tpu.enqueue_indirect_dma source(%dma_start3A_363 : memref<128x128xf32, #tpu.memory_space<vmem>>) target(%dma_start3A_369 : memref<4096x128xf32, #tpu.memory_space<vmem_shared>>) offsets(%dma_start3A_366 : memref<128xi32, #tpu.memory_space<vmem>>) semaphore(%arg13 : memref<!tpu.dma_semaphore, #tpu.memory_space<semaphore_mem>>) {add = true}
    %dma_wait3A_370 = arith.constant 4 : i32
    %dma_wait3A_371 = arith.constant 0 : i32
    %dma_wait3A_372 = arith.constant 0 : i32
    %dma_wait3A_373 = tpu.memref_slice %arg5[%dma_wait3A_371, %dma_wait3A_372] : memref<256x128xf32, #tpu.memory_space<vmem>> -> memref<128x128xf32, #tpu.memory_space<vmem>>
    %dma_wait3A_374 = arith.constant 0 : i32
    %dma_wait3A_375 = tpu.memref_slice %arg7[%dma_wait3A_370, %dma_wait3A_374] : memref<8x128xi32, #tpu.memory_space<vmem>> -> memref<1x128xi32, #tpu.memory_space<vmem>>
    %dma_wait3A_376 = tpu.memref_squeeze %dma_wait3A_375 : memref<1x128xi32, #tpu.memory_space<vmem>> -> memref<128xi32, #tpu.memory_space<vmem>>
    %dma_wait3A_377 = arith.constant 0 : i32
    %dma_wait3A_378 = arith.constant 0 : i32
    %dma_wait3A_379 = tpu.memref_slice %arg9[%dma_wait3A_377, %dma_wait3A_378] : memref<4096x128xf32, #tpu.memory_space<vmem_shared>> -> memref<4096x128xf32, #tpu.memory_space<vmem_shared>>
    tpu.wait_indirect_dma semaphore(%arg12 : memref<!tpu.dma_semaphore, #tpu.memory_space<semaphore_mem>>) src(%dma_wait3A_373 : memref<128x128xf32, #tpu.memory_space<vmem>>) dst(%dma_wait3A_379 : memref<4096x128xf32, #tpu.memory_space<vmem_shared>>)
    %dma_wait3A_380 = arith.constant 5 : i32
    %dma_wait3A_381 = arith.constant 128 : i32
    %dma_wait3A_382 = arith.constant 0 : i32
    %dma_wait3A_383 = tpu.memref_slice %arg5[%dma_wait3A_381, %dma_wait3A_382] : memref<256x128xf32, #tpu.memory_space<vmem>> -> memref<128x128xf32, #tpu.memory_space<vmem>>
    %dma_wait3A_384 = arith.constant 0 : i32
    %dma_wait3A_385 = tpu.memref_slice %arg7[%dma_wait3A_380, %dma_wait3A_384] : memref<8x128xi32, #tpu.memory_space<vmem>> -> memref<1x128xi32, #tpu.memory_space<vmem>>
    %dma_wait3A_386 = tpu.memref_squeeze %dma_wait3A_385 : memref<1x128xi32, #tpu.memory_space<vmem>> -> memref<128xi32, #tpu.memory_space<vmem>>
    %dma_wait3A_387 = arith.constant 0 : i32
    %dma_wait3A_388 = arith.constant 0 : i32
    %dma_wait3A_389 = tpu.memref_slice %arg9[%dma_wait3A_387, %dma_wait3A_388] : memref<4096x128xf32, #tpu.memory_space<vmem_shared>> -> memref<4096x128xf32, #tpu.memory_space<vmem_shared>>
    tpu.wait_indirect_dma semaphore(%arg12 : memref<!tpu.dma_semaphore, #tpu.memory_space<semaphore_mem>>) src(%dma_wait3A_383 : memref<128x128xf32, #tpu.memory_space<vmem>>) dst(%dma_wait3A_389 : memref<4096x128xf32, #tpu.memory_space<vmem_shared>>)
    %dma_wait3A_390 = arith.constant 6 : i32
    %dma_wait3A_391 = arith.constant 0 : i32
    %dma_wait3A_392 = arith.constant 0 : i32
    %dma_wait3A_393 = tpu.memref_slice %arg6[%dma_wait3A_391, %dma_wait3A_392] : memref<256x128xf32, #tpu.memory_space<vmem>> -> memref<128x128xf32, #tpu.memory_space<vmem>>
    %dma_wait3A_394 = arith.constant 0 : i32
    %dma_wait3A_395 = tpu.memref_slice %arg7[%dma_wait3A_390, %dma_wait3A_394] : memref<8x128xi32, #tpu.memory_space<vmem>> -> memref<1x128xi32, #tpu.memory_space<vmem>>
    %dma_wait3A_396 = tpu.memref_squeeze %dma_wait3A_395 : memref<1x128xi32, #tpu.memory_space<vmem>> -> memref<128xi32, #tpu.memory_space<vmem>>
    %dma_wait3A_397 = arith.constant 0 : i32
    %dma_wait3A_398 = arith.constant 0 : i32
    %dma_wait3A_399 = tpu.memref_slice %arg9[%dma_wait3A_397, %dma_wait3A_398] : memref<4096x128xf32, #tpu.memory_space<vmem_shared>> -> memref<4096x128xf32, #tpu.memory_space<vmem_shared>>
    tpu.wait_indirect_dma semaphore(%arg13 : memref<!tpu.dma_semaphore, #tpu.memory_space<semaphore_mem>>) src(%dma_wait3A_393 : memref<128x128xf32, #tpu.memory_space<vmem>>) dst(%dma_wait3A_399 : memref<4096x128xf32, #tpu.memory_space<vmem_shared>>)
    %dma_wait3A_400 = arith.constant 7 : i32
    %dma_wait3A_401 = arith.constant 128 : i32
    %dma_wait3A_402 = arith.constant 0 : i32
    %dma_wait3A_403 = tpu.memref_slice %arg6[%dma_wait3A_401, %dma_wait3A_402] : memref<256x128xf32, #tpu.memory_space<vmem>> -> memref<128x128xf32, #tpu.memory_space<vmem>>
    %dma_wait3A_404 = arith.constant 0 : i32
    %dma_wait3A_405 = tpu.memref_slice %arg7[%dma_wait3A_400, %dma_wait3A_404] : memref<8x128xi32, #tpu.memory_space<vmem>> -> memref<1x128xi32, #tpu.memory_space<vmem>>
    %dma_wait3A_406 = tpu.memref_squeeze %dma_wait3A_405 : memref<1x128xi32, #tpu.memory_space<vmem>> -> memref<128xi32, #tpu.memory_space<vmem>>
    %dma_wait3A_407 = arith.constant 0 : i32
    %dma_wait3A_408 = arith.constant 0 : i32
    %dma_wait3A_409 = tpu.memref_slice %arg9[%dma_wait3A_407, %dma_wait3A_408] : memref<4096x128xf32, #tpu.memory_space<vmem_shared>> -> memref<4096x128xf32, #tpu.memory_space<vmem_shared>>
    tpu.wait_indirect_dma semaphore(%arg13 : memref<!tpu.dma_semaphore, #tpu.memory_space<semaphore_mem>>) src(%dma_wait3A_403 : memref<128x128xf32, #tpu.memory_space<vmem>>) dst(%dma_wait3A_409 : memref<4096x128xf32, #tpu.memory_space<vmem_shared>>)
    %barrier3A_410 = arith.constant 0 : index
    tpu.barrier barrier_id(%barrier3A_410)
    %mul3A_411 = arith.constant 256 : i32
    %mul3A_412 = arith.muli %arg1, %mul3A_411 : i32
    %mul3A_413 = arith.constant 4096 : i32
    %mul3A_414 = arith.muli %arg0, %mul3A_413 : i32
    %mul3A_415 = arith.constant 256 : i32
    %mul3A_416 = arith.muli %arg1, %mul3A_415 : i32
    %add3A_417 = arith.addi %mul3A_414, %mul3A_416 : i32
    "tpu.region"() ({
      %run_scoped3A = tpu.sem_alloc : memref<!tpu.dma_semaphore, #tpu.memory_space<semaphore_mem>>
      %dma_start3A_418 = arith.constant 0 : i32
      %dma_start3A_419 = tpu.memref_slice %arg4[%add3A_417, %dma_start3A_418] : memref<8192x128xf32, #tpu.memory_space<hbm>> -> memref<256x128xf32, #tpu.memory_space<hbm>>
      %dma_start3A_420 = arith.constant 0 : i32
      %dma_start3A_421 = tpu.memref_slice %arg9[%mul3A_412, %dma_start3A_420] : memref<4096x128xf32, #tpu.memory_space<vmem_shared>> -> memref<256x128xf32, #tpu.memory_space<vmem_shared>>
      tpu.enqueue_dma source(%dma_start3A_421 : memref<256x128xf32, #tpu.memory_space<vmem_shared>>) target(%dma_start3A_419 : memref<256x128xf32, #tpu.memory_space<hbm>>) target_semaphore(%run_scoped3A : memref<!tpu.dma_semaphore, #tpu.memory_space<semaphore_mem>>)
      %dma_wait3A_422 = arith.constant 0 : i32
      %dma_wait3A_423 = tpu.memref_slice %arg4[%add3A_417, %dma_wait3A_422] : memref<8192x128xf32, #tpu.memory_space<hbm>> -> memref<256x128xf32, #tpu.memory_space<hbm>>
      %dma_wait3A_424 = arith.constant 0 : i32
      %dma_wait3A_425 = tpu.memref_slice %arg9[%mul3A_412, %dma_wait3A_424] : memref<4096x128xf32, #tpu.memory_space<vmem_shared>> -> memref<256x128xf32, #tpu.memory_space<vmem_shared>>
      tpu.wait_dma2 semaphore(%run_scoped3A : memref<!tpu.dma_semaphore, #tpu.memory_space<semaphore_mem>>) src(%dma_wait3A_425 : memref<256x128xf32, #tpu.memory_space<vmem_shared>>) dst(%dma_wait3A_423 : memref<256x128xf32, #tpu.memory_space<hbm>>)
      tpu.yield
    }) : () -> ()
    return
  }
}

#map = affine_map<(d0, d1) -> (0, 0)>
module attributes {stable_mosaic.version = 14 : i64} {
  func.func @_s2h_body(%arg0: i32, %arg1: i32, %arg2: memref<32768x128xf32, #tpu.memory_space<hbm>>, %arg3: memref<256x128xi32, #tpu.memory_space<hbm>>, %arg4: memref<8192x128xf32, #tpu.memory_space<hbm>>, %arg5: memref<256x128xf32, #tpu.memory_space<vmem>>, %arg6: memref<256x128xf32, #tpu.memory_space<vmem>>, %arg7: memref<8x128xi32, #tpu.memory_space<vmem>>, %arg8: memref<16x128xf32, #tpu.memory_space<vmem>>, %arg9: memref<4096x128xf32, #tpu.memory_space<vmem_shared>>, %arg10: memref<!tpu.dma_semaphore, #tpu.memory_space<semaphore_mem>>, %arg11: memref<!tpu.dma_semaphore, #tpu.memory_space<semaphore_mem>>, %arg12: memref<!tpu.dma_semaphore, #tpu.memory_space<semaphore_mem>>, %arg13: memref<!tpu.dma_semaphore, #tpu.memory_space<semaphore_mem>>) attributes {dimension_semantics = [#tpu.dimension_semantics<core_parallel>, #tpu.dimension_semantics<subcore_parallel>], iteration_bounds = array<i64: 2, 16>, scalar_prefetch = 0 : i64, scratch_operands = 9 : i64, tpu.core_type = #tpu.core_type<sc_vector_subcore>, window_params = [{transform_indices = #map}, {transform_indices = #map}, {transform_indices = #map}]} {
    %mul3A = arith.constant 16 : i32
    %mul3A_0 = arith.muli %arg0, %mul3A : i32
    %add3A = arith.addi %mul3A_0, %arg1 : i32
    %mul3A_1 = arith.constant 1024 : i32
    %mul3A_2 = arith.muli %add3A, %mul3A_1 : i32
    %broadcast_in_dim3A = arith.constant 0.000000e+00 : f32
    %broadcast_in_dim3A_3 = vector.broadcast %broadcast_in_dim3A : f32 to vector<16xf32>
    %scan3A = arith.constant 0 : i32
    %scan3A_4 = arith.constant 0 : i32
    %scan3A_5 = arith.constant 128 : i32
    %scan3A_6 = arith.addi %scan3A_4, %scan3A_5 : i32
    %scan3A_7 = arith.constant 1 : i32
    %scan3A_8 = scf.for %scan3A_418 = %scan3A_4 to %scan3A_6 step %scan3A_7 iter_args(%scan3A_419 = %scan3A) -> (i32)  : i32 {
      %jit3A = arith.constant 8 : i32
      %div3A = arith.divsi %scan3A_418, %jit3A : i32
      %sign3A = arith.constant 0 : i32
      %sign3A_420 = arith.cmpi sgt, %scan3A_418, %sign3A : i32
      %sign3A_421 = arith.extui %sign3A_420 : i1 to i32
      %sign3A_422 = arith.constant 0 : i32
      %sign3A_423 = arith.cmpi slt, %scan3A_418, %sign3A_422 : i32
      %sign3A_424 = arith.extui %sign3A_423 : i1 to i32
      %sign3A_425 = arith.subi %sign3A_421, %sign3A_424 : i32
      %sign3A_426 = arith.constant 0 : i32
      %sign3A_427 = arith.cmpi sgt, %jit3A, %sign3A_426 : i32
      %sign3A_428 = arith.extui %sign3A_427 : i1 to i32
      %sign3A_429 = arith.constant 0 : i32
      %sign3A_430 = arith.cmpi slt, %jit3A, %sign3A_429 : i32
      %sign3A_431 = arith.extui %sign3A_430 : i1 to i32
      %sign3A_432 = arith.subi %sign3A_428, %sign3A_431 : i32
      %ne3A = arith.cmpi ne, %sign3A_425, %sign3A_432 : i32
      %rem3A = arith.remsi %scan3A_418, %jit3A : i32
      %ne3A_433 = arith.constant 0 : i32
      %ne3A_434 = arith.cmpi ne, %rem3A, %ne3A_433 : i32
      %and3A = arith.andi %ne3A, %ne3A_434 : i1
      %sub3A = arith.constant 1 : i32
      %sub3A_435 = arith.subi %div3A, %sub3A : i32
      %select_n3A = arith.select %and3A, %sub3A_435, %div3A : i32
      %jit3A_436 = arith.constant 8 : i32
      %eq3A = arith.constant 0 : i32
      %eq3A_437 = arith.cmpi eq, %jit3A_436, %eq3A : i32
      %jit3A_438 = arith.constant 1 : i32
      %select_n3A_439 = arith.select %eq3A_437, %jit3A_438, %jit3A_436 : i32
      %rem3A_440 = arith.remsi %scan3A_418, %select_n3A_439 : i32
      %ne3A_441 = arith.constant 0 : i32
      %ne3A_442 = arith.cmpi ne, %rem3A_440, %ne3A_441 : i32
      %lt3A = arith.constant 0 : i32
      %lt3A_443 = arith.cmpi slt, %rem3A_440, %lt3A : i32
      %lt3A_444 = arith.constant 0 : i32
      %lt3A_445 = arith.cmpi slt, %select_n3A_439, %lt3A_444 : i32
      %ne3A_446 = arith.xori %lt3A_443, %lt3A_445 : i1
      %and3A_447 = arith.andi %ne3A_446, %ne3A_442 : i1
      %add3A_448 = arith.addi %rem3A_440, %select_n3A_439 : i32
      %select_n3A_449 = arith.select %and3A_447, %add3A_448, %rem3A_440 : i32
      %mul3A_450 = arith.constant 16 : i32
      %mul3A_451 = arith.muli %select_n3A_449, %mul3A_450 : i32
      %swap3A = arith.index_cast %select_n3A : i32 to index
      %swap3A_452 = arith.index_cast %mul3A_451 : i32 to index
      %swap3A_453 = tpu.vector_load %arg8[%swap3A, %swap3A_452] {strides = array<i32>} : memref<16x128xf32, #tpu.memory_space<vmem>>, vector<1x16xf32>,
      %swap3A_454 = vector.shape_cast %swap3A_453 : vector<1x16xf32> to vector<16xf32>
      %swap3A_455 = vector.shape_cast %broadcast_in_dim3A_3 : vector<16xf32> to vector<1x16xf32>
      tpu.vector_store %arg8[%swap3A, %swap3A_452], %swap3A_455 {strides = array<i32>} : memref<16x128xf32, #tpu.memory_space<vmem>>, vector<1x16xf32>,
      %scan3A_456 = arith.constant 0 : i32
      scf.yield %scan3A_456 : i32
    }
    %scan3A_9 = arith.constant 128 : i32
    %mul3A_10 = arith.constant 256 : i32
    %mul3A_11 = arith.muli %arg1, %mul3A_10 : i32
    %add3A_12 = arith.constant 0 : i32
    %add3A_13 = arith.addi %mul3A_11, %add3A_12 : i32
    %dma_start3A = arith.constant 0 : i32
    %dma_start3A_14 = tpu.memref_slice %arg9[%add3A_13, %dma_start3A] : memref<4096x128xf32, #tpu.memory_space<vmem_shared>> -> memref<16x128xf32, #tpu.memory_space<vmem_shared>>
    %dma_start3A_15 = arith.constant 0 : i32
    %dma_start3A_16 = tpu.memref_slice %arg9[%add3A_13, %dma_start3A_15] : memref<4096x128xf32, #tpu.memory_space<vmem_shared>> -> memref<16x128xf32, #tpu.memory_space<vmem_shared>>
    tpu.enqueue_dma source(%arg8 : memref<16x128xf32, #tpu.memory_space<vmem>>) target(%dma_start3A_16 : memref<16x128xf32, #tpu.memory_space<vmem_shared>>) target_semaphore(%arg12 : memref<!tpu.dma_semaphore, #tpu.memory_space<semaphore_mem>>)
    %mul3A_17 = arith.constant 256 : i32
    %mul3A_18 = arith.muli %arg1, %mul3A_17 : i32
    %add3A_19 = arith.constant 16 : i32
    %add3A_20 = arith.addi %mul3A_18, %add3A_19 : i32
    %dma_start3A_21 = arith.constant 0 : i32
    %dma_start3A_22 = tpu.memref_slice %arg9[%add3A_20, %dma_start3A_21] : memref<4096x128xf32, #tpu.memory_space<vmem_shared>> -> memref<16x128xf32, #tpu.memory_space<vmem_shared>>
    %dma_start3A_23 = arith.constant 0 : i32
    %dma_start3A_24 = tpu.memref_slice %arg9[%add3A_20, %dma_start3A_23] : memref<4096x128xf32, #tpu.memory_space<vmem_shared>> -> memref<16x128xf32, #tpu.memory_space<vmem_shared>>
    tpu.enqueue_dma source(%arg8 : memref<16x128xf32, #tpu.memory_space<vmem>>) target(%dma_start3A_24 : memref<16x128xf32, #tpu.memory_space<vmem_shared>>) target_semaphore(%arg12 : memref<!tpu.dma_semaphore, #tpu.memory_space<semaphore_mem>>)
    %mul3A_25 = arith.constant 256 : i32
    %mul3A_26 = arith.muli %arg1, %mul3A_25 : i32
    %add3A_27 = arith.constant 32 : i32
    %add3A_28 = arith.addi %mul3A_26, %add3A_27 : i32
    %dma_start3A_29 = arith.constant 0 : i32
    %dma_start3A_30 = tpu.memref_slice %arg9[%add3A_28, %dma_start3A_29] : memref<4096x128xf32, #tpu.memory_space<vmem_shared>> -> memref<16x128xf32, #tpu.memory_space<vmem_shared>>
    %dma_start3A_31 = arith.constant 0 : i32
    %dma_start3A_32 = tpu.memref_slice %arg9[%add3A_28, %dma_start3A_31] : memref<4096x128xf32, #tpu.memory_space<vmem_shared>> -> memref<16x128xf32, #tpu.memory_space<vmem_shared>>
    tpu.enqueue_dma source(%arg8 : memref<16x128xf32, #tpu.memory_space<vmem>>) target(%dma_start3A_32 : memref<16x128xf32, #tpu.memory_space<vmem_shared>>) target_semaphore(%arg12 : memref<!tpu.dma_semaphore, #tpu.memory_space<semaphore_mem>>)
    %mul3A_33 = arith.constant 256 : i32
    %mul3A_34 = arith.muli %arg1, %mul3A_33 : i32
    %add3A_35 = arith.constant 48 : i32
    %add3A_36 = arith.addi %mul3A_34, %add3A_35 : i32
    %dma_start3A_37 = arith.constant 0 : i32
    %dma_start3A_38 = tpu.memref_slice %arg9[%add3A_36, %dma_start3A_37] : memref<4096x128xf32, #tpu.memory_space<vmem_shared>> -> memref<16x128xf32, #tpu.memory_space<vmem_shared>>
    %dma_start3A_39 = arith.constant 0 : i32
    %dma_start3A_40 = tpu.memref_slice %arg9[%add3A_36, %dma_start3A_39] : memref<4096x128xf32, #tpu.memory_space<vmem_shared>> -> memref<16x128xf32, #tpu.memory_space<vmem_shared>>
    tpu.enqueue_dma source(%arg8 : memref<16x128xf32, #tpu.memory_space<vmem>>) target(%dma_start3A_40 : memref<16x128xf32, #tpu.memory_space<vmem_shared>>) target_semaphore(%arg12 : memref<!tpu.dma_semaphore, #tpu.memory_space<semaphore_mem>>)
    %mul3A_41 = arith.constant 256 : i32
    %mul3A_42 = arith.muli %arg1, %mul3A_41 : i32
    %add3A_43 = arith.constant 64 : i32
    %add3A_44 = arith.addi %mul3A_42, %add3A_43 : i32
    %dma_start3A_45 = arith.constant 0 : i32
    %dma_start3A_46 = tpu.memref_slice %arg9[%add3A_44, %dma_start3A_45] : memref<4096x128xf32, #tpu.memory_space<vmem_shared>> -> memref<16x128xf32, #tpu.memory_space<vmem_shared>>
    %dma_start3A_47 = arith.constant 0 : i32
    %dma_start3A_48 = tpu.memref_slice %arg9[%add3A_44, %dma_start3A_47] : memref<4096x128xf32, #tpu.memory_space<vmem_shared>> -> memref<16x128xf32, #tpu.memory_space<vmem_shared>>
    tpu.enqueue_dma source(%arg8 : memref<16x128xf32, #tpu.memory_space<vmem>>) target(%dma_start3A_48 : memref<16x128xf32, #tpu.memory_space<vmem_shared>>) target_semaphore(%arg12 : memref<!tpu.dma_semaphore, #tpu.memory_space<semaphore_mem>>)
    %mul3A_49 = arith.constant 256 : i32
    %mul3A_50 = arith.muli %arg1, %mul3A_49 : i32
    %add3A_51 = arith.constant 80 : i32
    %add3A_52 = arith.addi %mul3A_50, %add3A_51 : i32
    %dma_start3A_53 = arith.constant 0 : i32
    %dma_start3A_54 = tpu.memref_slice %arg9[%add3A_52, %dma_start3A_53] : memref<4096x128xf32, #tpu.memory_space<vmem_shared>> -> memref<16x128xf32, #tpu.memory_space<vmem_shared>>
    %dma_start3A_55 = arith.constant 0 : i32
    %dma_start3A_56 = tpu.memref_slice %arg9[%add3A_52, %dma_start3A_55] : memref<4096x128xf32, #tpu.memory_space<vmem_shared>> -> memref<16x128xf32, #tpu.memory_space<vmem_shared>>
    tpu.enqueue_dma source(%arg8 : memref<16x128xf32, #tpu.memory_space<vmem>>) target(%dma_start3A_56 : memref<16x128xf32, #tpu.memory_space<vmem_shared>>) target_semaphore(%arg12 : memref<!tpu.dma_semaphore, #tpu.memory_space<semaphore_mem>>)
    %mul3A_57 = arith.constant 256 : i32
    %mul3A_58 = arith.muli %arg1, %mul3A_57 : i32
    %add3A_59 = arith.constant 96 : i32
    %add3A_60 = arith.addi %mul3A_58, %add3A_59 : i32
    %dma_start3A_61 = arith.constant 0 : i32
    %dma_start3A_62 = tpu.memref_slice %arg9[%add3A_60, %dma_start3A_61] : memref<4096x128xf32, #tpu.memory_space<vmem_shared>> -> memref<16x128xf32, #tpu.memory_space<vmem_shared>>
    %dma_start3A_63 = arith.constant 0 : i32
    %dma_start3A_64 = tpu.memref_slice %arg9[%add3A_60, %dma_start3A_63] : memref<4096x128xf32, #tpu.memory_space<vmem_shared>> -> memref<16x128xf32, #tpu.memory_space<vmem_shared>>
    tpu.enqueue_dma source(%arg8 : memref<16x128xf32, #tpu.memory_space<vmem>>) target(%dma_start3A_64 : memref<16x128xf32, #tpu.memory_space<vmem_shared>>) target_semaphore(%arg12 : memref<!tpu.dma_semaphore, #tpu.memory_space<semaphore_mem>>)
    %mul3A_65 = arith.constant 256 : i32
    %mul3A_66 = arith.muli %arg1, %mul3A_65 : i32
    %add3A_67 = arith.constant 112 : i32
    %add3A_68 = arith.addi %mul3A_66, %add3A_67 : i32
    %dma_start3A_69 = arith.constant 0 : i32
    %dma_start3A_70 = tpu.memref_slice %arg9[%add3A_68, %dma_start3A_69] : memref<4096x128xf32, #tpu.memory_space<vmem_shared>> -> memref<16x128xf32, #tpu.memory_space<vmem_shared>>
    %dma_start3A_71 = arith.constant 0 : i32
    %dma_start3A_72 = tpu.memref_slice %arg9[%add3A_68, %dma_start3A_71] : memref<4096x128xf32, #tpu.memory_space<vmem_shared>> -> memref<16x128xf32, #tpu.memory_space<vmem_shared>>
    tpu.enqueue_dma source(%arg8 : memref<16x128xf32, #tpu.memory_space<vmem>>) target(%dma_start3A_72 : memref<16x128xf32, #tpu.memory_space<vmem_shared>>) target_semaphore(%arg12 : memref<!tpu.dma_semaphore, #tpu.memory_space<semaphore_mem>>)
    %mul3A_73 = arith.constant 256 : i32
    %mul3A_74 = arith.muli %arg1, %mul3A_73 : i32
    %add3A_75 = arith.constant 128 : i32
    %add3A_76 = arith.addi %mul3A_74, %add3A_75 : i32
    %dma_start3A_77 = arith.constant 0 : i32
    %dma_start3A_78 = tpu.memref_slice %arg9[%add3A_76, %dma_start3A_77] : memref<4096x128xf32, #tpu.memory_space<vmem_shared>> -> memref<16x128xf32, #tpu.memory_space<vmem_shared>>
    %dma_start3A_79 = arith.constant 0 : i32
    %dma_start3A_80 = tpu.memref_slice %arg9[%add3A_76, %dma_start3A_79] : memref<4096x128xf32, #tpu.memory_space<vmem_shared>> -> memref<16x128xf32, #tpu.memory_space<vmem_shared>>
    tpu.enqueue_dma source(%arg8 : memref<16x128xf32, #tpu.memory_space<vmem>>) target(%dma_start3A_80 : memref<16x128xf32, #tpu.memory_space<vmem_shared>>) target_semaphore(%arg12 : memref<!tpu.dma_semaphore, #tpu.memory_space<semaphore_mem>>)
    %mul3A_81 = arith.constant 256 : i32
    %mul3A_82 = arith.muli %arg1, %mul3A_81 : i32
    %add3A_83 = arith.constant 144 : i32
    %add3A_84 = arith.addi %mul3A_82, %add3A_83 : i32
    %dma_start3A_85 = arith.constant 0 : i32
    %dma_start3A_86 = tpu.memref_slice %arg9[%add3A_84, %dma_start3A_85] : memref<4096x128xf32, #tpu.memory_space<vmem_shared>> -> memref<16x128xf32, #tpu.memory_space<vmem_shared>>
    %dma_start3A_87 = arith.constant 0 : i32
    %dma_start3A_88 = tpu.memref_slice %arg9[%add3A_84, %dma_start3A_87] : memref<4096x128xf32, #tpu.memory_space<vmem_shared>> -> memref<16x128xf32, #tpu.memory_space<vmem_shared>>
    tpu.enqueue_dma source(%arg8 : memref<16x128xf32, #tpu.memory_space<vmem>>) target(%dma_start3A_88 : memref<16x128xf32, #tpu.memory_space<vmem_shared>>) target_semaphore(%arg12 : memref<!tpu.dma_semaphore, #tpu.memory_space<semaphore_mem>>)
    %mul3A_89 = arith.constant 256 : i32
    %mul3A_90 = arith.muli %arg1, %mul3A_89 : i32
    %add3A_91 = arith.constant 160 : i32
    %add3A_92 = arith.addi %mul3A_90, %add3A_91 : i32
    %dma_start3A_93 = arith.constant 0 : i32
    %dma_start3A_94 = tpu.memref_slice %arg9[%add3A_92, %dma_start3A_93] : memref<4096x128xf32, #tpu.memory_space<vmem_shared>> -> memref<16x128xf32, #tpu.memory_space<vmem_shared>>
    %dma_start3A_95 = arith.constant 0 : i32
    %dma_start3A_96 = tpu.memref_slice %arg9[%add3A_92, %dma_start3A_95] : memref<4096x128xf32, #tpu.memory_space<vmem_shared>> -> memref<16x128xf32, #tpu.memory_space<vmem_shared>>
    tpu.enqueue_dma source(%arg8 : memref<16x128xf32, #tpu.memory_space<vmem>>) target(%dma_start3A_96 : memref<16x128xf32, #tpu.memory_space<vmem_shared>>) target_semaphore(%arg12 : memref<!tpu.dma_semaphore, #tpu.memory_space<semaphore_mem>>)
    %mul3A_97 = arith.constant 256 : i32
    %mul3A_98 = arith.muli %arg1, %mul3A_97 : i32
    %add3A_99 = arith.constant 176 : i32
    %add3A_100 = arith.addi %mul3A_98, %add3A_99 : i32
    %dma_start3A_101 = arith.constant 0 : i32
    %dma_start3A_102 = tpu.memref_slice %arg9[%add3A_100, %dma_start3A_101] : memref<4096x128xf32, #tpu.memory_space<vmem_shared>> -> memref<16x128xf32, #tpu.memory_space<vmem_shared>>
    %dma_start3A_103 = arith.constant 0 : i32
    %dma_start3A_104 = tpu.memref_slice %arg9[%add3A_100, %dma_start3A_103] : memref<4096x128xf32, #tpu.memory_space<vmem_shared>> -> memref<16x128xf32, #tpu.memory_space<vmem_shared>>
    tpu.enqueue_dma source(%arg8 : memref<16x128xf32, #tpu.memory_space<vmem>>) target(%dma_start3A_104 : memref<16x128xf32, #tpu.memory_space<vmem_shared>>) target_semaphore(%arg12 : memref<!tpu.dma_semaphore, #tpu.memory_space<semaphore_mem>>)
    %mul3A_105 = arith.constant 256 : i32
    %mul3A_106 = arith.muli %arg1, %mul3A_105 : i32
    %add3A_107 = arith.constant 192 : i32
    %add3A_108 = arith.addi %mul3A_106, %add3A_107 : i32
    %dma_start3A_109 = arith.constant 0 : i32
    %dma_start3A_110 = tpu.memref_slice %arg9[%add3A_108, %dma_start3A_109] : memref<4096x128xf32, #tpu.memory_space<vmem_shared>> -> memref<16x128xf32, #tpu.memory_space<vmem_shared>>
    %dma_start3A_111 = arith.constant 0 : i32
    %dma_start3A_112 = tpu.memref_slice %arg9[%add3A_108, %dma_start3A_111] : memref<4096x128xf32, #tpu.memory_space<vmem_shared>> -> memref<16x128xf32, #tpu.memory_space<vmem_shared>>
    tpu.enqueue_dma source(%arg8 : memref<16x128xf32, #tpu.memory_space<vmem>>) target(%dma_start3A_112 : memref<16x128xf32, #tpu.memory_space<vmem_shared>>) target_semaphore(%arg12 : memref<!tpu.dma_semaphore, #tpu.memory_space<semaphore_mem>>)
    %mul3A_113 = arith.constant 256 : i32
    %mul3A_114 = arith.muli %arg1, %mul3A_113 : i32
    %add3A_115 = arith.constant 208 : i32
    %add3A_116 = arith.addi %mul3A_114, %add3A_115 : i32
    %dma_start3A_117 = arith.constant 0 : i32
    %dma_start3A_118 = tpu.memref_slice %arg9[%add3A_116, %dma_start3A_117] : memref<4096x128xf32, #tpu.memory_space<vmem_shared>> -> memref<16x128xf32, #tpu.memory_space<vmem_shared>>
    %dma_start3A_119 = arith.constant 0 : i32
    %dma_start3A_120 = tpu.memref_slice %arg9[%add3A_116, %dma_start3A_119] : memref<4096x128xf32, #tpu.memory_space<vmem_shared>> -> memref<16x128xf32, #tpu.memory_space<vmem_shared>>
    tpu.enqueue_dma source(%arg8 : memref<16x128xf32, #tpu.memory_space<vmem>>) target(%dma_start3A_120 : memref<16x128xf32, #tpu.memory_space<vmem_shared>>) target_semaphore(%arg12 : memref<!tpu.dma_semaphore, #tpu.memory_space<semaphore_mem>>)
    %mul3A_121 = arith.constant 256 : i32
    %mul3A_122 = arith.muli %arg1, %mul3A_121 : i32
    %add3A_123 = arith.constant 224 : i32
    %add3A_124 = arith.addi %mul3A_122, %add3A_123 : i32
    %dma_start3A_125 = arith.constant 0 : i32
    %dma_start3A_126 = tpu.memref_slice %arg9[%add3A_124, %dma_start3A_125] : memref<4096x128xf32, #tpu.memory_space<vmem_shared>> -> memref<16x128xf32, #tpu.memory_space<vmem_shared>>
    %dma_start3A_127 = arith.constant 0 : i32
    %dma_start3A_128 = tpu.memref_slice %arg9[%add3A_124, %dma_start3A_127] : memref<4096x128xf32, #tpu.memory_space<vmem_shared>> -> memref<16x128xf32, #tpu.memory_space<vmem_shared>>
    tpu.enqueue_dma source(%arg8 : memref<16x128xf32, #tpu.memory_space<vmem>>) target(%dma_start3A_128 : memref<16x128xf32, #tpu.memory_space<vmem_shared>>) target_semaphore(%arg12 : memref<!tpu.dma_semaphore, #tpu.memory_space<semaphore_mem>>)
    %mul3A_129 = arith.constant 256 : i32
    %mul3A_130 = arith.muli %arg1, %mul3A_129 : i32
    %add3A_131 = arith.constant 240 : i32
    %add3A_132 = arith.addi %mul3A_130, %add3A_131 : i32
    %dma_start3A_133 = arith.constant 0 : i32
    %dma_start3A_134 = tpu.memref_slice %arg9[%add3A_132, %dma_start3A_133] : memref<4096x128xf32, #tpu.memory_space<vmem_shared>> -> memref<16x128xf32, #tpu.memory_space<vmem_shared>>
    %dma_start3A_135 = arith.constant 0 : i32
    %dma_start3A_136 = tpu.memref_slice %arg9[%add3A_132, %dma_start3A_135] : memref<4096x128xf32, #tpu.memory_space<vmem_shared>> -> memref<16x128xf32, #tpu.memory_space<vmem_shared>>
    tpu.enqueue_dma source(%arg8 : memref<16x128xf32, #tpu.memory_space<vmem>>) target(%dma_start3A_136 : memref<16x128xf32, #tpu.memory_space<vmem_shared>>) target_semaphore(%arg12 : memref<!tpu.dma_semaphore, #tpu.memory_space<semaphore_mem>>)
    %mul3A_137 = arith.constant 8 : i32
    %mul3A_138 = arith.muli %add3A, %mul3A_137 : i32
    %dma_start3A_139 = arith.constant 0 : i32
    %dma_start3A_140 = tpu.memref_slice %arg3[%mul3A_138, %dma_start3A_139] : memref<256x128xi32, #tpu.memory_space<hbm>> -> memref<8x128xi32, #tpu.memory_space<hbm>>
    %dma_start3A_141 = arith.constant 0 : i32
    %dma_start3A_142 = tpu.memref_slice %arg3[%mul3A_138, %dma_start3A_141] : memref<256x128xi32, #tpu.memory_space<hbm>> -> memref<8x128xi32, #tpu.memory_space<hbm>>
    tpu.enqueue_dma source(%dma_start3A_142 : memref<8x128xi32, #tpu.memory_space<hbm>>) target(%arg7 : memref<8x128xi32, #tpu.memory_space<vmem>>) target_semaphore(%arg13 : memref<!tpu.dma_semaphore, #tpu.memory_space<semaphore_mem>>)
    %add3A_143 = arith.constant 0 : i32
    %add3A_144 = arith.addi %mul3A_2, %add3A_143 : i32
    %dma_start3A_145 = arith.constant 0 : i32
    %dma_start3A_146 = tpu.memref_slice %arg2[%add3A_144, %dma_start3A_145] : memref<32768x128xf32, #tpu.memory_space<hbm>> -> memref<256x128xf32, #tpu.memory_space<hbm>>
    %dma_start3A_147 = arith.constant 0 : i32
    %dma_start3A_148 = tpu.memref_slice %arg2[%add3A_144, %dma_start3A_147] : memref<32768x128xf32, #tpu.memory_space<hbm>> -> memref<256x128xf32, #tpu.memory_space<hbm>>
    tpu.enqueue_dma source(%dma_start3A_148 : memref<256x128xf32, #tpu.memory_space<hbm>>) target(%arg5 : memref<256x128xf32, #tpu.memory_space<vmem>>) target_semaphore(%arg10 : memref<!tpu.dma_semaphore, #tpu.memory_space<semaphore_mem>>)
    %add3A_149 = arith.constant 256 : i32
    %add3A_150 = arith.addi %mul3A_2, %add3A_149 : i32
    %dma_start3A_151 = arith.constant 0 : i32
    %dma_start3A_152 = tpu.memref_slice %arg2[%add3A_150, %dma_start3A_151] : memref<32768x128xf32, #tpu.memory_space<hbm>> -> memref<256x128xf32, #tpu.memory_space<hbm>>
    %dma_start3A_153 = arith.constant 0 : i32
    %dma_start3A_154 = tpu.memref_slice %arg2[%add3A_150, %dma_start3A_153] : memref<32768x128xf32, #tpu.memory_space<hbm>> -> memref<256x128xf32, #tpu.memory_space<hbm>>
    tpu.enqueue_dma source(%dma_start3A_154 : memref<256x128xf32, #tpu.memory_space<hbm>>) target(%arg6 : memref<256x128xf32, #tpu.memory_space<vmem>>) target_semaphore(%arg11 : memref<!tpu.dma_semaphore, #tpu.memory_space<semaphore_mem>>)
    %dma_wait3A = arith.constant 0 : i32
    %dma_wait3A_155 = tpu.memref_slice %arg9[%add3A_13, %dma_wait3A] : memref<4096x128xf32, #tpu.memory_space<vmem_shared>> -> memref<16x128xf32, #tpu.memory_space<vmem_shared>>
    %dma_wait3A_156 = arith.constant 0 : i32
    %dma_wait3A_157 = tpu.memref_slice %arg9[%add3A_13, %dma_wait3A_156] : memref<4096x128xf32, #tpu.memory_space<vmem_shared>> -> memref<16x128xf32, #tpu.memory_space<vmem_shared>>
    tpu.wait_dma2 semaphore(%arg12 : memref<!tpu.dma_semaphore, #tpu.memory_space<semaphore_mem>>) src(%arg8 : memref<16x128xf32, #tpu.memory_space<vmem>>) dst(%dma_wait3A_157 : memref<16x128xf32, #tpu.memory_space<vmem_shared>>)
    %dma_wait3A_158 = arith.constant 0 : i32
    %dma_wait3A_159 = tpu.memref_slice %arg9[%add3A_20, %dma_wait3A_158] : memref<4096x128xf32, #tpu.memory_space<vmem_shared>> -> memref<16x128xf32, #tpu.memory_space<vmem_shared>>
    %dma_wait3A_160 = arith.constant 0 : i32
    %dma_wait3A_161 = tpu.memref_slice %arg9[%add3A_20, %dma_wait3A_160] : memref<4096x128xf32, #tpu.memory_space<vmem_shared>> -> memref<16x128xf32, #tpu.memory_space<vmem_shared>>
    tpu.wait_dma2 semaphore(%arg12 : memref<!tpu.dma_semaphore, #tpu.memory_space<semaphore_mem>>) src(%arg8 : memref<16x128xf32, #tpu.memory_space<vmem>>) dst(%dma_wait3A_161 : memref<16x128xf32, #tpu.memory_space<vmem_shared>>)
    %dma_wait3A_162 = arith.constant 0 : i32
    %dma_wait3A_163 = tpu.memref_slice %arg9[%add3A_28, %dma_wait3A_162] : memref<4096x128xf32, #tpu.memory_space<vmem_shared>> -> memref<16x128xf32, #tpu.memory_space<vmem_shared>>
    %dma_wait3A_164 = arith.constant 0 : i32
    %dma_wait3A_165 = tpu.memref_slice %arg9[%add3A_28, %dma_wait3A_164] : memref<4096x128xf32, #tpu.memory_space<vmem_shared>> -> memref<16x128xf32, #tpu.memory_space<vmem_shared>>
    tpu.wait_dma2 semaphore(%arg12 : memref<!tpu.dma_semaphore, #tpu.memory_space<semaphore_mem>>) src(%arg8 : memref<16x128xf32, #tpu.memory_space<vmem>>) dst(%dma_wait3A_165 : memref<16x128xf32, #tpu.memory_space<vmem_shared>>)
    %dma_wait3A_166 = arith.constant 0 : i32
    %dma_wait3A_167 = tpu.memref_slice %arg9[%add3A_36, %dma_wait3A_166] : memref<4096x128xf32, #tpu.memory_space<vmem_shared>> -> memref<16x128xf32, #tpu.memory_space<vmem_shared>>
    %dma_wait3A_168 = arith.constant 0 : i32
    %dma_wait3A_169 = tpu.memref_slice %arg9[%add3A_36, %dma_wait3A_168] : memref<4096x128xf32, #tpu.memory_space<vmem_shared>> -> memref<16x128xf32, #tpu.memory_space<vmem_shared>>
    tpu.wait_dma2 semaphore(%arg12 : memref<!tpu.dma_semaphore, #tpu.memory_space<semaphore_mem>>) src(%arg8 : memref<16x128xf32, #tpu.memory_space<vmem>>) dst(%dma_wait3A_169 : memref<16x128xf32, #tpu.memory_space<vmem_shared>>)
    %dma_wait3A_170 = arith.constant 0 : i32
    %dma_wait3A_171 = tpu.memref_slice %arg9[%add3A_44, %dma_wait3A_170] : memref<4096x128xf32, #tpu.memory_space<vmem_shared>> -> memref<16x128xf32, #tpu.memory_space<vmem_shared>>
    %dma_wait3A_172 = arith.constant 0 : i32
    %dma_wait3A_173 = tpu.memref_slice %arg9[%add3A_44, %dma_wait3A_172] : memref<4096x128xf32, #tpu.memory_space<vmem_shared>> -> memref<16x128xf32, #tpu.memory_space<vmem_shared>>
    tpu.wait_dma2 semaphore(%arg12 : memref<!tpu.dma_semaphore, #tpu.memory_space<semaphore_mem>>) src(%arg8 : memref<16x128xf32, #tpu.memory_space<vmem>>) dst(%dma_wait3A_173 : memref<16x128xf32, #tpu.memory_space<vmem_shared>>)
    %dma_wait3A_174 = arith.constant 0 : i32
    %dma_wait3A_175 = tpu.memref_slice %arg9[%add3A_52, %dma_wait3A_174] : memref<4096x128xf32, #tpu.memory_space<vmem_shared>> -> memref<16x128xf32, #tpu.memory_space<vmem_shared>>
    %dma_wait3A_176 = arith.constant 0 : i32
    %dma_wait3A_177 = tpu.memref_slice %arg9[%add3A_52, %dma_wait3A_176] : memref<4096x128xf32, #tpu.memory_space<vmem_shared>> -> memref<16x128xf32, #tpu.memory_space<vmem_shared>>
    tpu.wait_dma2 semaphore(%arg12 : memref<!tpu.dma_semaphore, #tpu.memory_space<semaphore_mem>>) src(%arg8 : memref<16x128xf32, #tpu.memory_space<vmem>>) dst(%dma_wait3A_177 : memref<16x128xf32, #tpu.memory_space<vmem_shared>>)
    %dma_wait3A_178 = arith.constant 0 : i32
    %dma_wait3A_179 = tpu.memref_slice %arg9[%add3A_60, %dma_wait3A_178] : memref<4096x128xf32, #tpu.memory_space<vmem_shared>> -> memref<16x128xf32, #tpu.memory_space<vmem_shared>>
    %dma_wait3A_180 = arith.constant 0 : i32
    %dma_wait3A_181 = tpu.memref_slice %arg9[%add3A_60, %dma_wait3A_180] : memref<4096x128xf32, #tpu.memory_space<vmem_shared>> -> memref<16x128xf32, #tpu.memory_space<vmem_shared>>
    tpu.wait_dma2 semaphore(%arg12 : memref<!tpu.dma_semaphore, #tpu.memory_space<semaphore_mem>>) src(%arg8 : memref<16x128xf32, #tpu.memory_space<vmem>>) dst(%dma_wait3A_181 : memref<16x128xf32, #tpu.memory_space<vmem_shared>>)
    %dma_wait3A_182 = arith.constant 0 : i32
    %dma_wait3A_183 = tpu.memref_slice %arg9[%add3A_68, %dma_wait3A_182] : memref<4096x128xf32, #tpu.memory_space<vmem_shared>> -> memref<16x128xf32, #tpu.memory_space<vmem_shared>>
    %dma_wait3A_184 = arith.constant 0 : i32
    %dma_wait3A_185 = tpu.memref_slice %arg9[%add3A_68, %dma_wait3A_184] : memref<4096x128xf32, #tpu.memory_space<vmem_shared>> -> memref<16x128xf32, #tpu.memory_space<vmem_shared>>
    tpu.wait_dma2 semaphore(%arg12 : memref<!tpu.dma_semaphore, #tpu.memory_space<semaphore_mem>>) src(%arg8 : memref<16x128xf32, #tpu.memory_space<vmem>>) dst(%dma_wait3A_185 : memref<16x128xf32, #tpu.memory_space<vmem_shared>>)
    %dma_wait3A_186 = arith.constant 0 : i32
    %dma_wait3A_187 = tpu.memref_slice %arg9[%add3A_76, %dma_wait3A_186] : memref<4096x128xf32, #tpu.memory_space<vmem_shared>> -> memref<16x128xf32, #tpu.memory_space<vmem_shared>>
    %dma_wait3A_188 = arith.constant 0 : i32
    %dma_wait3A_189 = tpu.memref_slice %arg9[%add3A_76, %dma_wait3A_188] : memref<4096x128xf32, #tpu.memory_space<vmem_shared>> -> memref<16x128xf32, #tpu.memory_space<vmem_shared>>
    tpu.wait_dma2 semaphore(%arg12 : memref<!tpu.dma_semaphore, #tpu.memory_space<semaphore_mem>>) src(%arg8 : memref<16x128xf32, #tpu.memory_space<vmem>>) dst(%dma_wait3A_189 : memref<16x128xf32, #tpu.memory_space<vmem_shared>>)
    %dma_wait3A_190 = arith.constant 0 : i32
    %dma_wait3A_191 = tpu.memref_slice %arg9[%add3A_84, %dma_wait3A_190] : memref<4096x128xf32, #tpu.memory_space<vmem_shared>> -> memref<16x128xf32, #tpu.memory_space<vmem_shared>>
    %dma_wait3A_192 = arith.constant 0 : i32
    %dma_wait3A_193 = tpu.memref_slice %arg9[%add3A_84, %dma_wait3A_192] : memref<4096x128xf32, #tpu.memory_space<vmem_shared>> -> memref<16x128xf32, #tpu.memory_space<vmem_shared>>
    tpu.wait_dma2 semaphore(%arg12 : memref<!tpu.dma_semaphore, #tpu.memory_space<semaphore_mem>>) src(%arg8 : memref<16x128xf32, #tpu.memory_space<vmem>>) dst(%dma_wait3A_193 : memref<16x128xf32, #tpu.memory_space<vmem_shared>>)
    %dma_wait3A_194 = arith.constant 0 : i32
    %dma_wait3A_195 = tpu.memref_slice %arg9[%add3A_92, %dma_wait3A_194] : memref<4096x128xf32, #tpu.memory_space<vmem_shared>> -> memref<16x128xf32, #tpu.memory_space<vmem_shared>>
    %dma_wait3A_196 = arith.constant 0 : i32
    %dma_wait3A_197 = tpu.memref_slice %arg9[%add3A_92, %dma_wait3A_196] : memref<4096x128xf32, #tpu.memory_space<vmem_shared>> -> memref<16x128xf32, #tpu.memory_space<vmem_shared>>
    tpu.wait_dma2 semaphore(%arg12 : memref<!tpu.dma_semaphore, #tpu.memory_space<semaphore_mem>>) src(%arg8 : memref<16x128xf32, #tpu.memory_space<vmem>>) dst(%dma_wait3A_197 : memref<16x128xf32, #tpu.memory_space<vmem_shared>>)
    %dma_wait3A_198 = arith.constant 0 : i32
    %dma_wait3A_199 = tpu.memref_slice %arg9[%add3A_100, %dma_wait3A_198] : memref<4096x128xf32, #tpu.memory_space<vmem_shared>> -> memref<16x128xf32, #tpu.memory_space<vmem_shared>>
    %dma_wait3A_200 = arith.constant 0 : i32
    %dma_wait3A_201 = tpu.memref_slice %arg9[%add3A_100, %dma_wait3A_200] : memref<4096x128xf32, #tpu.memory_space<vmem_shared>> -> memref<16x128xf32, #tpu.memory_space<vmem_shared>>
    tpu.wait_dma2 semaphore(%arg12 : memref<!tpu.dma_semaphore, #tpu.memory_space<semaphore_mem>>) src(%arg8 : memref<16x128xf32, #tpu.memory_space<vmem>>) dst(%dma_wait3A_201 : memref<16x128xf32, #tpu.memory_space<vmem_shared>>)
    %dma_wait3A_202 = arith.constant 0 : i32
    %dma_wait3A_203 = tpu.memref_slice %arg9[%add3A_108, %dma_wait3A_202] : memref<4096x128xf32, #tpu.memory_space<vmem_shared>> -> memref<16x128xf32, #tpu.memory_space<vmem_shared>>
    %dma_wait3A_204 = arith.constant 0 : i32
    %dma_wait3A_205 = tpu.memref_slice %arg9[%add3A_108, %dma_wait3A_204] : memref<4096x128xf32, #tpu.memory_space<vmem_shared>> -> memref<16x128xf32, #tpu.memory_space<vmem_shared>>
    tpu.wait_dma2 semaphore(%arg12 : memref<!tpu.dma_semaphore, #tpu.memory_space<semaphore_mem>>) src(%arg8 : memref<16x128xf32, #tpu.memory_space<vmem>>) dst(%dma_wait3A_205 : memref<16x128xf32, #tpu.memory_space<vmem_shared>>)
    %dma_wait3A_206 = arith.constant 0 : i32
    %dma_wait3A_207 = tpu.memref_slice %arg9[%add3A_116, %dma_wait3A_206] : memref<4096x128xf32, #tpu.memory_space<vmem_shared>> -> memref<16x128xf32, #tpu.memory_space<vmem_shared>>
    %dma_wait3A_208 = arith.constant 0 : i32
    %dma_wait3A_209 = tpu.memref_slice %arg9[%add3A_116, %dma_wait3A_208] : memref<4096x128xf32, #tpu.memory_space<vmem_shared>> -> memref<16x128xf32, #tpu.memory_space<vmem_shared>>
    tpu.wait_dma2 semaphore(%arg12 : memref<!tpu.dma_semaphore, #tpu.memory_space<semaphore_mem>>) src(%arg8 : memref<16x128xf32, #tpu.memory_space<vmem>>) dst(%dma_wait3A_209 : memref<16x128xf32, #tpu.memory_space<vmem_shared>>)
    %dma_wait3A_210 = arith.constant 0 : i32
    %dma_wait3A_211 = tpu.memref_slice %arg9[%add3A_124, %dma_wait3A_210] : memref<4096x128xf32, #tpu.memory_space<vmem_shared>> -> memref<16x128xf32, #tpu.memory_space<vmem_shared>>
    %dma_wait3A_212 = arith.constant 0 : i32
    %dma_wait3A_213 = tpu.memref_slice %arg9[%add3A_124, %dma_wait3A_212] : memref<4096x128xf32, #tpu.memory_space<vmem_shared>> -> memref<16x128xf32, #tpu.memory_space<vmem_shared>>
    tpu.wait_dma2 semaphore(%arg12 : memref<!tpu.dma_semaphore, #tpu.memory_space<semaphore_mem>>) src(%arg8 : memref<16x128xf32, #tpu.memory_space<vmem>>) dst(%dma_wait3A_213 : memref<16x128xf32, #tpu.memory_space<vmem_shared>>)
    %dma_wait3A_214 = arith.constant 0 : i32
    %dma_wait3A_215 = tpu.memref_slice %arg9[%add3A_132, %dma_wait3A_214] : memref<4096x128xf32, #tpu.memory_space<vmem_shared>> -> memref<16x128xf32, #tpu.memory_space<vmem_shared>>
    %dma_wait3A_216 = arith.constant 0 : i32
    %dma_wait3A_217 = tpu.memref_slice %arg9[%add3A_132, %dma_wait3A_216] : memref<4096x128xf32, #tpu.memory_space<vmem_shared>> -> memref<16x128xf32, #tpu.memory_space<vmem_shared>>
    tpu.wait_dma2 semaphore(%arg12 : memref<!tpu.dma_semaphore, #tpu.memory_space<semaphore_mem>>) src(%arg8 : memref<16x128xf32, #tpu.memory_space<vmem>>) dst(%dma_wait3A_217 : memref<16x128xf32, #tpu.memory_space<vmem_shared>>)
    %dma_wait3A_218 = arith.constant 0 : i32
    %dma_wait3A_219 = tpu.memref_slice %arg3[%mul3A_138, %dma_wait3A_218] : memref<256x128xi32, #tpu.memory_space<hbm>> -> memref<8x128xi32, #tpu.memory_space<hbm>>
    %dma_wait3A_220 = arith.constant 0 : i32
    %dma_wait3A_221 = tpu.memref_slice %arg3[%mul3A_138, %dma_wait3A_220] : memref<256x128xi32, #tpu.memory_space<hbm>> -> memref<8x128xi32, #tpu.memory_space<hbm>>
    tpu.wait_dma2 semaphore(%arg13 : memref<!tpu.dma_semaphore, #tpu.memory_space<semaphore_mem>>) src(%dma_wait3A_221 : memref<8x128xi32, #tpu.memory_space<hbm>>) dst(%arg7 : memref<8x128xi32, #tpu.memory_space<vmem>>)
    %barrier3A = arith.constant 0 : index
    tpu.barrier barrier_id(%barrier3A)
    %dma_wait3A_222 = arith.constant 0 : i32
    %dma_wait3A_223 = tpu.memref_slice %arg2[%add3A_144, %dma_wait3A_222] : memref<32768x128xf32, #tpu.memory_space<hbm>> -> memref<256x128xf32, #tpu.memory_space<hbm>>
    %dma_wait3A_224 = arith.constant 0 : i32
    %dma_wait3A_225 = tpu.memref_slice %arg2[%add3A_144, %dma_wait3A_224] : memref<32768x128xf32, #tpu.memory_space<hbm>> -> memref<256x128xf32, #tpu.memory_space<hbm>>
    tpu.wait_dma2 semaphore(%arg10 : memref<!tpu.dma_semaphore, #tpu.memory_space<semaphore_mem>>) src(%dma_wait3A_225 : memref<256x128xf32, #tpu.memory_space<hbm>>) dst(%arg5 : memref<256x128xf32, #tpu.memory_space<vmem>>)
    %dma_start3A_226 = arith.constant 0 : i32
    %dma_start3A_227 = arith.constant 0 : i32
    %dma_start3A_228 = arith.constant 0 : i32
    %dma_start3A_229 = tpu.memref_slice %arg5[%dma_start3A_227, %dma_start3A_228] : memref<256x128xf32, #tpu.memory_space<vmem>> -> memref<128x128xf32, #tpu.memory_space<vmem>>
    %dma_start3A_230 = arith.constant 0 : i32
    %dma_start3A_231 = tpu.memref_slice %arg7[%dma_start3A_226, %dma_start3A_230] : memref<8x128xi32, #tpu.memory_space<vmem>> -> memref<1x128xi32, #tpu.memory_space<vmem>>
    %dma_start3A_232 = tpu.memref_squeeze %dma_start3A_231 : memref<1x128xi32, #tpu.memory_space<vmem>> -> memref<128xi32, #tpu.memory_space<vmem>>
    %dma_start3A_233 = arith.constant 0 : i32
    %dma_start3A_234 = arith.constant 0 : i32
    %dma_start3A_235 = tpu.memref_slice %arg9[%dma_start3A_233, %dma_start3A_234] : memref<4096x128xf32, #tpu.memory_space<vmem_shared>> -> memref<4096x128xf32, #tpu.memory_space<vmem_shared>>
    tpu.enqueue_indirect_dma source(%dma_start3A_229 : memref<128x128xf32, #tpu.memory_space<vmem>>) target(%dma_start3A_235 : memref<4096x128xf32, #tpu.memory_space<vmem_shared>>) offsets(%dma_start3A_232 : memref<128xi32, #tpu.memory_space<vmem>>) semaphore(%arg12 : memref<!tpu.dma_semaphore, #tpu.memory_space<semaphore_mem>>) {add = true}
    %dma_start3A_236 = arith.constant 1 : i32
    %dma_start3A_237 = arith.constant 128 : i32
    %dma_start3A_238 = arith.constant 0 : i32
    %dma_start3A_239 = tpu.memref_slice %arg5[%dma_start3A_237, %dma_start3A_238] : memref<256x128xf32, #tpu.memory_space<vmem>> -> memref<128x128xf32, #tpu.memory_space<vmem>>
    %dma_start3A_240 = arith.constant 0 : i32
    %dma_start3A_241 = tpu.memref_slice %arg7[%dma_start3A_236, %dma_start3A_240] : memref<8x128xi32, #tpu.memory_space<vmem>> -> memref<1x128xi32, #tpu.memory_space<vmem>>
    %dma_start3A_242 = tpu.memref_squeeze %dma_start3A_241 : memref<1x128xi32, #tpu.memory_space<vmem>> -> memref<128xi32, #tpu.memory_space<vmem>>
    %dma_start3A_243 = arith.constant 0 : i32
    %dma_start3A_244 = arith.constant 0 : i32
    %dma_start3A_245 = tpu.memref_slice %arg9[%dma_start3A_243, %dma_start3A_244] : memref<4096x128xf32, #tpu.memory_space<vmem_shared>> -> memref<4096x128xf32, #tpu.memory_space<vmem_shared>>
    tpu.enqueue_indirect_dma source(%dma_start3A_239 : memref<128x128xf32, #tpu.memory_space<vmem>>) target(%dma_start3A_245 : memref<4096x128xf32, #tpu.memory_space<vmem_shared>>) offsets(%dma_start3A_242 : memref<128xi32, #tpu.memory_space<vmem>>) semaphore(%arg12 : memref<!tpu.dma_semaphore, #tpu.memory_space<semaphore_mem>>) {add = true}
    %dma_wait3A_246 = arith.constant 0 : i32
    %dma_wait3A_247 = arith.constant 0 : i32
    %dma_wait3A_248 = arith.constant 0 : i32
    %dma_wait3A_249 = tpu.memref_slice %arg5[%dma_wait3A_247, %dma_wait3A_248] : memref<256x128xf32, #tpu.memory_space<vmem>> -> memref<128x128xf32, #tpu.memory_space<vmem>>
    %dma_wait3A_250 = arith.constant 0 : i32
    %dma_wait3A_251 = tpu.memref_slice %arg7[%dma_wait3A_246, %dma_wait3A_250] : memref<8x128xi32, #tpu.memory_space<vmem>> -> memref<1x128xi32, #tpu.memory_space<vmem>>
    %dma_wait3A_252 = tpu.memref_squeeze %dma_wait3A_251 : memref<1x128xi32, #tpu.memory_space<vmem>> -> memref<128xi32, #tpu.memory_space<vmem>>
    %dma_wait3A_253 = arith.constant 0 : i32
    %dma_wait3A_254 = arith.constant 0 : i32
    %dma_wait3A_255 = tpu.memref_slice %arg9[%dma_wait3A_253, %dma_wait3A_254] : memref<4096x128xf32, #tpu.memory_space<vmem_shared>> -> memref<4096x128xf32, #tpu.memory_space<vmem_shared>>
    tpu.wait_indirect_dma semaphore(%arg12 : memref<!tpu.dma_semaphore, #tpu.memory_space<semaphore_mem>>) src(%dma_wait3A_249 : memref<128x128xf32, #tpu.memory_space<vmem>>) dst(%dma_wait3A_255 : memref<4096x128xf32, #tpu.memory_space<vmem_shared>>)
    %dma_wait3A_256 = arith.constant 1 : i32
    %dma_wait3A_257 = arith.constant 128 : i32
    %dma_wait3A_258 = arith.constant 0 : i32
    %dma_wait3A_259 = tpu.memref_slice %arg5[%dma_wait3A_257, %dma_wait3A_258] : memref<256x128xf32, #tpu.memory_space<vmem>> -> memref<128x128xf32, #tpu.memory_space<vmem>>
    %dma_wait3A_260 = arith.constant 0 : i32
    %dma_wait3A_261 = tpu.memref_slice %arg7[%dma_wait3A_256, %dma_wait3A_260] : memref<8x128xi32, #tpu.memory_space<vmem>> -> memref<1x128xi32, #tpu.memory_space<vmem>>
    %dma_wait3A_262 = tpu.memref_squeeze %dma_wait3A_261 : memref<1x128xi32, #tpu.memory_space<vmem>> -> memref<128xi32, #tpu.memory_space<vmem>>
    %dma_wait3A_263 = arith.constant 0 : i32
    %dma_wait3A_264 = arith.constant 0 : i32
    %dma_wait3A_265 = tpu.memref_slice %arg9[%dma_wait3A_263, %dma_wait3A_264] : memref<4096x128xf32, #tpu.memory_space<vmem_shared>> -> memref<4096x128xf32, #tpu.memory_space<vmem_shared>>
    tpu.wait_indirect_dma semaphore(%arg12 : memref<!tpu.dma_semaphore, #tpu.memory_space<semaphore_mem>>) src(%dma_wait3A_259 : memref<128x128xf32, #tpu.memory_space<vmem>>) dst(%dma_wait3A_265 : memref<4096x128xf32, #tpu.memory_space<vmem_shared>>)
    %add3A_266 = arith.constant 512 : i32
    %add3A_267 = arith.addi %mul3A_2, %add3A_266 : i32
    %dma_start3A_268 = arith.constant 0 : i32
    %dma_start3A_269 = tpu.memref_slice %arg2[%add3A_267, %dma_start3A_268] : memref<32768x128xf32, #tpu.memory_space<hbm>> -> memref<256x128xf32, #tpu.memory_space<hbm>>
    %dma_start3A_270 = arith.constant 0 : i32
    %dma_start3A_271 = tpu.memref_slice %arg2[%add3A_267, %dma_start3A_270] : memref<32768x128xf32, #tpu.memory_space<hbm>> -> memref<256x128xf32, #tpu.memory_space<hbm>>
    tpu.enqueue_dma source(%dma_start3A_271 : memref<256x128xf32, #tpu.memory_space<hbm>>) target(%arg5 : memref<256x128xf32, #tpu.memory_space<vmem>>) target_semaphore(%arg10 : memref<!tpu.dma_semaphore, #tpu.memory_space<semaphore_mem>>)
    %dma_wait3A_272 = arith.constant 0 : i32
    %dma_wait3A_273 = tpu.memref_slice %arg2[%add3A_150, %dma_wait3A_272] : memref<32768x128xf32, #tpu.memory_space<hbm>> -> memref<256x128xf32, #tpu.memory_space<hbm>>
    %dma_wait3A_274 = arith.constant 0 : i32
    %dma_wait3A_275 = tpu.memref_slice %arg2[%add3A_150, %dma_wait3A_274] : memref<32768x128xf32, #tpu.memory_space<hbm>> -> memref<256x128xf32, #tpu.memory_space<hbm>>
    tpu.wait_dma2 semaphore(%arg11 : memref<!tpu.dma_semaphore, #tpu.memory_space<semaphore_mem>>) src(%dma_wait3A_275 : memref<256x128xf32, #tpu.memory_space<hbm>>) dst(%arg6 : memref<256x128xf32, #tpu.memory_space<vmem>>)
    %dma_start3A_276 = arith.constant 2 : i32
    %dma_start3A_277 = arith.constant 0 : i32
    %dma_start3A_278 = arith.constant 0 : i32
    %dma_start3A_279 = tpu.memref_slice %arg6[%dma_start3A_277, %dma_start3A_278] : memref<256x128xf32, #tpu.memory_space<vmem>> -> memref<128x128xf32, #tpu.memory_space<vmem>>
    %dma_start3A_280 = arith.constant 0 : i32
    %dma_start3A_281 = tpu.memref_slice %arg7[%dma_start3A_276, %dma_start3A_280] : memref<8x128xi32, #tpu.memory_space<vmem>> -> memref<1x128xi32, #tpu.memory_space<vmem>>
    %dma_start3A_282 = tpu.memref_squeeze %dma_start3A_281 : memref<1x128xi32, #tpu.memory_space<vmem>> -> memref<128xi32, #tpu.memory_space<vmem>>
    %dma_start3A_283 = arith.constant 0 : i32
    %dma_start3A_284 = arith.constant 0 : i32
    %dma_start3A_285 = tpu.memref_slice %arg9[%dma_start3A_283, %dma_start3A_284] : memref<4096x128xf32, #tpu.memory_space<vmem_shared>> -> memref<4096x128xf32, #tpu.memory_space<vmem_shared>>
    tpu.enqueue_indirect_dma source(%dma_start3A_279 : memref<128x128xf32, #tpu.memory_space<vmem>>) target(%dma_start3A_285 : memref<4096x128xf32, #tpu.memory_space<vmem_shared>>) offsets(%dma_start3A_282 : memref<128xi32, #tpu.memory_space<vmem>>) semaphore(%arg13 : memref<!tpu.dma_semaphore, #tpu.memory_space<semaphore_mem>>) {add = true}
    %dma_start3A_286 = arith.constant 3 : i32
    %dma_start3A_287 = arith.constant 128 : i32
    %dma_start3A_288 = arith.constant 0 : i32
    %dma_start3A_289 = tpu.memref_slice %arg6[%dma_start3A_287, %dma_start3A_288] : memref<256x128xf32, #tpu.memory_space<vmem>> -> memref<128x128xf32, #tpu.memory_space<vmem>>
    %dma_start3A_290 = arith.constant 0 : i32
    %dma_start3A_291 = tpu.memref_slice %arg7[%dma_start3A_286, %dma_start3A_290] : memref<8x128xi32, #tpu.memory_space<vmem>> -> memref<1x128xi32, #tpu.memory_space<vmem>>
    %dma_start3A_292 = tpu.memref_squeeze %dma_start3A_291 : memref<1x128xi32, #tpu.memory_space<vmem>> -> memref<128xi32, #tpu.memory_space<vmem>>
    %dma_start3A_293 = arith.constant 0 : i32
    %dma_start3A_294 = arith.constant 0 : i32
    %dma_start3A_295 = tpu.memref_slice %arg9[%dma_start3A_293, %dma_start3A_294] : memref<4096x128xf32, #tpu.memory_space<vmem_shared>> -> memref<4096x128xf32, #tpu.memory_space<vmem_shared>>
    tpu.enqueue_indirect_dma source(%dma_start3A_289 : memref<128x128xf32, #tpu.memory_space<vmem>>) target(%dma_start3A_295 : memref<4096x128xf32, #tpu.memory_space<vmem_shared>>) offsets(%dma_start3A_292 : memref<128xi32, #tpu.memory_space<vmem>>) semaphore(%arg13 : memref<!tpu.dma_semaphore, #tpu.memory_space<semaphore_mem>>) {add = true}
    %dma_wait3A_296 = arith.constant 2 : i32
    %dma_wait3A_297 = arith.constant 0 : i32
    %dma_wait3A_298 = arith.constant 0 : i32
    %dma_wait3A_299 = tpu.memref_slice %arg6[%dma_wait3A_297, %dma_wait3A_298] : memref<256x128xf32, #tpu.memory_space<vmem>> -> memref<128x128xf32, #tpu.memory_space<vmem>>
    %dma_wait3A_300 = arith.constant 0 : i32
    %dma_wait3A_301 = tpu.memref_slice %arg7[%dma_wait3A_296, %dma_wait3A_300] : memref<8x128xi32, #tpu.memory_space<vmem>> -> memref<1x128xi32, #tpu.memory_space<vmem>>
    %dma_wait3A_302 = tpu.memref_squeeze %dma_wait3A_301 : memref<1x128xi32, #tpu.memory_space<vmem>> -> memref<128xi32, #tpu.memory_space<vmem>>
    %dma_wait3A_303 = arith.constant 0 : i32
    %dma_wait3A_304 = arith.constant 0 : i32
    %dma_wait3A_305 = tpu.memref_slice %arg9[%dma_wait3A_303, %dma_wait3A_304] : memref<4096x128xf32, #tpu.memory_space<vmem_shared>> -> memref<4096x128xf32, #tpu.memory_space<vmem_shared>>
    tpu.wait_indirect_dma semaphore(%arg13 : memref<!tpu.dma_semaphore, #tpu.memory_space<semaphore_mem>>) src(%dma_wait3A_299 : memref<128x128xf32, #tpu.memory_space<vmem>>) dst(%dma_wait3A_305 : memref<4096x128xf32, #tpu.memory_space<vmem_shared>>)
    %dma_wait3A_306 = arith.constant 3 : i32
    %dma_wait3A_307 = arith.constant 128 : i32
    %dma_wait3A_308 = arith.constant 0 : i32
    %dma_wait3A_309 = tpu.memref_slice %arg6[%dma_wait3A_307, %dma_wait3A_308] : memref<256x128xf32, #tpu.memory_space<vmem>> -> memref<128x128xf32, #tpu.memory_space<vmem>>
    %dma_wait3A_310 = arith.constant 0 : i32
    %dma_wait3A_311 = tpu.memref_slice %arg7[%dma_wait3A_306, %dma_wait3A_310] : memref<8x128xi32, #tpu.memory_space<vmem>> -> memref<1x128xi32, #tpu.memory_space<vmem>>
    %dma_wait3A_312 = tpu.memref_squeeze %dma_wait3A_311 : memref<1x128xi32, #tpu.memory_space<vmem>> -> memref<128xi32, #tpu.memory_space<vmem>>
    %dma_wait3A_313 = arith.constant 0 : i32
    %dma_wait3A_314 = arith.constant 0 : i32
    %dma_wait3A_315 = tpu.memref_slice %arg9[%dma_wait3A_313, %dma_wait3A_314] : memref<4096x128xf32, #tpu.memory_space<vmem_shared>> -> memref<4096x128xf32, #tpu.memory_space<vmem_shared>>
    tpu.wait_indirect_dma semaphore(%arg13 : memref<!tpu.dma_semaphore, #tpu.memory_space<semaphore_mem>>) src(%dma_wait3A_309 : memref<128x128xf32, #tpu.memory_space<vmem>>) dst(%dma_wait3A_315 : memref<4096x128xf32, #tpu.memory_space<vmem_shared>>)
    %add3A_316 = arith.constant 768 : i32
    %add3A_317 = arith.addi %mul3A_2, %add3A_316 : i32
    %dma_start3A_318 = arith.constant 0 : i32
    %dma_start3A_319 = tpu.memref_slice %arg2[%add3A_317, %dma_start3A_318] : memref<32768x128xf32, #tpu.memory_space<hbm>> -> memref<256x128xf32, #tpu.memory_space<hbm>>
    %dma_start3A_320 = arith.constant 0 : i32
    %dma_start3A_321 = tpu.memref_slice %arg2[%add3A_317, %dma_start3A_320] : memref<32768x128xf32, #tpu.memory_space<hbm>> -> memref<256x128xf32, #tpu.memory_space<hbm>>
    tpu.enqueue_dma source(%dma_start3A_321 : memref<256x128xf32, #tpu.memory_space<hbm>>) target(%arg6 : memref<256x128xf32, #tpu.memory_space<vmem>>) target_semaphore(%arg11 : memref<!tpu.dma_semaphore, #tpu.memory_space<semaphore_mem>>)
    %dma_wait3A_322 = arith.constant 0 : i32
    %dma_wait3A_323 = tpu.memref_slice %arg2[%add3A_267, %dma_wait3A_322] : memref<32768x128xf32, #tpu.memory_space<hbm>> -> memref<256x128xf32, #tpu.memory_space<hbm>>
    %dma_wait3A_324 = arith.constant 0 : i32
    %dma_wait3A_325 = tpu.memref_slice %arg2[%add3A_267, %dma_wait3A_324] : memref<32768x128xf32, #tpu.memory_space<hbm>> -> memref<256x128xf32, #tpu.memory_space<hbm>>
    tpu.wait_dma2 semaphore(%arg10 : memref<!tpu.dma_semaphore, #tpu.memory_space<semaphore_mem>>) src(%dma_wait3A_325 : memref<256x128xf32, #tpu.memory_space<hbm>>) dst(%arg5 : memref<256x128xf32, #tpu.memory_space<vmem>>)
    %dma_start3A_326 = arith.constant 4 : i32
    %dma_start3A_327 = arith.constant 0 : i32
    %dma_start3A_328 = arith.constant 0 : i32
    %dma_start3A_329 = tpu.memref_slice %arg5[%dma_start3A_327, %dma_start3A_328] : memref<256x128xf32, #tpu.memory_space<vmem>> -> memref<128x128xf32, #tpu.memory_space<vmem>>
    %dma_start3A_330 = arith.constant 0 : i32
    %dma_start3A_331 = tpu.memref_slice %arg7[%dma_start3A_326, %dma_start3A_330] : memref<8x128xi32, #tpu.memory_space<vmem>> -> memref<1x128xi32, #tpu.memory_space<vmem>>
    %dma_start3A_332 = tpu.memref_squeeze %dma_start3A_331 : memref<1x128xi32, #tpu.memory_space<vmem>> -> memref<128xi32, #tpu.memory_space<vmem>>
    %dma_start3A_333 = arith.constant 0 : i32
    %dma_start3A_334 = arith.constant 0 : i32
    %dma_start3A_335 = tpu.memref_slice %arg9[%dma_start3A_333, %dma_start3A_334] : memref<4096x128xf32, #tpu.memory_space<vmem_shared>> -> memref<4096x128xf32, #tpu.memory_space<vmem_shared>>
    tpu.enqueue_indirect_dma source(%dma_start3A_329 : memref<128x128xf32, #tpu.memory_space<vmem>>) target(%dma_start3A_335 : memref<4096x128xf32, #tpu.memory_space<vmem_shared>>) offsets(%dma_start3A_332 : memref<128xi32, #tpu.memory_space<vmem>>) semaphore(%arg12 : memref<!tpu.dma_semaphore, #tpu.memory_space<semaphore_mem>>) {add = true}
    %dma_start3A_336 = arith.constant 5 : i32
    %dma_start3A_337 = arith.constant 128 : i32
    %dma_start3A_338 = arith.constant 0 : i32
    %dma_start3A_339 = tpu.memref_slice %arg5[%dma_start3A_337, %dma_start3A_338] : memref<256x128xf32, #tpu.memory_space<vmem>> -> memref<128x128xf32, #tpu.memory_space<vmem>>
    %dma_start3A_340 = arith.constant 0 : i32
    %dma_start3A_341 = tpu.memref_slice %arg7[%dma_start3A_336, %dma_start3A_340] : memref<8x128xi32, #tpu.memory_space<vmem>> -> memref<1x128xi32, #tpu.memory_space<vmem>>
    %dma_start3A_342 = tpu.memref_squeeze %dma_start3A_341 : memref<1x128xi32, #tpu.memory_space<vmem>> -> memref<128xi32, #tpu.memory_space<vmem>>
    %dma_start3A_343 = arith.constant 0 : i32
    %dma_start3A_344 = arith.constant 0 : i32
    %dma_start3A_345 = tpu.memref_slice %arg9[%dma_start3A_343, %dma_start3A_344] : memref<4096x128xf32, #tpu.memory_space<vmem_shared>> -> memref<4096x128xf32, #tpu.memory_space<vmem_shared>>
    tpu.enqueue_indirect_dma source(%dma_start3A_339 : memref<128x128xf32, #tpu.memory_space<vmem>>) target(%dma_start3A_345 : memref<4096x128xf32, #tpu.memory_space<vmem_shared>>) offsets(%dma_start3A_342 : memref<128xi32, #tpu.memory_space<vmem>>) semaphore(%arg12 : memref<!tpu.dma_semaphore, #tpu.memory_space<semaphore_mem>>) {add = true}
    %dma_wait3A_346 = arith.constant 0 : i32
    %dma_wait3A_347 = tpu.memref_slice %arg2[%add3A_317, %dma_wait3A_346] : memref<32768x128xf32, #tpu.memory_space<hbm>> -> memref<256x128xf32, #tpu.memory_space<hbm>>
    %dma_wait3A_348 = arith.constant 0 : i32
    %dma_wait3A_349 = tpu.memref_slice %arg2[%add3A_317, %dma_wait3A_348] : memref<32768x128xf32, #tpu.memory_space<hbm>> -> memref<256x128xf32, #tpu.memory_space<hbm>>
    tpu.wait_dma2 semaphore(%arg11 : memref<!tpu.dma_semaphore, #tpu.memory_space<semaphore_mem>>) src(%dma_wait3A_349 : memref<256x128xf32, #tpu.memory_space<hbm>>) dst(%arg6 : memref<256x128xf32, #tpu.memory_space<vmem>>)
    %dma_start3A_350 = arith.constant 6 : i32
    %dma_start3A_351 = arith.constant 0 : i32
    %dma_start3A_352 = arith.constant 0 : i32
    %dma_start3A_353 = tpu.memref_slice %arg6[%dma_start3A_351, %dma_start3A_352] : memref<256x128xf32, #tpu.memory_space<vmem>> -> memref<128x128xf32, #tpu.memory_space<vmem>>
    %dma_start3A_354 = arith.constant 0 : i32
    %dma_start3A_355 = tpu.memref_slice %arg7[%dma_start3A_350, %dma_start3A_354] : memref<8x128xi32, #tpu.memory_space<vmem>> -> memref<1x128xi32, #tpu.memory_space<vmem>>
    %dma_start3A_356 = tpu.memref_squeeze %dma_start3A_355 : memref<1x128xi32, #tpu.memory_space<vmem>> -> memref<128xi32, #tpu.memory_space<vmem>>
    %dma_start3A_357 = arith.constant 0 : i32
    %dma_start3A_358 = arith.constant 0 : i32
    %dma_start3A_359 = tpu.memref_slice %arg9[%dma_start3A_357, %dma_start3A_358] : memref<4096x128xf32, #tpu.memory_space<vmem_shared>> -> memref<4096x128xf32, #tpu.memory_space<vmem_shared>>
    tpu.enqueue_indirect_dma source(%dma_start3A_353 : memref<128x128xf32, #tpu.memory_space<vmem>>) target(%dma_start3A_359 : memref<4096x128xf32, #tpu.memory_space<vmem_shared>>) offsets(%dma_start3A_356 : memref<128xi32, #tpu.memory_space<vmem>>) semaphore(%arg13 : memref<!tpu.dma_semaphore, #tpu.memory_space<semaphore_mem>>) {add = true}
    %dma_start3A_360 = arith.constant 7 : i32
    %dma_start3A_361 = arith.constant 128 : i32
    %dma_start3A_362 = arith.constant 0 : i32
    %dma_start3A_363 = tpu.memref_slice %arg6[%dma_start3A_361, %dma_start3A_362] : memref<256x128xf32, #tpu.memory_space<vmem>> -> memref<128x128xf32, #tpu.memory_space<vmem>>
    %dma_start3A_364 = arith.constant 0 : i32
    %dma_start3A_365 = tpu.memref_slice %arg7[%dma_start3A_360, %dma_start3A_364] : memref<8x128xi32, #tpu.memory_space<vmem>> -> memref<1x128xi32, #tpu.memory_space<vmem>>
    %dma_start3A_366 = tpu.memref_squeeze %dma_start3A_365 : memref<1x128xi32, #tpu.memory_space<vmem>> -> memref<128xi32, #tpu.memory_space<vmem>>
    %dma_start3A_367 = arith.constant 0 : i32
    %dma_start3A_368 = arith.constant 0 : i32
    %dma_start3A_369 = tpu.memref_slice %arg9[%dma_start3A_367, %dma_start3A_368] : memref<4096x128xf32, #tpu.memory_space<vmem_shared>> -> memref<4096x128xf32, #tpu.memory_space<vmem_shared>>
    tpu.enqueue_indirect_dma source(%dma_start3A_363 : memref<128x128xf32, #tpu.memory_space<vmem>>) target(%dma_start3A_369 : memref<4096x128xf32, #tpu.memory_space<vmem_shared>>) offsets(%dma_start3A_366 : memref<128xi32, #tpu.memory_space<vmem>>) semaphore(%arg13 : memref<!tpu.dma_semaphore, #tpu.memory_space<semaphore_mem>>) {add = true}
    %dma_wait3A_370 = arith.constant 4 : i32
    %dma_wait3A_371 = arith.constant 0 : i32
    %dma_wait3A_372 = arith.constant 0 : i32
    %dma_wait3A_373 = tpu.memref_slice %arg5[%dma_wait3A_371, %dma_wait3A_372] : memref<256x128xf32, #tpu.memory_space<vmem>> -> memref<128x128xf32, #tpu.memory_space<vmem>>
    %dma_wait3A_374 = arith.constant 0 : i32
    %dma_wait3A_375 = tpu.memref_slice %arg7[%dma_wait3A_370, %dma_wait3A_374] : memref<8x128xi32, #tpu.memory_space<vmem>> -> memref<1x128xi32, #tpu.memory_space<vmem>>
    %dma_wait3A_376 = tpu.memref_squeeze %dma_wait3A_375 : memref<1x128xi32, #tpu.memory_space<vmem>> -> memref<128xi32, #tpu.memory_space<vmem>>
    %dma_wait3A_377 = arith.constant 0 : i32
    %dma_wait3A_378 = arith.constant 0 : i32
    %dma_wait3A_379 = tpu.memref_slice %arg9[%dma_wait3A_377, %dma_wait3A_378] : memref<4096x128xf32, #tpu.memory_space<vmem_shared>> -> memref<4096x128xf32, #tpu.memory_space<vmem_shared>>
    tpu.wait_indirect_dma semaphore(%arg12 : memref<!tpu.dma_semaphore, #tpu.memory_space<semaphore_mem>>) src(%dma_wait3A_373 : memref<128x128xf32, #tpu.memory_space<vmem>>) dst(%dma_wait3A_379 : memref<4096x128xf32, #tpu.memory_space<vmem_shared>>)
    %dma_wait3A_380 = arith.constant 5 : i32
    %dma_wait3A_381 = arith.constant 128 : i32
    %dma_wait3A_382 = arith.constant 0 : i32
    %dma_wait3A_383 = tpu.memref_slice %arg5[%dma_wait3A_381, %dma_wait3A_382] : memref<256x128xf32, #tpu.memory_space<vmem>> -> memref<128x128xf32, #tpu.memory_space<vmem>>
    %dma_wait3A_384 = arith.constant 0 : i32
    %dma_wait3A_385 = tpu.memref_slice %arg7[%dma_wait3A_380, %dma_wait3A_384] : memref<8x128xi32, #tpu.memory_space<vmem>> -> memref<1x128xi32, #tpu.memory_space<vmem>>
    %dma_wait3A_386 = tpu.memref_squeeze %dma_wait3A_385 : memref<1x128xi32, #tpu.memory_space<vmem>> -> memref<128xi32, #tpu.memory_space<vmem>>
    %dma_wait3A_387 = arith.constant 0 : i32
    %dma_wait3A_388 = arith.constant 0 : i32
    %dma_wait3A_389 = tpu.memref_slice %arg9[%dma_wait3A_387, %dma_wait3A_388] : memref<4096x128xf32, #tpu.memory_space<vmem_shared>> -> memref<4096x128xf32, #tpu.memory_space<vmem_shared>>
    tpu.wait_indirect_dma semaphore(%arg12 : memref<!tpu.dma_semaphore, #tpu.memory_space<semaphore_mem>>) src(%dma_wait3A_383 : memref<128x128xf32, #tpu.memory_space<vmem>>) dst(%dma_wait3A_389 : memref<4096x128xf32, #tpu.memory_space<vmem_shared>>)
    %dma_wait3A_390 = arith.constant 6 : i32
    %dma_wait3A_391 = arith.constant 0 : i32
    %dma_wait3A_392 = arith.constant 0 : i32
    %dma_wait3A_393 = tpu.memref_slice %arg6[%dma_wait3A_391, %dma_wait3A_392] : memref<256x128xf32, #tpu.memory_space<vmem>> -> memref<128x128xf32, #tpu.memory_space<vmem>>
    %dma_wait3A_394 = arith.constant 0 : i32
    %dma_wait3A_395 = tpu.memref_slice %arg7[%dma_wait3A_390, %dma_wait3A_394] : memref<8x128xi32, #tpu.memory_space<vmem>> -> memref<1x128xi32, #tpu.memory_space<vmem>>
    %dma_wait3A_396 = tpu.memref_squeeze %dma_wait3A_395 : memref<1x128xi32, #tpu.memory_space<vmem>> -> memref<128xi32, #tpu.memory_space<vmem>>
    %dma_wait3A_397 = arith.constant 0 : i32
    %dma_wait3A_398 = arith.constant 0 : i32
    %dma_wait3A_399 = tpu.memref_slice %arg9[%dma_wait3A_397, %dma_wait3A_398] : memref<4096x128xf32, #tpu.memory_space<vmem_shared>> -> memref<4096x128xf32, #tpu.memory_space<vmem_shared>>
    tpu.wait_indirect_dma semaphore(%arg13 : memref<!tpu.dma_semaphore, #tpu.memory_space<semaphore_mem>>) src(%dma_wait3A_393 : memref<128x128xf32, #tpu.memory_space<vmem>>) dst(%dma_wait3A_399 : memref<4096x128xf32, #tpu.memory_space<vmem_shared>>)
    %dma_wait3A_400 = arith.constant 7 : i32
    %dma_wait3A_401 = arith.constant 128 : i32
    %dma_wait3A_402 = arith.constant 0 : i32
    %dma_wait3A_403 = tpu.memref_slice %arg6[%dma_wait3A_401, %dma_wait3A_402] : memref<256x128xf32, #tpu.memory_space<vmem>> -> memref<128x128xf32, #tpu.memory_space<vmem>>
    %dma_wait3A_404 = arith.constant 0 : i32
    %dma_wait3A_405 = tpu.memref_slice %arg7[%dma_wait3A_400, %dma_wait3A_404] : memref<8x128xi32, #tpu.memory_space<vmem>> -> memref<1x128xi32, #tpu.memory_space<vmem>>
    %dma_wait3A_406 = tpu.memref_squeeze %dma_wait3A_405 : memref<1x128xi32, #tpu.memory_space<vmem>> -> memref<128xi32, #tpu.memory_space<vmem>>
    %dma_wait3A_407 = arith.constant 0 : i32
    %dma_wait3A_408 = arith.constant 0 : i32
    %dma_wait3A_409 = tpu.memref_slice %arg9[%dma_wait3A_407, %dma_wait3A_408] : memref<4096x128xf32, #tpu.memory_space<vmem_shared>> -> memref<4096x128xf32, #tpu.memory_space<vmem_shared>>
    tpu.wait_indirect_dma semaphore(%arg13 : memref<!tpu.dma_semaphore, #tpu.memory_space<semaphore_mem>>) src(%dma_wait3A_403 : memref<128x128xf32, #tpu.memory_space<vmem>>) dst(%dma_wait3A_409 : memref<4096x128xf32, #tpu.memory_space<vmem_shared>>)
    %barrier3A_410 = arith.constant 0 : index
    tpu.barrier barrier_id(%barrier3A_410)
    %mul3A_411 = arith.constant 256 : i32
    %mul3A_412 = arith.muli %arg1, %mul3A_411 : i32
    %mul3A_413 = arith.constant 4096 : i32
    %mul3A_414 = arith.muli %arg0, %mul3A_413 : i32
    %mul3A_415 = arith.constant 256 : i32
    %mul3A_416 = arith.muli %arg1, %mul3A_415 : i32
    %add3A_417 = arith.addi %mul3A_414, %mul3A_416 : i32
    "tpu.region"() ({
      %run_scoped3A = tpu.sem_alloc : memref<!tpu.dma_semaphore, #tpu.memory_space<semaphore_mem>>
      %dma_start3A_418 = arith.constant 0 : i32
      %dma_start3A_419 = tpu.memref_slice %arg4[%add3A_417, %dma_start3A_418] : memref<8192x128xf32, #tpu.memory_space<hbm>> -> memref<256x128xf32, #tpu.memory_space<hbm>>
      %dma_start3A_420 = arith.constant 0 : i32
      %dma_start3A_421 = tpu.memref_slice %arg9[%mul3A_412, %dma_start3A_420] : memref<4096x128xf32, #tpu.memory_space<vmem_shared>> -> memref<256x128xf32, #tpu.memory_space<vmem_shared>>
      tpu.enqueue_dma source(%dma_start3A_421 : memref<256x128xf32, #tpu.memory_space<vmem_shared>>) target(%dma_start3A_419 : memref<256x128xf32, #tpu.memory_space<hbm>>) target_semaphore(%run_scoped3A : memref<!tpu.dma_semaphore, #tpu.memory_space<semaphore_mem>>)
      %dma_wait3A_422 = arith.constant 0 : i32
      %dma_wait3A_423 = tpu.memref_slice %arg4[%add3A_417, %dma_wait3A_422] : memref<8192x128xf32, #tpu.memory_space<hbm>> -> memref<256x128xf32, #tpu.memory_space<hbm>>
      %dma_wait3A_424 = arith.constant 0 : i32
      %dma_wait3A_425 = tpu.memref_slice %arg9[%mul3A_412, %dma_wait3A_424] : memref<4096x128xf32, #tpu.memory_space<vmem_shared>> -> memref<256x128xf32, #tpu.memory_space<vmem_shared>>
      tpu.wait_dma2 semaphore(%run_scoped3A : memref<!tpu.dma_semaphore, #tpu.memory_space<semaphore_mem>>) src(%dma_wait3A_425 : memref<256x128xf32, #tpu.memory_space<vmem_shared>>) dst(%dma_wait3A_423 : memref<256x128xf32, #tpu.memory_space<hbm>>)
      tpu.yield
    }) : () -> ()
    return
  }
}

module attributes {stable_mosaic.version = 14 : i64} {
  func.func @_s3a_body(%arg0: i32, %arg1: memref<4096x128xf32, #tpu.memory_space<vmem>>, %arg2: memref<4096x128xf32, #tpu.memory_space<vmem>>, %arg3: memref<4096x128xf32, #tpu.memory_space<vmem>>, %arg4: memref<4096x128xf32, #tpu.memory_space<vmem>>, %arg5: memref<1x128xf32, #tpu.memory_space<vmem>>) attributes {dimension_semantics = [#tpu.dimension_semantics<arbitrary>], iteration_bounds = array<i64: 1>, scalar_prefetch = 0 : i64, scratch_operands = 0 : i64, tpu.core_type = #tpu.core_type<tc>, window_params = [{transform_indices = @transform_0, window_bounds = array<i64: 4096, 128>}, {transform_indices = @transform_1, window_bounds = array<i64: 4096, 128>}, {transform_indices = @transform_2, window_bounds = array<i64: 4096, 128>}, {transform_indices = @transform_3, window_bounds = array<i64: 4096, 128>}, {pipeline_mode = #tpu.pipeline_mode<synchronous>, transform_indices = @transform_4, window_bounds = array<i64: 1, 128>}]} {
    %get3A = arith.constant 0 : index
    %get3A_0 = arith.constant 0 : index
    %get3A_1 = vector.load %arg3[%get3A, %get3A_0] : memref<4096x128xf32, #tpu.memory_space<vmem>>, vector<4096x128xf32>
    %get3A_2 = arith.constant 0 : index
    %get3A_3 = arith.constant 0 : index
    %get3A_4 = vector.load %arg4[%get3A_2, %get3A_3] : memref<4096x128xf32, #tpu.memory_space<vmem>>, vector<4096x128xf32>
    %add3A = arith.addf %get3A_1, %get3A_4 : vector<4096x128xf32>
    %get3A_5 = arith.constant 0 : index
    %get3A_6 = arith.constant 0 : index
    %get3A_7 = vector.load %arg1[%get3A_5, %get3A_6] : memref<4096x128xf32, #tpu.memory_space<vmem>>, vector<4096x128xf32>
    %get3A_8 = arith.constant 0 : index
    %get3A_9 = arith.constant 0 : index
    %get3A_10 = vector.load %arg2[%get3A_8, %get3A_9] : memref<4096x128xf32, #tpu.memory_space<vmem>>, vector<4096x128xf32>
    %slice3A = vector.extract_strided_slice %add3A {offsets = [0, 0], sizes = [4096, 1], strides = [1, 1]} : vector<4096x128xf32> to vector<4096x1xf32>
    %squeeze3A = vector.shape_cast %slice3A : vector<4096x1xf32> to vector<4096xf32>
    %slice3A_11 = vector.extract_strided_slice %add3A {offsets = [0, 1], sizes = [4096, 1], strides = [1, 1]} : vector<4096x128xf32> to vector<4096x1xf32>
    %squeeze3A_12 = vector.shape_cast %slice3A_11 : vector<4096x1xf32> to vector<4096xf32>
    %slice3A_13 = vector.extract_strided_slice %add3A {offsets = [0, 2], sizes = [4096, 1], strides = [1, 1]} : vector<4096x128xf32> to vector<4096x1xf32>
    %squeeze3A_14 = vector.shape_cast %slice3A_13 : vector<4096x1xf32> to vector<4096xf32>
    %ge3A = arith.constant 3.000000e+00 : f32
    %ge3A_15 = vector.broadcast %ge3A : f32 to vector<4096xf32>
    %ge3A_16 = arith.cmpf oge, %squeeze3A, %ge3A_15 : vector<4096xf32>
    %convert_element_type3A = arith.extui %ge3A_16 : vector<4096xi1> to vector<4096xi32>
    %convert_element_type3A_17 = arith.sitofp %convert_element_type3A : vector<4096xi32> to vector<4096xf32>
    %mul3A = arith.mulf %get3A_10, %get3A_10 : vector<4096x128xf32>
    %reduce_sum3A = arith.constant dense<0.000000e+00> : vector<4096xf32>
    %reduce_sum3A_18 = vector.multi_reduction <add>, %mul3A, %reduce_sum3A [1] : vector<4096x128xf32> to vector<4096xf32>
    %sqrt3A = math.sqrt %reduce_sum3A_18 : vector<4096xf32>
    %mul3A_19 = arith.mulf %get3A_10, %get3A_7 : vector<4096x128xf32>
    %reduce_sum3A_20 = arith.constant dense<0.000000e+00> : vector<4096xf32>
    %reduce_sum3A_21 = vector.multi_reduction <add>, %mul3A_19, %reduce_sum3A_20 [1] : vector<4096x128xf32> to vector<4096xf32>
    %max3A = arith.constant 9.99999996E-13 : f32
    %max3A_22 = vector.broadcast %max3A : f32 to vector<4096xf32>
    %max3A_23 = arith.maximumf %sqrt3A, %max3A_22 : vector<4096xf32>
    %div3A = arith.divf %reduce_sum3A_21, %max3A_23 : vector<4096xf32>
    %sub3A = arith.subf %squeeze3A, %div3A : vector<4096xf32>
    %mul3A_24 = arith.mulf %convert_element_type3A_17, %sub3A : vector<4096xf32>
    %reduce_sum3A_25 = vector.shape_cast %mul3A_24 : vector<4096xf32> to vector<1x4096xf32>
    %reduce_sum3A_26 = arith.constant dense<0.000000e+00> : vector<1xf32>
    %reduce_sum3A_27 = vector.multi_reduction <add>, %reduce_sum3A_25, %reduce_sum3A_26 [1] : vector<1x4096xf32> to vector<1xf32>
    %reduce_sum3A_28 = vector.shape_cast %reduce_sum3A_27 : vector<1xf32> to vector<1x1xf32>
    %reduce_sum3A_29 = vector.extract %reduce_sum3A_28[0, 0] : f32 from vector<1x1xf32>
    %abs3A = math.absf %squeeze3A_12 : vector<4096xf32>
    %max3A_30 = arith.constant 9.99999996E-13 : f32
    %max3A_31 = vector.broadcast %max3A_30 : f32 to vector<4096xf32>
    %max3A_32 = arith.maximumf %abs3A, %max3A_31 : vector<4096xf32>
    %div3A_33 = arith.divf %squeeze3A_12, %max3A_32 : vector<4096xf32>
    %mul3A_34 = arith.mulf %div3A_33, %squeeze3A_14 : vector<4096xf32>
    %sub3A_35 = arith.subf %squeeze3A, %mul3A_34 : vector<4096xf32>
    %mul3A_36 = arith.mulf %convert_element_type3A_17, %sub3A_35 : vector<4096xf32>
    %reduce_sum3A_37 = vector.shape_cast %mul3A_36 : vector<4096xf32> to vector<1x4096xf32>
    %reduce_sum3A_38 = arith.constant dense<0.000000e+00> : vector<1xf32>
    %reduce_sum3A_39 = vector.multi_reduction <add>, %reduce_sum3A_37, %reduce_sum3A_38 [1] : vector<1x4096xf32> to vector<1xf32>
    %reduce_sum3A_40 = vector.shape_cast %reduce_sum3A_39 : vector<1xf32> to vector<1x1xf32>
    %reduce_sum3A_41 = vector.extract %reduce_sum3A_40[0, 0] : f32 from vector<1x1xf32>
    %mul3A_42 = arith.mulf %convert_element_type3A_17, %squeeze3A : vector<4096xf32>
    %reduce_sum3A_43 = vector.shape_cast %mul3A_42 : vector<4096xf32> to vector<1x4096xf32>
    %reduce_sum3A_44 = arith.constant dense<0.000000e+00> : vector<1xf32>
    %reduce_sum3A_45 = vector.multi_reduction <add>, %reduce_sum3A_43, %reduce_sum3A_44 [1] : vector<1x4096xf32> to vector<1xf32>
    %reduce_sum3A_46 = vector.shape_cast %reduce_sum3A_45 : vector<1xf32> to vector<1x1xf32>
    %reduce_sum3A_47 = vector.extract %reduce_sum3A_46[0, 0] : f32 from vector<1x1xf32>
    %iota3A = tpu.iota {dimensions = array<i32: 1>} : vector<1x128xi32>
    %eq3A = arith.constant 0 : i32
    %eq3A_48 = vector.broadcast %eq3A : i32 to vector<1x128xi32>
    %eq3A_49 = arith.cmpi eq, %iota3A, %eq3A_48 : vector<1x128xi32>
    %eq3A_50 = arith.constant 1 : i32
    %eq3A_51 = vector.broadcast %eq3A_50 : i32 to vector<1x128xi32>
    %eq3A_52 = arith.cmpi eq, %iota3A, %eq3A_51 : vector<1x128xi32>
    %eq3A_53 = arith.constant 2 : i32
    %eq3A_54 = vector.broadcast %eq3A_53 : i32 to vector<1x128xi32>
    %eq3A_55 = arith.cmpi eq, %iota3A, %eq3A_54 : vector<1x128xi32>
    %jit3A = arith.constant 0.000000e+00 : f32
    %broadcast_in_dim3A = vector.broadcast %reduce_sum3A_47 : f32 to vector<1x128xf32>
    %broadcast_in_dim3A_56 = vector.broadcast %jit3A : f32 to vector<1x128xf32>
    %select_n3A = arith.select %eq3A_55, %broadcast_in_dim3A, %broadcast_in_dim3A_56 : vector<1x128xi1>, vector<1x128xf32>
    %broadcast_in_dim3A_57 = vector.broadcast %reduce_sum3A_41 : f32 to vector<1x128xf32>
    %select_n3A_58 = arith.select %eq3A_52, %broadcast_in_dim3A_57, %select_n3A : vector<1x128xi1>, vector<1x128xf32>
    %broadcast_in_dim3A_59 = vector.broadcast %reduce_sum3A_29 : f32 to vector<1x128xf32>
    %select_n3A_60 = arith.select %eq3A_49, %broadcast_in_dim3A_59, %select_n3A_58 : vector<1x128xi1>, vector<1x128xf32>
    %swap3A = arith.constant 0 : index
    %swap3A_61 = arith.constant 0 : index
    %swap3A_62 = vector.load %arg5[%swap3A, %swap3A_61] : memref<1x128xf32, #tpu.memory_space<vmem>>, vector<1x128xf32>
    tpu.vector_store %arg5[%swap3A, %swap3A_61], %select_n3A_60 {strides = array<i32>} : memref<1x128xf32, #tpu.memory_space<vmem>>, vector<1x128xf32>,
    return
  }
  func.func @transform_0(%arg0: i32) -> (i32, i32) {
    %c0_i32 = arith.constant 0 : i32
    %c0_i32_0 = arith.constant 0 : i32
    %c0_i32_1 = arith.constant 0 : i32
    return %c0_i32, %c0_i32_0 : i32, i32
  }
  func.func @transform_1(%arg0: i32) -> (i32, i32) {
    %c1_i32 = arith.constant 1 : i32
    %c0_i32 = arith.constant 0 : i32
    %c0_i32_0 = arith.constant 0 : i32
    return %c1_i32, %c0_i32 : i32, i32
  }
  func.func @transform_2(%arg0: i32) -> (i32, i32) {
    %c0_i32 = arith.constant 0 : i32
    %c0_i32_0 = arith.constant 0 : i32
    %c0_i32_1 = arith.constant 0 : i32
    return %c0_i32, %c0_i32_0 : i32, i32
  }
  func.func @transform_3(%arg0: i32) -> (i32, i32) {
    %c1_i32 = arith.constant 1 : i32
    %c0_i32 = arith.constant 0 : i32
    %c0_i32_0 = arith.constant 0 : i32
    return %c1_i32, %c0_i32 : i32, i32
  }
  func.func @transform_4(%arg0: i32) -> (i32, i32) {
    %c0_i32 = arith.constant 0 : i32
    %c0_i32_0 = arith.constant 0 : i32
    %c0_i32_1 = arith.constant 0 : i32
    return %c0_i32, %c0_i32_0 : i32, i32
  }
}

module attributes {stable_mosaic.version = 14 : i64} {
  func.func @_s1yl_body(%arg0: i32, %arg1: memref<4096x128xf32, #tpu.memory_space<vmem>>, %arg2: memref<1x128xf32, #tpu.memory_space<vmem>>, %arg3: memref<1x128xf32, #tpu.memory_space<vmem>>, %arg4: memref<128x128xf32, #tpu.memory_space<vmem>>, %arg5: memref<1x128xf32, #tpu.memory_space<vmem>>, %arg6: memref<4096x128xf32, #tpu.memory_space<vmem>>) attributes {dimension_semantics = [#tpu.dimension_semantics<arbitrary>], iteration_bounds = array<i64: 8>, scalar_prefetch = 0 : i64, scratch_operands = 0 : i64, tpu.core_type = #tpu.core_type<tc>, window_params = [{transform_indices = @transform_0, window_bounds = array<i64: 4096, 128>}, {pipeline_mode = #tpu.pipeline_mode<synchronous>, transform_indices = @transform_1, window_bounds = array<i64: 1, 128>}, {pipeline_mode = #tpu.pipeline_mode<synchronous>, transform_indices = @transform_2, window_bounds = array<i64: 1, 128>}, {pipeline_mode = #tpu.pipeline_mode<synchronous>, transform_indices = @transform_3, window_bounds = array<i64: 128, 128>}, {pipeline_mode = #tpu.pipeline_mode<synchronous>, transform_indices = @transform_4, window_bounds = array<i64: 1, 128>}, {transform_indices = @transform_5, window_bounds = array<i64: 4096, 128>}]} {
    %get3A = arith.constant 0 : index
    %get3A_0 = arith.constant 0 : index
    %get3A_1 = vector.load %arg1[%get3A, %get3A_0] : memref<4096x128xf32, #tpu.memory_space<vmem>>, vector<4096x128xf32>
    %get3A_2 = arith.constant 0 : index
    %get3A_3 = arith.constant 0 : index
    %get3A_4 = vector.load %arg2[%get3A_2, %get3A_3] : memref<1x128xf32, #tpu.memory_space<vmem>>, vector<1x128xf32>
    %get3A_5 = arith.constant 0 : index
    %get3A_6 = arith.constant 0 : index
    %get3A_7 = vector.load %arg3[%get3A_5, %get3A_6] : memref<1x128xf32, #tpu.memory_space<vmem>>, vector<1x128xf32>
    %get3A_8 = arith.constant 0 : index
    %get3A_9 = arith.constant 0 : index
    %get3A_10 = vector.load %arg4[%get3A_8, %get3A_9] : memref<128x128xf32, #tpu.memory_space<vmem>>, vector<128x128xf32>
    %get3A_11 = arith.constant 0 : index
    %get3A_12 = arith.constant 0 : index
    %get3A_13 = vector.load %arg5[%get3A_11, %get3A_12] : memref<1x128xf32, #tpu.memory_space<vmem>>, vector<1x128xf32>
    %reduce_sum3A = arith.constant dense<0.000000e+00> : vector<4096xf32>
    %reduce_sum3A_14 = vector.multi_reduction <add>, %get3A_1, %reduce_sum3A [1] : vector<4096x128xf32> to vector<4096xf32>
    %broadcast_in_dim3A = vector.shape_cast %reduce_sum3A_14 : vector<4096xf32> to vector<4096x1xf32>
    %div3A = arith.constant 1.280000e+02 : f32
    %div3A_15 = vector.broadcast %div3A : f32 to vector<4096x1xf32>
    %div3A_16 = arith.divf %broadcast_in_dim3A, %div3A_15 : vector<4096x1xf32>
    %sub3A = vector.broadcast %div3A_16 : vector<4096x1xf32> to vector<4096x128xf32>
    %sub3A_17 = arith.subf %get3A_1, %sub3A : vector<4096x128xf32>
    %mul3A = arith.mulf %sub3A_17, %sub3A_17 : vector<4096x128xf32>
    %reduce_sum3A_18 = arith.constant dense<0.000000e+00> : vector<4096xf32>
    %reduce_sum3A_19 = vector.multi_reduction <add>, %mul3A, %reduce_sum3A_18 [1] : vector<4096x128xf32> to vector<4096xf32>
    %broadcast_in_dim3A_20 = vector.shape_cast %reduce_sum3A_19 : vector<4096xf32> to vector<4096x1xf32>
    %div3A_21 = arith.constant 1.280000e+02 : f32
    %div3A_22 = vector.broadcast %div3A_21 : f32 to vector<4096x1xf32>
    %div3A_23 = arith.divf %broadcast_in_dim3A_20, %div3A_22 : vector<4096x1xf32>
    %add3A = arith.constant 9.99999974E-6 : f32
    %add3A_24 = vector.broadcast %add3A : f32 to vector<4096x1xf32>
    %add3A_25 = arith.addf %div3A_23, %add3A_24 : vector<4096x1xf32>
    %rsqrt3A = math.rsqrt %add3A_25 : vector<4096x1xf32>
    %mul3A_26 = vector.broadcast %rsqrt3A : vector<4096x1xf32> to vector<4096x128xf32>
    %mul3A_27 = arith.mulf %sub3A_17, %mul3A_26 : vector<4096x128xf32>
    %mul3A_28 = vector.broadcast %get3A_4 : vector<1x128xf32> to vector<4096x128xf32>
    %mul3A_29 = arith.mulf %mul3A_27, %mul3A_28 : vector<4096x128xf32>
    %add3A_30 = vector.broadcast %get3A_7 : vector<1x128xf32> to vector<4096x128xf32>
    %add3A_31 = arith.addf %mul3A_29, %add3A_30 : vector<4096x128xf32>
    %dot_general3A = arith.constant dense<0.000000e+00> : vector<4096x128xf32>
    %dot_general3A_32 = tpu.matmul %add3A_31, %get3A_10, %dot_general3A {dimension_numbers = #tpu.dot_dimension_numbers<[1], [1], [0], [0], [0, 0, 1, 0], [], []>, transpose_lhs_hint = false} : vector<4096x128xf32>, vector<128x128xf32>, vector<4096x128xf32> -> vector<4096x128xf32>
    %add3A_33 = vector.broadcast %get3A_13 : vector<1x128xf32> to vector<4096x128xf32>
    %add3A_34 = arith.addf %dot_general3A_32, %add3A_33 : vector<4096x128xf32>
    %logistic3A = arith.negf %add3A_34 : vector<4096x128xf32>
    %logistic3A_35 = math.exp %logistic3A : vector<4096x128xf32>
    %logistic3A_36 = arith.constant 1.000000e+00 : f32
    %logistic3A_37 = vector.broadcast %logistic3A_36 : f32 to vector<4096x128xf32>
    %logistic3A_38 = arith.addf %logistic3A_37, %logistic3A_35 : vector<4096x128xf32>
    %logistic3A_39 = arith.divf %logistic3A_37, %logistic3A_38 : vector<4096x128xf32>
    %mul3A_40 = arith.mulf %add3A_34, %logistic3A_39 : vector<4096x128xf32>
    %swap3A = arith.constant 0 : index
    %swap3A_41 = arith.constant 0 : index
    %swap3A_42 = vector.load %arg6[%swap3A, %swap3A_41] : memref<4096x128xf32, #tpu.memory_space<vmem>>, vector<4096x128xf32>
    tpu.vector_store %arg6[%swap3A, %swap3A_41], %mul3A_40 {strides = array<i32>} : memref<4096x128xf32, #tpu.memory_space<vmem>>, vector<4096x128xf32>,
    return
  }
  func.func @transform_0(%arg0: i32) -> (i32, i32) {
    %c0_i32 = arith.constant 0 : i32
    %c0_i32_0 = arith.constant 0 : i32
    return %arg0, %c0_i32 : i32, i32
  }
  func.func @transform_1(%arg0: i32) -> (i32, i32) {
    %c0_i32 = arith.constant 0 : i32
    %c0_i32_0 = arith.constant 0 : i32
    %c0_i32_1 = arith.constant 0 : i32
    return %c0_i32, %c0_i32_0 : i32, i32
  }
  func.func @transform_2(%arg0: i32) -> (i32, i32) {
    %c0_i32 = arith.constant 0 : i32
    %c0_i32_0 = arith.constant 0 : i32
    %c0_i32_1 = arith.constant 0 : i32
    return %c0_i32, %c0_i32_0 : i32, i32
  }
  func.func @transform_3(%arg0: i32) -> (i32, i32) {
    %c0_i32 = arith.constant 0 : i32
    %c0_i32_0 = arith.constant 0 : i32
    %c0_i32_1 = arith.constant 0 : i32
    return %c0_i32, %c0_i32_0 : i32, i32
  }
  func.func @transform_4(%arg0: i32) -> (i32, i32) {
    %c0_i32 = arith.constant 0 : i32
    %c0_i32_0 = arith.constant 0 : i32
    %c0_i32_1 = arith.constant 0 : i32
    return %c0_i32, %c0_i32_0 : i32, i32
  }
  func.func @transform_5(%arg0: i32) -> (i32, i32) {
    %c0_i32 = arith.constant 0 : i32
    %c0_i32_0 = arith.constant 0 : i32
    return %arg0, %c0_i32 : i32, i32
  }
}

module attributes {stable_mosaic.version = 14 : i64} {
  func.func @_s1vm_body(%arg0: i32, %arg1: memref<4096x128xf32, #tpu.memory_space<vmem>>, %arg2: memref<4096x128xf32, #tpu.memory_space<vmem>>, %arg3: memref<4096x128xf32, #tpu.memory_space<vmem>>, %arg4: memref<4096x128xf32, #tpu.memory_space<vmem>>) attributes {dimension_semantics = [#tpu.dimension_semantics<arbitrary>], iteration_bounds = array<i64: 8>, scalar_prefetch = 0 : i64, scratch_operands = 0 : i64, tpu.core_type = #tpu.core_type<tc>, window_params = [{transform_indices = @transform_0, window_bounds = array<i64: 4096, 128>}, {transform_indices = @transform_1, window_bounds = array<i64: 4096, 128>}, {transform_indices = @transform_2, window_bounds = array<i64: 4096, 128>}, {transform_indices = @transform_3, window_bounds = array<i64: 4096, 128>}]} {
    %get3A = arith.constant 0 : index
    %get3A_0 = arith.constant 0 : index
    %get3A_1 = vector.load %arg1[%get3A, %get3A_0] : memref<4096x128xf32, #tpu.memory_space<vmem>>, vector<4096x128xf32>
    %get3A_2 = arith.constant 0 : index
    %get3A_3 = arith.constant 0 : index
    %get3A_4 = vector.load %arg2[%get3A_2, %get3A_3] : memref<4096x128xf32, #tpu.memory_space<vmem>>, vector<4096x128xf32>
    %get3A_5 = arith.constant 0 : index
    %get3A_6 = arith.constant 0 : index
    %get3A_7 = vector.load %arg3[%get3A_5, %get3A_6] : memref<4096x128xf32, #tpu.memory_space<vmem>>, vector<4096x128xf32>
    %mul3A = arith.mulf %get3A_1, %get3A_1 : vector<4096x128xf32>
    %reduce_sum3A = arith.constant dense<0.000000e+00> : vector<4096xf32>
    %reduce_sum3A_8 = vector.multi_reduction <add>, %mul3A, %reduce_sum3A [1] : vector<4096x128xf32> to vector<4096xf32>
    %sqrt3A = math.sqrt %reduce_sum3A_8 : vector<4096xf32>
    %mul3A_9 = arith.mulf %get3A_4, %get3A_4 : vector<4096x128xf32>
    %reduce_sum3A_10 = arith.constant dense<0.000000e+00> : vector<4096xf32>
    %reduce_sum3A_11 = vector.multi_reduction <add>, %mul3A_9, %reduce_sum3A_10 [1] : vector<4096x128xf32> to vector<4096xf32>
    %sqrt3A_12 = math.sqrt %reduce_sum3A_11 : vector<4096xf32>
    %add3A = arith.addf %sqrt3A, %sqrt3A_12 : vector<4096xf32>
    %mul3A_13 = arith.mulf %get3A_7, %get3A_7 : vector<4096x128xf32>
    %reduce_sum3A_14 = arith.constant dense<0.000000e+00> : vector<4096xf32>
    %reduce_sum3A_15 = vector.multi_reduction <add>, %mul3A_13, %reduce_sum3A_14 [1] : vector<4096x128xf32> to vector<4096xf32>
    %sqrt3A_16 = math.sqrt %reduce_sum3A_15 : vector<4096xf32>
    %add3A_17 = arith.addf %add3A, %sqrt3A_16 : vector<4096xf32>
    %mul3A_18 = arith.constant 0.333333343 : f32
    %mul3A_19 = vector.broadcast %mul3A_18 : f32 to vector<4096xf32>
    %mul3A_20 = arith.mulf %add3A_17, %mul3A_19 : vector<4096xf32>
    %broadcast_in_dim3A = vector.shape_cast %mul3A_20 : vector<4096xf32> to vector<4096x1xf32>
    %max3A = arith.constant 9.99999996E-13 : f32
    %max3A_21 = vector.broadcast %max3A : f32 to vector<4096x1xf32>
    %max3A_22 = arith.maximumf %broadcast_in_dim3A, %max3A_21 : vector<4096x1xf32>
    %div3A = arith.divf %broadcast_in_dim3A, %max3A_22 : vector<4096x1xf32>
    %broadcast_in_dim3A_23 = arith.constant 1.000000e+00 : f32
    %broadcast_in_dim3A_24 = vector.broadcast %broadcast_in_dim3A_23 : f32 to vector<4096x1xf32>
    %broadcast_in_dim3A_25 = arith.constant 0.000000e+00 : f32
    %broadcast_in_dim3A_26 = vector.broadcast %broadcast_in_dim3A_25 : f32 to vector<4096x125xf32>
    %concatenate3A = tpu.concatenate %broadcast_in_dim3A_24, %broadcast_in_dim3A, %div3A, %broadcast_in_dim3A_26 in 1 : vector<4096x1xf32>, vector<4096x1xf32>, vector<4096x1xf32>, vector<4096x125xf32> -> vector<4096x128xf32>
    %swap3A = arith.constant 0 : index
    %swap3A_27 = arith.constant 0 : index
    %swap3A_28 = vector.load %arg4[%swap3A, %swap3A_27] : memref<4096x128xf32, #tpu.memory_space<vmem>>, vector<4096x128xf32>
    tpu.vector_store %arg4[%swap3A, %swap3A_27], %concatenate3A {strides = array<i32>} : memref<4096x128xf32, #tpu.memory_space<vmem>>, vector<4096x128xf32>,
    return
  }
  func.func @transform_0(%arg0: i32) -> (i32, i32) {
    %c0_i32 = arith.constant 0 : i32
    %c0_i32_0 = arith.constant 0 : i32
    return %arg0, %c0_i32 : i32, i32
  }
  func.func @transform_1(%arg0: i32) -> (i32, i32) {
    %add3A = arith.constant 8 : i32
    %add3A_0 = arith.addi %arg0, %add3A : i32
    %c0_i32 = arith.constant 0 : i32
    %c0_i32_1 = arith.constant 0 : i32
    return %add3A_0, %c0_i32 : i32, i32
  }
  func.func @transform_2(%arg0: i32) -> (i32, i32) {
    %add3A = arith.constant 16 : i32
    %add3A_0 = arith.addi %arg0, %add3A : i32
    %c0_i32 = arith.constant 0 : i32
    %c0_i32_1 = arith.constant 0 : i32
    return %add3A_0, %c0_i32 : i32, i32
  }
  func.func @transform_3(%arg0: i32) -> (i32, i32) {
    %c0_i32 = arith.constant 0 : i32
    %c0_i32_0 = arith.constant 0 : i32
    return %arg0, %c0_i32 : i32, i32
  }
}

module attributes {stable_mosaic.version = 14 : i64} {
  func.func @_s1a_body(%arg0: i32, %arg1: memref<4096x128xf32, #tpu.memory_space<vmem>>, %arg2: memref<1x128xf32, #tpu.memory_space<vmem>>, %arg3: memref<1x128xf32, #tpu.memory_space<vmem>>, %arg4: memref<128x128xf32, #tpu.memory_space<vmem>>, %arg5: memref<1x128xf32, #tpu.memory_space<vmem>>, %arg6: memref<4096x256xf32, #tpu.memory_space<vmem>>) attributes {dimension_semantics = [#tpu.dimension_semantics<arbitrary>], iteration_bounds = array<i64: 8>, scalar_prefetch = 0 : i64, scratch_operands = 0 : i64, tpu.core_type = #tpu.core_type<tc>, window_params = [{transform_indices = @transform_0, window_bounds = array<i64: 4096, 128>}, {pipeline_mode = #tpu.pipeline_mode<synchronous>, transform_indices = @transform_1, window_bounds = array<i64: 1, 128>}, {pipeline_mode = #tpu.pipeline_mode<synchronous>, transform_indices = @transform_2, window_bounds = array<i64: 1, 128>}, {pipeline_mode = #tpu.pipeline_mode<synchronous>, transform_indices = @transform_3, window_bounds = array<i64: 128, 128>}, {pipeline_mode = #tpu.pipeline_mode<synchronous>, transform_indices = @transform_4, window_bounds = array<i64: 1, 128>}, {transform_indices = @transform_5, window_bounds = array<i64: 4096, 256>}]} {
    %get3A = arith.constant 0 : index
    %get3A_0 = arith.constant 0 : index
    %get3A_1 = vector.load %arg1[%get3A, %get3A_0] : memref<4096x128xf32, #tpu.memory_space<vmem>>, vector<4096x128xf32>
    %get3A_2 = arith.constant 0 : index
    %get3A_3 = arith.constant 0 : index
    %get3A_4 = vector.load %arg2[%get3A_2, %get3A_3] : memref<1x128xf32, #tpu.memory_space<vmem>>, vector<1x128xf32>
    %get3A_5 = arith.constant 0 : index
    %get3A_6 = arith.constant 0 : index
    %get3A_7 = vector.load %arg3[%get3A_5, %get3A_6] : memref<1x128xf32, #tpu.memory_space<vmem>>, vector<1x128xf32>
    %get3A_8 = arith.constant 0 : index
    %get3A_9 = arith.constant 0 : index
    %get3A_10 = vector.load %arg4[%get3A_8, %get3A_9] : memref<128x128xf32, #tpu.memory_space<vmem>>, vector<128x128xf32>
    %get3A_11 = arith.constant 0 : index
    %get3A_12 = arith.constant 0 : index
    %get3A_13 = vector.load %arg5[%get3A_11, %get3A_12] : memref<1x128xf32, #tpu.memory_space<vmem>>, vector<1x128xf32>
    %reduce_sum3A = arith.constant dense<0.000000e+00> : vector<4096xf32>
    %reduce_sum3A_14 = vector.multi_reduction <add>, %get3A_1, %reduce_sum3A [1] : vector<4096x128xf32> to vector<4096xf32>
    %broadcast_in_dim3A = vector.shape_cast %reduce_sum3A_14 : vector<4096xf32> to vector<4096x1xf32>
    %div3A = arith.constant 1.280000e+02 : f32
    %div3A_15 = vector.broadcast %div3A : f32 to vector<4096x1xf32>
    %div3A_16 = arith.divf %broadcast_in_dim3A, %div3A_15 : vector<4096x1xf32>
    %sub3A = vector.broadcast %div3A_16 : vector<4096x1xf32> to vector<4096x128xf32>
    %sub3A_17 = arith.subf %get3A_1, %sub3A : vector<4096x128xf32>
    %mul3A = arith.mulf %sub3A_17, %sub3A_17 : vector<4096x128xf32>
    %reduce_sum3A_18 = arith.constant dense<0.000000e+00> : vector<4096xf32>
    %reduce_sum3A_19 = vector.multi_reduction <add>, %mul3A, %reduce_sum3A_18 [1] : vector<4096x128xf32> to vector<4096xf32>
    %broadcast_in_dim3A_20 = vector.shape_cast %reduce_sum3A_19 : vector<4096xf32> to vector<4096x1xf32>
    %div3A_21 = arith.constant 1.280000e+02 : f32
    %div3A_22 = vector.broadcast %div3A_21 : f32 to vector<4096x1xf32>
    %div3A_23 = arith.divf %broadcast_in_dim3A_20, %div3A_22 : vector<4096x1xf32>
    %add3A = arith.constant 9.99999974E-6 : f32
    %add3A_24 = vector.broadcast %add3A : f32 to vector<4096x1xf32>
    %add3A_25 = arith.addf %div3A_23, %add3A_24 : vector<4096x1xf32>
    %rsqrt3A = math.rsqrt %add3A_25 : vector<4096x1xf32>
    %mul3A_26 = vector.broadcast %rsqrt3A : vector<4096x1xf32> to vector<4096x128xf32>
    %mul3A_27 = arith.mulf %sub3A_17, %mul3A_26 : vector<4096x128xf32>
    %mul3A_28 = vector.broadcast %get3A_4 : vector<1x128xf32> to vector<4096x128xf32>
    %mul3A_29 = arith.mulf %mul3A_27, %mul3A_28 : vector<4096x128xf32>
    %add3A_30 = vector.broadcast %get3A_7 : vector<1x128xf32> to vector<4096x128xf32>
    %add3A_31 = arith.addf %mul3A_29, %add3A_30 : vector<4096x128xf32>
    %dot_general3A = arith.constant dense<0.000000e+00> : vector<4096x128xf32>
    %dot_general3A_32 = tpu.matmul %add3A_31, %get3A_10, %dot_general3A {dimension_numbers = #tpu.dot_dimension_numbers<[1], [1], [0], [0], [0, 0, 1, 0], [], []>, transpose_lhs_hint = false} : vector<4096x128xf32>, vector<128x128xf32>, vector<4096x128xf32> -> vector<4096x128xf32>
    %add3A_33 = vector.broadcast %get3A_13 : vector<1x128xf32> to vector<4096x128xf32>
    %add3A_34 = arith.addf %dot_general3A_32, %add3A_33 : vector<4096x128xf32>
    %logistic3A = arith.negf %add3A_34 : vector<4096x128xf32>
    %logistic3A_35 = math.exp %logistic3A : vector<4096x128xf32>
    %logistic3A_36 = arith.constant 1.000000e+00 : f32
    %logistic3A_37 = vector.broadcast %logistic3A_36 : f32 to vector<4096x128xf32>
    %logistic3A_38 = arith.addf %logistic3A_37, %logistic3A_35 : vector<4096x128xf32>
    %logistic3A_39 = arith.divf %logistic3A_37, %logistic3A_38 : vector<4096x128xf32>
    %mul3A_40 = arith.mulf %add3A_34, %logistic3A_39 : vector<4096x128xf32>
    %mul3A_41 = arith.mulf %mul3A_40, %mul3A_40 : vector<4096x128xf32>
    %reduce_sum3A_42 = arith.constant dense<0.000000e+00> : vector<4096xf32>
    %reduce_sum3A_43 = vector.multi_reduction <add>, %mul3A_41, %reduce_sum3A_42 [1] : vector<4096x128xf32> to vector<4096xf32>
    %broadcast_in_dim3A_44 = vector.shape_cast %reduce_sum3A_43 : vector<4096xf32> to vector<4096x1xf32>
    %sqrt3A = math.sqrt %broadcast_in_dim3A_44 : vector<4096x1xf32>
    %max3A = arith.constant 9.99999996E-13 : f32
    %max3A_45 = vector.broadcast %max3A : f32 to vector<4096x1xf32>
    %max3A_46 = arith.maximumf %sqrt3A, %max3A_45 : vector<4096x1xf32>
    %div3A_47 = vector.broadcast %max3A_46 : vector<4096x1xf32> to vector<4096x128xf32>
    %div3A_48 = arith.divf %mul3A_40, %div3A_47 : vector<4096x128xf32>
    %concatenate3A = tpu.concatenate %div3A_48, %mul3A_40 in 1 : vector<4096x128xf32>, vector<4096x128xf32> -> vector<4096x256xf32>
    %swap3A = arith.constant 0 : index
    %swap3A_49 = arith.constant 0 : index
    %swap3A_50 = vector.load %arg6[%swap3A, %swap3A_49] : memref<4096x256xf32, #tpu.memory_space<vmem>>, vector<4096x256xf32>
    tpu.vector_store %arg6[%swap3A, %swap3A_49], %concatenate3A {strides = array<i32>} : memref<4096x256xf32, #tpu.memory_space<vmem>>, vector<4096x256xf32>,
    return
  }
  func.func @transform_0(%arg0: i32) -> (i32, i32) {
    %c0_i32 = arith.constant 0 : i32
    %c0_i32_0 = arith.constant 0 : i32
    return %arg0, %c0_i32 : i32, i32
  }
  func.func @transform_1(%arg0: i32) -> (i32, i32) {
    %c0_i32 = arith.constant 0 : i32
    %c0_i32_0 = arith.constant 0 : i32
    %c0_i32_1 = arith.constant 0 : i32
    return %c0_i32, %c0_i32_0 : i32, i32
  }
  func.func @transform_2(%arg0: i32) -> (i32, i32) {
    %c0_i32 = arith.constant 0 : i32
    %c0_i32_0 = arith.constant 0 : i32
    %c0_i32_1 = arith.constant 0 : i32
    return %c0_i32, %c0_i32_0 : i32, i32
  }
  func.func @transform_3(%arg0: i32) -> (i32, i32) {
    %c0_i32 = arith.constant 0 : i32
    %c0_i32_0 = arith.constant 0 : i32
    %c0_i32_1 = arith.constant 0 : i32
    return %c0_i32, %c0_i32_0 : i32, i32
  }
  func.func @transform_4(%arg0: i32) -> (i32, i32) {
    %c0_i32 = arith.constant 0 : i32
    %c0_i32_0 = arith.constant 0 : i32
    %c0_i32_1 = arith.constant 0 : i32
    return %c0_i32, %c0_i32_0 : i32, i32
  }
  func.func @transform_5(%arg0: i32) -> (i32, i32) {
    %c0_i32 = arith.constant 0 : i32
    %c0_i32_0 = arith.constant 0 : i32
    return %arg0, %c0_i32 : i32, i32
  }
}

module attributes {stable_mosaic.version = 14 : i64} {
  func.func @_s3b_body(%arg0: i32, %arg1: memref<4096x128xf32, #tpu.memory_space<vmem>>, %arg2: memref<4096x128xf32, #tpu.memory_space<vmem>>, %arg3: memref<1x128xf32, #tpu.memory_space<vmem>>, %arg4: memref<1x1xf32, #tpu.memory_space<vmem>>) attributes {dimension_semantics = [#tpu.dimension_semantics<arbitrary>], iteration_bounds = array<i64: 1>, scalar_prefetch = 0 : i64, scratch_operands = 0 : i64, tpu.core_type = #tpu.core_type<tc>, window_params = [{transform_indices = @transform_0, window_bounds = array<i64: 4096, 128>}, {transform_indices = @transform_1, window_bounds = array<i64: 4096, 128>}, {pipeline_mode = #tpu.pipeline_mode<synchronous>, transform_indices = @transform_2, window_bounds = array<i64: 1, 128>}, {pipeline_mode = #tpu.pipeline_mode<synchronous>, transform_indices = @transform_3, window_bounds = array<i64: 1, 1>}]} {
    %get3A = arith.constant 0 : index
    %get3A_0 = arith.constant 0 : index
    %get3A_1 = vector.load %arg1[%get3A, %get3A_0] : memref<4096x128xf32, #tpu.memory_space<vmem>>, vector<4096x128xf32>
    %get3A_2 = arith.constant 0 : index
    %get3A_3 = arith.constant 0 : index
    %get3A_4 = vector.load %arg2[%get3A_2, %get3A_3] : memref<4096x128xf32, #tpu.memory_space<vmem>>, vector<4096x128xf32>
    %add3A = arith.addf %get3A_1, %get3A_4 : vector<4096x128xf32>
    %get3A_5 = arith.constant 0 : index
    %get3A_6 = arith.constant 0 : index
    %get3A_7 = vector.load %arg3[%get3A_5, %get3A_6] : memref<1x128xf32, #tpu.memory_space<vmem>>, vector<1x128xf32>
    %mul3A = arith.mulf %add3A, %add3A : vector<4096x128xf32>
    %reduce_sum3A = arith.constant dense<0.000000e+00> : vector<4096xf32>
    %reduce_sum3A_8 = vector.multi_reduction <add>, %mul3A, %reduce_sum3A [1] : vector<4096x128xf32> to vector<4096xf32>
    %broadcast_in_dim3A = vector.shape_cast %reduce_sum3A_8 : vector<4096xf32> to vector<4096x1xf32>
    %sqrt3A = math.sqrt %broadcast_in_dim3A : vector<4096x1xf32>
    %max3A = arith.constant 9.99999996E-13 : f32
    %max3A_9 = vector.broadcast %max3A : f32 to vector<4096x1xf32>
    %max3A_10 = arith.maximumf %sqrt3A, %max3A_9 : vector<4096x1xf32>
    %div3A = vector.broadcast %max3A_10 : vector<4096x1xf32> to vector<4096x128xf32>
    %div3A_11 = arith.divf %add3A, %div3A : vector<4096x128xf32>
    %reduce_sum3A_12 = arith.constant dense<0.000000e+00> : vector<128xf32>
    %reduce_sum3A_13 = vector.multi_reduction <add>, %div3A_11, %reduce_sum3A_12 [0] : vector<4096x128xf32> to vector<128xf32>
    %mul3A_14 = arith.mulf %div3A_11, %div3A_11 : vector<4096x128xf32>
    %reduce_sum3A_15 = vector.shape_cast %mul3A_14 : vector<4096x128xf32> to vector<1x4096x128xf32>
    %reduce_sum3A_16 = arith.constant dense<0.000000e+00> : vector<1xf32>
    %reduce_sum3A_17 = vector.multi_reduction <add>, %reduce_sum3A_15, %reduce_sum3A_16 [1, 2] : vector<1x4096x128xf32> to vector<1xf32>
    %reduce_sum3A_18 = vector.shape_cast %reduce_sum3A_17 : vector<1xf32> to vector<1x1x1xf32>
    %reduce_sum3A_19 = vector.extract %reduce_sum3A_18[0, 0, 0] : f32 from vector<1x1x1xf32>
    %mul3A_20 = arith.mulf %reduce_sum3A_13, %reduce_sum3A_13 : vector<128xf32>
    %reduce_sum3A_21 = vector.shape_cast %mul3A_20 : vector<128xf32> to vector<1x128xf32>
    %reduce_sum3A_22 = arith.constant dense<0.000000e+00> : vector<1xf32>
    %reduce_sum3A_23 = vector.multi_reduction <add>, %reduce_sum3A_21, %reduce_sum3A_22 [1] : vector<1x128xf32> to vector<1xf32>
    %reduce_sum3A_24 = vector.shape_cast %reduce_sum3A_23 : vector<1xf32> to vector<1x1xf32>
    %reduce_sum3A_25 = vector.extract %reduce_sum3A_24[0, 0] : f32 from vector<1x1xf32>
    %slice3A = vector.extract_strided_slice %get3A_7 {offsets = [0, 2], sizes = [1, 1], strides = [1, 1]} : vector<1x128xf32> to vector<1x1xf32>
    %squeeze3A = vector.extract %slice3A[0, 0] : f32 from vector<1x1xf32>
    %max3A_26 = arith.constant 1.000000e+00 : f32
    %max3A_27 = arith.maximumf %squeeze3A, %max3A_26 : f32
    %slice3A_28 = vector.extract_strided_slice %get3A_7 {offsets = [0, 0], sizes = [1, 1], strides = [1, 1]} : vector<1x128xf32> to vector<1x1xf32>
    %squeeze3A_29 = vector.extract %slice3A_28[0, 0] : f32 from vector<1x1xf32>
    %div3A_30 = arith.divf %squeeze3A_29, %max3A_27 : f32
    %slice3A_31 = vector.extract_strided_slice %get3A_7 {offsets = [0, 1], sizes = [1, 1], strides = [1, 1]} : vector<1x128xf32> to vector<1x1xf32>
    %squeeze3A_32 = vector.extract %slice3A_31[0, 0] : f32 from vector<1x1xf32>
    %div3A_33 = arith.divf %squeeze3A_32, %max3A_27 : f32
    %sub3A = arith.subf %reduce_sum3A_25, %reduce_sum3A_19 : f32
    %div3A_34 = arith.constant 0x4B7FF000 : f32
    %div3A_35 = arith.divf %sub3A, %div3A_34 : f32
    %mul3A_36 = arith.constant 5.000000e-02 : f32
    %mul3A_37 = arith.mulf %mul3A_36, %div3A_33 : f32
    %add3A_38 = arith.addf %div3A_30, %mul3A_37 : f32
    %mul3A_39 = arith.constant 2.000000e-01 : f32
    %mul3A_40 = arith.mulf %mul3A_39, %div3A_35 : f32
    %add3A_41 = arith.addf %add3A_38, %mul3A_40 : f32
    %mul3A_42 = arith.constant 3.000000e-02 : f32
    %mul3A_43 = arith.mulf %mul3A_42, %add3A_41 : f32
    %mul3A_44 = arith.constant 5.000000e-02 : f32
    %mul3A_45 = arith.mulf %mul3A_43, %mul3A_44 : f32
    %reshape3A = vector.broadcast %mul3A_45 : f32 to vector<1x1xf32>
    %swap3A = arith.constant 0 : index
    %swap3A_46 = arith.constant 0 : index
    %swap3A_47 = vector.load %arg4[%swap3A, %swap3A_46] : memref<1x1xf32, #tpu.memory_space<vmem>>, vector<1x1xf32>
    tpu.vector_store %arg4[%swap3A, %swap3A_46], %reshape3A {strides = array<i32>} : memref<1x1xf32, #tpu.memory_space<vmem>>, vector<1x1xf32>,
    return
  }
  func.func @transform_0(%arg0: i32) -> (i32, i32) {
    %c0_i32 = arith.constant 0 : i32
    %c0_i32_0 = arith.constant 0 : i32
    %c0_i32_1 = arith.constant 0 : i32
    return %c0_i32, %c0_i32_0 : i32, i32
  }
  func.func @transform_1(%arg0: i32) -> (i32, i32) {
    %c1_i32 = arith.constant 1 : i32
    %c0_i32 = arith.constant 0 : i32
    %c0_i32_0 = arith.constant 0 : i32
    return %c1_i32, %c0_i32 : i32, i32
  }
  func.func @transform_2(%arg0: i32) -> (i32, i32) {
    %c0_i32 = arith.constant 0 : i32
    %c0_i32_0 = arith.constant 0 : i32
    %c0_i32_1 = arith.constant 0 : i32
    return %c0_i32, %c0_i32_0 : i32, i32
  }
  func.func @transform_3(%arg0: i32) -> (i32, i32) {
    %c0_i32 = arith.constant 0 : i32
    %c0_i32_0 = arith.constant 0 : i32
    %c0_i32_1 = arith.constant 0 : i32
    return %c0_i32, %c0_i32_0 : i32, i32
  }
}

</mosaic_0001>

<sc_bundles>
// kernel: kernel.10.cloned.1.call-start
scs
__scs_entry_jumppad:
0x0: {  	(pc) =	sbr.rel $0x88, $3  }
0x1: {  	(tag) =	ssettag $0x0;
	lr =	simm.s32 $0x1  }
0x2: {  	[smem:$0x3F95] =	sst lr;
	_ =	strace $0xD0000000  }
0x3: {  	_ = 	snop  }
0x4: {  	_ = 	snop  }
0x5: {  	_ = 	snop  }
0x6: {  	_ = 	snop  }
0x7: {  	_ = 	snop  }
__scs_overlays_trampoline_lowered:
0x8: {  	[smem:$0x3FA4] =	sst s0  }
0x9: {  	[smem:$0x3FA5] =	sst s1  }
0xa: {  	[smem:$0x3FA6] =	sst s2  }
0xb: {  	[smem:$0x3FA7] =	sst s3  }
0xc: {  	[smem:$0x3FA8] =	sst s4  }
0xd: {  	[smem:$0x3FA9] =	sst s5  }
0xe: {  	[smem:$0x3FAA] =	sst s6  }
0xf: {  	[smem:$0x3FAB] =	sst s7  }
0x10: {  	[smem:$0x3FAC] =	sst s8  }
0x11: {  	[smem:$0x3FAD] =	sst s9;
	s0 =	simm.s32 @!p0 $0x0  }
0x12: {  	s1 =	sld [smem:$0x3F93];
	s0 =	simm.s32 @p0 $0x1  }
0x13: {  	[smem:$0x3FAE] =	sst s0;
	s0 =	simm.s32 @!p1 $0x0  }
0x14: {  	s2 =	sld [smem:$0x3F92];
	s0 =	simm.s32 @p1 $0x1  }
0x15: {  	[smem:$0x3FAF] =	sst s0;
	s0 =	simm.s32 @!p2 $0x0  }
0x16: {  	s3 =	sld [smem:$0x3FDB];
	s0 =	simm.s32 @p2 $0x1  }
0x17: {  	s4 =	simm.s32 $0x1BF5;
	[smem:$0x3FB1] =	sst s0  }
0x18: {  	s0 =	sld [smem:$0x3F94];
	_ =	swait.ge [sflag:s4], $0x0  }
0x19: {  	s7 =	sld [smem:$0x3F95]  }
0x1a: {  	s8 =	sadd.s32 $0xFFFFE003, lr  }
0x1b: {  	s9 =	sadd.s32 $0xFFFFFEF7, lr;
	s5 =	simm.s32 $0xFFFFFFFF;
	p2 =	slt.u32 s8, $0xFFFFF086  }
0x1c: {  	p1 =	slt.u32 s9, $0xF7A;
	s5 =	simm.s32 @!p2 $0x0  }
0x1d: {  	s5 =	simm.s32 @p1 $0x1;
	p0 =	seq.s32 s7, s2  }
0x1e: {  	s7 =	smul.u32 @!p0 $0xF7A, s2;
	p2 =	seq.s32 @!p0 s5, $0x0  }
0x1f: {  	s9 =	smul.u32 $0xF7A, s1;
	s8 =	simm.s32 @!p0 $0x1BF5;
	p2 =	por !p2, p0  }
0x20: {  	[sflag:s8] =	ssyncset.s32 @!p0 $0xFFFFF086;
	s6 =	sadd.s32 @!p0 s3, s7;
	s7 =	simm.s32 @!p0 $0x108  }
0x21: {  	s3 =	sadd.s32 s3, s9;
	s6 =	sadd.s32 @!p0 $0x88, s6;
	s7 =	simm.s32 @p2 $0x1082  }
0x22: {  	[simem:s7], [sflag:s8] =	dma.local @!p0 [hbm:s6], $0xF7A  }
0x23: {  	s9 =	sor.u32 $0xD0000000, s2;
	s6 =	simm.s32 $0x108;
	_ =	swait.ge @!p0 [sflag:s8], $0x0  }
0x24: {  	s3 =	sadd.s32 $0x88, s3;
	s6 =	simm.s32 @!p1 $0x1082;
	[sflag:s4] =	ssyncset.s32 $0xFFFFF086  }
0x25: {  	[simem:s6], [sflag:s4] =	dma.local [hbm:s3], $0xF7A  }
0x26: {  	[smem:$0x3F95] =	sst s1;
	(tag) =	ssettag s2;
	_ =	strace s9  }
0x27: {  	s1 =	sld [smem:$0x3FA5]  }
0x28: {  	s2 =	sld [smem:$0x3FA6]  }
0x29: {  	s4 =	sld [smem:$0x3FA8]  }
0x2a: {  	p0 =	seq.s32 s5, $0x0;
	s5 =	sld [smem:$0x3FA9]  }
0x2b: {  	s6 =	sld [smem:$0x3FAA]  }
0x2c: {  	s7 =	sld [smem:$0x3FAB]  }
0x2d: {  	s3 =	simm.s32 $0x108;
	s8 =	sld [smem:$0x3FAC]  }
0x2e: {  	s3 =	simm.s32 @!p0 $0x1082;
	s9 =	sld [smem:$0x3FAD]  }
0x2f: {  	lr =	sadd.s32 s0, s3;
	s0 =	sld [smem:$0x3FA4]  }
0x30: {  	s3 =	sld [smem:$0x3FA7]  }
0x31: {  	[smem:$0x3FB0] =	sst s10  }
0x32: {  	s10 =	sld [smem:$0x3FAE];
	_ =	sdelay $0x3  }
0x33: {  	p0 =	seq.s32 s10, $0x1;
	s10 =	sld [smem:$0x3FB0];
	_ =	sdelay $0x3  }
0x34: {  	[smem:$0x3FB0] =	sst s10  }
0x35: {  	s10 =	sld [smem:$0x3FAF];
	_ =	sdelay $0x3  }
0x36: {  	p1 =	seq.s32 s10, $0x1;
	s10 =	sld [smem:$0x3FB0];
	_ =	sdelay $0x3  }
0x37: {  	[smem:$0x3FB0] =	sst s10  }
0x38: {  	s10 =	sld [smem:$0x3FB1]  }
0x39: {  	_ = 	snop;
	(pc) =	sbr.ind lr, $3  }
0x3a: {  	_ = 	snop  }
0x3b: {  	_ = 	snop  }
0x3c: {  	p2 =	seq.s32 s10, $0x1;
	s10 =	sld [smem:$0x3FB0]  }
0x3d: {  	_ =	shalt  }
0x3e: {  	_ =	shalt  }
0x3f: {  	_ =	shalt  }
0x40: {  	_ =	shalt  }
0x41: {  	_ =	shalt  }
0x42: {  	_ =	shalt  }
0x43: {  	_ =	shalt  }
0x44: {  	_ =	shalt  }
0x45: {  	_ =	shalt  }
0x46: {  	_ =	shalt  }
0x47: {  	_ =	shalt  }
0x48: {  	_ =	shalt  }
0x49: {  	_ =	shalt  }
0x4a: {  	_ =	shalt  }
0x4b: {  	_ =	shalt  }
0x4c: {  	_ =	shalt  }
0x4d: {  	_ =	shalt  }
0x4e: {  	_ =	shalt  }
0x4f: {  	_ =	shalt  }
0x50: {  	_ =	shalt  }
0x51: {  	_ =	shalt  }
0x52: {  	_ =	shalt  }
0x53: {  	_ =	shalt  }
0x54: {  	_ =	shalt  }
0x55: {  	_ =	shalt  }
0x56: {  	_ =	shalt  }
0x57: {  	_ =	shalt  }
0x58: {  	_ =	shalt  }
0x59: {  	_ =	shalt  }
0x5a: {  	_ =	shalt  }
0x5b: {  	_ =	shalt  }
0x5c: {  	_ =	shalt  }
0x5d: {  	_ =	shalt  }
0x5e: {  	_ =	shalt  }
0x5f: {  	_ =	shalt  }
0x60: {  	_ =	shalt  }
0x61: {  	_ =	shalt  }
0x62: {  	_ =	shalt  }
0x63: {  	_ =	shalt  }
0x64: {  	_ =	shalt  }
0x65: {  	_ =	shalt  }
0x66: {  	_ =	shalt  }
0x67: {  	_ =	shalt  }
0x68: {  	_ =	shalt  }
0x69: {  	_ =	shalt  }
0x6a: {  	_ =	shalt  }
0x6b: {  	_ =	shalt  }
0x6c: {  	_ =	shalt  }
0x6d: {  	_ =	shalt  }
0x6e: {  	_ =	shalt  }
0x6f: {  	_ =	shalt  }
0x70: {  	_ =	shalt  }
0x71: {  	_ =	shalt  }
0x72: {  	_ =	shalt  }
0x73: {  	_ =	shalt  }
0x74: {  	_ =	shalt  }
0x75: {  	_ =	shalt  }
0x76: {  	_ =	shalt  }
0x77: {  	_ =	shalt  }
0x78: {  	_ =	shalt  }
0x79: {  	_ =	shalt  }
0x7a: {  	_ =	shalt  }
0x7b: {  	_ =	shalt  }
0x7c: {  	_ =	shalt  }
0x7d: {  	_ =	shalt  }
0x7e: {  	_ =	shalt  }
0x7f: {  	_ =	shalt  }
0x80: {  	_ =	shalt  }
0x81: {  	_ =	shalt  }
0x82: {  	_ =	shalt  }
0x83: {  	_ =	shalt  }
0x84: {  	_ =	shalt  }
0x85: {  	_ =	shalt  }
0x86: {  	_ =	shalt  }
0x87: {  	_ =	shalt  }
.Lfunc_end0:
.L_simem_size_0:
called_computation_lowered:
.L_overlay_start_0:
0x88: {  	s2 =	sld [smem:$0x3FD9]  }
0x89: {  	s3 =	sld [smem:$0x3FFE];
	_ =	sdelay $0x1  }
0x8a: {  	s1 =	srdreg.scid  }
0x8b: {  	s0 =	sand.u32 $0x1, s1  }
0x8c: {  	s17 =	sshll.u32 s0, $0xA;
	s2 =	sadd.s32 s3, s2  }
0x8d: {  	s2 =	sadd.s32 s2, s17  }
0x8e: {  	[smem:$0x3FBC] =	sst s2  }
0x8f: {  	_ = 	snop  }
0x90: {  	s2 =	sld [smem:$0x3FC6];
	(tm) =	ssettm $0x1  }
0x91: {  	s18 =	sld [smem:$0x3FFB];
	_ =	sdelay $0x3  }
0x92: {  	_ =	strace s18  }
0x93: {  	s3 =	sld [smem:$0x3FFC];
	_ =	sdelay $0x3  }
0x94: {  	_ =	strace s3  }
0x95: {  	s3 =	sld [smem:$0x3FFD];
	_ =	sdelay $0x3  }
0x96: {  	_ =	strace s3  }
0x97: {  	_ =	strace $0x8FFFFFFF  }
0x98: {  	s19 =	sld [smem:$0x3FDB];
	_ =	sdelay $0x1  }
0x99: {  	s4 =	simm.s32 $_scs_section_size  }
0x9a: {  	s5 =	simm.s32 $_size__tile_overlayer_lowered;
	s6 =	simm.s32 $_tile_overlayer_lowered  }
0x9b: {  	s22 =	simm.s32 $0x1BFF;
	s21 =	sshll.u32 s6, $0x1;
	s3 =	sadd.s32 s4, s19  }
0x9c: {  	s7 =	simm.s32 $0x0;
	s20 =	sshll.u32 s5, $0x1;
	s5 =	sadd.s32 s21, s3  }
0x9d: {  	[timem:s7], [sflag:s22] =	dma.local [hbm:s5], s20  }
0x9e: {  	_ =	swait.ge [sflag:s22], s20  }
0x9f: {  	s4 =	ssub.s32 $0x0, s20;
	[sflag:s22] =	ssyncset.done $0x0  }
0xa0: {  	[sflag:s22] =	ssyncadd.s32 s4;
	_ =	sdelay $0x1  }
0xa1: {  	s23 =	simm.s32 $0x1B8B  }
0xa2: {  	_ =	swait.ge [sflag:s23], $0x1  }
0xa3: {  	[sflag:s23] =	ssyncset.done $0x0  }
0xa4: {  	s25 =	simm.s32 $0x1B8E;
	s24 =	sld [smem:$0x3FFE];
	[sflag:s23] =	ssyncadd.s32 $0xFFFFFFFF  }
0xa5: {  	s26 =	simm.s32 $execute0_lowered;
	[smem:$0x3FD2] =	sst s25  }
0xa6: {  	s5 =	sshll.u32 s26, $0x1;
	_ =	strace $0x80000046;
	[dreg:$0x1] =	wrdreg $0xFFFFFFFF  }
0xa7: {  	s28 =	simm.s32 $_size_execute0_lowered;
	s3 =	sadd.s32 s3, s5;
	[dreg:$0x0] =	wrdreg $0x0  }
0xa8: {  	s5 =	sshll.u32 s28, $0x1;
	[dreg:$0x2] =	wrdreg s3  }
0xa9: {  	[dreg:$0x3] =	wrdreg s5  }
0xaa: {  	[dreg:$0x4] =	wrdreg $0xC0  }
0xab: {  	_ =	task [dreg:s7], $0x5FFFF  }
0xac: {  	[dreg:$0x1] =	wrdreg $0xFFFFFFFF  }
0xad: {  	[dreg:$0x0] =	wrdreg $0x60  }
0xae: {  	[dreg:$0x2] =	wrdreg s24  }
0xaf: {  	[dreg:$0x3] =	wrdreg s2  }
0xb0: {  	[dreg:$0x4] =	wrdreg $0x110000  }
0xb1: {  	[dreg:$0x5] =	wrdreg $0x9  }
0xb2: {  	_ =	task.clear_ibuf [dreg:s7], $0x6FFFF;
	_ =	strace $0x90000046  }
0xb3: {  	s29 =	simm.s32 $0x9;
	_ =	strace $0x80000048  }
0xb4: {  	_ =	swait.ge [sflag:s29], $0x1  }
0xb5: {  	[sflag:s29] =	ssyncadd.s32 $0xFFFFFFFF  }
0xb6: {  	_ =	strace $0x90000048  }
0xb7: {  	_ =	sfence  }
0xb8: {  	s30 =	sld [smem:$0x0];
	_ =	sdelay $0x2  }
0xb9: {  	s31 =	sshll.u32 s1, $0xD;
	s1 =	sshrl.u32 s1, $0x2  }
0xba: {  	s3 =	sand.u32 $0x4000, s31;
	s1 =	sadd.s32 s1, s30  }
0xbb: {  	s0 =	sor.u32 s3, s0;
	s1 =	sshll.u32 s1, $0x11  }
0xbc: {  	s0 =	sor.u32 s1, s0  }
0xbd: {  	s0 =	sadd.s32 $0x8F2B, s0  }
0xbe: {  	[sflag:s0] =	ssyncadd.remote.s32 $0x1  }
0xbf: {  	_ =	sfence.sel $0xFFFF  }
0xc0: {  	[dreg:$0x0] =	wrdreg $0xFFFFFFFF;
	(pc) =	sbr.abs _section_cstart, $3  }
0xc1: {  	[dreg:$0x1] =	wrdreg $0xFFFFFFFF  }
0xc2: {  	_ =	task.clear_ibuf [dreg:s7], $0x2FFFF;
	_ =	strace $0x9FFFFFFF  }
0xc3: {  	(tm) =	ssettm $0x7FFFFFFF  }
tec
execute0_lowered:
.L_overlay_start_1:
0x0: {  	(tag) =	ssettag $0x1  }
0x1: {  	s0 =	rddreg [dreg:$0x0]  }
0x2: {  	s1 =	rddreg [dreg:$0x1]  }
0x3: {  	s2 =	rddreg [dreg:$0x2];
	s4 =	srdreg.scid  }
0x4: {  	s3 =	simm.s32 $0x0;
	s10 =	stileid.u32;
	s5 =	sand.u32 $0x1, s4  }
0x5: {  	[smem:$0x7FF] =	sst s3;
	s6 =	sshll.u32 s10, $0x10;
	s26 =	sshll.u32 s10, $0xF  }
0x6: {  	s19 =	sshll.u32 s10, $0x8;
	s4 =	sshll.u32 s5, $0x7;
	_ =	strace $0x80000047  }
0x7: {  	s7 =	ssub.s32 $0x2, s5;
	s1 =	sadd.s32 s1, s19;
	s4 =	sor.u32 s4, s6  }
0x8: {  	s9 =	sshrl.u32 s7, $0x1;
	s6 =	sadd.s32 s4, s0;
	s4 =	sadd.s32 s26, s2  }
0x9: {  	[dreg:$0xe] =	wrdreg s1;
	s7 =	ssub.s32 s7, s9;
	s9 =	sadd.s32 $0x800, s4  }
0xa: {  	s11 =	sadd.s32 $0x1000, s4;
	[dreg:$0x4] =	wrdreg s9  }
0xb: {  	s12 =	sadd.s32 $0x1800, s4;
	[dreg:$0x5] =	wrdreg s11  }
0xc: {  	s13 =	sadd.s32 $0x2000, s4;
	[dreg:$0x6] =	wrdreg s12  }
0xd: {  	s8 =	sshll.u32 s10, $0xC;
	s14 =	sadd.s32 $0x2800, s4;
	[dreg:$0x7] =	wrdreg s13  }
0xe: {  	s10 =	simm.s32 $0x1;
	s15 =	sadd.s32 $0x3000, s4;
	[dreg:$0x8] =	wrdreg s14  }
0xf: {  	s1 =	simm.s32 $0x10000;
	s16 =	sadd.s32 $0x3800, s4;
	[dreg:$0x9] =	wrdreg s15  }
0x10: {  	s0 =	sadd.s32 s8, s0;
	s17 =	sadd.s32 $0x4000, s4;
	[dreg:$0xa] =	wrdreg s16  }
0x11: {  	s26 =	sshll.u32 s5, $0x10;
	s18 =	sadd.s32 $0x4800, s4;
	[dreg:$0xb] =	wrdreg s17  }
0x12: {  	s5 =	simm.s32 $0x400;
	s20 =	sadd.s32 $0x5000, s4;
	[dreg:$0xc] =	wrdreg s18  }
0x13: {  	s8 =	simm.s32 $0x3;
	s21 =	sadd.s32 $0x2800, s6;
	[dreg:$0xd] =	wrdreg s20  }
0x14: {  	s22 =	sadd.s32 $0x4800, s6;
	s23 =	sadd.s32 $0x6800, s6;
	[dreg:$0xf] =	wrdreg s21  }
0x15: {  	s24 =	sadd.s32 $0x8800, s6;
	s25 =	sadd.s32 $0xA800, s6;
	[dreg:$0x10] =	wrdreg s22  }
0x16: {  	s0 =	sadd.s32 s26, s0;
	s26 =	sadd.s32 $0x5800, s4;
	[dreg:$0x11] =	wrdreg s23  }
0x17: {  	s28 =	sadd.s32 $0x6000, s4;
	s29 =	sadd.s32 $0x6800, s4;
	[dreg:$0x12] =	wrdreg s24  }
0x18: {  	s30 =	sadd.s32 $0x7000, s4;
	s31 =	sadd.s32 $0x7800, s4;
	[dreg:$0x13] =	wrdreg s25  }
0x19: {  	s21 =	sadd.s32 $0xC800, s6;
	s22 =	sadd.s32 $0xE800, s6;
	s23 =	sadd.s32 $0x10800, s6  }
0x1a: {  	s24 =	sadd.s32 $0x102800, s0;
	s25 =	smax.u32 s7, $0x1;
	s0 =	simm.s32 $0x10800  }
0x1b: {  	s6 =	simm.s32 $0x800;
	s7 =	simm.s32 $0x8000;
	s9 =	simm.s32 $0x4  }
0x1c: {  	s11 =	simm.s32 $0x80;
	s12 =	simm.s32 $0x4000;
	s13 =	simm.s32 $0x2  }
0x1d: {  	v0 =	vimm.f32 $0.0e+00;
	s14 =	simm.s32 $0xC000;
	s15 =	simm.s32 $0x5;
	s16 =	simm.s32 $0x0  }
.LBB2_1:
0x1e: {  	s17 =	sand.u32 $0x1E00, s3  }
0x1f: {  	s18 =	sand.u32 $0x70, s3;
	s19 =	sshrl.u32 s17, $0x2  }
0x20: {  	s17 =	simm.s32 $0x40;
	s19 =	sor.u32 s18, s19;
	s18 =	simm.s32 $0x0  }
.LBB2_2:
0x21: {  	p0 =	sne.s32 s17, $0x1FC0  }
0x22: {  	[tilespmem:s19+$0x10800] =	vst v0;
	s18 =	sadd.s32 $0x10, s18;
	s19 =	smov.u32 s17;
	s17 =	sadd.s32 $0x40, s17  }
.Ltmp0:
0x23: {  	(pc) =	sbr.rel @p0 .LBB2_2-.Ltmp0, $4  }
0x24: {  	_ = 	snop  }
0x25: {  	s19 =	sand.u32 $0x1E00, s19  }
0x26: {  	s20 =	sand.u32 $0x70, s18;
	s19 =	sshrl.u32 s19, $0x2  }
0x27: {  	s19 =	sor.u32 s20, s19  }
0x28: {  	[tilespmem:s19+$0x10800] =	vst v0  }
0x29: {  	[spmem:s4] =	stream.linear.scatter [tilespmem:s0], [sflag:$0x3], $0x800, $0x38;
	[tilespmem:$0x19000] =	vst v63  }
0x2a: {  	s17 =	rddreg [dreg:$0x4]  }
0x2b: {  	[spmem:s17] =	stream.linear.scatter [tilespmem:s0], [sflag:$0x3], $0x800, $0x38;
	[tilespmem:$0x19000] =	vst v63  }
0x2c: {  	s20 =	rddreg [dreg:$0x5]  }
0x2d: {  	[spmem:s20] =	stream.linear.scatter [tilespmem:s0], [sflag:$0x3], $0x800, $0x38;
	[tilespmem:$0x19000] =	vst v63  }
0x2e: {  	s18 =	rddreg [dreg:$0x6]  }
0x2f: {  	[spmem:s18] =	stream.linear.scatter [tilespmem:s0], [sflag:$0x3], $0x800, $0x38;
	[tilespmem:$0x19000] =	vst v63  }
0x30: {  	s19 =	rddreg [dreg:$0x7]  }
0x31: {  	[spmem:s19] =	stream.linear.scatter [tilespmem:s0], [sflag:$0x3], $0x800, $0x38;
	[tilespmem:$0x19000] =	vst v63  }
0x32: {  	s20 =	rddreg [dreg:$0x8]  }
0x33: {  	[spmem:s20] =	stream.linear.scatter [tilespmem:s0], [sflag:$0x3], $0x800, $0x38;
	[tilespmem:$0x19000] =	vst v63  }
0x34: {  	s18 =	rddreg [dreg:$0x9]  }
0x35: {  	[spmem:s18] =	stream.linear.scatter [tilespmem:s0], [sflag:$0x3], $0x800, $0x38;
	[tilespmem:$0x19000] =	vst v63  }
0x36: {  	s19 =	rddreg [dreg:$0xa]  }
0x37: {  	[spmem:s19] =	stream.linear.scatter [tilespmem:s0], [sflag:$0x3], $0x800, $0x38;
	[tilespmem:$0x19000] =	vst v63  }
0x38: {  	s20 =	rddreg [dreg:$0xb]  }
0x39: {  	[spmem:s20] =	stream.linear.scatter [tilespmem:s0], [sflag:$0x3], $0x800, $0x38;
	[tilespmem:$0x19000] =	vst v63  }
0x3a: {  	s18 =	rddreg [dreg:$0xc]  }
0x3b: {  	[spmem:s18] =	stream.linear.scatter [tilespmem:s0], [sflag:$0x3], $0x800, $0x38;
	[tilespmem:$0x19000] =	vst v63  }
0x3c: {  	s19 =	rddreg [dreg:$0xd]  }
0x3d: {  	[spmem:s19] =	stream.linear.scatter [tilespmem:s0], [sflag:$0x3], $0x800, $0x38;
	[tilespmem:$0x19000] =	vst v63  }
0x3e: {  	_ = 	snop  }
0x3f: {  	[spmem:s26] =	stream.linear.scatter [tilespmem:s0], [sflag:$0x3], $0x800, $0x38;
	[tilespmem:$0x19000] =	vst v63  }
0x40: {  	_ = 	snop  }
0x41: {  	[spmem:s28] =	stream.linear.scatter [tilespmem:s0], [sflag:$0x3], $0x800, $0x38;
	[tilespmem:$0x19000] =	vst v63  }
0x42: {  	_ = 	snop  }
0x43: {  	[spmem:s29] =	stream.linear.scatter [tilespmem:s0], [sflag:$0x3], $0x800, $0x38;
	[tilespmem:$0x19000] =	vst v63  }
0x44: {  	_ = 	snop  }
0x45: {  	[spmem:s30] =	stream.linear.scatter [tilespmem:s0], [sflag:$0x3], $0x800, $0x38;
	[tilespmem:$0x19000] =	vst v63  }
0x46: {  	_ = 	snop  }
0x47: {  	[spmem:s31] =	stream.linear.scatter [tilespmem:s0], [sflag:$0x3], $0x800, $0x38;
	[tilespmem:$0x19000] =	vst v63  }
0x48: {  	s20 =	rddreg [dreg:$0xe]  }
0x49: {  	[tilespmem:s1], [sflag:$0x4] =	stream.linear.gather [hbm4b:s20+s3], $0x800, $0x38;
	[tilespmem:$0x19000] =	vst v63  }
0x4a: {  	s18 =	rddreg [dreg:$0xf]  }
0x4b: {  	[tilespmem:s3], [sflag:$0x1] =	stream.strided.gather [hbm4b:s18+s5], $0x8000, s6, s5, $0x38;
	[tilespmem:$0x19000] =	vst v63  }
0x4c: {  	s19 =	rddreg [dreg:$0x10]  }
0x4d: {  	[tilespmem:s7], [sflag:$0x2] =	stream.strided.gather [hbm4b:s19+s5], $0x8000, s6, s5, $0x38;
	[tilespmem:$0x19000] =	vst v63  }
0x4e: {  	_ =	swait.ge [sflag:s8], $0x800  }
0x4f: {  	[sflag:s8] =	ssyncset.done $0x0  }
0x50: {  	[sflag:s8] =	ssyncadd.s32 $0xFFFFF800  }
0x51: {  	_ =	swait.ge [sflag:s8], $0x800  }
0x52: {  	[sflag:s8] =	ssyncset.done $0x0  }
0x53: {  	[sflag:s8] =	ssyncadd.s32 $0xFFFFF800  }
0x54: {  	_ =	swait.ge [sflag:s8], $0x800  }
0x55: {  	[sflag:s8] =	ssyncset.done $0x0  }
0x56: {  	[sflag:s8] =	ssyncadd.s32 $0xFFFFF800  }
0x57: {  	_ =	swait.ge [sflag:s8], $0x800  }
0x58: {  	[sflag:s8] =	ssyncset.done $0x0  }
0x59: {  	[sflag:s8] =	ssyncadd.s32 $0xFFFFF800  }
0x5a: {  	_ =	swait.ge [sflag:s8], $0x800  }
0x5b: {  	[sflag:s8] =	ssyncset.done $0x0  }
0x5c: {  	[sflag:s8] =	ssyncadd.s32 $0xFFFFF800  }
0x5d: {  	_ =	swait.ge [sflag:s8], $0x800  }
0x5e: {  	[sflag:s8] =	ssyncset.done $0x0  }
0x5f: {  	[sflag:s8] =	ssyncadd.s32 $0xFFFFF800  }
0x60: {  	_ =	swait.ge [sflag:s8], $0x800  }
0x61: {  	[sflag:s8] =	ssyncset.done $0x0  }
0x62: {  	[sflag:s8] =	ssyncadd.s32 $0xFFFFF800  }
0x63: {  	_ =	swait.ge [sflag:s8], $0x800  }
0x64: {  	[sflag:s8] =	ssyncset.done $0x0  }
0x65: {  	[sflag:s8] =	ssyncadd.s32 $0xFFFFF800  }
0x66: {  	_ =	swait.ge [sflag:s8], $0x800  }
0x67: {  	[sflag:s8] =	ssyncset.done $0x0  }
0x68: {  	[sflag:s8] =	ssyncadd.s32 $0xFFFFF800  }
0x69: {  	_ =	swait.ge [sflag:s8], $0x800  }
0x6a: {  	[sflag:s8] =	ssyncset.done $0x0  }
0x6b: {  	[sflag:s8] =	ssyncadd.s32 $0xFFFFF800  }
0x6c: {  	_ =	swait.ge [sflag:s8], $0x800  }
0x6d: {  	[sflag:s8] =	ssyncset.done $0x0  }
0x6e: {  	[sflag:s8] =	ssyncadd.s32 $0xFFFFF800  }
0x6f: {  	_ =	swait.ge [sflag:s8], $0x800  }
0x70: {  	[sflag:s8] =	ssyncset.done $0x0  }
0x71: {  	[sflag:s8] =	ssyncadd.s32 $0xFFFFF800  }
0x72: {  	_ =	swait.ge [sflag:s8], $0x800  }
0x73: {  	[sflag:s8] =	ssyncset.done $0x0  }
0x74: {  	[sflag:s8] =	ssyncadd.s32 $0xFFFFF800  }
0x75: {  	_ =	swait.ge [sflag:s8], $0x800  }
0x76: {  	[sflag:s8] =	ssyncset.done $0x0  }
0x77: {  	[sflag:s8] =	ssyncadd.s32 $0xFFFFF800  }
0x78: {  	_ =	swait.ge [sflag:s8], $0x800  }
0x79: {  	[sflag:s8] =	ssyncset.done $0x0  }
0x7a: {  	[sflag:s8] =	ssyncadd.s32 $0xFFFFF800  }
0x7b: {  	_ =	swait.ge [sflag:s8], $0x800  }
0x7c: {  	[sflag:s8] =	ssyncset.done $0x0  }
0x7d: {  	[sflag:s8] =	ssyncadd.s32 $0xFFFFF800  }
0x7e: {  	_ =	swait.ge [sflag:s9], $0x800  }
0x7f: {  	[sflag:s9] =	ssyncset.done $0x0  }
0x80: {  	[sflag:s9] =	ssyncadd.s32 $0xFFFFF800  }
0x81: {  	[bflag:$0x0] =	sbarrier.arrive $0xFFFF  }
0x82: {  	_ =	swait.ge [sflag:s10], $0x8000  }
0x83: {  	[sflag:s10] =	ssyncset.done $0x0  }
0x84: {  	[sflag:s10] =	ssyncadd.s32 $0xFFFF8000  }
0x85: {  	[spmem:s2] =	stream.indirect.scatter.add.f32 [tilespmem:s3], [sflag:$0x3], $0x80, s1, s11, $0xb8;
	[tilespmem:$0x19000] =	vst v63  }
0x86: {  	s20 =	simm.s32 $0x10080  }
0x87: {  	[spmem:s2] =	stream.indirect.scatter.add.f32 [tilespmem:s12], [sflag:$0x3], $0x80, s20, s11, $0xb8;
	[tilespmem:$0x19000] =	vst v63  }
0x88: {  	_ =	swait.ge [sflag:s8], $0x4000  }
0x89: {  	[sflag:s8] =	ssyncset.done $0x0  }
0x8a: {  	[sflag:s8] =	ssyncadd.s32 $0xFFFFC000  }
0x8b: {  	_ =	swait.ge [sflag:s8], $0x4000  }
0x8c: {  	[sflag:s8] =	ssyncset.done $0x0  }
0x8d: {  	s18 =	rddreg [dreg:$0x11];
	[sflag:s8] =	ssyncadd.s32 $0xFFFFC000  }
0x8e: {  	[tilespmem:s3], [sflag:$0x1] =	stream.strided.gather [hbm4b:s18+s5], $0x8000, s6, s5, $0x38;
	[tilespmem:$0x19000] =	vst v63  }
0x8f: {  	_ =	swait.ge [sflag:s13], $0x8000  }
0x90: {  	[sflag:s13] =	ssyncset.done $0x0  }
0x91: {  	s19 =	simm.s32 $0x10100;
	[sflag:s13] =	ssyncadd.s32 $0xFFFF8000  }
0x92: {  	[spmem:s2] =	stream.indirect.scatter.add.f32 [tilespmem:s7], [sflag:$0x4], $0x80, s19, s11, $0xb8;
	[tilespmem:$0x19000] =	vst v63  }
0x93: {  	s20 =	simm.s32 $0x10180  }
0x94: {  	[spmem:s2] =	stream.indirect.scatter.add.f32 [tilespmem:s14], [sflag:$0x4], $0x80, s20, s11, $0xb8;
	[tilespmem:$0x19000] =	vst v63  }
0x95: {  	_ =	swait.ge [sflag:s9], $0x4000  }
0x96: {  	[sflag:s9] =	ssyncset.done $0x0  }
0x97: {  	[sflag:s9] =	ssyncadd.s32 $0xFFFFC000  }
0x98: {  	_ =	swait.ge [sflag:s9], $0x4000  }
0x99: {  	[sflag:s9] =	ssyncset.done $0x0  }
0x9a: {  	s18 =	rddreg [dreg:$0x12];
	[sflag:s9] =	ssyncadd.s32 $0xFFFFC000  }
0x9b: {  	[tilespmem:s7], [sflag:$0x2] =	stream.strided.gather [hbm4b:s18+s5], $0x8000, s6, s5, $0x38;
	[tilespmem:$0x19000] =	vst v63  }
0x9c: {  	_ =	swait.ge [sflag:s10], $0x8000  }
0x9d: {  	[sflag:s10] =	ssyncset.done $0x0  }
0x9e: {  	s19 =	simm.s32 $0x10200;
	[sflag:s10] =	ssyncadd.s32 $0xFFFF8000  }
0x9f: {  	[spmem:s2] =	stream.indirect.scatter.add.f32 [tilespmem:s3], [sflag:$0x3], $0x80, s19, s11, $0xb8;
	[tilespmem:$0x19000] =	vst v63  }
0xa0: {  	s20 =	simm.s32 $0x10280  }
0xa1: {  	[spmem:s2] =	stream.indirect.scatter.add.f32 [tilespmem:s12], [sflag:$0x3], $0x80, s20, s11, $0xb8;
	[tilespmem:$0x19000] =	vst v63  }
0xa2: {  	_ =	swait.ge [sflag:s8], $0x4000  }
0xa3: {  	[sflag:s8] =	ssyncset.done $0x0  }
0xa4: {  	[sflag:s8] =	ssyncadd.s32 $0xFFFFC000  }
0xa5: {  	_ =	swait.ge [sflag:s8], $0x4000  }
0xa6: {  	[sflag:s8] =	ssyncset.done $0x0  }
0xa7: {  	s18 =	rddreg [dreg:$0x13];
	[sflag:s8] =	ssyncadd.s32 $0xFFFFC000  }
0xa8: {  	[tilespmem:s3], [sflag:$0x1] =	stream.strided.gather [hbm4b:s18+s5], $0x8000, s6, s5, $0x38;
	[tilespmem:$0x19000] =	vst v63  }
0xa9: {  	_ =	swait.ge [sflag:s13], $0x8000  }
0xaa: {  	[sflag:s13] =	ssyncset.done $0x0  }
0xab: {  	s19 =	simm.s32 $0x10300;
	[sflag:s13] =	ssyncadd.s32 $0xFFFF8000  }
0xac: {  	[spmem:s2] =	stream.indirect.scatter.add.f32 [tilespmem:s7], [sflag:$0x4], $0x80, s19, s11, $0xb8;
	[tilespmem:$0x19000] =	vst v63  }
0xad: {  	s20 =	simm.s32 $0x10380  }
0xae: {  	[spmem:s2] =	stream.indirect.scatter.add.f32 [tilespmem:s14], [sflag:$0x4], $0x80, s20, s11, $0xb8;
	[tilespmem:$0x19000] =	vst v63  }
0xaf: {  	_ =	swait.ge [sflag:s9], $0x4000  }
0xb0: {  	[sflag:s9] =	ssyncset.done $0x0  }
0xb1: {  	[sflag:s9] =	ssyncadd.s32 $0xFFFFC000  }
0xb2: {  	_ =	swait.ge [sflag:s9], $0x4000  }
0xb3: {  	[sflag:s9] =	ssyncset.done $0x0  }
0xb4: {  	[sflag:s9] =	ssyncadd.s32 $0xFFFFC000  }
0xb5: {  	[tilespmem:s7], [sflag:$0x2] =	stream.strided.gather [hbm4b:s21+s5], $0x8000, s6, s5, $0x38;
	[tilespmem:$0x19000] =	vst v63  }
0xb6: {  	_ =	swait.ge [sflag:s10], $0x8000  }
0xb7: {  	[sflag:s10] =	ssyncset.done $0x0  }
0xb8: {  	s18 =	simm.s32 $0x10400;
	[sflag:s10] =	ssyncadd.s32 $0xFFFF8000  }
0xb9: {  	[spmem:s2] =	stream.indirect.scatter.add.f32 [tilespmem:s3], [sflag:$0x3], $0x80, s18, s11, $0xb8;
	[tilespmem:$0x19000] =	vst v63  }
0xba: {  	s19 =	simm.s32 $0x10480  }
0xbb: {  	[spmem:s2] =	stream.indirect.scatter.add.f32 [tilespmem:s12], [sflag:$0x3], $0x80, s19, s11, $0xb8;
	[tilespmem:$0x19000] =	vst v63  }
0xbc: {  	_ =	swait.ge [sflag:s8], $0x4000  }
0xbd: {  	[sflag:s8] =	ssyncset.done $0x0  }
0xbe: {  	[sflag:s8] =	ssyncadd.s32 $0xFFFFC000  }
0xbf: {  	_ =	swait.ge [sflag:s8], $0x4000  }
0xc0: {  	[sflag:s8] =	ssyncset.done $0x0  }
0xc1: {  	[sflag:s8] =	ssyncadd.s32 $0xFFFFC000  }
0xc2: {  	[tilespmem:s3], [sflag:$0x1] =	stream.strided.gather [hbm4b:s22+s5], $0x8000, s6, s5, $0x38;
	[tilespmem:$0x19000] =	vst v63  }
0xc3: {  	_ =	swait.ge [sflag:s13], $0x8000  }
0xc4: {  	[sflag:s13] =	ssyncset.done $0x0  }
0xc5: {  	s20 =	simm.s32 $0x10500;
	[sflag:s13] =	ssyncadd.s32 $0xFFFF8000  }
0xc6: {  	[spmem:s2] =	stream.indirect.scatter.add.f32 [tilespmem:s7], [sflag:$0x4], $0x80, s20, s11, $0xb8;
	[tilespmem:$0x19000] =	vst v63  }
0xc7: {  	s18 =	simm.s32 $0x10580  }
0xc8: {  	[spmem:s2] =	stream.indirect.scatter.add.f32 [tilespmem:s14], [sflag:$0x4], $0x80, s18, s11, $0xb8;
	[tilespmem:$0x19000] =	vst v63  }
0xc9: {  	_ =	swait.ge [sflag:s9], $0x4000  }
0xca: {  	[sflag:s9] =	ssyncset.done $0x0  }
0xcb: {  	[sflag:s9] =	ssyncadd.s32 $0xFFFFC000  }
0xcc: {  	_ =	swait.ge [sflag:s9], $0x4000  }
0xcd: {  	[sflag:s9] =	ssyncset.done $0x0  }
0xce: {  	[sflag:s9] =	ssyncadd.s32 $0xFFFFC000  }
0xcf: {  	[tilespmem:s7], [sflag:$0x2] =	stream.strided.gather [hbm4b:s23+s5], $0x8000, s6, s5, $0x38;
	[tilespmem:$0x19000] =	vst v63  }
0xd0: {  	_ =	swait.ge [sflag:s10], $0x8000  }
0xd1: {  	[sflag:s10] =	ssyncset.done $0x0  }
0xd2: {  	s19 =	simm.s32 $0x10600;
	[sflag:s10] =	ssyncadd.s32 $0xFFFF8000  }
0xd3: {  	[spmem:s2] =	stream.indirect.scatter.add.f32 [tilespmem:s3], [sflag:$0x3], $0x80, s19, s11, $0xb8;
	[tilespmem:$0x19000] =	vst v63  }
0xd4: {  	s20 =	simm.s32 $0x10680  }
0xd5: {  	[spmem:s2] =	stream.indirect.scatter.add.f32 [tilespmem:s12], [sflag:$0x3], $0x80, s20, s11, $0xb8;
	[tilespmem:$0x19000] =	vst v63  }
0xd6: {  	_ =	swait.ge [sflag:s13], $0x8000  }
0xd7: {  	[sflag:s13] =	ssyncset.done $0x0  }
0xd8: {  	s18 =	simm.s32 $0x10700;
	[sflag:s13] =	ssyncadd.s32 $0xFFFF8000  }
0xd9: {  	[spmem:s2] =	stream.indirect.scatter.add.f32 [tilespmem:s7], [sflag:$0x4], $0x80, s18, s11, $0xb8;
	[tilespmem:$0x19000] =	vst v63  }
0xda: {  	s19 =	simm.s32 $0x10780  }
0xdb: {  	[spmem:s2] =	stream.indirect.scatter.add.f32 [tilespmem:s14], [sflag:$0x4], $0x80, s19, s11, $0xb8;
	[tilespmem:$0x19000] =	vst v63  }
0xdc: {  	_ =	swait.ge [sflag:s8], $0x4000  }
0xdd: {  	[sflag:s8] =	ssyncset.done $0x0  }
0xde: {  	[sflag:s8] =	ssyncadd.s32 $0xFFFFC000  }
0xdf: {  	_ =	swait.ge [sflag:s8], $0x4000  }
0xe0: {  	[sflag:s8] =	ssyncset.done $0x0  }
0xe1: {  	[sflag:s8] =	ssyncadd.s32 $0xFFFFC000  }
0xe2: {  	_ =	swait.ge [sflag:s9], $0x4000  }
0xe3: {  	[sflag:s9] =	ssyncset.done $0x0  }
0xe4: {  	[sflag:s9] =	ssyncadd.s32 $0xFFFFC000  }
0xe5: {  	s20 =	stileid.u32;
	_ =	swait.ge [sflag:s9], $0x4000  }
0xe6: {  	s16 =	sadd.s32 $0x1, s16;
	s17 =	sshll.u32 s20, $0x6;
	[sflag:s9] =	ssyncset.done $0x0  }
0xe7: {  	p0 =	sne.s32 s16, s25;
	s17 =	sor.u32 $0x1C05, s17;
	[sflag:s9] =	ssyncadd.s32 $0xFFFFC000  }
.Ltmp1:
0xe8: {  	s18 =	sshrl.u32 s4, $0x3;
	[bflag:$0x0] =	sbarrier.arrive $0xFFFF;
	(pc) =	sbr.rel @p0 .LBB2_1-.Ltmp1, $4  }
0xe9: {  	[hbm:s24], [sflag:s17] =	dma.local [spmem:s18], $0x1000  }
0xea: {  	_ =	swait.ge [sflag:s15], $0x1000  }
0xeb: {  	[sflag:s15] =	ssyncset.done $0x0  }
0xec: {  	[sflag:s15] =	ssyncadd.s32 $0xFFFFF000  }
0xed: {  	_ =	sfence.sel $0x180000  }
0xee: {  	[bflag:$0x0] =	sbarrier.arrive $0xFFFF  }
0xef: {  	_ =	strace $0x90000047  }
0xf0: {  	s0 =	stileid.u32;
	[bflag:$0x2] =	sbarrier.arrive $0xFFFF  }
0xf1: {  	p0 =	sne.s32 s0, $0x0;
	s0 =	rddreg [dreg:$0x3]  }
0xf2: {  	s0 =	sadd.s32 @!p0 $0x100000, s0  }
0xf3: {  	[sflag:s0] =	ssyncadd.tile.s32 @!p0 $0x1;
	_ =	shalt  }
.Lfunc_end2:
_tile_overlayer_lowered:
.L_overlay_start_2:
0xf4: {  	(tag) =	ssettag $0x2  }
0xf5: {  	s0 =	rddreg [dreg:$0x0];
	s2 =	stileid.u32  }
0xf6: {  	s1 =	rddreg [dreg:$0x1];
	p0 =	sne.s32 s2, $0x0  }
0xf7: {  	s3 =	rddreg [dreg:$0x2];
	[bflag:$0x3] =	sbarrier.arrive $0xFFFF;
	s2 =	simm.s32 @!p0 $0x1C05  }
0xf8: {  	[timem:s3], [sflag:s2] =	dma.local @!p0 [hbm:s0], s1  }
0xf9: {  	s0 =	simm.s32 @!p0 $0x5  }
0xfa: {  	_ =	swait.ge @!p0 [sflag:s0], s1  }
0xfb: {  	s1 =	ssub.s32 @!p0 $0x0, s1;
	[sflag:s0] =	ssyncset.done @!p0 $0x0  }
0xfc: {  	[sflag:s0] =	ssyncadd.s32 @!p0 s1  }
0xfd: {  	[bflag:$0x3] =	sbarrier.arrive $0xFFFF  }
0xfe: {  	_ =	shalt  }

// kernel: kernel.13.cloned.1.call-start
scs
__scs_entry_jumppad:
0x0: {  	(pc) =	sbr.rel $0x88, $3  }
0x1: {  	(tag) =	ssettag $0x0;
	lr =	simm.s32 $0x1  }
0x2: {  	[smem:$0x3F95] =	sst lr;
	_ =	strace $0xD0000000  }
0x3: {  	_ = 	snop  }
0x4: {  	_ = 	snop  }
0x5: {  	_ = 	snop  }
0x6: {  	_ = 	snop  }
0x7: {  	_ = 	snop  }
__scs_overlays_trampoline_lowered:
0x8: {  	[smem:$0x3FA4] =	sst s0  }
0x9: {  	[smem:$0x3FA5] =	sst s1  }
0xa: {  	[smem:$0x3FA6] =	sst s2  }
0xb: {  	[smem:$0x3FA7] =	sst s3  }
0xc: {  	[smem:$0x3FA8] =	sst s4  }
0xd: {  	[smem:$0x3FA9] =	sst s5  }
0xe: {  	[smem:$0x3FAA] =	sst s6  }
0xf: {  	[smem:$0x3FAB] =	sst s7  }
0x10: {  	[smem:$0x3FAC] =	sst s8  }
0x11: {  	[smem:$0x3FAD] =	sst s9;
	s0 =	simm.s32 @!p0 $0x0  }
0x12: {  	s1 =	sld [smem:$0x3F93];
	s0 =	simm.s32 @p0 $0x1  }
0x13: {  	[smem:$0x3FAE] =	sst s0;
	s0 =	simm.s32 @!p1 $0x0  }
0x14: {  	s2 =	sld [smem:$0x3F92];
	s0 =	simm.s32 @p1 $0x1  }
0x15: {  	[smem:$0x3FAF] =	sst s0;
	s0 =	simm.s32 @!p2 $0x0  }
0x16: {  	s3 =	sld [smem:$0x3FDB];
	s0 =	simm.s32 @p2 $0x1  }
0x17: {  	s4 =	simm.s32 $0x1BF5;
	[smem:$0x3FB1] =	sst s0  }
0x18: {  	s0 =	sld [smem:$0x3F94];
	_ =	swait.ge [sflag:s4], $0x0  }
0x19: {  	s7 =	sld [smem:$0x3F95]  }
0x1a: {  	s8 =	sadd.s32 $0xFFFFE003, lr  }
0x1b: {  	s9 =	sadd.s32 $0xFFFFFEF7, lr;
	s5 =	simm.s32 $0xFFFFFFFF;
	p2 =	slt.u32 s8, $0xFFFFF086  }
0x1c: {  	p1 =	slt.u32 s9, $0xF7A;
	s5 =	simm.s32 @!p2 $0x0  }
0x1d: {  	s5 =	simm.s32 @p1 $0x1;
	p0 =	seq.s32 s7, s2  }
0x1e: {  	s7 =	smul.u32 @!p0 $0xF7A, s2;
	p2 =	seq.s32 @!p0 s5, $0x0  }
0x1f: {  	s9 =	smul.u32 $0xF7A, s1;
	s8 =	simm.s32 @!p0 $0x1BF5;
	p2 =	por !p2, p0  }
0x20: {  	[sflag:s8] =	ssyncset.s32 @!p0 $0xFFFFF086;
	s6 =	sadd.s32 @!p0 s3, s7;
	s7 =	simm.s32 @!p0 $0x108  }
0x21: {  	s3 =	sadd.s32 s3, s9;
	s6 =	sadd.s32 @!p0 $0x88, s6;
	s7 =	simm.s32 @p2 $0x1082  }
0x22: {  	[simem:s7], [sflag:s8] =	dma.local @!p0 [hbm:s6], $0xF7A  }
0x23: {  	s9 =	sor.u32 $0xD0000000, s2;
	s6 =	simm.s32 $0x108;
	_ =	swait.ge @!p0 [sflag:s8], $0x0  }
0x24: {  	s3 =	sadd.s32 $0x88, s3;
	s6 =	simm.s32 @!p1 $0x1082;
	[sflag:s4] =	ssyncset.s32 $0xFFFFF086  }
0x25: {  	[simem:s6], [sflag:s4] =	dma.local [hbm:s3], $0xF7A  }
0x26: {  	[smem:$0x3F95] =	sst s1;
	(tag) =	ssettag s2;
	_ =	strace s9  }
0x27: {  	s1 =	sld [smem:$0x3FA5]  }
0x28: {  	s2 =	sld [smem:$0x3FA6]  }
0x29: {  	s4 =	sld [smem:$0x3FA8]  }
0x2a: {  	p0 =	seq.s32 s5, $0x0;
	s5 =	sld [smem:$0x3FA9]  }
0x2b: {  	s6 =	sld [smem:$0x3FAA]  }
0x2c: {  	s7 =	sld [smem:$0x3FAB]  }
0x2d: {  	s3 =	simm.s32 $0x108;
	s8 =	sld [smem:$0x3FAC]  }
0x2e: {  	s3 =	simm.s32 @!p0 $0x1082;
	s9 =	sld [smem:$0x3FAD]  }
0x2f: {  	lr =	sadd.s32 s0, s3;
	s0 =	sld [smem:$0x3FA4]  }
0x30: {  	s3 =	sld [smem:$0x3FA7]  }
0x31: {  	[smem:$0x3FB0] =	sst s10  }
0x32: {  	s10 =	sld [smem:$0x3FAE];
	_ =	sdelay $0x3  }
0x33: {  	p0 =	seq.s32 s10, $0x1;
	s10 =	sld [smem:$0x3FB0];
	_ =	sdelay $0x3  }
0x34: {  	[smem:$0x3FB0] =	sst s10  }
0x35: {  	s10 =	sld [smem:$0x3FAF];
	_ =	sdelay $0x3  }
0x36: {  	p1 =	seq.s32 s10, $0x1;
	s10 =	sld [smem:$0x3FB0];
	_ =	sdelay $0x3  }
0x37: {  	[smem:$0x3FB0] =	sst s10  }
0x38: {  	s10 =	sld [smem:$0x3FB1]  }
0x39: {  	_ = 	snop;
	(pc) =	sbr.ind lr, $3  }
0x3a: {  	_ = 	snop  }
0x3b: {  	_ = 	snop  }
0x3c: {  	p2 =	seq.s32 s10, $0x1;
	s10 =	sld [smem:$0x3FB0]  }
0x3d: {  	_ =	shalt  }
0x3e: {  	_ =	shalt  }
0x3f: {  	_ =	shalt  }
0x40: {  	_ =	shalt  }
0x41: {  	_ =	shalt  }
0x42: {  	_ =	shalt  }
0x43: {  	_ =	shalt  }
0x44: {  	_ =	shalt  }
0x45: {  	_ =	shalt  }
0x46: {  	_ =	shalt  }
0x47: {  	_ =	shalt  }
0x48: {  	_ =	shalt  }
0x49: {  	_ =	shalt  }
0x4a: {  	_ =	shalt  }
0x4b: {  	_ =	shalt  }
0x4c: {  	_ =	shalt  }
0x4d: {  	_ =	shalt  }
0x4e: {  	_ =	shalt  }
0x4f: {  	_ =	shalt  }
0x50: {  	_ =	shalt  }
0x51: {  	_ =	shalt  }
0x52: {  	_ =	shalt  }
0x53: {  	_ =	shalt  }
0x54: {  	_ =	shalt  }
0x55: {  	_ =	shalt  }
0x56: {  	_ =	shalt  }
0x57: {  	_ =	shalt  }
0x58: {  	_ =	shalt  }
0x59: {  	_ =	shalt  }
0x5a: {  	_ =	shalt  }
0x5b: {  	_ =	shalt  }
0x5c: {  	_ =	shalt  }
0x5d: {  	_ =	shalt  }
0x5e: {  	_ =	shalt  }
0x5f: {  	_ =	shalt  }
0x60: {  	_ =	shalt  }
0x61: {  	_ =	shalt  }
0x62: {  	_ =	shalt  }
0x63: {  	_ =	shalt  }
0x64: {  	_ =	shalt  }
0x65: {  	_ =	shalt  }
0x66: {  	_ =	shalt  }
0x67: {  	_ =	shalt  }
0x68: {  	_ =	shalt  }
0x69: {  	_ =	shalt  }
0x6a: {  	_ =	shalt  }
0x6b: {  	_ =	shalt  }
0x6c: {  	_ =	shalt  }
0x6d: {  	_ =	shalt  }
0x6e: {  	_ =	shalt  }
0x6f: {  	_ =	shalt  }
0x70: {  	_ =	shalt  }
0x71: {  	_ =	shalt  }
0x72: {  	_ =	shalt  }
0x73: {  	_ =	shalt  }
0x74: {  	_ =	shalt  }
0x75: {  	_ =	shalt  }
0x76: {  	_ =	shalt  }
0x77: {  	_ =	shalt  }
0x78: {  	_ =	shalt  }
0x79: {  	_ =	shalt  }
0x7a: {  	_ =	shalt  }
0x7b: {  	_ =	shalt  }
0x7c: {  	_ =	shalt  }
0x7d: {  	_ =	shalt  }
0x7e: {  	_ =	shalt  }
0x7f: {  	_ =	shalt  }
0x80: {  	_ =	shalt  }
0x81: {  	_ =	shalt  }
0x82: {  	_ =	shalt  }
0x83: {  	_ =	shalt  }
0x84: {  	_ =	shalt  }
0x85: {  	_ =	shalt  }
0x86: {  	_ =	shalt  }
0x87: {  	_ =	shalt  }
.Lfunc_end0:
.L_simem_size_0:
called_computation.1_lowered:
.L_overlay_start_0:
0x88: {  	s2 =	sld [smem:$0x3FD9]  }
0x89: {  	s3 =	sld [smem:$0x3FFE];
	_ =	sdelay $0x1  }
0x8a: {  	s1 =	srdreg.scid  }
0x8b: {  	s0 =	sand.u32 $0x1, s1  }
0x8c: {  	s17 =	sshll.u32 s0, $0xA;
	s2 =	sadd.s32 s3, s2  }
0x8d: {  	s2 =	sadd.s32 s2, s17  }
0x8e: {  	[smem:$0x3FBC] =	sst s2  }
0x8f: {  	_ = 	snop  }
0x90: {  	s18 =	sld [smem:$0x3FC6];
	(tm) =	ssettm $0x1  }
0x91: {  	s19 =	sld [smem:$0x3FFB];
	_ =	sdelay $0x3  }
0x92: {  	_ =	strace s19  }
0x93: {  	s2 =	sld [smem:$0x3FFC];
	_ =	sdelay $0x3  }
0x94: {  	_ =	strace s2  }
0x95: {  	s2 =	sld [smem:$0x3FFD];
	_ =	sdelay $0x3  }
0x96: {  	_ =	strace s2  }
0x97: {  	_ =	strace $0x8FFFFFFF  }
0x98: {  	s20 =	sld [smem:$0x3FDB];
	_ =	sdelay $0x1  }
0x99: {  	s4 =	simm.s32 $_scs_section_size  }
0x9a: {  	s5 =	simm.s32 $_size__tile_overlayer_lowered;
	s6 =	simm.s32 $_tile_overlayer_lowered  }
0x9b: {  	s7 =	simm.s32 $0x1BFF;
	s21 =	sshll.u32 s6, $0x1;
	s4 =	sadd.s32 s4, s20  }
0x9c: {  	s22 =	simm.s32 $0x0;
	s5 =	sshll.u32 s5, $0x1;
	s6 =	sadd.s32 s21, s4  }
0x9d: {  	[timem:s22], [sflag:s7] =	dma.local [hbm:s6], s5  }
0x9e: {  	_ =	swait.ge [sflag:s7], s5  }
0x9f: {  	s5 =	ssub.s32 $0x0, s5;
	[sflag:s7] =	ssyncset.done $0x0  }
0xa0: {  	[sflag:s7] =	ssyncadd.s32 s5;
	_ =	sdelay $0x1  }
0xa1: {  	s23 =	simm.s32 $0x1B8B  }
0xa2: {  	_ =	swait.ge [sflag:s23], $0x1  }
0xa3: {  	[sflag:s23] =	ssyncset.done $0x0  }
0xa4: {  	[sflag:s23] =	ssyncadd.s32 $0xFFFFFFFF  }
0xa5: {  	s5 =	sld [smem:$0x0]  }
0xa6: {  	s6 =	sand.u32 $0xFFFFFFFE, s1  }
0xa7: {  	p0 =	sne.s32 s1, s6  }
0xa8: {  	s6 =	sshll.u32 @p0 s6, $0xE  }
0xa9: {  	s6 =	sadd.s32 @p0 $0x11B8D, s6;
	s7 =	sshll.u32 @p0 s5, $0x11  }
0xaa: {  	s6 =	sor.u32 @p0 s7, s6  }
0xab: {  	[sflag:s6] =	ssyncadd.remote.s32 @p0 $0x1;
	_ =	sdelay $0x1  }
0xac: {  	s6 =	simm.s32 @p0 $0x1B8D  }
0xad: {  	_ =	swait.eq @p0 [sflag:s6], $0x1  }
0xae: {  	[sflag:s6] =	ssyncadd.s32 @p0 $0xFFFFFFFF  }
0xaf: {  	s7 =	sshll.u32 @!p0 s1, $0xE  }
0xb0: {  	s7 =	sor.u32 @!p0 $0x4000, s7;
	s6 =	simm.s32 @!p0 $0x1B8D  }
0xb1: {  	s5 =	sshll.u32 @!p0 s5, $0x11;
	s7 =	sadd.s32 @!p0 $0x11B8D, s7;
	_ =	swait.eq @!p0 [sflag:s6], $0x1  }
0xb2: {  	s5 =	sor.u32 @!p0 s5, s7;
	[sflag:s6] =	ssyncadd.s32 @!p0 $0xFFFFFFFF  }
0xb3: {  	s25 =	simm.s32 $0x1B8E;
	s24 =	sld [smem:$0x3FFE];
	[sflag:s5] =	ssyncadd.remote.s32 @!p0 $0x1  }
0xb4: {  	s26 =	simm.s32 $execute0_lowered;
	[smem:$0x3FD2] =	sst s25  }
0xb5: {  	s6 =	sshll.u32 s26, $0x1;
	_ =	strace $0x80000049;
	[dreg:$0x1] =	wrdreg $0xFFFFFFFF  }
0xb6: {  	s28 =	simm.s32 $_size_execute0_lowered;
	s4 =	sadd.s32 s4, s6;
	[dreg:$0x0] =	wrdreg $0x0  }
0xb7: {  	s6 =	sshll.u32 s28, $0x1;
	[dreg:$0x2] =	wrdreg s4  }
0xb8: {  	[dreg:$0x3] =	wrdreg s6  }
0xb9: {  	[dreg:$0x4] =	wrdreg $0xC0  }
0xba: {  	_ =	task [dreg:s22], $0x5FFFF  }
0xbb: {  	[dreg:$0x1] =	wrdreg $0xFFFFFFFF  }
0xbc: {  	[dreg:$0x0] =	wrdreg $0x60  }
0xbd: {  	[dreg:$0x2] =	wrdreg s24  }
0xbe: {  	[dreg:$0x3] =	wrdreg s18  }
0xbf: {  	[dreg:$0x4] =	wrdreg $0x10C000  }
0xc0: {  	[dreg:$0x5] =	wrdreg $0xA  }
0xc1: {  	_ =	task.clear_ibuf [dreg:s22], $0x6FFFF;
	_ =	strace $0x90000049  }
0xc2: {  	s29 =	simm.s32 $0xA;
	_ =	strace $0x8000004B  }
0xc3: {  	_ =	swait.ge [sflag:s29], $0x1  }
0xc4: {  	[sflag:s29] =	ssyncadd.s32 $0xFFFFFFFF  }
0xc5: {  	_ =	strace $0x9000004B  }
0xc6: {  	_ =	sfence  }
0xc7: {  	s30 =	sld [smem:$0x0];
	_ =	sdelay $0x2  }
0xc8: {  	s31 =	sshll.u32 s1, $0xD;
	s1 =	sshrl.u32 s1, $0x2  }
0xc9: {  	s4 =	sand.u32 $0x4000, s31;
	s1 =	sadd.s32 s1, s30  }
0xca: {  	s0 =	sor.u32 s4, s0;
	s1 =	sshll.u32 s1, $0x11  }
0xcb: {  	s0 =	sor.u32 s1, s0  }
0xcc: {  	s0 =	sadd.s32 $0x8F2B, s0  }
0xcd: {  	[sflag:s0] =	ssyncadd.remote.s32 $0x1  }
0xce: {  	_ =	sfence.sel $0xFFFF  }
0xcf: {  	[dreg:$0x0] =	wrdreg $0xFFFFFFFF;
	(pc) =	sbr.abs _section_cstart, $3  }
0xd0: {  	[dreg:$0x1] =	wrdreg $0xFFFFFFFF  }
0xd1: {  	_ =	task.clear_ibuf [dreg:s22], $0x2FFFF;
	_ =	strace $0x9FFFFFFF  }
0xd2: {  	(tm) =	ssettm $0x7FFFFFFF  }
0xd3: {  	_ =	shalt  }
tec
execute0_lowered:
.L_overlay_start_1:
0x0: {  	(tag) =	ssettag $0x1  }
0x1: {  	s0 =	rddreg [dreg:$0x0]  }
0x2: {  	s5 =	rddreg [dreg:$0x1]  }
0x3: {  	s1 =	srdreg.scid;
	s2 =	rddreg [dreg:$0x2]  }
0x4: {  	s9 =	stileid.u32;
	s3 =	simm.s32 $0x0;
	s1 =	sand.u32 $0x1, s1  }
0x5: {  	s28 =	simm.s32 $0x10400;
	s29 =	simm.s32 $0x10000;
	s4 =	sshll.u32 s1, $0x4  }
0x6: {  	s30 =	simm.s32 $0x8000;
	s31 =	simm.s32 $0x3;
	s6 =	sor.u32 s9, s4  }
0x7: {  	s17 =	sshll.u32 s9, $0xC;
	s9 =	sshll.u32 s9, $0xF;
	s4 =	sshll.u32 s6, $0xE  }
0x8: {  	[smem:$0x7FF] =	sst s3;
	s7 =	sadd.s32 s4, s0;
	s4 =	sadd.s32 s9, s2  }
0x9: {  	_ =	strace $0x8000004A;
	s8 =	ssub.s32 $0x2, s1;
	s9 =	sadd.s32 $0x800, s4  }
0xa: {  	s1 =	sshll.u32 s1, $0x10;
	s18 =	sadd.s32 $0x1000, s4;
	[dreg:$0x4] =	wrdreg s9  }
0xb: {  	s10 =	sshrl.u32 s8, $0x1;
	s19 =	sadd.s32 $0x1800, s4;
	[dreg:$0x5] =	wrdreg s18  }
0xc: {  	s8 =	ssub.s32 s8, s10;
	s20 =	sadd.s32 $0x2000, s4;
	[dreg:$0x6] =	wrdreg s19  }
0xd: {  	s6 =	sshll.u32 s6, $0x7;
	s21 =	sadd.s32 $0x2800, s4;
	[dreg:$0x7] =	wrdreg s20  }
0xe: {  	s10 =	simm.s32 $0x0;
	s22 =	sadd.s32 $0x3000, s4;
	[dreg:$0x8] =	wrdreg s21  }
0xf: {  	s0 =	sadd.s32 s17, s0;
	s23 =	sadd.s32 $0x3800, s4;
	[dreg:$0x9] =	wrdreg s22  }
0x10: {  	s24 =	sadd.s32 $0x4000, s4;
	s25 =	sadd.s32 $0x4800, s4;
	[dreg:$0xa] =	wrdreg s23  }
0x11: {  	s26 =	sadd.s32 $0x5000, s4;
	s15 =	sadd.s32 $0x6000, s4;
	[dreg:$0xb] =	wrdreg s24  }
0x12: {  	s16 =	sadd.s32 $0x6800, s4;
	s17 =	sadd.s32 $0x7000, s4;
	[dreg:$0xc] =	wrdreg s25  }
0x13: {  	s0 =	sadd.s32 s1, s0;
	s1 =	simm.s32 $0x1;
	[dreg:$0xd] =	wrdreg s26  }
0x14: {  	s18 =	sadd.s32 s5, s6;
	s19 =	sadd.s32 $0x122800, s7;
	s20 =	sadd.s32 $0x123800, s7  }
0x15: {  	s21 =	sadd.s32 $0x124800, s7;
	s22 =	sadd.s32 $0x5800, s4;
	s23 =	sadd.s32 $0x125800, s7  }
0x16: {  	s24 =	sadd.s32 $0x1A2800, s0;
	s25 =	smax.u32 s8, $0x1;
	s26 =	sadd.s32 $0x7800, s4  }
0x17: {  	s0 =	simm.s32 $0x4;
	s5 =	simm.s32 $0x80;
	s6 =	simm.s32 $0x4000  }
0x18: {  	v0 =	vimm.f32 $0.0e+00;
	s7 =	simm.s32 $0x2;
	s8 =	simm.s32 $0xC000;
	s9 =	simm.s32 $0x5  }
.LBB2_1:
0x19: {  	s11 =	sand.u32 $0x1E00, s3  }
0x1a: {  	s12 =	sand.u32 $0x70, s3;
	s13 =	sshrl.u32 s11, $0x2  }
0x1b: {  	s11 =	simm.s32 $0x40;
	s13 =	sor.u32 s12, s13;
	s12 =	simm.s32 $0x0  }
.LBB2_2:
0x1c: {  	p0 =	sne.s32 s11, $0x1FC0  }
0x1d: {  	[tilespmem:s13+$0x10400] =	vst v0;
	s12 =	sadd.s32 $0x10, s12;
	s13 =	smov.u32 s11;
	s11 =	sadd.s32 $0x40, s11  }
.Ltmp0:
0x1e: {  	(pc) =	sbr.rel @p0 .LBB2_2-.Ltmp0, $4  }
0x1f: {  	_ = 	snop  }
0x20: {  	s13 =	sand.u32 $0x1E00, s13  }
0x21: {  	s14 =	sand.u32 $0x70, s12;
	s13 =	sshrl.u32 s13, $0x2  }
0x22: {  	s13 =	sor.u32 s14, s13  }
0x23: {  	[tilespmem:s13+$0x10400] =	vst v0  }
0x24: {  	[spmem:s4] =	stream.linear.scatter [tilespmem:s28], [sflag:$0x3], $0x800, $0x38;
	[tilespmem:$0x18C00] =	vst v63  }
0x25: {  	s11 =	rddreg [dreg:$0x4]  }
0x26: {  	[spmem:s11] =	stream.linear.scatter [tilespmem:s28], [sflag:$0x3], $0x800, $0x38;
	[tilespmem:$0x18C00] =	vst v63  }
0x27: {  	s13 =	rddreg [dreg:$0x5]  }
0x28: {  	[spmem:s13] =	stream.linear.scatter [tilespmem:s28], [sflag:$0x3], $0x800, $0x38;
	[tilespmem:$0x18C00] =	vst v63  }
0x29: {  	s14 =	rddreg [dreg:$0x6]  }
0x2a: {  	[spmem:s14] =	stream.linear.scatter [tilespmem:s28], [sflag:$0x3], $0x800, $0x38;
	[tilespmem:$0x18C00] =	vst v63  }
0x2b: {  	s12 =	rddreg [dreg:$0x7]  }
0x2c: {  	[spmem:s12] =	stream.linear.scatter [tilespmem:s28], [sflag:$0x3], $0x800, $0x38;
	[tilespmem:$0x18C00] =	vst v63  }
0x2d: {  	s13 =	rddreg [dreg:$0x8]  }
0x2e: {  	[spmem:s13] =	stream.linear.scatter [tilespmem:s28], [sflag:$0x3], $0x800, $0x38;
	[tilespmem:$0x18C00] =	vst v63  }
0x2f: {  	s14 =	rddreg [dreg:$0x9]  }
0x30: {  	[spmem:s14] =	stream.linear.scatter [tilespmem:s28], [sflag:$0x3], $0x800, $0x38;
	[tilespmem:$0x18C00] =	vst v63  }
0x31: {  	s12 =	rddreg [dreg:$0xa]  }
0x32: {  	[spmem:s12] =	stream.linear.scatter [tilespmem:s28], [sflag:$0x3], $0x800, $0x38;
	[tilespmem:$0x18C00] =	vst v63  }
0x33: {  	s13 =	rddreg [dreg:$0xb]  }
0x34: {  	[spmem:s13] =	stream.linear.scatter [tilespmem:s28], [sflag:$0x3], $0x800, $0x38;
	[tilespmem:$0x18C00] =	vst v63  }
0x35: {  	s14 =	rddreg [dreg:$0xc]  }
0x36: {  	[spmem:s14] =	stream.linear.scatter [tilespmem:s28], [sflag:$0x3], $0x800, $0x38;
	[tilespmem:$0x18C00] =	vst v63  }
0x37: {  	s12 =	rddreg [dreg:$0xd]  }
0x38: {  	[spmem:s12] =	stream.linear.scatter [tilespmem:s28], [sflag:$0x3], $0x800, $0x38;
	[tilespmem:$0x18C00] =	vst v63  }
0x39: {  	_ = 	snop  }
0x3a: {  	[spmem:s22] =	stream.linear.scatter [tilespmem:s28], [sflag:$0x3], $0x800, $0x38;
	[tilespmem:$0x18C00] =	vst v63  }
0x3b: {  	_ = 	snop  }
0x3c: {  	[spmem:s15] =	stream.linear.scatter [tilespmem:s28], [sflag:$0x3], $0x800, $0x38;
	[tilespmem:$0x18C00] =	vst v63  }
0x3d: {  	_ = 	snop  }
0x3e: {  	[spmem:s16] =	stream.linear.scatter [tilespmem:s28], [sflag:$0x3], $0x800, $0x38;
	[tilespmem:$0x18C00] =	vst v63  }
0x3f: {  	_ = 	snop  }
0x40: {  	[spmem:s17] =	stream.linear.scatter [tilespmem:s28], [sflag:$0x3], $0x800, $0x38;
	[tilespmem:$0x18C00] =	vst v63  }
0x41: {  	_ = 	snop  }
0x42: {  	[spmem:s26] =	stream.linear.scatter [tilespmem:s28], [sflag:$0x3], $0x800, $0x38;
	[tilespmem:$0x18C00] =	vst v63  }
0x43: {  	_ = 	snop  }
0x44: {  	[tilespmem:s29], [sflag:$0x4] =	stream.linear.gather [hbm4b:s18+s3], $0x400, $0x38;
	[tilespmem:$0x18C00] =	vst v63  }
0x45: {  	_ = 	snop  }
0x46: {  	[tilespmem:s3], [sflag:$0x1] =	stream.linear.gather [hbm4b:s19+s3], $0x8000, $0x38;
	[tilespmem:$0x18C00] =	vst v63  }
0x47: {  	_ = 	snop  }
0x48: {  	[tilespmem:s30], [sflag:$0x2] =	stream.linear.gather [hbm4b:s20+s3], $0x8000, $0x38;
	[tilespmem:$0x18C00] =	vst v63  }
0x49: {  	_ =	swait.ge [sflag:s31], $0x800  }
0x4a: {  	[sflag:s31] =	ssyncset.done $0x0  }
0x4b: {  	[sflag:s31] =	ssyncadd.s32 $0xFFFFF800  }
0x4c: {  	_ =	swait.ge [sflag:s31], $0x800  }
0x4d: {  	[sflag:s31] =	ssyncset.done $0x0  }
0x4e: {  	[sflag:s31] =	ssyncadd.s32 $0xFFFFF800  }
0x4f: {  	_ =	swait.ge [sflag:s31], $0x800  }
0x50: {  	[sflag:s31] =	ssyncset.done $0x0  }
0x51: {  	[sflag:s31] =	ssyncadd.s32 $0xFFFFF800  }
0x52: {  	_ =	swait.ge [sflag:s31], $0x800  }
0x53: {  	[sflag:s31] =	ssyncset.done $0x0  }
0x54: {  	[sflag:s31] =	ssyncadd.s32 $0xFFFFF800  }
0x55: {  	_ =	swait.ge [sflag:s31], $0x800  }
0x56: {  	[sflag:s31] =	ssyncset.done $0x0  }
0x57: {  	[sflag:s31] =	ssyncadd.s32 $0xFFFFF800  }
0x58: {  	_ =	swait.ge [sflag:s31], $0x800  }
0x59: {  	[sflag:s31] =	ssyncset.done $0x0  }
0x5a: {  	[sflag:s31] =	ssyncadd.s32 $0xFFFFF800  }
0x5b: {  	_ =	swait.ge [sflag:s31], $0x800  }
0x5c: {  	[sflag:s31] =	ssyncset.done $0x0  }
0x5d: {  	[sflag:s31] =	ssyncadd.s32 $0xFFFFF800  }
0x5e: {  	_ =	swait.ge [sflag:s31], $0x800  }
0x5f: {  	[sflag:s31] =	ssyncset.done $0x0  }
0x60: {  	[sflag:s31] =	ssyncadd.s32 $0xFFFFF800  }
0x61: {  	_ =	swait.ge [sflag:s31], $0x800  }
0x62: {  	[sflag:s31] =	ssyncset.done $0x0  }
0x63: {  	[sflag:s31] =	ssyncadd.s32 $0xFFFFF800  }
0x64: {  	_ =	swait.ge [sflag:s31], $0x800  }
0x65: {  	[sflag:s31] =	ssyncset.done $0x0  }
0x66: {  	[sflag:s31] =	ssyncadd.s32 $0xFFFFF800  }
0x67: {  	_ =	swait.ge [sflag:s31], $0x800  }
0x68: {  	[sflag:s31] =	ssyncset.done $0x0  }
0x69: {  	[sflag:s31] =	ssyncadd.s32 $0xFFFFF800  }
0x6a: {  	_ =	swait.ge [sflag:s31], $0x800  }
0x6b: {  	[sflag:s31] =	ssyncset.done $0x0  }
0x6c: {  	[sflag:s31] =	ssyncadd.s32 $0xFFFFF800  }
0x6d: {  	_ =	swait.ge [sflag:s31], $0x800  }
0x6e: {  	[sflag:s31] =	ssyncset.done $0x0  }
0x6f: {  	[sflag:s31] =	ssyncadd.s32 $0xFFFFF800  }
0x70: {  	_ =	swait.ge [sflag:s31], $0x800  }
0x71: {  	[sflag:s31] =	ssyncset.done $0x0  }
0x72: {  	[sflag:s31] =	ssyncadd.s32 $0xFFFFF800  }
0x73: {  	_ =	swait.ge [sflag:s31], $0x800  }
0x74: {  	[sflag:s31] =	ssyncset.done $0x0  }
0x75: {  	[sflag:s31] =	ssyncadd.s32 $0xFFFFF800  }
0x76: {  	_ =	swait.ge [sflag:s31], $0x800  }
0x77: {  	[sflag:s31] =	ssyncset.done $0x0  }
0x78: {  	[sflag:s31] =	ssyncadd.s32 $0xFFFFF800  }
0x79: {  	_ =	swait.ge [sflag:s0], $0x400  }
0x7a: {  	[sflag:s0] =	ssyncset.done $0x0  }
0x7b: {  	[sflag:s0] =	ssyncadd.s32 $0xFFFFFC00  }
0x7c: {  	[bflag:$0x0] =	sbarrier.arrive $0xFFFF  }
0x7d: {  	_ =	swait.ge [sflag:s1], $0x8000  }
0x7e: {  	[sflag:s1] =	ssyncset.done $0x0  }
0x7f: {  	[sflag:s1] =	ssyncadd.s32 $0xFFFF8000  }
0x80: {  	[spmem:s2] =	stream.indirect.scatter.add.f32 [tilespmem:s3], [sflag:$0x3], $0x80, s29, s5, $0xb8;
	[tilespmem:$0x18C00] =	vst v63  }
0x81: {  	s13 =	simm.s32 $0x10080  }
0x82: {  	[spmem:s2] =	stream.indirect.scatter.add.f32 [tilespmem:s6], [sflag:$0x3], $0x80, s13, s5, $0xb8;
	[tilespmem:$0x18C00] =	vst v63  }
0x83: {  	_ =	swait.ge [sflag:s31], $0x4000  }
0x84: {  	[sflag:s31] =	ssyncset.done $0x0  }
0x85: {  	[sflag:s31] =	ssyncadd.s32 $0xFFFFC000  }
0x86: {  	_ =	swait.ge [sflag:s31], $0x4000  }
0x87: {  	[sflag:s31] =	ssyncset.done $0x0  }
0x88: {  	[sflag:s31] =	ssyncadd.s32 $0xFFFFC000  }
0x89: {  	[tilespmem:s3], [sflag:$0x1] =	stream.linear.gather [hbm4b:s21+s3], $0x8000, $0x38;
	[tilespmem:$0x18C00] =	vst v63  }
0x8a: {  	_ =	swait.ge [sflag:s7], $0x8000  }
0x8b: {  	[sflag:s7] =	ssyncset.done $0x0  }
0x8c: {  	s14 =	simm.s32 $0x10100;
	[sflag:s7] =	ssyncadd.s32 $0xFFFF8000  }
0x8d: {  	[spmem:s2] =	stream.indirect.scatter.add.f32 [tilespmem:s30], [sflag:$0x4], $0x80, s14, s5, $0xb8;
	[tilespmem:$0x18C00] =	vst v63  }
0x8e: {  	s12 =	simm.s32 $0x10180  }
0x8f: {  	[spmem:s2] =	stream.indirect.scatter.add.f32 [tilespmem:s8], [sflag:$0x4], $0x80, s12, s5, $0xb8;
	[tilespmem:$0x18C00] =	vst v63  }
0x90: {  	_ =	swait.ge [sflag:s0], $0x4000  }
0x91: {  	[sflag:s0] =	ssyncset.done $0x0  }
0x92: {  	[sflag:s0] =	ssyncadd.s32 $0xFFFFC000  }
0x93: {  	_ =	swait.ge [sflag:s0], $0x4000  }
0x94: {  	[sflag:s0] =	ssyncset.done $0x0  }
0x95: {  	[sflag:s0] =	ssyncadd.s32 $0xFFFFC000  }
0x96: {  	[tilespmem:s30], [sflag:$0x2] =	stream.linear.gather [hbm4b:s23+s3], $0x8000, $0x38;
	[tilespmem:$0x18C00] =	vst v63  }
0x97: {  	_ =	swait.ge [sflag:s1], $0x8000  }
0x98: {  	[sflag:s1] =	ssyncset.done $0x0  }
0x99: {  	s13 =	simm.s32 $0x10200;
	[sflag:s1] =	ssyncadd.s32 $0xFFFF8000  }
0x9a: {  	[spmem:s2] =	stream.indirect.scatter.add.f32 [tilespmem:s3], [sflag:$0x3], $0x80, s13, s5, $0xb8;
	[tilespmem:$0x18C00] =	vst v63  }
0x9b: {  	s14 =	simm.s32 $0x10280  }
0x9c: {  	[spmem:s2] =	stream.indirect.scatter.add.f32 [tilespmem:s6], [sflag:$0x3], $0x80, s14, s5, $0xb8;
	[tilespmem:$0x18C00] =	vst v63  }
0x9d: {  	_ =	swait.ge [sflag:s7], $0x8000  }
0x9e: {  	[sflag:s7] =	ssyncset.done $0x0  }
0x9f: {  	s12 =	simm.s32 $0x10300;
	[sflag:s7] =	ssyncadd.s32 $0xFFFF8000  }
0xa0: {  	[spmem:s2] =	stream.indirect.scatter.add.f32 [tilespmem:s30], [sflag:$0x4], $0x80, s12, s5, $0xb8;
	[tilespmem:$0x18C00] =	vst v63  }
0xa1: {  	s13 =	simm.s32 $0x10380  }
0xa2: {  	[spmem:s2] =	stream.indirect.scatter.add.f32 [tilespmem:s8], [sflag:$0x4], $0x80, s13, s5, $0xb8;
	[tilespmem:$0x18C00] =	vst v63  }
0xa3: {  	_ =	swait.ge [sflag:s31], $0x4000  }
0xa4: {  	[sflag:s31] =	ssyncset.done $0x0  }
0xa5: {  	[sflag:s31] =	ssyncadd.s32 $0xFFFFC000  }
0xa6: {  	_ =	swait.ge [sflag:s31], $0x4000  }
0xa7: {  	[sflag:s31] =	ssyncset.done $0x0  }
0xa8: {  	[sflag:s31] =	ssyncadd.s32 $0xFFFFC000  }
0xa9: {  	_ =	swait.ge [sflag:s0], $0x4000  }
0xaa: {  	[sflag:s0] =	ssyncset.done $0x0  }
0xab: {  	[sflag:s0] =	ssyncadd.s32 $0xFFFFC000  }
0xac: {  	s14 =	stileid.u32;
	_ =	swait.ge [sflag:s0], $0x4000  }
0xad: {  	s10 =	sadd.s32 $0x1, s10;
	s11 =	sshll.u32 s14, $0x6;
	[sflag:s0] =	ssyncset.done $0x0  }
0xae: {  	p0 =	sne.s32 s10, s25;
	s11 =	sor.u32 $0x1C05, s11;
	[sflag:s0] =	ssyncadd.s32 $0xFFFFC000  }
.Ltmp1:
0xaf: {  	s12 =	sshrl.u32 s4, $0x3;
	[bflag:$0x0] =	sbarrier.arrive $0xFFFF;
	(pc) =	sbr.rel @p0 .LBB2_1-.Ltmp1, $4  }
0xb0: {  	[hbm:s24], [sflag:s11] =	dma.local [spmem:s12], $0x1000  }
0xb1: {  	_ =	swait.ge [sflag:s9], $0x1000  }
0xb2: {  	[sflag:s9] =	ssyncset.done $0x0  }
0xb3: {  	[sflag:s9] =	ssyncadd.s32 $0xFFFFF000  }
0xb4: {  	_ =	sfence.sel $0x180000  }
0xb5: {  	[bflag:$0x0] =	sbarrier.arrive $0xFFFF  }
0xb6: {  	_ =	strace $0x9000004A  }
0xb7: {  	s0 =	stileid.u32;
	[bflag:$0x2] =	sbarrier.arrive $0xFFFF  }
0xb8: {  	p0 =	sne.s32 s0, $0x0;
	s0 =	rddreg [dreg:$0x3]  }
0xb9: {  	s0 =	sadd.s32 @!p0 $0x100000, s0  }
0xba: {  	[sflag:s0] =	ssyncadd.tile.s32 @!p0 $0x1;
	_ =	shalt  }
.Lfunc_end2:
_tile_overlayer_lowered:
.L_overlay_start_2:
0xbb: {  	(tag) =	ssettag $0x2  }
0xbc: {  	s0 =	rddreg [dreg:$0x0];
	s2 =	stileid.u32  }
0xbd: {  	s1 =	rddreg [dreg:$0x1];
	p0 =	sne.s32 s2, $0x0  }
0xbe: {  	s3 =	rddreg [dreg:$0x2];
	[bflag:$0x3] =	sbarrier.arrive $0xFFFF;
	s2 =	simm.s32 @!p0 $0x1C05  }
0xbf: {  	[timem:s3], [sflag:s2] =	dma.local @!p0 [hbm:s0], s1  }
0xc0: {  	s0 =	simm.s32 @!p0 $0x5  }
0xc1: {  	_ =	swait.ge @!p0 [sflag:s0], s1  }
0xc2: {  	s1 =	ssub.s32 @!p0 $0x0, s1;
	[sflag:s0] =	ssyncset.done @!p0 $0x0  }
0xc3: {  	[sflag:s0] =	ssyncadd.s32 @!p0 s1  }
0xc4: {  	[bflag:$0x3] =	sbarrier.arrive $0xFFFF  }
0xc5: {  	_ =	shalt  }

// kernel: kernel.16.cloned.1.call-start
scs
__scs_entry_jumppad:
0x0: {  	(pc) =	sbr.rel $0x88, $3  }
0x1: {  	(tag) =	ssettag $0x0;
	lr =	simm.s32 $0x1  }
0x2: {  	[smem:$0x3F95] =	sst lr;
	_ =	strace $0xD0000000  }
0x3: {  	_ = 	snop  }
0x4: {  	_ = 	snop  }
0x5: {  	_ = 	snop  }
0x6: {  	_ = 	snop  }
0x7: {  	_ = 	snop  }
__scs_overlays_trampoline_lowered:
0x8: {  	[smem:$0x3FA4] =	sst s0  }
0x9: {  	[smem:$0x3FA5] =	sst s1  }
0xa: {  	[smem:$0x3FA6] =	sst s2  }
0xb: {  	[smem:$0x3FA7] =	sst s3  }
0xc: {  	[smem:$0x3FA8] =	sst s4  }
0xd: {  	[smem:$0x3FA9] =	sst s5  }
0xe: {  	[smem:$0x3FAA] =	sst s6  }
0xf: {  	[smem:$0x3FAB] =	sst s7  }
0x10: {  	[smem:$0x3FAC] =	sst s8  }
0x11: {  	[smem:$0x3FAD] =	sst s9;
	s0 =	simm.s32 @!p0 $0x0  }
0x12: {  	s1 =	sld [smem:$0x3F93];
	s0 =	simm.s32 @p0 $0x1  }
0x13: {  	[smem:$0x3FAE] =	sst s0;
	s0 =	simm.s32 @!p1 $0x0  }
0x14: {  	s2 =	sld [smem:$0x3F92];
	s0 =	simm.s32 @p1 $0x1  }
0x15: {  	[smem:$0x3FAF] =	sst s0;
	s0 =	simm.s32 @!p2 $0x0  }
0x16: {  	s3 =	sld [smem:$0x3FDB];
	s0 =	simm.s32 @p2 $0x1  }
0x17: {  	s4 =	simm.s32 $0x1BF5;
	[smem:$0x3FB1] =	sst s0  }
0x18: {  	s0 =	sld [smem:$0x3F94];
	_ =	swait.ge [sflag:s4], $0x0  }
0x19: {  	s7 =	sld [smem:$0x3F95]  }
0x1a: {  	s8 =	sadd.s32 $0xFFFFE003, lr  }
0x1b: {  	s9 =	sadd.s32 $0xFFFFFEF7, lr;
	s5 =	simm.s32 $0xFFFFFFFF;
	p2 =	slt.u32 s8, $0xFFFFF086  }
0x1c: {  	p1 =	slt.u32 s9, $0xF7A;
	s5 =	simm.s32 @!p2 $0x0  }
0x1d: {  	s5 =	simm.s32 @p1 $0x1;
	p0 =	seq.s32 s7, s2  }
0x1e: {  	s7 =	smul.u32 @!p0 $0xF7A, s2;
	p2 =	seq.s32 @!p0 s5, $0x0  }
0x1f: {  	s9 =	smul.u32 $0xF7A, s1;
	s8 =	simm.s32 @!p0 $0x1BF5;
	p2 =	por !p2, p0  }
0x20: {  	[sflag:s8] =	ssyncset.s32 @!p0 $0xFFFFF086;
	s6 =	sadd.s32 @!p0 s3, s7;
	s7 =	simm.s32 @!p0 $0x108  }
0x21: {  	s3 =	sadd.s32 s3, s9;
	s6 =	sadd.s32 @!p0 $0x88, s6;
	s7 =	simm.s32 @p2 $0x1082  }
0x22: {  	[simem:s7], [sflag:s8] =	dma.local @!p0 [hbm:s6], $0xF7A  }
0x23: {  	s9 =	sor.u32 $0xD0000000, s2;
	s6 =	simm.s32 $0x108;
	_ =	swait.ge @!p0 [sflag:s8], $0x0  }
0x24: {  	s3 =	sadd.s32 $0x88, s3;
	s6 =	simm.s32 @!p1 $0x1082;
	[sflag:s4] =	ssyncset.s32 $0xFFFFF086  }
0x25: {  	[simem:s6], [sflag:s4] =	dma.local [hbm:s3], $0xF7A  }
0x26: {  	[smem:$0x3F95] =	sst s1;
	(tag) =	ssettag s2;
	_ =	strace s9  }
0x27: {  	s1 =	sld [smem:$0x3FA5]  }
0x28: {  	s2 =	sld [smem:$0x3FA6]  }
0x29: {  	s4 =	sld [smem:$0x3FA8]  }
0x2a: {  	p0 =	seq.s32 s5, $0x0;
	s5 =	sld [smem:$0x3FA9]  }
0x2b: {  	s6 =	sld [smem:$0x3FAA]  }
0x2c: {  	s7 =	sld [smem:$0x3FAB]  }
0x2d: {  	s3 =	simm.s32 $0x108;
	s8 =	sld [smem:$0x3FAC]  }
0x2e: {  	s3 =	simm.s32 @!p0 $0x1082;
	s9 =	sld [smem:$0x3FAD]  }
0x2f: {  	lr =	sadd.s32 s0, s3;
	s0 =	sld [smem:$0x3FA4]  }
0x30: {  	s3 =	sld [smem:$0x3FA7]  }
0x31: {  	[smem:$0x3FB0] =	sst s10  }
0x32: {  	s10 =	sld [smem:$0x3FAE];
	_ =	sdelay $0x3  }
0x33: {  	p0 =	seq.s32 s10, $0x1;
	s10 =	sld [smem:$0x3FB0];
	_ =	sdelay $0x3  }
0x34: {  	[smem:$0x3FB0] =	sst s10  }
0x35: {  	s10 =	sld [smem:$0x3FAF];
	_ =	sdelay $0x3  }
0x36: {  	p1 =	seq.s32 s10, $0x1;
	s10 =	sld [smem:$0x3FB0];
	_ =	sdelay $0x3  }
0x37: {  	[smem:$0x3FB0] =	sst s10  }
0x38: {  	s10 =	sld [smem:$0x3FB1]  }
0x39: {  	_ = 	snop;
	(pc) =	sbr.ind lr, $3  }
0x3a: {  	_ = 	snop  }
0x3b: {  	_ = 	snop  }
0x3c: {  	p2 =	seq.s32 s10, $0x1;
	s10 =	sld [smem:$0x3FB0]  }
0x3d: {  	_ =	shalt  }
0x3e: {  	_ =	shalt  }
0x3f: {  	_ =	shalt  }
0x40: {  	_ =	shalt  }
0x41: {  	_ =	shalt  }
0x42: {  	_ =	shalt  }
0x43: {  	_ =	shalt  }
0x44: {  	_ =	shalt  }
0x45: {  	_ =	shalt  }
0x46: {  	_ =	shalt  }
0x47: {  	_ =	shalt  }
0x48: {  	_ =	shalt  }
0x49: {  	_ =	shalt  }
0x4a: {  	_ =	shalt  }
0x4b: {  	_ =	shalt  }
0x4c: {  	_ =	shalt  }
0x4d: {  	_ =	shalt  }
0x4e: {  	_ =	shalt  }
0x4f: {  	_ =	shalt  }
0x50: {  	_ =	shalt  }
0x51: {  	_ =	shalt  }
0x52: {  	_ =	shalt  }
0x53: {  	_ =	shalt  }
0x54: {  	_ =	shalt  }
0x55: {  	_ =	shalt  }
0x56: {  	_ =	shalt  }
0x57: {  	_ =	shalt  }
0x58: {  	_ =	shalt  }
0x59: {  	_ =	shalt  }
0x5a: {  	_ =	shalt  }
0x5b: {  	_ =	shalt  }
0x5c: {  	_ =	shalt  }
0x5d: {  	_ =	shalt  }
0x5e: {  	_ =	shalt  }
0x5f: {  	_ =	shalt  }
0x60: {  	_ =	shalt  }
0x61: {  	_ =	shalt  }
0x62: {  	_ =	shalt  }
0x63: {  	_ =	shalt  }
0x64: {  	_ =	shalt  }
0x65: {  	_ =	shalt  }
0x66: {  	_ =	shalt  }
0x67: {  	_ =	shalt  }
0x68: {  	_ =	shalt  }
0x69: {  	_ =	shalt  }
0x6a: {  	_ =	shalt  }
0x6b: {  	_ =	shalt  }
0x6c: {  	_ =	shalt  }
0x6d: {  	_ =	shalt  }
0x6e: {  	_ =	shalt  }
0x6f: {  	_ =	shalt  }
0x70: {  	_ =	shalt  }
0x71: {  	_ =	shalt  }
0x72: {  	_ =	shalt  }
0x73: {  	_ =	shalt  }
0x74: {  	_ =	shalt  }
0x75: {  	_ =	shalt  }
0x76: {  	_ =	shalt  }
0x77: {  	_ =	shalt  }
0x78: {  	_ =	shalt  }
0x79: {  	_ =	shalt  }
0x7a: {  	_ =	shalt  }
0x7b: {  	_ =	shalt  }
0x7c: {  	_ =	shalt  }
0x7d: {  	_ =	shalt  }
0x7e: {  	_ =	shalt  }
0x7f: {  	_ =	shalt  }
0x80: {  	_ =	shalt  }
0x81: {  	_ =	shalt  }
0x82: {  	_ =	shalt  }
0x83: {  	_ =	shalt  }
0x84: {  	_ =	shalt  }
0x85: {  	_ =	shalt  }
0x86: {  	_ =	shalt  }
0x87: {  	_ =	shalt  }
.Lfunc_end0:
.L_simem_size_0:
called_computation.2_lowered:
.L_overlay_start_0:
0x88: {  	s2 =	sld [smem:$0x3FD9]  }
0x89: {  	s3 =	sld [smem:$0x3FFE];
	_ =	sdelay $0x1  }
0x8a: {  	s1 =	srdreg.scid  }
0x8b: {  	s0 =	sand.u32 $0x1, s1  }
0x8c: {  	s17 =	sshll.u32 s0, $0xA;
	s2 =	sadd.s32 s3, s2  }
0x8d: {  	s2 =	sadd.s32 s2, s17  }
0x8e: {  	[smem:$0x3FBC] =	sst s2  }
0x8f: {  	_ = 	snop  }
0x90: {  	s18 =	sld [smem:$0x3FC6];
	(tm) =	ssettm $0x1  }
0x91: {  	s19 =	sld [smem:$0x3FFB];
	_ =	sdelay $0x3  }
0x92: {  	_ =	strace s19  }
0x93: {  	s2 =	sld [smem:$0x3FFC];
	_ =	sdelay $0x3  }
0x94: {  	_ =	strace s2  }
0x95: {  	s2 =	sld [smem:$0x3FFD];
	_ =	sdelay $0x3  }
0x96: {  	_ =	strace s2  }
0x97: {  	_ =	strace $0x8FFFFFFF  }
0x98: {  	s20 =	sld [smem:$0x3FDB];
	_ =	sdelay $0x1  }
0x99: {  	s4 =	simm.s32 $_scs_section_size  }
0x9a: {  	s5 =	simm.s32 $_size__tile_overlayer_lowered;
	s6 =	simm.s32 $_tile_overlayer_lowered  }
0x9b: {  	s7 =	simm.s32 $0x1BFF;
	s21 =	sshll.u32 s6, $0x1;
	s4 =	sadd.s32 s4, s20  }
0x9c: {  	s22 =	simm.s32 $0x0;
	s5 =	sshll.u32 s5, $0x1;
	s6 =	sadd.s32 s21, s4  }
0x9d: {  	[timem:s22], [sflag:s7] =	dma.local [hbm:s6], s5  }
0x9e: {  	_ =	swait.ge [sflag:s7], s5  }
0x9f: {  	s5 =	ssub.s32 $0x0, s5;
	[sflag:s7] =	ssyncset.done $0x0  }
0xa0: {  	[sflag:s7] =	ssyncadd.s32 s5;
	_ =	sdelay $0x1  }
0xa1: {  	s23 =	simm.s32 $0x1B8B  }
0xa2: {  	_ =	swait.ge [sflag:s23], $0x1  }
0xa3: {  	[sflag:s23] =	ssyncset.done $0x0  }
0xa4: {  	[sflag:s23] =	ssyncadd.s32 $0xFFFFFFFF  }
0xa5: {  	s5 =	sld [smem:$0x0]  }
0xa6: {  	s6 =	sand.u32 $0xFFFFFFFE, s1  }
0xa7: {  	p0 =	sne.s32 s1, s6  }
0xa8: {  	s6 =	sshll.u32 @p0 s6, $0xE  }
0xa9: {  	s6 =	sadd.s32 @p0 $0x11B8D, s6;
	s7 =	sshll.u32 @p0 s5, $0x11  }
0xaa: {  	s6 =	sor.u32 @p0 s7, s6  }
0xab: {  	[sflag:s6] =	ssyncadd.remote.s32 @p0 $0x1;
	_ =	sdelay $0x1  }
0xac: {  	s6 =	simm.s32 @p0 $0x1B8D  }
0xad: {  	_ =	swait.eq @p0 [sflag:s6], $0x1  }
0xae: {  	[sflag:s6] =	ssyncadd.s32 @p0 $0xFFFFFFFF  }
0xaf: {  	s7 =	sshll.u32 @!p0 s1, $0xE  }
0xb0: {  	s7 =	sor.u32 @!p0 $0x4000, s7;
	s6 =	simm.s32 @!p0 $0x1B8D  }
0xb1: {  	s5 =	sshll.u32 @!p0 s5, $0x11;
	s7 =	sadd.s32 @!p0 $0x11B8D, s7;
	_ =	swait.eq @!p0 [sflag:s6], $0x1  }
0xb2: {  	s5 =	sor.u32 @!p0 s5, s7;
	[sflag:s6] =	ssyncadd.s32 @!p0 $0xFFFFFFFF  }
0xb3: {  	s25 =	simm.s32 $0x1B8E;
	s24 =	sld [smem:$0x3FFE];
	[sflag:s5] =	ssyncadd.remote.s32 @!p0 $0x1  }
0xb4: {  	s26 =	simm.s32 $execute0_lowered;
	[smem:$0x3FD2] =	sst s25  }
0xb5: {  	s6 =	sshll.u32 s26, $0x1;
	_ =	strace $0x8000004C;
	[dreg:$0x1] =	wrdreg $0xFFFFFFFF  }
0xb6: {  	s28 =	simm.s32 $_size_execute0_lowered;
	s4 =	sadd.s32 s4, s6;
	[dreg:$0x0] =	wrdreg $0x0  }
0xb7: {  	s6 =	sshll.u32 s28, $0x1;
	[dreg:$0x2] =	wrdreg s4  }
0xb8: {  	[dreg:$0x3] =	wrdreg s6  }
0xb9: {  	[dreg:$0x4] =	wrdreg $0xC0  }
0xba: {  	_ =	task [dreg:s22], $0x5FFFF  }
0xbb: {  	[dreg:$0x1] =	wrdreg $0xFFFFFFFF  }
0xbc: {  	[dreg:$0x0] =	wrdreg $0x60  }
0xbd: {  	[dreg:$0x2] =	wrdreg s24  }
0xbe: {  	[dreg:$0x3] =	wrdreg s18  }
0xbf: {  	[dreg:$0x4] =	wrdreg $0x10C000  }
0xc0: {  	[dreg:$0x5] =	wrdreg $0xB  }
0xc1: {  	_ =	task.clear_ibuf [dreg:s22], $0x6FFFF;
	_ =	strace $0x9000004C  }
0xc2: {  	s29 =	simm.s32 $0xB;
	_ =	strace $0x8000004E  }
0xc3: {  	_ =	swait.ge [sflag:s29], $0x1  }
0xc4: {  	[sflag:s29] =	ssyncadd.s32 $0xFFFFFFFF  }
0xc5: {  	_ =	strace $0x9000004E  }
0xc6: {  	_ =	sfence  }
0xc7: {  	s30 =	sld [smem:$0x0];
	_ =	sdelay $0x2  }
0xc8: {  	s31 =	sshll.u32 s1, $0xD;
	s1 =	sshrl.u32 s1, $0x2  }
0xc9: {  	s4 =	sand.u32 $0x4000, s31;
	s1 =	sadd.s32 s1, s30  }
0xca: {  	s0 =	sor.u32 s4, s0;
	s1 =	sshll.u32 s1, $0x11  }
0xcb: {  	s0 =	sor.u32 s1, s0  }
0xcc: {  	s0 =	sadd.s32 $0x8F2B, s0  }
0xcd: {  	[sflag:s0] =	ssyncadd.remote.s32 $0x1  }
0xce: {  	_ =	sfence.sel $0xFFFF  }
0xcf: {  	[dreg:$0x0] =	wrdreg $0xFFFFFFFF;
	(pc) =	sbr.abs _section_cstart, $3  }
0xd0: {  	[dreg:$0x1] =	wrdreg $0xFFFFFFFF  }
0xd1: {  	_ =	task.clear_ibuf [dreg:s22], $0x2FFFF;
	_ =	strace $0x9FFFFFFF  }
0xd2: {  	(tm) =	ssettm $0x7FFFFFFF  }
0xd3: {  	_ =	shalt  }
tec
execute0_lowered:
.L_overlay_start_1:
0x0: {  	(tag) =	ssettag $0x1  }
0x1: {  	s0 =	rddreg [dreg:$0x0]  }
0x2: {  	s5 =	rddreg [dreg:$0x1]  }
0x3: {  	s1 =	srdreg.scid;
	s2 =	rddreg [dreg:$0x2]  }
0x4: {  	s9 =	stileid.u32;
	s3 =	simm.s32 $0x0;
	s1 =	sand.u32 $0x1, s1  }
0x5: {  	s28 =	simm.s32 $0x10400;
	s29 =	simm.s32 $0x10000;
	s4 =	sshll.u32 s1, $0x4  }
0x6: {  	s30 =	simm.s32 $0x8000;
	s31 =	simm.s32 $0x3;
	s6 =	sor.u32 s9, s4  }
0x7: {  	s17 =	sshll.u32 s9, $0xC;
	s9 =	sshll.u32 s9, $0xF;
	s4 =	sshll.u32 s6, $0xE  }
0x8: {  	[smem:$0x7FF] =	sst s3;
	s7 =	sadd.s32 s4, s0;
	s4 =	sadd.s32 s9, s2  }
0x9: {  	_ =	strace $0x8000004D;
	s8 =	ssub.s32 $0x2, s1;
	s9 =	sadd.s32 $0x800, s4  }
0xa: {  	s1 =	sshll.u32 s1, $0x10;
	s18 =	sadd.s32 $0x1000, s4;
	[dreg:$0x4] =	wrdreg s9  }
0xb: {  	s10 =	sshrl.u32 s8, $0x1;
	s19 =	sadd.s32 $0x1800, s4;
	[dreg:$0x5] =	wrdreg s18  }
0xc: {  	s8 =	ssub.s32 s8, s10;
	s20 =	sadd.s32 $0x2000, s4;
	[dreg:$0x6] =	wrdreg s19  }
0xd: {  	s6 =	sshll.u32 s6, $0x7;
	s21 =	sadd.s32 $0x2800, s4;
	[dreg:$0x7] =	wrdreg s20  }
0xe: {  	s10 =	simm.s32 $0x0;
	s22 =	sadd.s32 $0x3000, s4;
	[dreg:$0x8] =	wrdreg s21  }
0xf: {  	s0 =	sadd.s32 s17, s0;
	s23 =	sadd.s32 $0x3800, s4;
	[dreg:$0x9] =	wrdreg s22  }
0x10: {  	s24 =	sadd.s32 $0x4000, s4;
	s25 =	sadd.s32 $0x4800, s4;
	[dreg:$0xa] =	wrdreg s23  }
0x11: {  	s26 =	sadd.s32 $0x5000, s4;
	s15 =	sadd.s32 $0x6000, s4;
	[dreg:$0xb] =	wrdreg s24  }
0x12: {  	s16 =	sadd.s32 $0x6800, s4;
	s17 =	sadd.s32 $0x7000, s4;
	[dreg:$0xc] =	wrdreg s25  }
0x13: {  	s0 =	sadd.s32 s1, s0;
	s1 =	simm.s32 $0x1;
	[dreg:$0xd] =	wrdreg s26  }
0x14: {  	s18 =	sadd.s32 s5, s6;
	s19 =	sadd.s32 $0x1C2800, s7;
	s20 =	sadd.s32 $0x1C3800, s7  }
0x15: {  	s21 =	sadd.s32 $0x1C4800, s7;
	s22 =	sadd.s32 $0x5800, s4;
	s23 =	sadd.s32 $0x1C5800, s7  }
0x16: {  	s24 =	sadd.s32 $0x242800, s0;
	s25 =	smax.u32 s8, $0x1;
	s26 =	sadd.s32 $0x7800, s4  }
0x17: {  	s0 =	simm.s32 $0x4;
	s5 =	simm.s32 $0x80;
	s6 =	simm.s32 $0x4000  }
0x18: {  	v0 =	vimm.f32 $0.0e+00;
	s7 =	simm.s32 $0x2;
	s8 =	simm.s32 $0xC000;
	s9 =	simm.s32 $0x5  }
.LBB2_1:
0x19: {  	s11 =	sand.u32 $0x1E00, s3  }
0x1a: {  	s12 =	sand.u32 $0x70, s3;
	s13 =	sshrl.u32 s11, $0x2  }
0x1b: {  	s11 =	simm.s32 $0x40;
	s13 =	sor.u32 s12, s13;
	s12 =	simm.s32 $0x0  }
.LBB2_2:
0x1c: {  	p0 =	sne.s32 s11, $0x1FC0  }
0x1d: {  	[tilespmem:s13+$0x10400] =	vst v0;
	s12 =	sadd.s32 $0x10, s12;
	s13 =	smov.u32 s11;
	s11 =	sadd.s32 $0x40, s11  }
.Ltmp0:
0x1e: {  	(pc) =	sbr.rel @p0 .LBB2_2-.Ltmp0, $4  }
0x1f: {  	_ = 	snop  }
0x20: {  	s13 =	sand.u32 $0x1E00, s13  }
0x21: {  	s14 =	sand.u32 $0x70, s12;
	s13 =	sshrl.u32 s13, $0x2  }
0x22: {  	s13 =	sor.u32 s14, s13  }
0x23: {  	[tilespmem:s13+$0x10400] =	vst v0  }
0x24: {  	[spmem:s4] =	stream.linear.scatter [tilespmem:s28], [sflag:$0x3], $0x800, $0x38;
	[tilespmem:$0x18C00] =	vst v63  }
0x25: {  	s11 =	rddreg [dreg:$0x4]  }
0x26: {  	[spmem:s11] =	stream.linear.scatter [tilespmem:s28], [sflag:$0x3], $0x800, $0x38;
	[tilespmem:$0x18C00] =	vst v63  }
0x27: {  	s13 =	rddreg [dreg:$0x5]  }
0x28: {  	[spmem:s13] =	stream.linear.scatter [tilespmem:s28], [sflag:$0x3], $0x800, $0x38;
	[tilespmem:$0x18C00] =	vst v63  }
0x29: {  	s14 =	rddreg [dreg:$0x6]  }
0x2a: {  	[spmem:s14] =	stream.linear.scatter [tilespmem:s28], [sflag:$0x3], $0x800, $0x38;
	[tilespmem:$0x18C00] =	vst v63  }
0x2b: {  	s12 =	rddreg [dreg:$0x7]  }
0x2c: {  	[spmem:s12] =	stream.linear.scatter [tilespmem:s28], [sflag:$0x3], $0x800, $0x38;
	[tilespmem:$0x18C00] =	vst v63  }
0x2d: {  	s13 =	rddreg [dreg:$0x8]  }
0x2e: {  	[spmem:s13] =	stream.linear.scatter [tilespmem:s28], [sflag:$0x3], $0x800, $0x38;
	[tilespmem:$0x18C00] =	vst v63  }
0x2f: {  	s14 =	rddreg [dreg:$0x9]  }
0x30: {  	[spmem:s14] =	stream.linear.scatter [tilespmem:s28], [sflag:$0x3], $0x800, $0x38;
	[tilespmem:$0x18C00] =	vst v63  }
0x31: {  	s12 =	rddreg [dreg:$0xa]  }
0x32: {  	[spmem:s12] =	stream.linear.scatter [tilespmem:s28], [sflag:$0x3], $0x800, $0x38;
	[tilespmem:$0x18C00] =	vst v63  }
0x33: {  	s13 =	rddreg [dreg:$0xb]  }
0x34: {  	[spmem:s13] =	stream.linear.scatter [tilespmem:s28], [sflag:$0x3], $0x800, $0x38;
	[tilespmem:$0x18C00] =	vst v63  }
0x35: {  	s14 =	rddreg [dreg:$0xc]  }
0x36: {  	[spmem:s14] =	stream.linear.scatter [tilespmem:s28], [sflag:$0x3], $0x800, $0x38;
	[tilespmem:$0x18C00] =	vst v63  }
0x37: {  	s12 =	rddreg [dreg:$0xd]  }
0x38: {  	[spmem:s12] =	stream.linear.scatter [tilespmem:s28], [sflag:$0x3], $0x800, $0x38;
	[tilespmem:$0x18C00] =	vst v63  }
0x39: {  	_ = 	snop  }
0x3a: {  	[spmem:s22] =	stream.linear.scatter [tilespmem:s28], [sflag:$0x3], $0x800, $0x38;
	[tilespmem:$0x18C00] =	vst v63  }
0x3b: {  	_ = 	snop  }
0x3c: {  	[spmem:s15] =	stream.linear.scatter [tilespmem:s28], [sflag:$0x3], $0x800, $0x38;
	[tilespmem:$0x18C00] =	vst v63  }
0x3d: {  	_ = 	snop  }
0x3e: {  	[spmem:s16] =	stream.linear.scatter [tilespmem:s28], [sflag:$0x3], $0x800, $0x38;
	[tilespmem:$0x18C00] =	vst v63  }
0x3f: {  	_ = 	snop  }
0x40: {  	[spmem:s17] =	stream.linear.scatter [tilespmem:s28], [sflag:$0x3], $0x800, $0x38;
	[tilespmem:$0x18C00] =	vst v63  }
0x41: {  	_ = 	snop  }
0x42: {  	[spmem:s26] =	stream.linear.scatter [tilespmem:s28], [sflag:$0x3], $0x800, $0x38;
	[tilespmem:$0x18C00] =	vst v63  }
0x43: {  	_ = 	snop  }
0x44: {  	[tilespmem:s29], [sflag:$0x4] =	stream.linear.gather [hbm4b:s18+s3], $0x400, $0x38;
	[tilespmem:$0x18C00] =	vst v63  }
0x45: {  	_ = 	snop  }
0x46: {  	[tilespmem:s3], [sflag:$0x1] =	stream.linear.gather [hbm4b:s19+s3], $0x8000, $0x38;
	[tilespmem:$0x18C00] =	vst v63  }
0x47: {  	_ = 	snop  }
0x48: {  	[tilespmem:s30], [sflag:$0x2] =	stream.linear.gather [hbm4b:s20+s3], $0x8000, $0x38;
	[tilespmem:$0x18C00] =	vst v63  }
0x49: {  	_ =	swait.ge [sflag:s31], $0x800  }
0x4a: {  	[sflag:s31] =	ssyncset.done $0x0  }
0x4b: {  	[sflag:s31] =	ssyncadd.s32 $0xFFFFF800  }
0x4c: {  	_ =	swait.ge [sflag:s31], $0x800  }
0x4d: {  	[sflag:s31] =	ssyncset.done $0x0  }
0x4e: {  	[sflag:s31] =	ssyncadd.s32 $0xFFFFF800  }
0x4f: {  	_ =	swait.ge [sflag:s31], $0x800  }
0x50: {  	[sflag:s31] =	ssyncset.done $0x0  }
0x51: {  	[sflag:s31] =	ssyncadd.s32 $0xFFFFF800  }
0x52: {  	_ =	swait.ge [sflag:s31], $0x800  }
0x53: {  	[sflag:s31] =	ssyncset.done $0x0  }
0x54: {  	[sflag:s31] =	ssyncadd.s32 $0xFFFFF800  }
0x55: {  	_ =	swait.ge [sflag:s31], $0x800  }
0x56: {  	[sflag:s31] =	ssyncset.done $0x0  }
0x57: {  	[sflag:s31] =	ssyncadd.s32 $0xFFFFF800  }
0x58: {  	_ =	swait.ge [sflag:s31], $0x800  }
0x59: {  	[sflag:s31] =	ssyncset.done $0x0  }
0x5a: {  	[sflag:s31] =	ssyncadd.s32 $0xFFFFF800  }
0x5b: {  	_ =	swait.ge [sflag:s31], $0x800  }
0x5c: {  	[sflag:s31] =	ssyncset.done $0x0  }
0x5d: {  	[sflag:s31] =	ssyncadd.s32 $0xFFFFF800  }
0x5e: {  	_ =	swait.ge [sflag:s31], $0x800  }
0x5f: {  	[sflag:s31] =	ssyncset.done $0x0  }
0x60: {  	[sflag:s31] =	ssyncadd.s32 $0xFFFFF800  }
0x61: {  	_ =	swait.ge [sflag:s31], $0x800  }
0x62: {  	[sflag:s31] =	ssyncset.done $0x0  }
0x63: {  	[sflag:s31] =	ssyncadd.s32 $0xFFFFF800  }
0x64: {  	_ =	swait.ge [sflag:s31], $0x800  }
0x65: {  	[sflag:s31] =	ssyncset.done $0x0  }
0x66: {  	[sflag:s31] =	ssyncadd.s32 $0xFFFFF800  }
0x67: {  	_ =	swait.ge [sflag:s31], $0x800  }
0x68: {  	[sflag:s31] =	ssyncset.done $0x0  }
0x69: {  	[sflag:s31] =	ssyncadd.s32 $0xFFFFF800  }
0x6a: {  	_ =	swait.ge [sflag:s31], $0x800  }
0x6b: {  	[sflag:s31] =	ssyncset.done $0x0  }
0x6c: {  	[sflag:s31] =	ssyncadd.s32 $0xFFFFF800  }
0x6d: {  	_ =	swait.ge [sflag:s31], $0x800  }
0x6e: {  	[sflag:s31] =	ssyncset.done $0x0  }
0x6f: {  	[sflag:s31] =	ssyncadd.s32 $0xFFFFF800  }
0x70: {  	_ =	swait.ge [sflag:s31], $0x800  }
0x71: {  	[sflag:s31] =	ssyncset.done $0x0  }
0x72: {  	[sflag:s31] =	ssyncadd.s32 $0xFFFFF800  }
0x73: {  	_ =	swait.ge [sflag:s31], $0x800  }
0x74: {  	[sflag:s31] =	ssyncset.done $0x0  }
0x75: {  	[sflag:s31] =	ssyncadd.s32 $0xFFFFF800  }
0x76: {  	_ =	swait.ge [sflag:s31], $0x800  }
0x77: {  	[sflag:s31] =	ssyncset.done $0x0  }
0x78: {  	[sflag:s31] =	ssyncadd.s32 $0xFFFFF800  }
0x79: {  	_ =	swait.ge [sflag:s0], $0x400  }
0x7a: {  	[sflag:s0] =	ssyncset.done $0x0  }
0x7b: {  	[sflag:s0] =	ssyncadd.s32 $0xFFFFFC00  }
0x7c: {  	[bflag:$0x0] =	sbarrier.arrive $0xFFFF  }
0x7d: {  	_ =	swait.ge [sflag:s1], $0x8000  }
0x7e: {  	[sflag:s1] =	ssyncset.done $0x0  }
0x7f: {  	[sflag:s1] =	ssyncadd.s32 $0xFFFF8000  }
0x80: {  	[spmem:s2] =	stream.indirect.scatter.add.f32 [tilespmem:s3], [sflag:$0x3], $0x80, s29, s5, $0xb8;
	[tilespmem:$0x18C00] =	vst v63  }
0x81: {  	s13 =	simm.s32 $0x10080  }
0x82: {  	[spmem:s2] =	stream.indirect.scatter.add.f32 [tilespmem:s6], [sflag:$0x3], $0x80, s13, s5, $0xb8;
	[tilespmem:$0x18C00] =	vst v63  }
0x83: {  	_ =	swait.ge [sflag:s31], $0x4000  }
0x84: {  	[sflag:s31] =	ssyncset.done $0x0  }
0x85: {  	[sflag:s31] =	ssyncadd.s32 $0xFFFFC000  }
0x86: {  	_ =	swait.ge [sflag:s31], $0x4000  }
0x87: {  	[sflag:s31] =	ssyncset.done $0x0  }
0x88: {  	[sflag:s31] =	ssyncadd.s32 $0xFFFFC000  }
0x89: {  	[tilespmem:s3], [sflag:$0x1] =	stream.linear.gather [hbm4b:s21+s3], $0x8000, $0x38;
	[tilespmem:$0x18C00] =	vst v63  }
0x8a: {  	_ =	swait.ge [sflag:s7], $0x8000  }
0x8b: {  	[sflag:s7] =	ssyncset.done $0x0  }
0x8c: {  	s14 =	simm.s32 $0x10100;
	[sflag:s7] =	ssyncadd.s32 $0xFFFF8000  }
0x8d: {  	[spmem:s2] =	stream.indirect.scatter.add.f32 [tilespmem:s30], [sflag:$0x4], $0x80, s14, s5, $0xb8;
	[tilespmem:$0x18C00] =	vst v63  }
0x8e: {  	s12 =	simm.s32 $0x10180  }
0x8f: {  	[spmem:s2] =	stream.indirect.scatter.add.f32 [tilespmem:s8], [sflag:$0x4], $0x80, s12, s5, $0xb8;
	[tilespmem:$0x18C00] =	vst v63  }
0x90: {  	_ =	swait.ge [sflag:s0], $0x4000  }
0x91: {  	[sflag:s0] =	ssyncset.done $0x0  }
0x92: {  	[sflag:s0] =	ssyncadd.s32 $0xFFFFC000  }
0x93: {  	_ =	swait.ge [sflag:s0], $0x4000  }
0x94: {  	[sflag:s0] =	ssyncset.done $0x0  }
0x95: {  	[sflag:s0] =	ssyncadd.s32 $0xFFFFC000  }
0x96: {  	[tilespmem:s30], [sflag:$0x2] =	stream.linear.gather [hbm4b:s23+s3], $0x8000, $0x38;
	[tilespmem:$0x18C00] =	vst v63  }
0x97: {  	_ =	swait.ge [sflag:s1], $0x8000  }
0x98: {  	[sflag:s1] =	ssyncset.done $0x0  }
0x99: {  	s13 =	simm.s32 $0x10200;
	[sflag:s1] =	ssyncadd.s32 $0xFFFF8000  }
0x9a: {  	[spmem:s2] =	stream.indirect.scatter.add.f32 [tilespmem:s3], [sflag:$0x3], $0x80, s13, s5, $0xb8;
	[tilespmem:$0x18C00] =	vst v63  }
0x9b: {  	s14 =	simm.s32 $0x10280  }
0x9c: {  	[spmem:s2] =	stream.indirect.scatter.add.f32 [tilespmem:s6], [sflag:$0x3], $0x80, s14, s5, $0xb8;
	[tilespmem:$0x18C00] =	vst v63  }
0x9d: {  	_ =	swait.ge [sflag:s7], $0x8000  }
0x9e: {  	[sflag:s7] =	ssyncset.done $0x0  }
0x9f: {  	s12 =	simm.s32 $0x10300;
	[sflag:s7] =	ssyncadd.s32 $0xFFFF8000  }
0xa0: {  	[spmem:s2] =	stream.indirect.scatter.add.f32 [tilespmem:s30], [sflag:$0x4], $0x80, s12, s5, $0xb8;
	[tilespmem:$0x18C00] =	vst v63  }
0xa1: {  	s13 =	simm.s32 $0x10380  }
0xa2: {  	[spmem:s2] =	stream.indirect.scatter.add.f32 [tilespmem:s8], [sflag:$0x4], $0x80, s13, s5, $0xb8;
	[tilespmem:$0x18C00] =	vst v63  }
0xa3: {  	_ =	swait.ge [sflag:s31], $0x4000  }
0xa4: {  	[sflag:s31] =	ssyncset.done $0x0  }
0xa5: {  	[sflag:s31] =	ssyncadd.s32 $0xFFFFC000  }
0xa6: {  	_ =	swait.ge [sflag:s31], $0x4000  }
0xa7: {  	[sflag:s31] =	ssyncset.done $0x0  }
0xa8: {  	[sflag:s31] =	ssyncadd.s32 $0xFFFFC000  }
0xa9: {  	_ =	swait.ge [sflag:s0], $0x4000  }
0xaa: {  	[sflag:s0] =	ssyncset.done $0x0  }
0xab: {  	[sflag:s0] =	ssyncadd.s32 $0xFFFFC000  }
0xac: {  	s14 =	stileid.u32;
	_ =	swait.ge [sflag:s0], $0x4000  }
0xad: {  	s10 =	sadd.s32 $0x1, s10;
	s11 =	sshll.u32 s14, $0x6;
	[sflag:s0] =	ssyncset.done $0x0  }
0xae: {  	p0 =	sne.s32 s10, s25;
	s11 =	sor.u32 $0x1C05, s11;
	[sflag:s0] =	ssyncadd.s32 $0xFFFFC000  }
.Ltmp1:
0xaf: {  	s12 =	sshrl.u32 s4, $0x3;
	[bflag:$0x0] =	sbarrier.arrive $0xFFFF;
	(pc) =	sbr.rel @p0 .LBB2_1-.Ltmp1, $4  }
0xb0: {  	[hbm:s24], [sflag:s11] =	dma.local [spmem:s12], $0x1000  }
0xb1: {  	_ =	swait.ge [sflag:s9], $0x1000  }
0xb2: {  	[sflag:s9] =	ssyncset.done $0x0  }
0xb3: {  	[sflag:s9] =	ssyncadd.s32 $0xFFFFF000  }
0xb4: {  	_ =	sfence.sel $0x180000  }
0xb5: {  	[bflag:$0x0] =	sbarrier.arrive $0xFFFF  }
0xb6: {  	_ =	strace $0x9000004D  }
0xb7: {  	s0 =	stileid.u32;
	[bflag:$0x2] =	sbarrier.arrive $0xFFFF  }
0xb8: {  	p0 =	sne.s32 s0, $0x0;
	s0 =	rddreg [dreg:$0x3]  }
0xb9: {  	s0 =	sadd.s32 @!p0 $0x100000, s0  }
0xba: {  	[sflag:s0] =	ssyncadd.tile.s32 @!p0 $0x1;
	_ =	shalt  }
.Lfunc_end2:
_tile_overlayer_lowered:
.L_overlay_start_2:
0xbb: {  	(tag) =	ssettag $0x2  }
0xbc: {  	s0 =	rddreg [dreg:$0x0];
	s2 =	stileid.u32  }
0xbd: {  	s1 =	rddreg [dreg:$0x1];
	p0 =	sne.s32 s2, $0x0  }
0xbe: {  	s3 =	rddreg [dreg:$0x2];
	[bflag:$0x3] =	sbarrier.arrive $0xFFFF;
	s2 =	simm.s32 @!p0 $0x1C05  }
0xbf: {  	[timem:s3], [sflag:s2] =	dma.local @!p0 [hbm:s0], s1  }
0xc0: {  	s0 =	simm.s32 @!p0 $0x5  }
0xc1: {  	_ =	swait.ge @!p0 [sflag:s0], s1  }
0xc2: {  	s1 =	ssub.s32 @!p0 $0x0, s1;
	[sflag:s0] =	ssyncset.done @!p0 $0x0  }
0xc3: {  	[sflag:s0] =	ssyncadd.s32 @!p0 s1  }
0xc4: {  	[bflag:$0x3] =	sbarrier.arrive $0xFFFF  }
0xc5: {  	_ =	shalt  }

</sc_bundles>
